<compile_context>
chip_gen: v7x
topology: tpu7x:2x2x1
jax: 0.10.2.dev20260603
libtpu: 0.0.44.dev20260713+nightly
codegen_flags: <defaults>
</compile_context>

<pallas_src>
import dataclasses
import functools

import numpy as np
import jax
import jax.numpy as jnp
from jax import lax
from jax.experimental import pallas as pl
from jax.experimental.pallas import tpu as pltpu
from jax.experimental.pallas import tpu_sc as plsc

_D = 64
_SEQ = 16384
_NC = 2
_NS = 16
_L = 16
_NW = _NC * _NS

_TCN = 3072
_SCN = _SEQ - _TCN
_TPS = 16

_BPW = _SCN // _NW
_NGRP = _BPW // _L
_NBUF = 4


def _pe_table() -> np.ndarray:
    i = np.arange(_SEQ, dtype=np.float32)[:, None]
    j = np.arange(_D, dtype=np.float32)[None, :]
    angle = i / np.power(np.float32(10000.0), j / np.float32(_D))
    even = (np.arange(_D)[None, :] % 2) == 0
    return np.where(even, np.sin(angle), np.cos(angle)).astype(np.float32)


_PE = _pe_table()


def _compiler_params():
    cp = pltpu.CompilerParams()
    if "needs_layout_passes" in pltpu.CompilerParams.__dataclass_fields__:
        cp = dataclasses.replace(cp, needs_layout_passes=False)
    return cp



def _tc_body(xr, tab_hbm, pe_ref, out_ref, ring, sems):
    def fire(half, u, k):
        q = lax.shift_right_logical(xr[k], 7)
        pltpu.make_async_copy(
            tab_hbm.at[:, pl.ds(pl.multiple_of(q * 2 * _D, 2 * _D), 2 * _D)],
            ring.at[half, u],
            sems.at[half, u],
        ).start()

    def wait(half, u):
        pltpu.make_async_copy(
            tab_hbm.at[:, pl.ds(0, 2 * _D)], ring.at[half, u], sems.at[half, u]
        ).wait()

    for u in range(_TPS):
        fire(0, u, u)
    for u in range(_TPS):
        fire(1, u, _TPS + u)

    cols = lax.broadcasted_iota(jnp.int32, (_TPS, _TPS * 2 * _D), 1)

    @pl.loop(0, _TCN // _TPS)
    def _(g):
        half = g % 2
        for u in range(_TPS):
            wait(half, u)
        b_all = jnp.concatenate(
            [ring.at[half, u][...] for u in range(_TPS)], axis=1
        )
        tgt = jnp.stack(
            [(xr[g * _TPS + u] & 127) + u * 2 * _D for u in range(_TPS)]
        )[:, None]
        sel = (cols == tgt).astype(jnp.float32)
        rows = jax.lax.dot_general(
            sel, b_all,
            dimension_numbers=(((1,), (1,)), ((), ())),
            preferred_element_type=jnp.float32,
        )
        s = pl.ds(g * _TPS, _TPS)
        out_ref[s, :] = rows + pe_ref[s, :]
        for u in range(_TPS):
            k2 = jnp.minimum((g + 2) * _TPS + u, _TCN - 1)
            fire(half, u, k2)

    for half in range(2):
        for u in range(_TPS):
            wait(half, u)


def _tc_embed(table_t, x_tc, pe_tc):
    grid_spec = pltpu.PrefetchScalarGridSpec(
        num_scalar_prefetch=1,
        grid=(1,),
        in_specs=[
            pl.BlockSpec(memory_space=pl.ANY),
            pl.BlockSpec((_TCN, _D), lambda i, xr: (0, 0)),
        ],
        out_specs=pl.BlockSpec((_TCN, _D), lambda i, xr: (0, 0)),
        scratch_shapes=[
            pltpu.VMEM((2, _TPS, _D, 2 * _D), jnp.float32),
            pltpu.SemaphoreType.DMA((2, _TPS)),
        ],
    )
    return pl.pallas_call(
        _tc_body,
        grid_spec=grid_spec,
        out_shape=jax.ShapeDtypeStruct((_TCN, _D), jnp.float32),
        compiler_params=pltpu.CompilerParams(
            dimension_semantics=("arbitrary",),
        ),
    )(x_tc, table_t, pe_tc)



def _sc_embed(table_t, x_sc, pe_sc):
    mesh = plsc.VectorSubcoreMesh(core_axis_name="c", subcore_axis_name="s")

    @functools.partial(
        pl.kernel,
        out_type=jax.ShapeDtypeStruct((_SCN, _D), jnp.float32),
        mesh=mesh,
        scratch_types=[
            pltpu.VMEM((_BPW,), jnp.int32),
            pltpu.VMEM((_NBUF, _D, 2 * _D), jnp.float32),
            pltpu.VMEM((_BPW, _D), jnp.float32),
        ]
        + [pltpu.SemaphoreType.DMA] * (_NBUF + 1),
        compiler_params=_compiler_params(),
    )
    def k(tab_hbm, x_hbm, pe_hbm, out_hbm, idx_v, ring_v, pe_v, *sems):
        bsems, psem = sems[:_NBUF], sems[_NBUF]
        wid = lax.axis_index("s") * _NC + lax.axis_index("c")
        base = wid * _BPW
        pltpu.sync_copy(x_hbm.at[pl.ds(base, _BPW)], idx_v)
        pe_cp = pltpu.async_copy(pe_hbm.at[pl.ds(base, _BPW)], pe_v, psem)

        def fire(slot, xs):
            q128 = pl.multiple_of(lax.shift_right_logical(xs, 7) * 128, 128)
            pltpu.async_copy(
                tab_hbm.at[:, pl.ds(q128, 128)], ring_v.at[slot], bsems[slot]
            )

        def wait(slot):
            pltpu.make_async_copy(
                tab_hbm.at[:, pl.ds(0, 128)], ring_v.at[slot], bsems[slot]
            ).wait()

        xv0 = idx_v.at[pl.ds(0, _L)][...]
        for u in range(_NBUF):
            fire(u, xv0[u])
        pe_cp.wait()

        @pl.loop(0, _NGRP)
        def _(g):
            i0 = g * _L
            xv = idx_v.at[pl.ds(i0, _L)][...]
            nxt = jnp.minimum((g + 1) * _L, _BPW - _L)
            xn = idx_v.at[pl.ds(nxt, _L)][...]
            lanes = lax.iota(jnp.int32, _L)
            for u in range(_L):
                slot = u % _NBUF
                wait(slot)
                o = xv[u] & 127
                row = i0 + u
                for c0 in range(0, _D, _L):
                    a = plsc.load_gather(
                        ring_v.at[slot], [lanes + c0, lanes * 0 + o]
                    )
                    s = (row, pl.ds(c0, _L))
                    pe_v.at[s][...] = pe_v.at[s][...] + a
                xnext = xv[u + _NBUF] if u + _NBUF < _L else xn[u + _NBUF - _L]
                fire(slot, xnext)

        for u in range(_NBUF):
            wait(u % _NBUF)

        pltpu.sync_copy(pe_v, out_hbm.at[pl.ds(base, _BPW)])

    return k(table_t, x_sc, pe_sc)


def kernel(x, table):
    table_t = table.T
    sc_out = _sc_embed(table_t, x[_TCN:], _PE[_TCN:])
    tc_out = _tc_embed(table_t, x[:_TCN], _PE[:_TCN])
    return jnp.concatenate([tc_out, sc_out], axis=0)

# --- scband reference (transcript-rebuilt; emitter-appended) ---
"""Pipeline reference for scband-embeddor-3968549782211 (READ-ONLY COPY).

The authoritative reference and input builder live on the scoring server;
editing this copy changes nothing except your own understanding.
"""

import jax, jax.numpy as jnp
import numpy as np

D_MODEL = 64
VOCAB = 1000000
SEQ = 16384


def _pos_encoding(L, d):
    i = jnp.arange(L, dtype=jnp.float32)[:, None]
    j = jnp.arange(d, dtype=jnp.float32)[None, :]
    angle = i / jnp.power(10000.0, j / d)
    even = (jnp.arange(d)[None, :] % 2) == 0
    return jnp.where(even, jnp.sin(angle), jnp.cos(angle))


def setup_inputs(seed: int = 0) -> dict:
    key = jax.random.key(seed)
    k1, k2 = jax.random.split(key)
    x = jax.random.randint(k1, (SEQ,), 0, VOCAB, dtype=jnp.int32)
    table = jax.random.normal(k2, (VOCAB, D_MODEL), dtype=jnp.float32) * 0.02
    return {"x": x, "table": table}


def reference(x, table):
    emb = jnp.take(table, x, axis=0)
    pe = _pos_encoding(emb.shape[0], D_MODEL)
    return emb + pe

if __name__ == "__main__":
    import jax
    _d = setup_inputs()
    print(jax.jit(kernel)(*tuple(_d.values())))

</pallas_src>

<mosaic_0001>
#map = affine_map<(d0, d1) -> (0, 0)>
#map1 = affine_map<(d0, d1) -> (0)>
module attributes {stable_mosaic.version = 14 : i64} {
  func.func @k(%arg0: i32, %arg1: i32, %arg2: memref<64x1000000xf32, #tpu.memory_space<hbm>>, %arg3: memref<13312xi32, #tpu.memory_space<hbm>>, %arg4: memref<13312x64xf32, #tpu.memory_space<hbm>>, %arg5: memref<13312x64xf32, #tpu.memory_space<hbm>>, %arg6: memref<416xi32, #tpu.memory_space<vmem>>, %arg7: memref<4x64x128xf32, #tpu.memory_space<vmem>>, %arg8: memref<416x64xf32, #tpu.memory_space<vmem>>, %arg9: memref<!tpu.dma_semaphore, #tpu.memory_space<semaphore_mem>>, %arg10: memref<!tpu.dma_semaphore, #tpu.memory_space<semaphore_mem>>, %arg11: memref<!tpu.dma_semaphore, #tpu.memory_space<semaphore_mem>>, %arg12: memref<!tpu.dma_semaphore, #tpu.memory_space<semaphore_mem>>, %arg13: memref<!tpu.dma_semaphore, #tpu.memory_space<semaphore_mem>>) attributes {dimension_semantics = [#tpu.dimension_semantics<core_parallel>, #tpu.dimension_semantics<subcore_parallel>], iteration_bounds = array<i64: 2, 16>, scalar_prefetch = 0 : i64, scratch_operands = 8 : i64, tpu.core_type = #tpu.core_type<sc_vector_subcore>, window_params = [{transform_indices = #map}, {transform_indices = #map1}, {transform_indices = #map}, {transform_indices = #map}]} {
    %mul3A = arith.constant 2 : i32
    %mul3A_0 = arith.muli %arg1, %mul3A : i32
    %add3A = arith.addi %mul3A_0, %arg0 : i32
    %mul3A_1 = arith.constant 416 : i32
    %mul3A_2 = arith.muli %add3A, %mul3A_1 : i32
    "tpu.region"() ({
      %run_scoped3A = tpu.sem_alloc : memref<!tpu.dma_semaphore, #tpu.memory_space<semaphore_mem>>
      %dma_start3A_150 = tpu.memref_slice %arg3[%mul3A_2] : memref<13312xi32, #tpu.memory_space<hbm>> -> memref<416xi32, #tpu.memory_space<hbm>>
      %dma_start3A_151 = tpu.memref_slice %arg3[%mul3A_2] : memref<13312xi32, #tpu.memory_space<hbm>> -> memref<416xi32, #tpu.memory_space<hbm>>
      tpu.enqueue_dma source(%dma_start3A_151 : memref<416xi32, #tpu.memory_space<hbm>>) target(%arg6 : memref<416xi32, #tpu.memory_space<vmem>>) target_semaphore(%run_scoped3A : memref<!tpu.dma_semaphore, #tpu.memory_space<semaphore_mem>>)
      %dma_wait3A_152 = tpu.memref_slice %arg3[%mul3A_2] : memref<13312xi32, #tpu.memory_space<hbm>> -> memref<416xi32, #tpu.memory_space<hbm>>
      %dma_wait3A_153 = tpu.memref_slice %arg3[%mul3A_2] : memref<13312xi32, #tpu.memory_space<hbm>> -> memref<416xi32, #tpu.memory_space<hbm>>
      tpu.wait_dma2 semaphore(%run_scoped3A : memref<!tpu.dma_semaphore, #tpu.memory_space<semaphore_mem>>) src(%dma_wait3A_153 : memref<416xi32, #tpu.memory_space<hbm>>) dst(%arg6 : memref<416xi32, #tpu.memory_space<vmem>>)
      tpu.yield
    }) : () -> ()
    %dma_start3A = arith.constant 0 : i32
    %dma_start3A_3 = tpu.memref_slice %arg4[%mul3A_2, %dma_start3A] : memref<13312x64xf32, #tpu.memory_space<hbm>> -> memref<416x64xf32, #tpu.memory_space<hbm>>
    %dma_start3A_4 = arith.constant 0 : i32
    %dma_start3A_5 = tpu.memref_slice %arg4[%mul3A_2, %dma_start3A_4] : memref<13312x64xf32, #tpu.memory_space<hbm>> -> memref<416x64xf32, #tpu.memory_space<hbm>>
    tpu.enqueue_dma source(%dma_start3A_5 : memref<416x64xf32, #tpu.memory_space<hbm>>) target(%arg8 : memref<416x64xf32, #tpu.memory_space<vmem>>) target_semaphore(%arg13 : memref<!tpu.dma_semaphore, #tpu.memory_space<semaphore_mem>>)
    %get3A = arith.constant 0 : index
    %get3A_6 = tpu.vector_load %arg6[%get3A] {strides = array<i32>} : memref<416xi32, #tpu.memory_space<vmem>>, vector<16xi32>,
    %slice3A = vector.extract_strided_slice %get3A_6 {offsets = [0], sizes = [1], strides = [1]} : vector<16xi32> to vector<1xi32>
    %squeeze3A = vector.extract %slice3A[0] : i32 from vector<1xi32>
    %shift_right_logical3A = arith.constant 7 : i32
    %shift_right_logical3A_7 = arith.shrui %squeeze3A, %shift_right_logical3A : i32
    %mul3A_8 = arith.constant 128 : i32
    %mul3A_9 = arith.muli %shift_right_logical3A_7, %mul3A_8 : i32
    %multiple_of3A = tpu.assume_multiple %mul3A_9, 128 : i32
    %dma_start3A_10 = arith.constant 0 : i32
    %dma_start3A_11 = arith.constant 0 : i32
    %dma_start3A_12 = arith.constant 0 : i32
    %dma_start3A_13 = tpu.memref_slice %arg7[%dma_start3A_10, %dma_start3A_11, %dma_start3A_12] : memref<4x64x128xf32, #tpu.memory_space<vmem>> -> memref<1x64x128xf32, #tpu.memory_space<vmem>>
    %dma_start3A_14 = tpu.memref_squeeze %dma_start3A_13 : memref<1x64x128xf32, #tpu.memory_space<vmem>> -> memref<64x128xf32, #tpu.memory_space<vmem>>
    %dma_start3A_15 = arith.constant 0 : i32
    %dma_start3A_16 = tpu.memref_slice %arg2[%dma_start3A_15, %multiple_of3A] : memref<64x1000000xf32, #tpu.memory_space<hbm>> -> memref<64x128xf32, #tpu.memory_space<hbm>>
    %dma_start3A_17 = arith.constant 0 : i32
    %dma_start3A_18 = arith.constant 0 : i32
    %dma_start3A_19 = tpu.memref_slice %arg7[%dma_start3A_10, %dma_start3A_17, %dma_start3A_18] : memref<4x64x128xf32, #tpu.memory_space<vmem>> -> memref<1x64x128xf32, #tpu.memory_space<vmem>>
    %dma_start3A_20 = tpu.memref_squeeze %dma_start3A_19 : memref<1x64x128xf32, #tpu.memory_space<vmem>> -> memref<64x128xf32, #tpu.memory_space<vmem>>
    %dma_start3A_21 = arith.constant 0 : i32
    %dma_start3A_22 = tpu.memref_slice %arg2[%dma_start3A_21, %multiple_of3A] : memref<64x1000000xf32, #tpu.memory_space<hbm>> -> memref<64x128xf32, #tpu.memory_space<hbm>>
    tpu.enqueue_dma source(%dma_start3A_22 : memref<64x128xf32, #tpu.memory_space<hbm>>) target(%dma_start3A_20 : memref<64x128xf32, #tpu.memory_space<vmem>>) target_semaphore(%arg9 : memref<!tpu.dma_semaphore, #tpu.memory_space<semaphore_mem>>)
    %slice3A_23 = vector.extract_strided_slice %get3A_6 {offsets = [1], sizes = [1], strides = [1]} : vector<16xi32> to vector<1xi32>
    %squeeze3A_24 = vector.extract %slice3A_23[0] : i32 from vector<1xi32>
    %shift_right_logical3A_25 = arith.constant 7 : i32
    %shift_right_logical3A_26 = arith.shrui %squeeze3A_24, %shift_right_logical3A_25 : i32
    %mul3A_27 = arith.constant 128 : i32
    %mul3A_28 = arith.muli %shift_right_logical3A_26, %mul3A_27 : i32
    %multiple_of3A_29 = tpu.assume_multiple %mul3A_28, 128 : i32
    %dma_start3A_30 = arith.constant 1 : i32
    %dma_start3A_31 = arith.constant 0 : i32
    %dma_start3A_32 = arith.constant 0 : i32
    %dma_start3A_33 = tpu.memref_slice %arg7[%dma_start3A_30, %dma_start3A_31, %dma_start3A_32] : memref<4x64x128xf32, #tpu.memory_space<vmem>> -> memref<1x64x128xf32, #tpu.memory_space<vmem>>
    %dma_start3A_34 = tpu.memref_squeeze %dma_start3A_33 : memref<1x64x128xf32, #tpu.memory_space<vmem>> -> memref<64x128xf32, #tpu.memory_space<vmem>>
    %dma_start3A_35 = arith.constant 0 : i32
    %dma_start3A_36 = tpu.memref_slice %arg2[%dma_start3A_35, %multiple_of3A_29] : memref<64x1000000xf32, #tpu.memory_space<hbm>> -> memref<64x128xf32, #tpu.memory_space<hbm>>
    %dma_start3A_37 = arith.constant 0 : i32
    %dma_start3A_38 = arith.constant 0 : i32
    %dma_start3A_39 = tpu.memref_slice %arg7[%dma_start3A_30, %dma_start3A_37, %dma_start3A_38] : memref<4x64x128xf32, #tpu.memory_space<vmem>> -> memref<1x64x128xf32, #tpu.memory_space<vmem>>
    %dma_start3A_40 = tpu.memref_squeeze %dma_start3A_39 : memref<1x64x128xf32, #tpu.memory_space<vmem>> -> memref<64x128xf32, #tpu.memory_space<vmem>>
    %dma_start3A_41 = arith.constant 0 : i32
    %dma_start3A_42 = tpu.memref_slice %arg2[%dma_start3A_41, %multiple_of3A_29] : memref<64x1000000xf32, #tpu.memory_space<hbm>> -> memref<64x128xf32, #tpu.memory_space<hbm>>
    tpu.enqueue_dma source(%dma_start3A_42 : memref<64x128xf32, #tpu.memory_space<hbm>>) target(%dma_start3A_40 : memref<64x128xf32, #tpu.memory_space<vmem>>) target_semaphore(%arg10 : memref<!tpu.dma_semaphore, #tpu.memory_space<semaphore_mem>>)
    %slice3A_43 = vector.extract_strided_slice %get3A_6 {offsets = [2], sizes = [1], strides = [1]} : vector<16xi32> to vector<1xi32>
    %squeeze3A_44 = vector.extract %slice3A_43[0] : i32 from vector<1xi32>
    %shift_right_logical3A_45 = arith.constant 7 : i32
    %shift_right_logical3A_46 = arith.shrui %squeeze3A_44, %shift_right_logical3A_45 : i32
    %mul3A_47 = arith.constant 128 : i32
    %mul3A_48 = arith.muli %shift_right_logical3A_46, %mul3A_47 : i32
    %multiple_of3A_49 = tpu.assume_multiple %mul3A_48, 128 : i32
    %dma_start3A_50 = arith.constant 2 : i32
    %dma_start3A_51 = arith.constant 0 : i32
    %dma_start3A_52 = arith.constant 0 : i32
    %dma_start3A_53 = tpu.memref_slice %arg7[%dma_start3A_50, %dma_start3A_51, %dma_start3A_52] : memref<4x64x128xf32, #tpu.memory_space<vmem>> -> memref<1x64x128xf32, #tpu.memory_space<vmem>>
    %dma_start3A_54 = tpu.memref_squeeze %dma_start3A_53 : memref<1x64x128xf32, #tpu.memory_space<vmem>> -> memref<64x128xf32, #tpu.memory_space<vmem>>
    %dma_start3A_55 = arith.constant 0 : i32
    %dma_start3A_56 = tpu.memref_slice %arg2[%dma_start3A_55, %multiple_of3A_49] : memref<64x1000000xf32, #tpu.memory_space<hbm>> -> memref<64x128xf32, #tpu.memory_space<hbm>>
    %dma_start3A_57 = arith.constant 0 : i32
    %dma_start3A_58 = arith.constant 0 : i32
    %dma_start3A_59 = tpu.memref_slice %arg7[%dma_start3A_50, %dma_start3A_57, %dma_start3A_58] : memref<4x64x128xf32, #tpu.memory_space<vmem>> -> memref<1x64x128xf32, #tpu.memory_space<vmem>>
    %dma_start3A_60 = tpu.memref_squeeze %dma_start3A_59 : memref<1x64x128xf32, #tpu.memory_space<vmem>> -> memref<64x128xf32, #tpu.memory_space<vmem>>
    %dma_start3A_61 = arith.constant 0 : i32
    %dma_start3A_62 = tpu.memref_slice %arg2[%dma_start3A_61, %multiple_of3A_49] : memref<64x1000000xf32, #tpu.memory_space<hbm>> -> memref<64x128xf32, #tpu.memory_space<hbm>>
    tpu.enqueue_dma source(%dma_start3A_62 : memref<64x128xf32, #tpu.memory_space<hbm>>) target(%dma_start3A_60 : memref<64x128xf32, #tpu.memory_space<vmem>>) target_semaphore(%arg11 : memref<!tpu.dma_semaphore, #tpu.memory_space<semaphore_mem>>)
    %slice3A_63 = vector.extract_strided_slice %get3A_6 {offsets = [3], sizes = [1], strides = [1]} : vector<16xi32> to vector<1xi32>
    %squeeze3A_64 = vector.extract %slice3A_63[0] : i32 from vector<1xi32>
    %shift_right_logical3A_65 = arith.constant 7 : i32
    %shift_right_logical3A_66 = arith.shrui %squeeze3A_64, %shift_right_logical3A_65 : i32
    %mul3A_67 = arith.constant 128 : i32
    %mul3A_68 = arith.muli %shift_right_logical3A_66, %mul3A_67 : i32
    %multiple_of3A_69 = tpu.assume_multiple %mul3A_68, 128 : i32
    %dma_start3A_70 = arith.constant 3 : i32
    %dma_start3A_71 = arith.constant 0 : i32
    %dma_start3A_72 = arith.constant 0 : i32
    %dma_start3A_73 = tpu.memref_slice %arg7[%dma_start3A_70, %dma_start3A_71, %dma_start3A_72] : memref<4x64x128xf32, #tpu.memory_space<vmem>> -> memref<1x64x128xf32, #tpu.memory_space<vmem>>
    %dma_start3A_74 = tpu.memref_squeeze %dma_start3A_73 : memref<1x64x128xf32, #tpu.memory_space<vmem>> -> memref<64x128xf32, #tpu.memory_space<vmem>>
    %dma_start3A_75 = arith.constant 0 : i32
    %dma_start3A_76 = tpu.memref_slice %arg2[%dma_start3A_75, %multiple_of3A_69] : memref<64x1000000xf32, #tpu.memory_space<hbm>> -> memref<64x128xf32, #tpu.memory_space<hbm>>
    %dma_start3A_77 = arith.constant 0 : i32
    %dma_start3A_78 = arith.constant 0 : i32
    %dma_start3A_79 = tpu.memref_slice %arg7[%dma_start3A_70, %dma_start3A_77, %dma_start3A_78] : memref<4x64x128xf32, #tpu.memory_space<vmem>> -> memref<1x64x128xf32, #tpu.memory_space<vmem>>
    %dma_start3A_80 = tpu.memref_squeeze %dma_start3A_79 : memref<1x64x128xf32, #tpu.memory_space<vmem>> -> memref<64x128xf32, #tpu.memory_space<vmem>>
    %dma_start3A_81 = arith.constant 0 : i32
    %dma_start3A_82 = tpu.memref_slice %arg2[%dma_start3A_81, %multiple_of3A_69] : memref<64x1000000xf32, #tpu.memory_space<hbm>> -> memref<64x128xf32, #tpu.memory_space<hbm>>
    tpu.enqueue_dma source(%dma_start3A_82 : memref<64x128xf32, #tpu.memory_space<hbm>>) target(%dma_start3A_80 : memref<64x128xf32, #tpu.memory_space<vmem>>) target_semaphore(%arg12 : memref<!tpu.dma_semaphore, #tpu.memory_space<semaphore_mem>>)
    %dma_wait3A = arith.constant 0 : i32
    %dma_wait3A_83 = tpu.memref_slice %arg4[%mul3A_2, %dma_wait3A] : memref<13312x64xf32, #tpu.memory_space<hbm>> -> memref<416x64xf32, #tpu.memory_space<hbm>>
    %dma_wait3A_84 = arith.constant 0 : i32
    %dma_wait3A_85 = tpu.memref_slice %arg4[%mul3A_2, %dma_wait3A_84] : memref<13312x64xf32, #tpu.memory_space<hbm>> -> memref<416x64xf32, #tpu.memory_space<hbm>>
    tpu.wait_dma2 semaphore(%arg13 : memref<!tpu.dma_semaphore, #tpu.memory_space<semaphore_mem>>) src(%dma_wait3A_85 : memref<416x64xf32, #tpu.memory_space<hbm>>) dst(%arg8 : memref<416x64xf32, #tpu.memory_space<vmem>>)
    %scan3A = arith.constant 0 : i32
    %scan3A_86 = arith.constant 26 : i32
    %scan3A_87 = arith.addi %scan3A, %scan3A_86 : i32
    %scan3A_88 = arith.constant 1 : i32
    scf.for %scan3A_150 = %scan3A to %scan3A_87 step %scan3A_88  : i32 {
      %mul3A_151 = arith.constant 1 : i32
      %mul3A_152 = arith.muli %scan3A_150, %mul3A_151 : i32
      %add3A_153 = arith.constant 0 : i32
      %add3A_154 = arith.addi %add3A_153, %mul3A_152 : i32
      %mul3A_155 = arith.constant 16 : i32
      %mul3A_156 = arith.muli %add3A_154, %mul3A_155 : i32
      %get3A_157 = arith.index_cast %mul3A_156 : i32 to index
      %get3A_158 = tpu.vector_load %arg6[%get3A_157] {strides = array<i32>} : memref<416xi32, #tpu.memory_space<vmem>>, vector<16xi32>,
      %add3A_159 = arith.constant 1 : i32
      %add3A_160 = arith.addi %add3A_154, %add3A_159 : i32
      %mul3A_161 = arith.constant 16 : i32
      %mul3A_162 = arith.muli %add3A_160, %mul3A_161 : i32
      %min3A = arith.constant 400 : i32
      %min3A_163 = arith.minsi %mul3A_162, %min3A : i32
      %get3A_164 = arith.index_cast %min3A_163 : i32 to index
      %get3A_165 = tpu.vector_load %arg6[%get3A_164] {strides = array<i32>} : memref<416xi32, #tpu.memory_space<vmem>>, vector<16xi32>,
      %iota3A = tpu.iota {dimensions = array<i32: 0>} : vector<16xi32>
      %dma_wait3A_166 = arith.constant 0 : i32
      %dma_wait3A_167 = arith.constant 0 : i32
      %dma_wait3A_168 = arith.constant 0 : i32
      %dma_wait3A_169 = tpu.memref_slice %arg7[%dma_wait3A_166, %dma_wait3A_167, %dma_wait3A_168] : memref<4x64x128xf32, #tpu.memory_space<vmem>> -> memref<1x64x128xf32, #tpu.memory_space<vmem>>
      %dma_wait3A_170 = tpu.memref_squeeze %dma_wait3A_169 : memref<1x64x128xf32, #tpu.memory_space<vmem>> -> memref<64x128xf32, #tpu.memory_space<vmem>>
      %dma_wait3A_171 = arith.constant 0 : i32
      %dma_wait3A_172 = arith.constant 0 : i32
      %dma_wait3A_173 = tpu.memref_slice %arg2[%dma_wait3A_171, %dma_wait3A_172] : memref<64x1000000xf32, #tpu.memory_space<hbm>> -> memref<64x128xf32, #tpu.memory_space<hbm>>
      %dma_wait3A_174 = arith.constant 0 : i32
      %dma_wait3A_175 = arith.constant 0 : i32
      %dma_wait3A_176 = tpu.memref_slice %arg7[%dma_wait3A_166, %dma_wait3A_174, %dma_wait3A_175] : memref<4x64x128xf32, #tpu.memory_space<vmem>> -> memref<1x64x128xf32, #tpu.memory_space<vmem>>
      %dma_wait3A_177 = tpu.memref_squeeze %dma_wait3A_176 : memref<1x64x128xf32, #tpu.memory_space<vmem>> -> memref<64x128xf32, #tpu.memory_space<vmem>>
      %dma_wait3A_178 = arith.constant 0 : i32
      %dma_wait3A_179 = arith.constant 0 : i32
      %dma_wait3A_180 = tpu.memref_slice %arg2[%dma_wait3A_178, %dma_wait3A_179] : memref<64x1000000xf32, #tpu.memory_space<hbm>> -> memref<64x128xf32, #tpu.memory_space<hbm>>
      tpu.wait_dma2 semaphore(%arg9 : memref<!tpu.dma_semaphore, #tpu.memory_space<semaphore_mem>>) src(%dma_wait3A_180 : memref<64x128xf32, #tpu.memory_space<hbm>>) dst(%dma_wait3A_177 : memref<64x128xf32, #tpu.memory_space<vmem>>)
      %slice3A_181 = vector.extract_strided_slice %get3A_158 {offsets = [0], sizes = [1], strides = [1]} : vector<16xi32> to vector<1xi32>
      %squeeze3A_182 = vector.extract %slice3A_181[0] : i32 from vector<1xi32>
      %and3A = arith.constant 127 : i32
      %and3A_183 = arith.andi %squeeze3A_182, %and3A : i32
      %add3A_184 = arith.constant 0 : i32
      %add3A_185 = arith.addi %mul3A_156, %add3A_184 : i32
      %add3A_186 = arith.constant 0 : i32
      %add3A_187 = vector.broadcast %add3A_186 : i32 to vector<16xi32>
      %add3A_188 = arith.addi %iota3A, %add3A_187 : vector<16xi32>
      %mul3A_189 = arith.constant 0 : i32
      %mul3A_190 = vector.broadcast %mul3A_189 : i32 to vector<16xi32>
      %mul3A_191 = arith.muli %iota3A, %mul3A_190 : vector<16xi32>
      %add3A_192 = vector.broadcast %and3A_183 : i32 to vector<16xi32>
      %add3A_193 = arith.addi %mul3A_191, %add3A_192 : vector<16xi32>
      %gather3A = arith.constant 0 : i32
      %gather3A_194 = arith.constant 0 : i32
      %gather3A_195 = arith.constant 0 : i32
      %gather3A_196 = tpu.memref_slice %arg7[%gather3A, %gather3A_194, %gather3A_195] : memref<4x64x128xf32, #tpu.memory_space<vmem>> -> memref<1x64x128xf32, #tpu.memory_space<vmem>>
      %gather3A_197 = tpu.memref_squeeze %gather3A_196 : memref<1x64x128xf32, #tpu.memory_space<vmem>> -> memref<64x128xf32, #tpu.memory_space<vmem>>
      %gather3A_198 = tpu.vector_load_idx %gather3A_197[%add3A_188, %add3A_193] : memref<64x128xf32, #tpu.memory_space<vmem>>[vector<16xi32>, vector<16xi32>], vector<16xf32>,
      %get3A_199 = arith.index_cast %add3A_185 : i32 to index
      %get3A_200 = arith.constant 0 : index
      %get3A_201 = tpu.vector_load %arg8[%get3A_199, %get3A_200] {strides = array<i32>} : memref<416x64xf32, #tpu.memory_space<vmem>>, vector<16xf32>,
      %add3A_202 = arith.addf %get3A_201, %gather3A_198 : vector<16xf32>
      %swap3A = arith.index_cast %add3A_185 : i32 to index
      %swap3A_203 = arith.constant 0 : index
      %swap3A_204 = tpu.vector_load %arg8[%swap3A, %swap3A_203] {strides = array<i32>} : memref<416x64xf32, #tpu.memory_space<vmem>>, vector<16xf32>,
      tpu.vector_store %arg8[%swap3A, %swap3A_203], %add3A_202 {strides = array<i32>} : memref<416x64xf32, #tpu.memory_space<vmem>>, vector<16xf32>,
      %add3A_205 = arith.constant 16 : i32
      %add3A_206 = vector.broadcast %add3A_205 : i32 to vector<16xi32>
      %add3A_207 = arith.addi %iota3A, %add3A_206 : vector<16xi32>
      %mul3A_208 = arith.constant 0 : i32
      %mul3A_209 = vector.broadcast %mul3A_208 : i32 to vector<16xi32>
      %mul3A_210 = arith.muli %iota3A, %mul3A_209 : vector<16xi32>
      %add3A_211 = vector.broadcast %and3A_183 : i32 to vector<16xi32>
      %add3A_212 = arith.addi %mul3A_210, %add3A_211 : vector<16xi32>
      %gather3A_213 = arith.constant 0 : i32
      %gather3A_214 = arith.constant 0 : i32
      %gather3A_215 = arith.constant 0 : i32
      %gather3A_216 = tpu.memref_slice %arg7[%gather3A_213, %gather3A_214, %gather3A_215] : memref<4x64x128xf32, #tpu.memory_space<vmem>> -> memref<1x64x128xf32, #tpu.memory_space<vmem>>
      %gather3A_217 = tpu.memref_squeeze %gather3A_216 : memref<1x64x128xf32, #tpu.memory_space<vmem>> -> memref<64x128xf32, #tpu.memory_space<vmem>>
      %gather3A_218 = tpu.vector_load_idx %gather3A_217[%add3A_207, %add3A_212] : memref<64x128xf32, #tpu.memory_space<vmem>>[vector<16xi32>, vector<16xi32>], vector<16xf32>,
      %get3A_219 = arith.index_cast %add3A_185 : i32 to index
      %get3A_220 = arith.constant 16 : index
      %get3A_221 = tpu.vector_load %arg8[%get3A_219, %get3A_220] {strides = array<i32>} : memref<416x64xf32, #tpu.memory_space<vmem>>, vector<16xf32>,
      %add3A_222 = arith.addf %get3A_221, %gather3A_218 : vector<16xf32>
      %swap3A_223 = arith.index_cast %add3A_185 : i32 to index
      %swap3A_224 = arith.constant 16 : index
      %swap3A_225 = tpu.vector_load %arg8[%swap3A_223, %swap3A_224] {strides = array<i32>} : memref<416x64xf32, #tpu.memory_space<vmem>>, vector<16xf32>,
      tpu.vector_store %arg8[%swap3A_223, %swap3A_224], %add3A_222 {strides = array<i32>} : memref<416x64xf32, #tpu.memory_space<vmem>>, vector<16xf32>,
      %add3A_226 = arith.constant 32 : i32
      %add3A_227 = vector.broadcast %add3A_226 : i32 to vector<16xi32>
      %add3A_228 = arith.addi %iota3A, %add3A_227 : vector<16xi32>
      %mul3A_229 = arith.constant 0 : i32
      %mul3A_230 = vector.broadcast %mul3A_229 : i32 to vector<16xi32>
      %mul3A_231 = arith.muli %iota3A, %mul3A_230 : vector<16xi32>
      %add3A_232 = vector.broadcast %and3A_183 : i32 to vector<16xi32>
      %add3A_233 = arith.addi %mul3A_231, %add3A_232 : vector<16xi32>
      %gather3A_234 = arith.constant 0 : i32
      %gather3A_235 = arith.constant 0 : i32
      %gather3A_236 = arith.constant 0 : i32
      %gather3A_237 = tpu.memref_slice %arg7[%gather3A_234, %gather3A_235, %gather3A_236] : memref<4x64x128xf32, #tpu.memory_space<vmem>> -> memref<1x64x128xf32, #tpu.memory_space<vmem>>
      %gather3A_238 = tpu.memref_squeeze %gather3A_237 : memref<1x64x128xf32, #tpu.memory_space<vmem>> -> memref<64x128xf32, #tpu.memory_space<vmem>>
      %gather3A_239 = tpu.vector_load_idx %gather3A_238[%add3A_228, %add3A_233] : memref<64x128xf32, #tpu.memory_space<vmem>>[vector<16xi32>, vector<16xi32>], vector<16xf32>,
      %get3A_240 = arith.index_cast %add3A_185 : i32 to index
      %get3A_241 = arith.constant 32 : index
      %get3A_242 = tpu.vector_load %arg8[%get3A_240, %get3A_241] {strides = array<i32>} : memref<416x64xf32, #tpu.memory_space<vmem>>, vector<16xf32>,
      %add3A_243 = arith.addf %get3A_242, %gather3A_239 : vector<16xf32>
      %swap3A_244 = arith.index_cast %add3A_185 : i32 to index
      %swap3A_245 = arith.constant 32 : index
      %swap3A_246 = tpu.vector_load %arg8[%swap3A_244, %swap3A_245] {strides = array<i32>} : memref<416x64xf32, #tpu.memory_space<vmem>>, vector<16xf32>,
      tpu.vector_store %arg8[%swap3A_244, %swap3A_245], %add3A_243 {strides = array<i32>} : memref<416x64xf32, #tpu.memory_space<vmem>>, vector<16xf32>,
      %add3A_247 = arith.constant 48 : i32
      %add3A_248 = vector.broadcast %add3A_247 : i32 to vector<16xi32>
      %add3A_249 = arith.addi %iota3A, %add3A_248 : vector<16xi32>
      %mul3A_250 = arith.constant 0 : i32
      %mul3A_251 = vector.broadcast %mul3A_250 : i32 to vector<16xi32>
      %mul3A_252 = arith.muli %iota3A, %mul3A_251 : vector<16xi32>
      %add3A_253 = vector.broadcast %and3A_183 : i32 to vector<16xi32>
      %add3A_254 = arith.addi %mul3A_252, %add3A_253 : vector<16xi32>
      %gather3A_255 = arith.constant 0 : i32
      %gather3A_256 = arith.constant 0 : i32
      %gather3A_257 = arith.constant 0 : i32
      %gather3A_258 = tpu.memref_slice %arg7[%gather3A_255, %gather3A_256, %gather3A_257] : memref<4x64x128xf32, #tpu.memory_space<vmem>> -> memref<1x64x128xf32, #tpu.memory_space<vmem>>
      %gather3A_259 = tpu.memref_squeeze %gather3A_258 : memref<1x64x128xf32, #tpu.memory_space<vmem>> -> memref<64x128xf32, #tpu.memory_space<vmem>>
      %gather3A_260 = tpu.vector_load_idx %gather3A_259[%add3A_249, %add3A_254] : memref<64x128xf32, #tpu.memory_space<vmem>>[vector<16xi32>, vector<16xi32>], vector<16xf32>,
      %get3A_261 = arith.index_cast %add3A_185 : i32 to index
      %get3A_262 = arith.constant 48 : index
      %get3A_263 = tpu.vector_load %arg8[%get3A_261, %get3A_262] {strides = array<i32>} : memref<416x64xf32, #tpu.memory_space<vmem>>, vector<16xf32>,
      %add3A_264 = arith.addf %get3A_263, %gather3A_260 : vector<16xf32>
      %swap3A_265 = arith.index_cast %add3A_185 : i32 to index
      %swap3A_266 = arith.constant 48 : index
      %swap3A_267 = tpu.vector_load %arg8[%swap3A_265, %swap3A_266] {strides = array<i32>} : memref<416x64xf32, #tpu.memory_space<vmem>>, vector<16xf32>,
      tpu.vector_store %arg8[%swap3A_265, %swap3A_266], %add3A_264 {strides = array<i32>} : memref<416x64xf32, #tpu.memory_space<vmem>>, vector<16xf32>,
      %slice3A_268 = vector.extract_strided_slice %get3A_158 {offsets = [4], sizes = [1], strides = [1]} : vector<16xi32> to vector<1xi32>
      %squeeze3A_269 = vector.extract %slice3A_268[0] : i32 from vector<1xi32>
      %shift_right_logical3A_270 = arith.constant 7 : i32
      %shift_right_logical3A_271 = arith.shrui %squeeze3A_269, %shift_right_logical3A_270 : i32
      %mul3A_272 = arith.constant 128 : i32
      %mul3A_273 = arith.muli %shift_right_logical3A_271, %mul3A_272 : i32
      %multiple_of3A_274 = tpu.assume_multiple %mul3A_273, 128 : i32
      %dma_start3A_275 = arith.constant 0 : i32
      %dma_start3A_276 = arith.constant 0 : i32
      %dma_start3A_277 = arith.constant 0 : i32
      %dma_start3A_278 = tpu.memref_slice %arg7[%dma_start3A_275, %dma_start3A_276, %dma_start3A_277] : memref<4x64x128xf32, #tpu.memory_space<vmem>> -> memref<1x64x128xf32, #tpu.memory_space<vmem>>
      %dma_start3A_279 = tpu.memref_squeeze %dma_start3A_278 : memref<1x64x128xf32, #tpu.memory_space<vmem>> -> memref<64x128xf32, #tpu.memory_space<vmem>>
      %dma_start3A_280 = arith.constant 0 : i32
      %dma_start3A_281 = tpu.memref_slice %arg2[%dma_start3A_280, %multiple_of3A_274] : memref<64x1000000xf32, #tpu.memory_space<hbm>> -> memref<64x128xf32, #tpu.memory_space<hbm>>
      %dma_start3A_282 = arith.constant 0 : i32
      %dma_start3A_283 = arith.constant 0 : i32
      %dma_start3A_284 = tpu.memref_slice %arg7[%dma_start3A_275, %dma_start3A_282, %dma_start3A_283] : memref<4x64x128xf32, #tpu.memory_space<vmem>> -> memref<1x64x128xf32, #tpu.memory_space<vmem>>
      %dma_start3A_285 = tpu.memref_squeeze %dma_start3A_284 : memref<1x64x128xf32, #tpu.memory_space<vmem>> -> memref<64x128xf32, #tpu.memory_space<vmem>>
      %dma_start3A_286 = arith.constant 0 : i32
      %dma_start3A_287 = tpu.memref_slice %arg2[%dma_start3A_286, %multiple_of3A_274] : memref<64x1000000xf32, #tpu.memory_space<hbm>> -> memref<64x128xf32, #tpu.memory_space<hbm>>
      tpu.enqueue_dma source(%dma_start3A_287 : memref<64x128xf32, #tpu.memory_space<hbm>>) target(%dma_start3A_285 : memref<64x128xf32, #tpu.memory_space<vmem>>) target_semaphore(%arg9 : memref<!tpu.dma_semaphore, #tpu.memory_space<semaphore_mem>>)
      %dma_wait3A_288 = arith.constant 1 : i32
      %dma_wait3A_289 = arith.constant 0 : i32
      %dma_wait3A_290 = arith.constant 0 : i32
      %dma_wait3A_291 = tpu.memref_slice %arg7[%dma_wait3A_288, %dma_wait3A_289, %dma_wait3A_290] : memref<4x64x128xf32, #tpu.memory_space<vmem>> -> memref<1x64x128xf32, #tpu.memory_space<vmem>>
      %dma_wait3A_292 = tpu.memref_squeeze %dma_wait3A_291 : memref<1x64x128xf32, #tpu.memory_space<vmem>> -> memref<64x128xf32, #tpu.memory_space<vmem>>
      %dma_wait3A_293 = arith.constant 0 : i32
      %dma_wait3A_294 = arith.constant 0 : i32
      %dma_wait3A_295 = tpu.memref_slice %arg2[%dma_wait3A_293, %dma_wait3A_294] : memref<64x1000000xf32, #tpu.memory_space<hbm>> -> memref<64x128xf32, #tpu.memory_space<hbm>>
      %dma_wait3A_296 = arith.constant 0 : i32
      %dma_wait3A_297 = arith.constant 0 : i32
      %dma_wait3A_298 = tpu.memref_slice %arg7[%dma_wait3A_288, %dma_wait3A_296, %dma_wait3A_297] : memref<4x64x128xf32, #tpu.memory_space<vmem>> -> memref<1x64x128xf32, #tpu.memory_space<vmem>>
      %dma_wait3A_299 = tpu.memref_squeeze %dma_wait3A_298 : memref<1x64x128xf32, #tpu.memory_space<vmem>> -> memref<64x128xf32, #tpu.memory_space<vmem>>
      %dma_wait3A_300 = arith.constant 0 : i32
      %dma_wait3A_301 = arith.constant 0 : i32
      %dma_wait3A_302 = tpu.memref_slice %arg2[%dma_wait3A_300, %dma_wait3A_301] : memref<64x1000000xf32, #tpu.memory_space<hbm>> -> memref<64x128xf32, #tpu.memory_space<hbm>>
      tpu.wait_dma2 semaphore(%arg10 : memref<!tpu.dma_semaphore, #tpu.memory_space<semaphore_mem>>) src(%dma_wait3A_302 : memref<64x128xf32, #tpu.memory_space<hbm>>) dst(%dma_wait3A_299 : memref<64x128xf32, #tpu.memory_space<vmem>>)
      %slice3A_303 = vector.extract_strided_slice %get3A_158 {offsets = [1], sizes = [1], strides = [1]} : vector<16xi32> to vector<1xi32>
      %squeeze3A_304 = vector.extract %slice3A_303[0] : i32 from vector<1xi32>
      %and3A_305 = arith.constant 127 : i32
      %and3A_306 = arith.andi %squeeze3A_304, %and3A_305 : i32
      %add3A_307 = arith.constant 1 : i32
      %add3A_308 = arith.addi %mul3A_156, %add3A_307 : i32
      %add3A_309 = arith.constant 0 : i32
      %add3A_310 = vector.broadcast %add3A_309 : i32 to vector<16xi32>
      %add3A_311 = arith.addi %iota3A, %add3A_310 : vector<16xi32>
      %mul3A_312 = arith.constant 0 : i32
      %mul3A_313 = vector.broadcast %mul3A_312 : i32 to vector<16xi32>
      %mul3A_314 = arith.muli %iota3A, %mul3A_313 : vector<16xi32>
      %add3A_315 = vector.broadcast %and3A_306 : i32 to vector<16xi32>
      %add3A_316 = arith.addi %mul3A_314, %add3A_315 : vector<16xi32>
      %gather3A_317 = arith.constant 1 : i32
      %gather3A_318 = arith.constant 0 : i32
      %gather3A_319 = arith.constant 0 : i32
      %gather3A_320 = tpu.memref_slice %arg7[%gather3A_317, %gather3A_318, %gather3A_319] : memref<4x64x128xf32, #tpu.memory_space<vmem>> -> memref<1x64x128xf32, #tpu.memory_space<vmem>>
      %gather3A_321 = tpu.memref_squeeze %gather3A_320 : memref<1x64x128xf32, #tpu.memory_space<vmem>> -> memref<64x128xf32, #tpu.memory_space<vmem>>
      %gather3A_322 = tpu.vector_load_idx %gather3A_321[%add3A_311, %add3A_316] : memref<64x128xf32, #tpu.memory_space<vmem>>[vector<16xi32>, vector<16xi32>], vector<16xf32>,
      %get3A_323 = arith.index_cast %add3A_308 : i32 to index
      %get3A_324 = arith.constant 0 : index
      %get3A_325 = tpu.vector_load %arg8[%get3A_323, %get3A_324] {strides = array<i32>} : memref<416x64xf32, #tpu.memory_space<vmem>>, vector<16xf32>,
      %add3A_326 = arith.addf %get3A_325, %gather3A_322 : vector<16xf32>
      %swap3A_327 = arith.index_cast %add3A_308 : i32 to index
      %swap3A_328 = arith.constant 0 : index
      %swap3A_329 = tpu.vector_load %arg8[%swap3A_327, %swap3A_328] {strides = array<i32>} : memref<416x64xf32, #tpu.memory_space<vmem>>, vector<16xf32>,
      tpu.vector_store %arg8[%swap3A_327, %swap3A_328], %add3A_326 {strides = array<i32>} : memref<416x64xf32, #tpu.memory_space<vmem>>, vector<16xf32>,
      %add3A_330 = arith.constant 16 : i32
      %add3A_331 = vector.broadcast %add3A_330 : i32 to vector<16xi32>
      %add3A_332 = arith.addi %iota3A, %add3A_331 : vector<16xi32>
      %mul3A_333 = arith.constant 0 : i32
      %mul3A_334 = vector.broadcast %mul3A_333 : i32 to vector<16xi32>
      %mul3A_335 = arith.muli %iota3A, %mul3A_334 : vector<16xi32>
      %add3A_336 = vector.broadcast %and3A_306 : i32 to vector<16xi32>
      %add3A_337 = arith.addi %mul3A_335, %add3A_336 : vector<16xi32>
      %gather3A_338 = arith.constant 1 : i32
      %gather3A_339 = arith.constant 0 : i32
      %gather3A_340 = arith.constant 0 : i32
      %gather3A_341 = tpu.memref_slice %arg7[%gather3A_338, %gather3A_339, %gather3A_340] : memref<4x64x128xf32, #tpu.memory_space<vmem>> -> memref<1x64x128xf32, #tpu.memory_space<vmem>>
      %gather3A_342 = tpu.memref_squeeze %gather3A_341 : memref<1x64x128xf32, #tpu.memory_space<vmem>> -> memref<64x128xf32, #tpu.memory_space<vmem>>
      %gather3A_343 = tpu.vector_load_idx %gather3A_342[%add3A_332, %add3A_337] : memref<64x128xf32, #tpu.memory_space<vmem>>[vector<16xi32>, vector<16xi32>], vector<16xf32>,
      %get3A_344 = arith.index_cast %add3A_308 : i32 to index
      %get3A_345 = arith.constant 16 : index
      %get3A_346 = tpu.vector_load %arg8[%get3A_344, %get3A_345] {strides = array<i32>} : memref<416x64xf32, #tpu.memory_space<vmem>>, vector<16xf32>,
      %add3A_347 = arith.addf %get3A_346, %gather3A_343 : vector<16xf32>
      %swap3A_348 = arith.index_cast %add3A_308 : i32 to index
      %swap3A_349 = arith.constant 16 : index
      %swap3A_350 = tpu.vector_load %arg8[%swap3A_348, %swap3A_349] {strides = array<i32>} : memref<416x64xf32, #tpu.memory_space<vmem>>, vector<16xf32>,
      tpu.vector_store %arg8[%swap3A_348, %swap3A_349], %add3A_347 {strides = array<i32>} : memref<416x64xf32, #tpu.memory_space<vmem>>, vector<16xf32>,
      %add3A_351 = arith.constant 32 : i32
      %add3A_352 = vector.broadcast %add3A_351 : i32 to vector<16xi32>
      %add3A_353 = arith.addi %iota3A, %add3A_352 : vector<16xi32>
      %mul3A_354 = arith.constant 0 : i32
      %mul3A_355 = vector.broadcast %mul3A_354 : i32 to vector<16xi32>
      %mul3A_356 = arith.muli %iota3A, %mul3A_355 : vector<16xi32>
      %add3A_357 = vector.broadcast %and3A_306 : i32 to vector<16xi32>
      %add3A_358 = arith.addi %mul3A_356, %add3A_357 : vector<16xi32>
      %gather3A_359 = arith.constant 1 : i32
      %gather3A_360 = arith.constant 0 : i32
      %gather3A_361 = arith.constant 0 : i32
      %gather3A_362 = tpu.memref_slice %arg7[%gather3A_359, %gather3A_360, %gather3A_361] : memref<4x64x128xf32, #tpu.memory_space<vmem>> -> memref<1x64x128xf32, #tpu.memory_space<vmem>>
      %gather3A_363 = tpu.memref_squeeze %gather3A_362 : memref<1x64x128xf32, #tpu.memory_space<vmem>> -> memref<64x128xf32, #tpu.memory_space<vmem>>
      %gather3A_364 = tpu.vector_load_idx %gather3A_363[%add3A_353, %add3A_358] : memref<64x128xf32, #tpu.memory_space<vmem>>[vector<16xi32>, vector<16xi32>], vector<16xf32>,
      %get3A_365 = arith.index_cast %add3A_308 : i32 to index
      %get3A_366 = arith.constant 32 : index
      %get3A_367 = tpu.vector_load %arg8[%get3A_365, %get3A_366] {strides = array<i32>} : memref<416x64xf32, #tpu.memory_space<vmem>>, vector<16xf32>,
      %add3A_368 = arith.addf %get3A_367, %gather3A_364 : vector<16xf32>
      %swap3A_369 = arith.index_cast %add3A_308 : i32 to index
      %swap3A_370 = arith.constant 32 : index
      %swap3A_371 = tpu.vector_load %arg8[%swap3A_369, %swap3A_370] {strides = array<i32>} : memref<416x64xf32, #tpu.memory_space<vmem>>, vector<16xf32>,
      tpu.vector_store %arg8[%swap3A_369, %swap3A_370], %add3A_368 {strides = array<i32>} : memref<416x64xf32, #tpu.memory_space<vmem>>, vector<16xf32>,
      %add3A_372 = arith.constant 48 : i32
      %add3A_373 = vector.broadcast %add3A_372 : i32 to vector<16xi32>
      %add3A_374 = arith.addi %iota3A, %add3A_373 : vector<16xi32>
      %mul3A_375 = arith.constant 0 : i32
      %mul3A_376 = vector.broadcast %mul3A_375 : i32 to vector<16xi32>
      %mul3A_377 = arith.muli %iota3A, %mul3A_376 : vector<16xi32>
      %add3A_378 = vector.broadcast %and3A_306 : i32 to vector<16xi32>
      %add3A_379 = arith.addi %mul3A_377, %add3A_378 : vector<16xi32>
      %gather3A_380 = arith.constant 1 : i32
      %gather3A_381 = arith.constant 0 : i32
      %gather3A_382 = arith.constant 0 : i32
      %gather3A_383 = tpu.memref_slice %arg7[%gather3A_380, %gather3A_381, %gather3A_382] : memref<4x64x128xf32, #tpu.memory_space<vmem>> -> memref<1x64x128xf32, #tpu.memory_space<vmem>>
      %gather3A_384 = tpu.memref_squeeze %gather3A_383 : memref<1x64x128xf32, #tpu.memory_space<vmem>> -> memref<64x128xf32, #tpu.memory_space<vmem>>
      %gather3A_385 = tpu.vector_load_idx %gather3A_384[%add3A_374, %add3A_379] : memref<64x128xf32, #tpu.memory_space<vmem>>[vector<16xi32>, vector<16xi32>], vector<16xf32>,
      %get3A_386 = arith.index_cast %add3A_308 : i32 to index
      %get3A_387 = arith.constant 48 : index
      %get3A_388 = tpu.vector_load %arg8[%get3A_386, %get3A_387] {strides = array<i32>} : memref<416x64xf32, #tpu.memory_space<vmem>>, vector<16xf32>,
      %add3A_389 = arith.addf %get3A_388, %gather3A_385 : vector<16xf32>
      %swap3A_390 = arith.index_cast %add3A_308 : i32 to index
      %swap3A_391 = arith.constant 48 : index
      %swap3A_392 = tpu.vector_load %arg8[%swap3A_390, %swap3A_391] {strides = array<i32>} : memref<416x64xf32, #tpu.memory_space<vmem>>, vector<16xf32>,
      tpu.vector_store %arg8[%swap3A_390, %swap3A_391], %add3A_389 {strides = array<i32>} : memref<416x64xf32, #tpu.memory_space<vmem>>, vector<16xf32>,
      %slice3A_393 = vector.extract_strided_slice %get3A_158 {offsets = [5], sizes = [1], strides = [1]} : vector<16xi32> to vector<1xi32>
      %squeeze3A_394 = vector.extract %slice3A_393[0] : i32 from vector<1xi32>
      %shift_right_logical3A_395 = arith.constant 7 : i32
      %shift_right_logical3A_396 = arith.shrui %squeeze3A_394, %shift_right_logical3A_395 : i32
      %mul3A_397 = arith.constant 128 : i32
      %mul3A_398 = arith.muli %shift_right_logical3A_396, %mul3A_397 : i32
      %multiple_of3A_399 = tpu.assume_multiple %mul3A_398, 128 : i32
      %dma_start3A_400 = arith.constant 1 : i32
      %dma_start3A_401 = arith.constant 0 : i32
      %dma_start3A_402 = arith.constant 0 : i32
      %dma_start3A_403 = tpu.memref_slice %arg7[%dma_start3A_400, %dma_start3A_401, %dma_start3A_402] : memref<4x64x128xf32, #tpu.memory_space<vmem>> -> memref<1x64x128xf32, #tpu.memory_space<vmem>>
      %dma_start3A_404 = tpu.memref_squeeze %dma_start3A_403 : memref<1x64x128xf32, #tpu.memory_space<vmem>> -> memref<64x128xf32, #tpu.memory_space<vmem>>
      %dma_start3A_405 = arith.constant 0 : i32
      %dma_start3A_406 = tpu.memref_slice %arg2[%dma_start3A_405, %multiple_of3A_399] : memref<64x1000000xf32, #tpu.memory_space<hbm>> -> memref<64x128xf32, #tpu.memory_space<hbm>>
      %dma_start3A_407 = arith.constant 0 : i32
      %dma_start3A_408 = arith.constant 0 : i32
      %dma_start3A_409 = tpu.memref_slice %arg7[%dma_start3A_400, %dma_start3A_407, %dma_start3A_408] : memref<4x64x128xf32, #tpu.memory_space<vmem>> -> memref<1x64x128xf32, #tpu.memory_space<vmem>>
      %dma_start3A_410 = tpu.memref_squeeze %dma_start3A_409 : memref<1x64x128xf32, #tpu.memory_space<vmem>> -> memref<64x128xf32, #tpu.memory_space<vmem>>
      %dma_start3A_411 = arith.constant 0 : i32
      %dma_start3A_412 = tpu.memref_slice %arg2[%dma_start3A_411, %multiple_of3A_399] : memref<64x1000000xf32, #tpu.memory_space<hbm>> -> memref<64x128xf32, #tpu.memory_space<hbm>>
      tpu.enqueue_dma source(%dma_start3A_412 : memref<64x128xf32, #tpu.memory_space<hbm>>) target(%dma_start3A_410 : memref<64x128xf32, #tpu.memory_space<vmem>>) target_semaphore(%arg10 : memref<!tpu.dma_semaphore, #tpu.memory_space<semaphore_mem>>)
      %dma_wait3A_413 = arith.constant 2 : i32
      %dma_wait3A_414 = arith.constant 0 : i32
      %dma_wait3A_415 = arith.constant 0 : i32
      %dma_wait3A_416 = tpu.memref_slice %arg7[%dma_wait3A_413, %dma_wait3A_414, %dma_wait3A_415] : memref<4x64x128xf32, #tpu.memory_space<vmem>> -> memref<1x64x128xf32, #tpu.memory_space<vmem>>
      %dma_wait3A_417 = tpu.memref_squeeze %dma_wait3A_416 : memref<1x64x128xf32, #tpu.memory_space<vmem>> -> memref<64x128xf32, #tpu.memory_space<vmem>>
      %dma_wait3A_418 = arith.constant 0 : i32
      %dma_wait3A_419 = arith.constant 0 : i32
      %dma_wait3A_420 = tpu.memref_slice %arg2[%dma_wait3A_418, %dma_wait3A_419] : memref<64x1000000xf32, #tpu.memory_space<hbm>> -> memref<64x128xf32, #tpu.memory_space<hbm>>
      %dma_wait3A_421 = arith.constant 0 : i32
      %dma_wait3A_422 = arith.constant 0 : i32
      %dma_wait3A_423 = tpu.memref_slice %arg7[%dma_wait3A_413, %dma_wait3A_421, %dma_wait3A_422] : memref<4x64x128xf32, #tpu.memory_space<vmem>> -> memref<1x64x128xf32, #tpu.memory_space<vmem>>
      %dma_wait3A_424 = tpu.memref_squeeze %dma_wait3A_423 : memref<1x64x128xf32, #tpu.memory_space<vmem>> -> memref<64x128xf32, #tpu.memory_space<vmem>>
      %dma_wait3A_425 = arith.constant 0 : i32
      %dma_wait3A_426 = arith.constant 0 : i32
      %dma_wait3A_427 = tpu.memref_slice %arg2[%dma_wait3A_425, %dma_wait3A_426] : memref<64x1000000xf32, #tpu.memory_space<hbm>> -> memref<64x128xf32, #tpu.memory_space<hbm>>
      tpu.wait_dma2 semaphore(%arg11 : memref<!tpu.dma_semaphore, #tpu.memory_space<semaphore_mem>>) src(%dma_wait3A_427 : memref<64x128xf32, #tpu.memory_space<hbm>>) dst(%dma_wait3A_424 : memref<64x128xf32, #tpu.memory_space<vmem>>)
      %slice3A_428 = vector.extract_strided_slice %get3A_158 {offsets = [2], sizes = [1], strides = [1]} : vector<16xi32> to vector<1xi32>
      %squeeze3A_429 = vector.extract %slice3A_428[0] : i32 from vector<1xi32>
      %and3A_430 = arith.constant 127 : i32
      %and3A_431 = arith.andi %squeeze3A_429, %and3A_430 : i32
      %add3A_432 = arith.constant 2 : i32
      %add3A_433 = arith.addi %mul3A_156, %add3A_432 : i32
      %add3A_434 = arith.constant 0 : i32
      %add3A_435 = vector.broadcast %add3A_434 : i32 to vector<16xi32>
      %add3A_436 = arith.addi %iota3A, %add3A_435 : vector<16xi32>
      %mul3A_437 = arith.constant 0 : i32
      %mul3A_438 = vector.broadcast %mul3A_437 : i32 to vector<16xi32>
      %mul3A_439 = arith.muli %iota3A, %mul3A_438 : vector<16xi32>
      %add3A_440 = vector.broadcast %and3A_431 : i32 to vector<16xi32>
      %add3A_441 = arith.addi %mul3A_439, %add3A_440 : vector<16xi32>
      %gather3A_442 = arith.constant 2 : i32
      %gather3A_443 = arith.constant 0 : i32
      %gather3A_444 = arith.constant 0 : i32
      %gather3A_445 = tpu.memref_slice %arg7[%gather3A_442, %gather3A_443, %gather3A_444] : memref<4x64x128xf32, #tpu.memory_space<vmem>> -> memref<1x64x128xf32, #tpu.memory_space<vmem>>
      %gather3A_446 = tpu.memref_squeeze %gather3A_445 : memref<1x64x128xf32, #tpu.memory_space<vmem>> -> memref<64x128xf32, #tpu.memory_space<vmem>>
      %gather3A_447 = tpu.vector_load_idx %gather3A_446[%add3A_436, %add3A_441] : memref<64x128xf32, #tpu.memory_space<vmem>>[vector<16xi32>, vector<16xi32>], vector<16xf32>,
      %get3A_448 = arith.index_cast %add3A_433 : i32 to index
      %get3A_449 = arith.constant 0 : index
      %get3A_450 = tpu.vector_load %arg8[%get3A_448, %get3A_449] {strides = array<i32>} : memref<416x64xf32, #tpu.memory_space<vmem>>, vector<16xf32>,
      %add3A_451 = arith.addf %get3A_450, %gather3A_447 : vector<16xf32>
      %swap3A_452 = arith.index_cast %add3A_433 : i32 to index
      %swap3A_453 = arith.constant 0 : index
      %swap3A_454 = tpu.vector_load %arg8[%swap3A_452, %swap3A_453] {strides = array<i32>} : memref<416x64xf32, #tpu.memory_space<vmem>>, vector<16xf32>,
      tpu.vector_store %arg8[%swap3A_452, %swap3A_453], %add3A_451 {strides = array<i32>} : memref<416x64xf32, #tpu.memory_space<vmem>>, vector<16xf32>,
      %add3A_455 = arith.constant 16 : i32
      %add3A_456 = vector.broadcast %add3A_455 : i32 to vector<16xi32>
      %add3A_457 = arith.addi %iota3A, %add3A_456 : vector<16xi32>
      %mul3A_458 = arith.constant 0 : i32
      %mul3A_459 = vector.broadcast %mul3A_458 : i32 to vector<16xi32>
      %mul3A_460 = arith.muli %iota3A, %mul3A_459 : vector<16xi32>
      %add3A_461 = vector.broadcast %and3A_431 : i32 to vector<16xi32>
      %add3A_462 = arith.addi %mul3A_460, %add3A_461 : vector<16xi32>
      %gather3A_463 = arith.constant 2 : i32
      %gather3A_464 = arith.constant 0 : i32
      %gather3A_465 = arith.constant 0 : i32
      %gather3A_466 = tpu.memref_slice %arg7[%gather3A_463, %gather3A_464, %gather3A_465] : memref<4x64x128xf32, #tpu.memory_space<vmem>> -> memref<1x64x128xf32, #tpu.memory_space<vmem>>
      %gather3A_467 = tpu.memref_squeeze %gather3A_466 : memref<1x64x128xf32, #tpu.memory_space<vmem>> -> memref<64x128xf32, #tpu.memory_space<vmem>>
      %gather3A_468 = tpu.vector_load_idx %gather3A_467[%add3A_457, %add3A_462] : memref<64x128xf32, #tpu.memory_space<vmem>>[vector<16xi32>, vector<16xi32>], vector<16xf32>,
      %get3A_469 = arith.index_cast %add3A_433 : i32 to index
      %get3A_470 = arith.constant 16 : index
      %get3A_471 = tpu.vector_load %arg8[%get3A_469, %get3A_470] {strides = array<i32>} : memref<416x64xf32, #tpu.memory_space<vmem>>, vector<16xf32>,
      %add3A_472 = arith.addf %get3A_471, %gather3A_468 : vector<16xf32>
      %swap3A_473 = arith.index_cast %add3A_433 : i32 to index
      %swap3A_474 = arith.constant 16 : index
      %swap3A_475 = tpu.vector_load %arg8[%swap3A_473, %swap3A_474] {strides = array<i32>} : memref<416x64xf32, #tpu.memory_space<vmem>>, vector<16xf32>,
      tpu.vector_store %arg8[%swap3A_473, %swap3A_474], %add3A_472 {strides = array<i32>} : memref<416x64xf32, #tpu.memory_space<vmem>>, vector<16xf32>,
      %add3A_476 = arith.constant 32 : i32
      %add3A_477 = vector.broadcast %add3A_476 : i32 to vector<16xi32>
      %add3A_478 = arith.addi %iota3A, %add3A_477 : vector<16xi32>
      %mul3A_479 = arith.constant 0 : i32
      %mul3A_480 = vector.broadcast %mul3A_479 : i32 to vector<16xi32>
      %mul3A_481 = arith.muli %iota3A, %mul3A_480 : vector<16xi32>
      %add3A_482 = vector.broadcast %and3A_431 : i32 to vector<16xi32>
      %add3A_483 = arith.addi %mul3A_481, %add3A_482 : vector<16xi32>
      %gather3A_484 = arith.constant 2 : i32
      %gather3A_485 = arith.constant 0 : i32
      %gather3A_486 = arith.constant 0 : i32
      %gather3A_487 = tpu.memref_slice %arg7[%gather3A_484, %gather3A_485, %gather3A_486] : memref<4x64x128xf32, #tpu.memory_space<vmem>> -> memref<1x64x128xf32, #tpu.memory_space<vmem>>
      %gather3A_488 = tpu.memref_squeeze %gather3A_487 : memref<1x64x128xf32, #tpu.memory_space<vmem>> -> memref<64x128xf32, #tpu.memory_space<vmem>>
      %gather3A_489 = tpu.vector_load_idx %gather3A_488[%add3A_478, %add3A_483] : memref<64x128xf32, #tpu.memory_space<vmem>>[vector<16xi32>, vector<16xi32>], vector<16xf32>,
      %get3A_490 = arith.index_cast %add3A_433 : i32 to index
      %get3A_491 = arith.constant 32 : index
      %get3A_492 = tpu.vector_load %arg8[%get3A_490, %get3A_491] {strides = array<i32>} : memref<416x64xf32, #tpu.memory_space<vmem>>, vector<16xf32>,
      %add3A_493 = arith.addf %get3A_492, %gather3A_489 : vector<16xf32>
      %swap3A_494 = arith.index_cast %add3A_433 : i32 to index
      %swap3A_495 = arith.constant 32 : index
      %swap3A_496 = tpu.vector_load %arg8[%swap3A_494, %swap3A_495] {strides = array<i32>} : memref<416x64xf32, #tpu.memory_space<vmem>>, vector<16xf32>,
      tpu.vector_store %arg8[%swap3A_494, %swap3A_495], %add3A_493 {strides = array<i32>} : memref<416x64xf32, #tpu.memory_space<vmem>>, vector<16xf32>,
      %add3A_497 = arith.constant 48 : i32
      %add3A_498 = vector.broadcast %add3A_497 : i32 to vector<16xi32>
      %add3A_499 = arith.addi %iota3A, %add3A_498 : vector<16xi32>
      %mul3A_500 = arith.constant 0 : i32
      %mul3A_501 = vector.broadcast %mul3A_500 : i32 to vector<16xi32>
      %mul3A_502 = arith.muli %iota3A, %mul3A_501 : vector<16xi32>
      %add3A_503 = vector.broadcast %and3A_431 : i32 to vector<16xi32>
      %add3A_504 = arith.addi %mul3A_502, %add3A_503 : vector<16xi32>
      %gather3A_505 = arith.constant 2 : i32
      %gather3A_506 = arith.constant 0 : i32
      %gather3A_507 = arith.constant 0 : i32
      %gather3A_508 = tpu.memref_slice %arg7[%gather3A_505, %gather3A_506, %gather3A_507] : memref<4x64x128xf32, #tpu.memory_space<vmem>> -> memref<1x64x128xf32, #tpu.memory_space<vmem>>
      %gather3A_509 = tpu.memref_squeeze %gather3A_508 : memref<1x64x128xf32, #tpu.memory_space<vmem>> -> memref<64x128xf32, #tpu.memory_space<vmem>>
      %gather3A_510 = tpu.vector_load_idx %gather3A_509[%add3A_499, %add3A_504] : memref<64x128xf32, #tpu.memory_space<vmem>>[vector<16xi32>, vector<16xi32>], vector<16xf32>,
      %get3A_511 = arith.index_cast %add3A_433 : i32 to index
      %get3A_512 = arith.constant 48 : index
      %get3A_513 = tpu.vector_load %arg8[%get3A_511, %get3A_512] {strides = array<i32>} : memref<416x64xf32, #tpu.memory_space<vmem>>, vector<16xf32>,
      %add3A_514 = arith.addf %get3A_513, %gather3A_510 : vector<16xf32>
      %swap3A_515 = arith.index_cast %add3A_433 : i32 to index
      %swap3A_516 = arith.constant 48 : index
      %swap3A_517 = tpu.vector_load %arg8[%swap3A_515, %swap3A_516] {strides = array<i32>} : memref<416x64xf32, #tpu.memory_space<vmem>>, vector<16xf32>,
      tpu.vector_store %arg8[%swap3A_515, %swap3A_516], %add3A_514 {strides = array<i32>} : memref<416x64xf32, #tpu.memory_space<vmem>>, vector<16xf32>,
      %slice3A_518 = vector.extract_strided_slice %get3A_158 {offsets = [6], sizes = [1], strides = [1]} : vector<16xi32> to vector<1xi32>
      %squeeze3A_519 = vector.extract %slice3A_518[0] : i32 from vector<1xi32>
      %shift_right_logical3A_520 = arith.constant 7 : i32
      %shift_right_logical3A_521 = arith.shrui %squeeze3A_519, %shift_right_logical3A_520 : i32
      %mul3A_522 = arith.constant 128 : i32
      %mul3A_523 = arith.muli %shift_right_logical3A_521, %mul3A_522 : i32
      %multiple_of3A_524 = tpu.assume_multiple %mul3A_523, 128 : i32
      %dma_start3A_525 = arith.constant 2 : i32
      %dma_start3A_526 = arith.constant 0 : i32
      %dma_start3A_527 = arith.constant 0 : i32
      %dma_start3A_528 = tpu.memref_slice %arg7[%dma_start3A_525, %dma_start3A_526, %dma_start3A_527] : memref<4x64x128xf32, #tpu.memory_space<vmem>> -> memref<1x64x128xf32, #tpu.memory_space<vmem>>
      %dma_start3A_529 = tpu.memref_squeeze %dma_start3A_528 : memref<1x64x128xf32, #tpu.memory_space<vmem>> -> memref<64x128xf32, #tpu.memory_space<vmem>>
      %dma_start3A_530 = arith.constant 0 : i32
      %dma_start3A_531 = tpu.memref_slice %arg2[%dma_start3A_530, %multiple_of3A_524] : memref<64x1000000xf32, #tpu.memory_space<hbm>> -> memref<64x128xf32, #tpu.memory_space<hbm>>
      %dma_start3A_532 = arith.constant 0 : i32
      %dma_start3A_533 = arith.constant 0 : i32
      %dma_start3A_534 = tpu.memref_slice %arg7[%dma_start3A_525, %dma_start3A_532, %dma_start3A_533] : memref<4x64x128xf32, #tpu.memory_space<vmem>> -> memref<1x64x128xf32, #tpu.memory_space<vmem>>
      %dma_start3A_535 = tpu.memref_squeeze %dma_start3A_534 : memref<1x64x128xf32, #tpu.memory_space<vmem>> -> memref<64x128xf32, #tpu.memory_space<vmem>>
      %dma_start3A_536 = arith.constant 0 : i32
      %dma_start3A_537 = tpu.memref_slice %arg2[%dma_start3A_536, %multiple_of3A_524] : memref<64x1000000xf32, #tpu.memory_space<hbm>> -> memref<64x128xf32, #tpu.memory_space<hbm>>
      tpu.enqueue_dma source(%dma_start3A_537 : memref<64x128xf32, #tpu.memory_space<hbm>>) target(%dma_start3A_535 : memref<64x128xf32, #tpu.memory_space<vmem>>) target_semaphore(%arg11 : memref<!tpu.dma_semaphore, #tpu.memory_space<semaphore_mem>>)
      %dma_wait3A_538 = arith.constant 3 : i32
      %dma_wait3A_539 = arith.constant 0 : i32
      %dma_wait3A_540 = arith.constant 0 : i32
      %dma_wait3A_541 = tpu.memref_slice %arg7[%dma_wait3A_538, %dma_wait3A_539, %dma_wait3A_540] : memref<4x64x128xf32, #tpu.memory_space<vmem>> -> memref<1x64x128xf32, #tpu.memory_space<vmem>>
      %dma_wait3A_542 = tpu.memref_squeeze %dma_wait3A_541 : memref<1x64x128xf32, #tpu.memory_space<vmem>> -> memref<64x128xf32, #tpu.memory_space<vmem>>
      %dma_wait3A_543 = arith.constant 0 : i32
      %dma_wait3A_544 = arith.constant 0 : i32
      %dma_wait3A_545 = tpu.memref_slice %arg2[%dma_wait3A_543, %dma_wait3A_544] : memref<64x1000000xf32, #tpu.memory_space<hbm>> -> memref<64x128xf32, #tpu.memory_space<hbm>>
      %dma_wait3A_546 = arith.constant 0 : i32
      %dma_wait3A_547 = arith.constant 0 : i32
      %dma_wait3A_548 = tpu.memref_slice %arg7[%dma_wait3A_538, %dma_wait3A_546, %dma_wait3A_547] : memref<4x64x128xf32, #tpu.memory_space<vmem>> -> memref<1x64x128xf32, #tpu.memory_space<vmem>>
      %dma_wait3A_549 = tpu.memref_squeeze %dma_wait3A_548 : memref<1x64x128xf32, #tpu.memory_space<vmem>> -> memref<64x128xf32, #tpu.memory_space<vmem>>
      %dma_wait3A_550 = arith.constant 0 : i32
      %dma_wait3A_551 = arith.constant 0 : i32
      %dma_wait3A_552 = tpu.memref_slice %arg2[%dma_wait3A_550, %dma_wait3A_551] : memref<64x1000000xf32, #tpu.memory_space<hbm>> -> memref<64x128xf32, #tpu.memory_space<hbm>>
      tpu.wait_dma2 semaphore(%arg12 : memref<!tpu.dma_semaphore, #tpu.memory_space<semaphore_mem>>) src(%dma_wait3A_552 : memref<64x128xf32, #tpu.memory_space<hbm>>) dst(%dma_wait3A_549 : memref<64x128xf32, #tpu.memory_space<vmem>>)
      %slice3A_553 = vector.extract_strided_slice %get3A_158 {offsets = [3], sizes = [1], strides = [1]} : vector<16xi32> to vector<1xi32>
      %squeeze3A_554 = vector.extract %slice3A_553[0] : i32 from vector<1xi32>
      %and3A_555 = arith.constant 127 : i32
      %and3A_556 = arith.andi %squeeze3A_554, %and3A_555 : i32
      %add3A_557 = arith.constant 3 : i32
      %add3A_558 = arith.addi %mul3A_156, %add3A_557 : i32
      %add3A_559 = arith.constant 0 : i32
      %add3A_560 = vector.broadcast %add3A_559 : i32 to vector<16xi32>
      %add3A_561 = arith.addi %iota3A, %add3A_560 : vector<16xi32>
      %mul3A_562 = arith.constant 0 : i32
      %mul3A_563 = vector.broadcast %mul3A_562 : i32 to vector<16xi32>
      %mul3A_564 = arith.muli %iota3A, %mul3A_563 : vector<16xi32>
      %add3A_565 = vector.broadcast %and3A_556 : i32 to vector<16xi32>
      %add3A_566 = arith.addi %mul3A_564, %add3A_565 : vector<16xi32>
      %gather3A_567 = arith.constant 3 : i32
      %gather3A_568 = arith.constant 0 : i32
      %gather3A_569 = arith.constant 0 : i32
      %gather3A_570 = tpu.memref_slice %arg7[%gather3A_567, %gather3A_568, %gather3A_569] : memref<4x64x128xf32, #tpu.memory_space<vmem>> -> memref<1x64x128xf32, #tpu.memory_space<vmem>>
      %gather3A_571 = tpu.memref_squeeze %gather3A_570 : memref<1x64x128xf32, #tpu.memory_space<vmem>> -> memref<64x128xf32, #tpu.memory_space<vmem>>
      %gather3A_572 = tpu.vector_load_idx %gather3A_571[%add3A_561, %add3A_566] : memref<64x128xf32, #tpu.memory_space<vmem>>[vector<16xi32>, vector<16xi32>], vector<16xf32>,
      %get3A_573 = arith.index_cast %add3A_558 : i32 to index
      %get3A_574 = arith.constant 0 : index
      %get3A_575 = tpu.vector_load %arg8[%get3A_573, %get3A_574] {strides = array<i32>} : memref<416x64xf32, #tpu.memory_space<vmem>>, vector<16xf32>,
      %add3A_576 = arith.addf %get3A_575, %gather3A_572 : vector<16xf32>
      %swap3A_577 = arith.index_cast %add3A_558 : i32 to index
      %swap3A_578 = arith.constant 0 : index
      %swap3A_579 = tpu.vector_load %arg8[%swap3A_577, %swap3A_578] {strides = array<i32>} : memref<416x64xf32, #tpu.memory_space<vmem>>, vector<16xf32>,
      tpu.vector_store %arg8[%swap3A_577, %swap3A_578], %add3A_576 {strides = array<i32>} : memref<416x64xf32, #tpu.memory_space<vmem>>, vector<16xf32>,
      %add3A_580 = arith.constant 16 : i32
      %add3A_581 = vector.broadcast %add3A_580 : i32 to vector<16xi32>
      %add3A_582 = arith.addi %iota3A, %add3A_581 : vector<16xi32>
      %mul3A_583 = arith.constant 0 : i32
      %mul3A_584 = vector.broadcast %mul3A_583 : i32 to vector<16xi32>
      %mul3A_585 = arith.muli %iota3A, %mul3A_584 : vector<16xi32>
      %add3A_586 = vector.broadcast %and3A_556 : i32 to vector<16xi32>
      %add3A_587 = arith.addi %mul3A_585, %add3A_586 : vector<16xi32>
      %gather3A_588 = arith.constant 3 : i32
      %gather3A_589 = arith.constant 0 : i32
      %gather3A_590 = arith.constant 0 : i32
      %gather3A_591 = tpu.memref_slice %arg7[%gather3A_588, %gather3A_589, %gather3A_590] : memref<4x64x128xf32, #tpu.memory_space<vmem>> -> memref<1x64x128xf32, #tpu.memory_space<vmem>>
      %gather3A_592 = tpu.memref_squeeze %gather3A_591 : memref<1x64x128xf32, #tpu.memory_space<vmem>> -> memref<64x128xf32, #tpu.memory_space<vmem>>
      %gather3A_593 = tpu.vector_load_idx %gather3A_592[%add3A_582, %add3A_587] : memref<64x128xf32, #tpu.memory_space<vmem>>[vector<16xi32>, vector<16xi32>], vector<16xf32>,
      %get3A_594 = arith.index_cast %add3A_558 : i32 to index
      %get3A_595 = arith.constant 16 : index
      %get3A_596 = tpu.vector_load %arg8[%get3A_594, %get3A_595] {strides = array<i32>} : memref<416x64xf32, #tpu.memory_space<vmem>>, vector<16xf32>,
      %add3A_597 = arith.addf %get3A_596, %gather3A_593 : vector<16xf32>
      %swap3A_598 = arith.index_cast %add3A_558 : i32 to index
      %swap3A_599 = arith.constant 16 : index
      %swap3A_600 = tpu.vector_load %arg8[%swap3A_598, %swap3A_599] {strides = array<i32>} : memref<416x64xf32, #tpu.memory_space<vmem>>, vector<16xf32>,
      tpu.vector_store %arg8[%swap3A_598, %swap3A_599], %add3A_597 {strides = array<i32>} : memref<416x64xf32, #tpu.memory_space<vmem>>, vector<16xf32>,
      %add3A_601 = arith.constant 32 : i32
      %add3A_602 = vector.broadcast %add3A_601 : i32 to vector<16xi32>
      %add3A_603 = arith.addi %iota3A, %add3A_602 : vector<16xi32>
      %mul3A_604 = arith.constant 0 : i32
      %mul3A_605 = vector.broadcast %mul3A_604 : i32 to vector<16xi32>
      %mul3A_606 = arith.muli %iota3A, %mul3A_605 : vector<16xi32>
      %add3A_607 = vector.broadcast %and3A_556 : i32 to vector<16xi32>
      %add3A_608 = arith.addi %mul3A_606, %add3A_607 : vector<16xi32>
      %gather3A_609 = arith.constant 3 : i32
      %gather3A_610 = arith.constant 0 : i32
      %gather3A_611 = arith.constant 0 : i32
      %gather3A_612 = tpu.memref_slice %arg7[%gather3A_609, %gather3A_610, %gather3A_611] : memref<4x64x128xf32, #tpu.memory_space<vmem>> -> memref<1x64x128xf32, #tpu.memory_space<vmem>>
      %gather3A_613 = tpu.memref_squeeze %gather3A_612 : memref<1x64x128xf32, #tpu.memory_space<vmem>> -> memref<64x128xf32, #tpu.memory_space<vmem>>
      %gather3A_614 = tpu.vector_load_idx %gather3A_613[%add3A_603, %add3A_608] : memref<64x128xf32, #tpu.memory_space<vmem>>[vector<16xi32>, vector<16xi32>], vector<16xf32>,
      %get3A_615 = arith.index_cast %add3A_558 : i32 to index
      %get3A_616 = arith.constant 32 : index
      %get3A_617 = tpu.vector_load %arg8[%get3A_615, %get3A_616] {strides = array<i32>} : memref<416x64xf32, #tpu.memory_space<vmem>>, vector<16xf32>,
      %add3A_618 = arith.addf %get3A_617, %gather3A_614 : vector<16xf32>
      %swap3A_619 = arith.index_cast %add3A_558 : i32 to index
      %swap3A_620 = arith.constant 32 : index
      %swap3A_621 = tpu.vector_load %arg8[%swap3A_619, %swap3A_620] {strides = array<i32>} : memref<416x64xf32, #tpu.memory_space<vmem>>, vector<16xf32>,
      tpu.vector_store %arg8[%swap3A_619, %swap3A_620], %add3A_618 {strides = array<i32>} : memref<416x64xf32, #tpu.memory_space<vmem>>, vector<16xf32>,
      %add3A_622 = arith.constant 48 : i32
      %add3A_623 = vector.broadcast %add3A_622 : i32 to vector<16xi32>
      %add3A_624 = arith.addi %iota3A, %add3A_623 : vector<16xi32>
      %mul3A_625 = arith.constant 0 : i32
      %mul3A_626 = vector.broadcast %mul3A_625 : i32 to vector<16xi32>
      %mul3A_627 = arith.muli %iota3A, %mul3A_626 : vector<16xi32>
      %add3A_628 = vector.broadcast %and3A_556 : i32 to vector<16xi32>
      %add3A_629 = arith.addi %mul3A_627, %add3A_628 : vector<16xi32>
      %gather3A_630 = arith.constant 3 : i32
      %gather3A_631 = arith.constant 0 : i32
      %gather3A_632 = arith.constant 0 : i32
      %gather3A_633 = tpu.memref_slice %arg7[%gather3A_630, %gather3A_631, %gather3A_632] : memref<4x64x128xf32, #tpu.memory_space<vmem>> -> memref<1x64x128xf32, #tpu.memory_space<vmem>>
      %gather3A_634 = tpu.memref_squeeze %gather3A_633 : memref<1x64x128xf32, #tpu.memory_space<vmem>> -> memref<64x128xf32, #tpu.memory_space<vmem>>
      %gather3A_635 = tpu.vector_load_idx %gather3A_634[%add3A_624, %add3A_629] : memref<64x128xf32, #tpu.memory_space<vmem>>[vector<16xi32>, vector<16xi32>], vector<16xf32>,
      %get3A_636 = arith.index_cast %add3A_558 : i32 to index
      %get3A_637 = arith.constant 48 : index
      %get3A_638 = tpu.vector_load %arg8[%get3A_636, %get3A_637] {strides = array<i32>} : memref<416x64xf32, #tpu.memory_space<vmem>>, vector<16xf32>,
      %add3A_639 = arith.addf %get3A_638, %gather3A_635 : vector<16xf32>
      %swap3A_640 = arith.index_cast %add3A_558 : i32 to index
      %swap3A_641 = arith.constant 48 : index
      %swap3A_642 = tpu.vector_load %arg8[%swap3A_640, %swap3A_641] {strides = array<i32>} : memref<416x64xf32, #tpu.memory_space<vmem>>, vector<16xf32>,
      tpu.vector_store %arg8[%swap3A_640, %swap3A_641], %add3A_639 {strides = array<i32>} : memref<416x64xf32, #tpu.memory_space<vmem>>, vector<16xf32>,
      %slice3A_643 = vector.extract_strided_slice %get3A_158 {offsets = [7], sizes = [1], strides = [1]} : vector<16xi32> to vector<1xi32>
      %squeeze3A_644 = vector.extract %slice3A_643[0] : i32 from vector<1xi32>
      %shift_right_logical3A_645 = arith.constant 7 : i32
      %shift_right_logical3A_646 = arith.shrui %squeeze3A_644, %shift_right_logical3A_645 : i32
      %mul3A_647 = arith.constant 128 : i32
      %mul3A_648 = arith.muli %shift_right_logical3A_646, %mul3A_647 : i32
      %multiple_of3A_649 = tpu.assume_multiple %mul3A_648, 128 : i32
      %dma_start3A_650 = arith.constant 3 : i32
      %dma_start3A_651 = arith.constant 0 : i32
      %dma_start3A_652 = arith.constant 0 : i32
      %dma_start3A_653 = tpu.memref_slice %arg7[%dma_start3A_650, %dma_start3A_651, %dma_start3A_652] : memref<4x64x128xf32, #tpu.memory_space<vmem>> -> memref<1x64x128xf32, #tpu.memory_space<vmem>>
      %dma_start3A_654 = tpu.memref_squeeze %dma_start3A_653 : memref<1x64x128xf32, #tpu.memory_space<vmem>> -> memref<64x128xf32, #tpu.memory_space<vmem>>
      %dma_start3A_655 = arith.constant 0 : i32
      %dma_start3A_656 = tpu.memref_slice %arg2[%dma_start3A_655, %multiple_of3A_649] : memref<64x1000000xf32, #tpu.memory_space<hbm>> -> memref<64x128xf32, #tpu.memory_space<hbm>>
      %dma_start3A_657 = arith.constant 0 : i32
      %dma_start3A_658 = arith.constant 0 : i32
      %dma_start3A_659 = tpu.memref_slice %arg7[%dma_start3A_650, %dma_start3A_657, %dma_start3A_658] : memref<4x64x128xf32, #tpu.memory_space<vmem>> -> memref<1x64x128xf32, #tpu.memory_space<vmem>>
      %dma_start3A_660 = tpu.memref_squeeze %dma_start3A_659 : memref<1x64x128xf32, #tpu.memory_space<vmem>> -> memref<64x128xf32, #tpu.memory_space<vmem>>
      %dma_start3A_661 = arith.constant 0 : i32
      %dma_start3A_662 = tpu.memref_slice %arg2[%dma_start3A_661, %multiple_of3A_649] : memref<64x1000000xf32, #tpu.memory_space<hbm>> -> memref<64x128xf32, #tpu.memory_space<hbm>>
      tpu.enqueue_dma source(%dma_start3A_662 : memref<64x128xf32, #tpu.memory_space<hbm>>) target(%dma_start3A_660 : memref<64x128xf32, #tpu.memory_space<vmem>>) target_semaphore(%arg12 : memref<!tpu.dma_semaphore, #tpu.memory_space<semaphore_mem>>)
      %dma_wait3A_663 = arith.constant 0 : i32
      %dma_wait3A_664 = arith.constant 0 : i32
      %dma_wait3A_665 = arith.constant 0 : i32
      %dma_wait3A_666 = tpu.memref_slice %arg7[%dma_wait3A_663, %dma_wait3A_664, %dma_wait3A_665] : memref<4x64x128xf32, #tpu.memory_space<vmem>> -> memref<1x64x128xf32, #tpu.memory_space<vmem>>
      %dma_wait3A_667 = tpu.memref_squeeze %dma_wait3A_666 : memref<1x64x128xf32, #tpu.memory_space<vmem>> -> memref<64x128xf32, #tpu.memory_space<vmem>>
      %dma_wait3A_668 = arith.constant 0 : i32
      %dma_wait3A_669 = arith.constant 0 : i32
      %dma_wait3A_670 = tpu.memref_slice %arg2[%dma_wait3A_668, %dma_wait3A_669] : memref<64x1000000xf32, #tpu.memory_space<hbm>> -> memref<64x128xf32, #tpu.memory_space<hbm>>
      %dma_wait3A_671 = arith.constant 0 : i32
      %dma_wait3A_672 = arith.constant 0 : i32
      %dma_wait3A_673 = tpu.memref_slice %arg7[%dma_wait3A_663, %dma_wait3A_671, %dma_wait3A_672] : memref<4x64x128xf32, #tpu.memory_space<vmem>> -> memref<1x64x128xf32, #tpu.memory_space<vmem>>
      %dma_wait3A_674 = tpu.memref_squeeze %dma_wait3A_673 : memref<1x64x128xf32, #tpu.memory_space<vmem>> -> memref<64x128xf32, #tpu.memory_space<vmem>>
      %dma_wait3A_675 = arith.constant 0 : i32
      %dma_wait3A_676 = arith.constant 0 : i32
      %dma_wait3A_677 = tpu.memref_slice %arg2[%dma_wait3A_675, %dma_wait3A_676] : memref<64x1000000xf32, #tpu.memory_space<hbm>> -> memref<64x128xf32, #tpu.memory_space<hbm>>
      tpu.wait_dma2 semaphore(%arg9 : memref<!tpu.dma_semaphore, #tpu.memory_space<semaphore_mem>>) src(%dma_wait3A_677 : memref<64x128xf32, #tpu.memory_space<hbm>>) dst(%dma_wait3A_674 : memref<64x128xf32, #tpu.memory_space<vmem>>)
      %slice3A_678 = vector.extract_strided_slice %get3A_158 {offsets = [4], sizes = [1], strides = [1]} : vector<16xi32> to vector<1xi32>
      %squeeze3A_679 = vector.extract %slice3A_678[0] : i32 from vector<1xi32>
      %and3A_680 = arith.constant 127 : i32
      %and3A_681 = arith.andi %squeeze3A_679, %and3A_680 : i32
      %add3A_682 = arith.constant 4 : i32
      %add3A_683 = arith.addi %mul3A_156, %add3A_682 : i32
      %add3A_684 = arith.constant 0 : i32
      %add3A_685 = vector.broadcast %add3A_684 : i32 to vector<16xi32>
      %add3A_686 = arith.addi %iota3A, %add3A_685 : vector<16xi32>
      %mul3A_687 = arith.constant 0 : i32
      %mul3A_688 = vector.broadcast %mul3A_687 : i32 to vector<16xi32>
      %mul3A_689 = arith.muli %iota3A, %mul3A_688 : vector<16xi32>
      %add3A_690 = vector.broadcast %and3A_681 : i32 to vector<16xi32>
      %add3A_691 = arith.addi %mul3A_689, %add3A_690 : vector<16xi32>
      %gather3A_692 = arith.constant 0 : i32
      %gather3A_693 = arith.constant 0 : i32
      %gather3A_694 = arith.constant 0 : i32
      %gather3A_695 = tpu.memref_slice %arg7[%gather3A_692, %gather3A_693, %gather3A_694] : memref<4x64x128xf32, #tpu.memory_space<vmem>> -> memref<1x64x128xf32, #tpu.memory_space<vmem>>
      %gather3A_696 = tpu.memref_squeeze %gather3A_695 : memref<1x64x128xf32, #tpu.memory_space<vmem>> -> memref<64x128xf32, #tpu.memory_space<vmem>>
      %gather3A_697 = tpu.vector_load_idx %gather3A_696[%add3A_686, %add3A_691] : memref<64x128xf32, #tpu.memory_space<vmem>>[vector<16xi32>, vector<16xi32>], vector<16xf32>,
      %get3A_698 = arith.index_cast %add3A_683 : i32 to index
      %get3A_699 = arith.constant 0 : index
      %get3A_700 = tpu.vector_load %arg8[%get3A_698, %get3A_699] {strides = array<i32>} : memref<416x64xf32, #tpu.memory_space<vmem>>, vector<16xf32>,
      %add3A_701 = arith.addf %get3A_700, %gather3A_697 : vector<16xf32>
      %swap3A_702 = arith.index_cast %add3A_683 : i32 to index
      %swap3A_703 = arith.constant 0 : index
      %swap3A_704 = tpu.vector_load %arg8[%swap3A_702, %swap3A_703] {strides = array<i32>} : memref<416x64xf32, #tpu.memory_space<vmem>>, vector<16xf32>,
      tpu.vector_store %arg8[%swap3A_702, %swap3A_703], %add3A_701 {strides = array<i32>} : memref<416x64xf32, #tpu.memory_space<vmem>>, vector<16xf32>,
      %add3A_705 = arith.constant 16 : i32
      %add3A_706 = vector.broadcast %add3A_705 : i32 to vector<16xi32>
      %add3A_707 = arith.addi %iota3A, %add3A_706 : vector<16xi32>
      %mul3A_708 = arith.constant 0 : i32
      %mul3A_709 = vector.broadcast %mul3A_708 : i32 to vector<16xi32>
      %mul3A_710 = arith.muli %iota3A, %mul3A_709 : vector<16xi32>
      %add3A_711 = vector.broadcast %and3A_681 : i32 to vector<16xi32>
      %add3A_712 = arith.addi %mul3A_710, %add3A_711 : vector<16xi32>
      %gather3A_713 = arith.constant 0 : i32
      %gather3A_714 = arith.constant 0 : i32
      %gather3A_715 = arith.constant 0 : i32
      %gather3A_716 = tpu.memref_slice %arg7[%gather3A_713, %gather3A_714, %gather3A_715] : memref<4x64x128xf32, #tpu.memory_space<vmem>> -> memref<1x64x128xf32, #tpu.memory_space<vmem>>
      %gather3A_717 = tpu.memref_squeeze %gather3A_716 : memref<1x64x128xf32, #tpu.memory_space<vmem>> -> memref<64x128xf32, #tpu.memory_space<vmem>>
      %gather3A_718 = tpu.vector_load_idx %gather3A_717[%add3A_707, %add3A_712] : memref<64x128xf32, #tpu.memory_space<vmem>>[vector<16xi32>, vector<16xi32>], vector<16xf32>,
      %get3A_719 = arith.index_cast %add3A_683 : i32 to index
      %get3A_720 = arith.constant 16 : index
      %get3A_721 = tpu.vector_load %arg8[%get3A_719, %get3A_720] {strides = array<i32>} : memref<416x64xf32, #tpu.memory_space<vmem>>, vector<16xf32>,
      %add3A_722 = arith.addf %get3A_721, %gather3A_718 : vector<16xf32>
      %swap3A_723 = arith.index_cast %add3A_683 : i32 to index
      %swap3A_724 = arith.constant 16 : index
      %swap3A_725 = tpu.vector_load %arg8[%swap3A_723, %swap3A_724] {strides = array<i32>} : memref<416x64xf32, #tpu.memory_space<vmem>>, vector<16xf32>,
      tpu.vector_store %arg8[%swap3A_723, %swap3A_724], %add3A_722 {strides = array<i32>} : memref<416x64xf32, #tpu.memory_space<vmem>>, vector<16xf32>,
      %add3A_726 = arith.constant 32 : i32
      %add3A_727 = vector.broadcast %add3A_726 : i32 to vector<16xi32>
      %add3A_728 = arith.addi %iota3A, %add3A_727 : vector<16xi32>
      %mul3A_729 = arith.constant 0 : i32
      %mul3A_730 = vector.broadcast %mul3A_729 : i32 to vector<16xi32>
      %mul3A_731 = arith.muli %iota3A, %mul3A_730 : vector<16xi32>
      %add3A_732 = vector.broadcast %and3A_681 : i32 to vector<16xi32>
      %add3A_733 = arith.addi %mul3A_731, %add3A_732 : vector<16xi32>
      %gather3A_734 = arith.constant 0 : i32
      %gather3A_735 = arith.constant 0 : i32
      %gather3A_736 = arith.constant 0 : i32
      %gather3A_737 = tpu.memref_slice %arg7[%gather3A_734, %gather3A_735, %gather3A_736] : memref<4x64x128xf32, #tpu.memory_space<vmem>> -> memref<1x64x128xf32, #tpu.memory_space<vmem>>
      %gather3A_738 = tpu.memref_squeeze %gather3A_737 : memref<1x64x128xf32, #tpu.memory_space<vmem>> -> memref<64x128xf32, #tpu.memory_space<vmem>>
      %gather3A_739 = tpu.vector_load_idx %gather3A_738[%add3A_728, %add3A_733] : memref<64x128xf32, #tpu.memory_space<vmem>>[vector<16xi32>, vector<16xi32>], vector<16xf32>,
      %get3A_740 = arith.index_cast %add3A_683 : i32 to index
      %get3A_741 = arith.constant 32 : index
      %get3A_742 = tpu.vector_load %arg8[%get3A_740, %get3A_741] {strides = array<i32>} : memref<416x64xf32, #tpu.memory_space<vmem>>, vector<16xf32>,
      %add3A_743 = arith.addf %get3A_742, %gather3A_739 : vector<16xf32>
      %swap3A_744 = arith.index_cast %add3A_683 : i32 to index
      %swap3A_745 = arith.constant 32 : index
      %swap3A_746 = tpu.vector_load %arg8[%swap3A_744, %swap3A_745] {strides = array<i32>} : memref<416x64xf32, #tpu.memory_space<vmem>>, vector<16xf32>,
      tpu.vector_store %arg8[%swap3A_744, %swap3A_745], %add3A_743 {strides = array<i32>} : memref<416x64xf32, #tpu.memory_space<vmem>>, vector<16xf32>,
      %add3A_747 = arith.constant 48 : i32
      %add3A_748 = vector.broadcast %add3A_747 : i32 to vector<16xi32>
      %add3A_749 = arith.addi %iota3A, %add3A_748 : vector<16xi32>
      %mul3A_750 = arith.constant 0 : i32
      %mul3A_751 = vector.broadcast %mul3A_750 : i32 to vector<16xi32>
      %mul3A_752 = arith.muli %iota3A, %mul3A_751 : vector<16xi32>
      %add3A_753 = vector.broadcast %and3A_681 : i32 to vector<16xi32>
      %add3A_754 = arith.addi %mul3A_752, %add3A_753 : vector<16xi32>
      %gather3A_755 = arith.constant 0 : i32
      %gather3A_756 = arith.constant 0 : i32
      %gather3A_757 = arith.constant 0 : i32
      %gather3A_758 = tpu.memref_slice %arg7[%gather3A_755, %gather3A_756, %gather3A_757] : memref<4x64x128xf32, #tpu.memory_space<vmem>> -> memref<1x64x128xf32, #tpu.memory_space<vmem>>
      %gather3A_759 = tpu.memref_squeeze %gather3A_758 : memref<1x64x128xf32, #tpu.memory_space<vmem>> -> memref<64x128xf32, #tpu.memory_space<vmem>>
      %gather3A_760 = tpu.vector_load_idx %gather3A_759[%add3A_749, %add3A_754] : memref<64x128xf32, #tpu.memory_space<vmem>>[vector<16xi32>, vector<16xi32>], vector<16xf32>,
      %get3A_761 = arith.index_cast %add3A_683 : i32 to index
      %get3A_762 = arith.constant 48 : index
      %get3A_763 = tpu.vector_load %arg8[%get3A_761, %get3A_762] {strides = array<i32>} : memref<416x64xf32, #tpu.memory_space<vmem>>, vector<16xf32>,
      %add3A_764 = arith.addf %get3A_763, %gather3A_760 : vector<16xf32>
      %swap3A_765 = arith.index_cast %add3A_683 : i32 to index
      %swap3A_766 = arith.constant 48 : index
      %swap3A_767 = tpu.vector_load %arg8[%swap3A_765, %swap3A_766] {strides = array<i32>} : memref<416x64xf32, #tpu.memory_space<vmem>>, vector<16xf32>,
      tpu.vector_store %arg8[%swap3A_765, %swap3A_766], %add3A_764 {strides = array<i32>} : memref<416x64xf32, #tpu.memory_space<vmem>>, vector<16xf32>,
      %slice3A_768 = vector.extract_strided_slice %get3A_158 {offsets = [8], sizes = [1], strides = [1]} : vector<16xi32> to vector<1xi32>
      %squeeze3A_769 = vector.extract %slice3A_768[0] : i32 from vector<1xi32>
      %shift_right_logical3A_770 = arith.constant 7 : i32
      %shift_right_logical3A_771 = arith.shrui %squeeze3A_769, %shift_right_logical3A_770 : i32
      %mul3A_772 = arith.constant 128 : i32
      %mul3A_773 = arith.muli %shift_right_logical3A_771, %mul3A_772 : i32
      %multiple_of3A_774 = tpu.assume_multiple %mul3A_773, 128 : i32
      %dma_start3A_775 = arith.constant 0 : i32
      %dma_start3A_776 = arith.constant 0 : i32
      %dma_start3A_777 = arith.constant 0 : i32
      %dma_start3A_778 = tpu.memref_slice %arg7[%dma_start3A_775, %dma_start3A_776, %dma_start3A_777] : memref<4x64x128xf32, #tpu.memory_space<vmem>> -> memref<1x64x128xf32, #tpu.memory_space<vmem>>
      %dma_start3A_779 = tpu.memref_squeeze %dma_start3A_778 : memref<1x64x128xf32, #tpu.memory_space<vmem>> -> memref<64x128xf32, #tpu.memory_space<vmem>>
      %dma_start3A_780 = arith.constant 0 : i32
      %dma_start3A_781 = tpu.memref_slice %arg2[%dma_start3A_780, %multiple_of3A_774] : memref<64x1000000xf32, #tpu.memory_space<hbm>> -> memref<64x128xf32, #tpu.memory_space<hbm>>
      %dma_start3A_782 = arith.constant 0 : i32
      %dma_start3A_783 = arith.constant 0 : i32
      %dma_start3A_784 = tpu.memref_slice %arg7[%dma_start3A_775, %dma_start3A_782, %dma_start3A_783] : memref<4x64x128xf32, #tpu.memory_space<vmem>> -> memref<1x64x128xf32, #tpu.memory_space<vmem>>
      %dma_start3A_785 = tpu.memref_squeeze %dma_start3A_784 : memref<1x64x128xf32, #tpu.memory_space<vmem>> -> memref<64x128xf32, #tpu.memory_space<vmem>>
      %dma_start3A_786 = arith.constant 0 : i32
      %dma_start3A_787 = tpu.memref_slice %arg2[%dma_start3A_786, %multiple_of3A_774] : memref<64x1000000xf32, #tpu.memory_space<hbm>> -> memref<64x128xf32, #tpu.memory_space<hbm>>
      tpu.enqueue_dma source(%dma_start3A_787 : memref<64x128xf32, #tpu.memory_space<hbm>>) target(%dma_start3A_785 : memref<64x128xf32, #tpu.memory_space<vmem>>) target_semaphore(%arg9 : memref<!tpu.dma_semaphore, #tpu.memory_space<semaphore_mem>>)
      %dma_wait3A_788 = arith.constant 1 : i32
      %dma_wait3A_789 = arith.constant 0 : i32
      %dma_wait3A_790 = arith.constant 0 : i32
      %dma_wait3A_791 = tpu.memref_slice %arg7[%dma_wait3A_788, %dma_wait3A_789, %dma_wait3A_790] : memref<4x64x128xf32, #tpu.memory_space<vmem>> -> memref<1x64x128xf32, #tpu.memory_space<vmem>>
      %dma_wait3A_792 = tpu.memref_squeeze %dma_wait3A_791 : memref<1x64x128xf32, #tpu.memory_space<vmem>> -> memref<64x128xf32, #tpu.memory_space<vmem>>
      %dma_wait3A_793 = arith.constant 0 : i32
      %dma_wait3A_794 = arith.constant 0 : i32
      %dma_wait3A_795 = tpu.memref_slice %arg2[%dma_wait3A_793, %dma_wait3A_794] : memref<64x1000000xf32, #tpu.memory_space<hbm>> -> memref<64x128xf32, #tpu.memory_space<hbm>>
      %dma_wait3A_796 = arith.constant 0 : i32
      %dma_wait3A_797 = arith.constant 0 : i32
      %dma_wait3A_798 = tpu.memref_slice %arg7[%dma_wait3A_788, %dma_wait3A_796, %dma_wait3A_797] : memref<4x64x128xf32, #tpu.memory_space<vmem>> -> memref<1x64x128xf32, #tpu.memory_space<vmem>>
      %dma_wait3A_799 = tpu.memref_squeeze %dma_wait3A_798 : memref<1x64x128xf32, #tpu.memory_space<vmem>> -> memref<64x128xf32, #tpu.memory_space<vmem>>
      %dma_wait3A_800 = arith.constant 0 : i32
      %dma_wait3A_801 = arith.constant 0 : i32
      %dma_wait3A_802 = tpu.memref_slice %arg2[%dma_wait3A_800, %dma_wait3A_801] : memref<64x1000000xf32, #tpu.memory_space<hbm>> -> memref<64x128xf32, #tpu.memory_space<hbm>>
      tpu.wait_dma2 semaphore(%arg10 : memref<!tpu.dma_semaphore, #tpu.memory_space<semaphore_mem>>) src(%dma_wait3A_802 : memref<64x128xf32, #tpu.memory_space<hbm>>) dst(%dma_wait3A_799 : memref<64x128xf32, #tpu.memory_space<vmem>>)
      %slice3A_803 = vector.extract_strided_slice %get3A_158 {offsets = [5], sizes = [1], strides = [1]} : vector<16xi32> to vector<1xi32>
      %squeeze3A_804 = vector.extract %slice3A_803[0] : i32 from vector<1xi32>
      %and3A_805 = arith.constant 127 : i32
      %and3A_806 = arith.andi %squeeze3A_804, %and3A_805 : i32
      %add3A_807 = arith.constant 5 : i32
      %add3A_808 = arith.addi %mul3A_156, %add3A_807 : i32
      %add3A_809 = arith.constant 0 : i32
      %add3A_810 = vector.broadcast %add3A_809 : i32 to vector<16xi32>
      %add3A_811 = arith.addi %iota3A, %add3A_810 : vector<16xi32>
      %mul3A_812 = arith.constant 0 : i32
      %mul3A_813 = vector.broadcast %mul3A_812 : i32 to vector<16xi32>
      %mul3A_814 = arith.muli %iota3A, %mul3A_813 : vector<16xi32>
      %add3A_815 = vector.broadcast %and3A_806 : i32 to vector<16xi32>
      %add3A_816 = arith.addi %mul3A_814, %add3A_815 : vector<16xi32>
      %gather3A_817 = arith.constant 1 : i32
      %gather3A_818 = arith.constant 0 : i32
      %gather3A_819 = arith.constant 0 : i32
      %gather3A_820 = tpu.memref_slice %arg7[%gather3A_817, %gather3A_818, %gather3A_819] : memref<4x64x128xf32, #tpu.memory_space<vmem>> -> memref<1x64x128xf32, #tpu.memory_space<vmem>>
      %gather3A_821 = tpu.memref_squeeze %gather3A_820 : memref<1x64x128xf32, #tpu.memory_space<vmem>> -> memref<64x128xf32, #tpu.memory_space<vmem>>
      %gather3A_822 = tpu.vector_load_idx %gather3A_821[%add3A_811, %add3A_816] : memref<64x128xf32, #tpu.memory_space<vmem>>[vector<16xi32>, vector<16xi32>], vector<16xf32>,
      %get3A_823 = arith.index_cast %add3A_808 : i32 to index
      %get3A_824 = arith.constant 0 : index
      %get3A_825 = tpu.vector_load %arg8[%get3A_823, %get3A_824] {strides = array<i32>} : memref<416x64xf32, #tpu.memory_space<vmem>>, vector<16xf32>,
      %add3A_826 = arith.addf %get3A_825, %gather3A_822 : vector<16xf32>
      %swap3A_827 = arith.index_cast %add3A_808 : i32 to index
      %swap3A_828 = arith.constant 0 : index
      %swap3A_829 = tpu.vector_load %arg8[%swap3A_827, %swap3A_828] {strides = array<i32>} : memref<416x64xf32, #tpu.memory_space<vmem>>, vector<16xf32>,
      tpu.vector_store %arg8[%swap3A_827, %swap3A_828], %add3A_826 {strides = array<i32>} : memref<416x64xf32, #tpu.memory_space<vmem>>, vector<16xf32>,
      %add3A_830 = arith.constant 16 : i32
      %add3A_831 = vector.broadcast %add3A_830 : i32 to vector<16xi32>
      %add3A_832 = arith.addi %iota3A, %add3A_831 : vector<16xi32>
      %mul3A_833 = arith.constant 0 : i32
      %mul3A_834 = vector.broadcast %mul3A_833 : i32 to vector<16xi32>
      %mul3A_835 = arith.muli %iota3A, %mul3A_834 : vector<16xi32>
      %add3A_836 = vector.broadcast %and3A_806 : i32 to vector<16xi32>
      %add3A_837 = arith.addi %mul3A_835, %add3A_836 : vector<16xi32>
      %gather3A_838 = arith.constant 1 : i32
      %gather3A_839 = arith.constant 0 : i32
      %gather3A_840 = arith.constant 0 : i32
      %gather3A_841 = tpu.memref_slice %arg7[%gather3A_838, %gather3A_839, %gather3A_840] : memref<4x64x128xf32, #tpu.memory_space<vmem>> -> memref<1x64x128xf32, #tpu.memory_space<vmem>>
      %gather3A_842 = tpu.memref_squeeze %gather3A_841 : memref<1x64x128xf32, #tpu.memory_space<vmem>> -> memref<64x128xf32, #tpu.memory_space<vmem>>
      %gather3A_843 = tpu.vector_load_idx %gather3A_842[%add3A_832, %add3A_837] : memref<64x128xf32, #tpu.memory_space<vmem>>[vector<16xi32>, vector<16xi32>], vector<16xf32>,
      %get3A_844 = arith.index_cast %add3A_808 : i32 to index
      %get3A_845 = arith.constant 16 : index
      %get3A_846 = tpu.vector_load %arg8[%get3A_844, %get3A_845] {strides = array<i32>} : memref<416x64xf32, #tpu.memory_space<vmem>>, vector<16xf32>,
      %add3A_847 = arith.addf %get3A_846, %gather3A_843 : vector<16xf32>
      %swap3A_848 = arith.index_cast %add3A_808 : i32 to index
      %swap3A_849 = arith.constant 16 : index
      %swap3A_850 = tpu.vector_load %arg8[%swap3A_848, %swap3A_849] {strides = array<i32>} : memref<416x64xf32, #tpu.memory_space<vmem>>, vector<16xf32>,
      tpu.vector_store %arg8[%swap3A_848, %swap3A_849], %add3A_847 {strides = array<i32>} : memref<416x64xf32, #tpu.memory_space<vmem>>, vector<16xf32>,
      %add3A_851 = arith.constant 32 : i32
      %add3A_852 = vector.broadcast %add3A_851 : i32 to vector<16xi32>
      %add3A_853 = arith.addi %iota3A, %add3A_852 : vector<16xi32>
      %mul3A_854 = arith.constant 0 : i32
      %mul3A_855 = vector.broadcast %mul3A_854 : i32 to vector<16xi32>
      %mul3A_856 = arith.muli %iota3A, %mul3A_855 : vector<16xi32>
      %add3A_857 = vector.broadcast %and3A_806 : i32 to vector<16xi32>
      %add3A_858 = arith.addi %mul3A_856, %add3A_857 : vector<16xi32>
      %gather3A_859 = arith.constant 1 : i32
      %gather3A_860 = arith.constant 0 : i32
      %gather3A_861 = arith.constant 0 : i32
      %gather3A_862 = tpu.memref_slice %arg7[%gather3A_859, %gather3A_860, %gather3A_861] : memref<4x64x128xf32, #tpu.memory_space<vmem>> -> memref<1x64x128xf32, #tpu.memory_space<vmem>>
      %gather3A_863 = tpu.memref_squeeze %gather3A_862 : memref<1x64x128xf32, #tpu.memory_space<vmem>> -> memref<64x128xf32, #tpu.memory_space<vmem>>
      %gather3A_864 = tpu.vector_load_idx %gather3A_863[%add3A_853, %add3A_858] : memref<64x128xf32, #tpu.memory_space<vmem>>[vector<16xi32>, vector<16xi32>], vector<16xf32>,
      %get3A_865 = arith.index_cast %add3A_808 : i32 to index
      %get3A_866 = arith.constant 32 : index
      %get3A_867 = tpu.vector_load %arg8[%get3A_865, %get3A_866] {strides = array<i32>} : memref<416x64xf32, #tpu.memory_space<vmem>>, vector<16xf32>,
      %add3A_868 = arith.addf %get3A_867, %gather3A_864 : vector<16xf32>
      %swap3A_869 = arith.index_cast %add3A_808 : i32 to index
      %swap3A_870 = arith.constant 32 : index
      %swap3A_871 = tpu.vector_load %arg8[%swap3A_869, %swap3A_870] {strides = array<i32>} : memref<416x64xf32, #tpu.memory_space<vmem>>, vector<16xf32>,
      tpu.vector_store %arg8[%swap3A_869, %swap3A_870], %add3A_868 {strides = array<i32>} : memref<416x64xf32, #tpu.memory_space<vmem>>, vector<16xf32>,
      %add3A_872 = arith.constant 48 : i32
      %add3A_873 = vector.broadcast %add3A_872 : i32 to vector<16xi32>
      %add3A_874 = arith.addi %iota3A, %add3A_873 : vector<16xi32>
      %mul3A_875 = arith.constant 0 : i32
      %mul3A_876 = vector.broadcast %mul3A_875 : i32 to vector<16xi32>
      %mul3A_877 = arith.muli %iota3A, %mul3A_876 : vector<16xi32>
      %add3A_878 = vector.broadcast %and3A_806 : i32 to vector<16xi32>
      %add3A_879 = arith.addi %mul3A_877, %add3A_878 : vector<16xi32>
      %gather3A_880 = arith.constant 1 : i32
      %gather3A_881 = arith.constant 0 : i32
      %gather3A_882 = arith.constant 0 : i32
      %gather3A_883 = tpu.memref_slice %arg7[%gather3A_880, %gather3A_881, %gather3A_882] : memref<4x64x128xf32, #tpu.memory_space<vmem>> -> memref<1x64x128xf32, #tpu.memory_space<vmem>>
      %gather3A_884 = tpu.memref_squeeze %gather3A_883 : memref<1x64x128xf32, #tpu.memory_space<vmem>> -> memref<64x128xf32, #tpu.memory_space<vmem>>
      %gather3A_885 = tpu.vector_load_idx %gather3A_884[%add3A_874, %add3A_879] : memref<64x128xf32, #tpu.memory_space<vmem>>[vector<16xi32>, vector<16xi32>], vector<16xf32>,
      %get3A_886 = arith.index_cast %add3A_808 : i32 to index
      %get3A_887 = arith.constant 48 : index
      %get3A_888 = tpu.vector_load %arg8[%get3A_886, %get3A_887] {strides = array<i32>} : memref<416x64xf32, #tpu.memory_space<vmem>>, vector<16xf32>,
      %add3A_889 = arith.addf %get3A_888, %gather3A_885 : vector<16xf32>
      %swap3A_890 = arith.index_cast %add3A_808 : i32 to index
      %swap3A_891 = arith.constant 48 : index
      %swap3A_892 = tpu.vector_load %arg8[%swap3A_890, %swap3A_891] {strides = array<i32>} : memref<416x64xf32, #tpu.memory_space<vmem>>, vector<16xf32>,
      tpu.vector_store %arg8[%swap3A_890, %swap3A_891], %add3A_889 {strides = array<i32>} : memref<416x64xf32, #tpu.memory_space<vmem>>, vector<16xf32>,
      %slice3A_893 = vector.extract_strided_slice %get3A_158 {offsets = [9], sizes = [1], strides = [1]} : vector<16xi32> to vector<1xi32>
      %squeeze3A_894 = vector.extract %slice3A_893[0] : i32 from vector<1xi32>
      %shift_right_logical3A_895 = arith.constant 7 : i32
      %shift_right_logical3A_896 = arith.shrui %squeeze3A_894, %shift_right_logical3A_895 : i32
      %mul3A_897 = arith.constant 128 : i32
      %mul3A_898 = arith.muli %shift_right_logical3A_896, %mul3A_897 : i32
      %multiple_of3A_899 = tpu.assume_multiple %mul3A_898, 128 : i32
      %dma_start3A_900 = arith.constant 1 : i32
      %dma_start3A_901 = arith.constant 0 : i32
      %dma_start3A_902 = arith.constant 0 : i32
      %dma_start3A_903 = tpu.memref_slice %arg7[%dma_start3A_900, %dma_start3A_901, %dma_start3A_902] : memref<4x64x128xf32, #tpu.memory_space<vmem>> -> memref<1x64x128xf32, #tpu.memory_space<vmem>>
      %dma_start3A_904 = tpu.memref_squeeze %dma_start3A_903 : memref<1x64x128xf32, #tpu.memory_space<vmem>> -> memref<64x128xf32, #tpu.memory_space<vmem>>
      %dma_start3A_905 = arith.constant 0 : i32
      %dma_start3A_906 = tpu.memref_slice %arg2[%dma_start3A_905, %multiple_of3A_899] : memref<64x1000000xf32, #tpu.memory_space<hbm>> -> memref<64x128xf32, #tpu.memory_space<hbm>>
      %dma_start3A_907 = arith.constant 0 : i32
      %dma_start3A_908 = arith.constant 0 : i32
      %dma_start3A_909 = tpu.memref_slice %arg7[%dma_start3A_900, %dma_start3A_907, %dma_start3A_908] : memref<4x64x128xf32, #tpu.memory_space<vmem>> -> memref<1x64x128xf32, #tpu.memory_space<vmem>>
      %dma_start3A_910 = tpu.memref_squeeze %dma_start3A_909 : memref<1x64x128xf32, #tpu.memory_space<vmem>> -> memref<64x128xf32, #tpu.memory_space<vmem>>
      %dma_start3A_911 = arith.constant 0 : i32
      %dma_start3A_912 = tpu.memref_slice %arg2[%dma_start3A_911, %multiple_of3A_899] : memref<64x1000000xf32, #tpu.memory_space<hbm>> -> memref<64x128xf32, #tpu.memory_space<hbm>>
      tpu.enqueue_dma source(%dma_start3A_912 : memref<64x128xf32, #tpu.memory_space<hbm>>) target(%dma_start3A_910 : memref<64x128xf32, #tpu.memory_space<vmem>>) target_semaphore(%arg10 : memref<!tpu.dma_semaphore, #tpu.memory_space<semaphore_mem>>)
      %dma_wait3A_913 = arith.constant 2 : i32
      %dma_wait3A_914 = arith.constant 0 : i32
      %dma_wait3A_915 = arith.constant 0 : i32
      %dma_wait3A_916 = tpu.memref_slice %arg7[%dma_wait3A_913, %dma_wait3A_914, %dma_wait3A_915] : memref<4x64x128xf32, #tpu.memory_space<vmem>> -> memref<1x64x128xf32, #tpu.memory_space<vmem>>
      %dma_wait3A_917 = tpu.memref_squeeze %dma_wait3A_916 : memref<1x64x128xf32, #tpu.memory_space<vmem>> -> memref<64x128xf32, #tpu.memory_space<vmem>>
      %dma_wait3A_918 = arith.constant 0 : i32
      %dma_wait3A_919 = arith.constant 0 : i32
      %dma_wait3A_920 = tpu.memref_slice %arg2[%dma_wait3A_918, %dma_wait3A_919] : memref<64x1000000xf32, #tpu.memory_space<hbm>> -> memref<64x128xf32, #tpu.memory_space<hbm>>
      %dma_wait3A_921 = arith.constant 0 : i32
      %dma_wait3A_922 = arith.constant 0 : i32
      %dma_wait3A_923 = tpu.memref_slice %arg7[%dma_wait3A_913, %dma_wait3A_921, %dma_wait3A_922] : memref<4x64x128xf32, #tpu.memory_space<vmem>> -> memref<1x64x128xf32, #tpu.memory_space<vmem>>
      %dma_wait3A_924 = tpu.memref_squeeze %dma_wait3A_923 : memref<1x64x128xf32, #tpu.memory_space<vmem>> -> memref<64x128xf32, #tpu.memory_space<vmem>>
      %dma_wait3A_925 = arith.constant 0 : i32
      %dma_wait3A_926 = arith.constant 0 : i32
      %dma_wait3A_927 = tpu.memref_slice %arg2[%dma_wait3A_925, %dma_wait3A_926] : memref<64x1000000xf32, #tpu.memory_space<hbm>> -> memref<64x128xf32, #tpu.memory_space<hbm>>
      tpu.wait_dma2 semaphore(%arg11 : memref<!tpu.dma_semaphore, #tpu.memory_space<semaphore_mem>>) src(%dma_wait3A_927 : memref<64x128xf32, #tpu.memory_space<hbm>>) dst(%dma_wait3A_924 : memref<64x128xf32, #tpu.memory_space<vmem>>)
      %slice3A_928 = vector.extract_strided_slice %get3A_158 {offsets = [6], sizes = [1], strides = [1]} : vector<16xi32> to vector<1xi32>
      %squeeze3A_929 = vector.extract %slice3A_928[0] : i32 from vector<1xi32>
      %and3A_930 = arith.constant 127 : i32
      %and3A_931 = arith.andi %squeeze3A_929, %and3A_930 : i32
      %add3A_932 = arith.constant 6 : i32
      %add3A_933 = arith.addi %mul3A_156, %add3A_932 : i32
      %add3A_934 = arith.constant 0 : i32
      %add3A_935 = vector.broadcast %add3A_934 : i32 to vector<16xi32>
      %add3A_936 = arith.addi %iota3A, %add3A_935 : vector<16xi32>
      %mul3A_937 = arith.constant 0 : i32
      %mul3A_938 = vector.broadcast %mul3A_937 : i32 to vector<16xi32>
      %mul3A_939 = arith.muli %iota3A, %mul3A_938 : vector<16xi32>
      %add3A_940 = vector.broadcast %and3A_931 : i32 to vector<16xi32>
      %add3A_941 = arith.addi %mul3A_939, %add3A_940 : vector<16xi32>
      %gather3A_942 = arith.constant 2 : i32
      %gather3A_943 = arith.constant 0 : i32
      %gather3A_944 = arith.constant 0 : i32
      %gather3A_945 = tpu.memref_slice %arg7[%gather3A_942, %gather3A_943, %gather3A_944] : memref<4x64x128xf32, #tpu.memory_space<vmem>> -> memref<1x64x128xf32, #tpu.memory_space<vmem>>
      %gather3A_946 = tpu.memref_squeeze %gather3A_945 : memref<1x64x128xf32, #tpu.memory_space<vmem>> -> memref<64x128xf32, #tpu.memory_space<vmem>>
      %gather3A_947 = tpu.vector_load_idx %gather3A_946[%add3A_936, %add3A_941] : memref<64x128xf32, #tpu.memory_space<vmem>>[vector<16xi32>, vector<16xi32>], vector<16xf32>,
      %get3A_948 = arith.index_cast %add3A_933 : i32 to index
      %get3A_949 = arith.constant 0 : index
      %get3A_950 = tpu.vector_load %arg8[%get3A_948, %get3A_949] {strides = array<i32>} : memref<416x64xf32, #tpu.memory_space<vmem>>, vector<16xf32>,
      %add3A_951 = arith.addf %get3A_950, %gather3A_947 : vector<16xf32>
      %swap3A_952 = arith.index_cast %add3A_933 : i32 to index
      %swap3A_953 = arith.constant 0 : index
      %swap3A_954 = tpu.vector_load %arg8[%swap3A_952, %swap3A_953] {strides = array<i32>} : memref<416x64xf32, #tpu.memory_space<vmem>>, vector<16xf32>,
      tpu.vector_store %arg8[%swap3A_952, %swap3A_953], %add3A_951 {strides = array<i32>} : memref<416x64xf32, #tpu.memory_space<vmem>>, vector<16xf32>,
      %add3A_955 = arith.constant 16 : i32
      %add3A_956 = vector.broadcast %add3A_955 : i32 to vector<16xi32>
      %add3A_957 = arith.addi %iota3A, %add3A_956 : vector<16xi32>
      %mul3A_958 = arith.constant 0 : i32
      %mul3A_959 = vector.broadcast %mul3A_958 : i32 to vector<16xi32>
      %mul3A_960 = arith.muli %iota3A, %mul3A_959 : vector<16xi32>
      %add3A_961 = vector.broadcast %and3A_931 : i32 to vector<16xi32>
      %add3A_962 = arith.addi %mul3A_960, %add3A_961 : vector<16xi32>
      %gather3A_963 = arith.constant 2 : i32
      %gather3A_964 = arith.constant 0 : i32
      %gather3A_965 = arith.constant 0 : i32
      %gather3A_966 = tpu.memref_slice %arg7[%gather3A_963, %gather3A_964, %gather3A_965] : memref<4x64x128xf32, #tpu.memory_space<vmem>> -> memref<1x64x128xf32, #tpu.memory_space<vmem>>
      %gather3A_967 = tpu.memref_squeeze %gather3A_966 : memref<1x64x128xf32, #tpu.memory_space<vmem>> -> memref<64x128xf32, #tpu.memory_space<vmem>>
      %gather3A_968 = tpu.vector_load_idx %gather3A_967[%add3A_957, %add3A_962] : memref<64x128xf32, #tpu.memory_space<vmem>>[vector<16xi32>, vector<16xi32>], vector<16xf32>,
      %get3A_969 = arith.index_cast %add3A_933 : i32 to index
      %get3A_970 = arith.constant 16 : index
      %get3A_971 = tpu.vector_load %arg8[%get3A_969, %get3A_970] {strides = array<i32>} : memref<416x64xf32, #tpu.memory_space<vmem>>, vector<16xf32>,
      %add3A_972 = arith.addf %get3A_971, %gather3A_968 : vector<16xf32>
      %swap3A_973 = arith.index_cast %add3A_933 : i32 to index
      %swap3A_974 = arith.constant 16 : index
      %swap3A_975 = tpu.vector_load %arg8[%swap3A_973, %swap3A_974] {strides = array<i32>} : memref<416x64xf32, #tpu.memory_space<vmem>>, vector<16xf32>,
      tpu.vector_store %arg8[%swap3A_973, %swap3A_974], %add3A_972 {strides = array<i32>} : memref<416x64xf32, #tpu.memory_space<vmem>>, vector<16xf32>,
      %add3A_976 = arith.constant 32 : i32
      %add3A_977 = vector.broadcast %add3A_976 : i32 to vector<16xi32>
      %add3A_978 = arith.addi %iota3A, %add3A_977 : vector<16xi32>
      %mul3A_979 = arith.constant 0 : i32
      %mul3A_980 = vector.broadcast %mul3A_979 : i32 to vector<16xi32>
      %mul3A_981 = arith.muli %iota3A, %mul3A_980 : vector<16xi32>
      %add3A_982 = vector.broadcast %and3A_931 : i32 to vector<16xi32>
      %add3A_983 = arith.addi %mul3A_981, %add3A_982 : vector<16xi32>
      %gather3A_984 = arith.constant 2 : i32
      %gather3A_985 = arith.constant 0 : i32
      %gather3A_986 = arith.constant 0 : i32
      %gather3A_987 = tpu.memref_slice %arg7[%gather3A_984, %gather3A_985, %gather3A_986] : memref<4x64x128xf32, #tpu.memory_space<vmem>> -> memref<1x64x128xf32, #tpu.memory_space<vmem>>
      %gather3A_988 = tpu.memref_squeeze %gather3A_987 : memref<1x64x128xf32, #tpu.memory_space<vmem>> -> memref<64x128xf32, #tpu.memory_space<vmem>>
      %gather3A_989 = tpu.vector_load_idx %gather3A_988[%add3A_978, %add3A_983] : memref<64x128xf32, #tpu.memory_space<vmem>>[vector<16xi32>, vector<16xi32>], vector<16xf32>,
      %get3A_990 = arith.index_cast %add3A_933 : i32 to index
      %get3A_991 = arith.constant 32 : index
      %get3A_992 = tpu.vector_load %arg8[%get3A_990, %get3A_991] {strides = array<i32>} : memref<416x64xf32, #tpu.memory_space<vmem>>, vector<16xf32>,
      %add3A_993 = arith.addf %get3A_992, %gather3A_989 : vector<16xf32>
      %swap3A_994 = arith.index_cast %add3A_933 : i32 to index
      %swap3A_995 = arith.constant 32 : index
      %swap3A_996 = tpu.vector_load %arg8[%swap3A_994, %swap3A_995] {strides = array<i32>} : memref<416x64xf32, #tpu.memory_space<vmem>>, vector<16xf32>,
      tpu.vector_store %arg8[%swap3A_994, %swap3A_995], %add3A_993 {strides = array<i32>} : memref<416x64xf32, #tpu.memory_space<vmem>>, vector<16xf32>,
      %add3A_997 = arith.constant 48 : i32
      %add3A_998 = vector.broadcast %add3A_997 : i32 to vector<16xi32>
      %add3A_999 = arith.addi %iota3A, %add3A_998 : vector<16xi32>
      %mul3A_1000 = arith.constant 0 : i32
      %mul3A_1001 = vector.broadcast %mul3A_1000 : i32 to vector<16xi32>
      %mul3A_1002 = arith.muli %iota3A, %mul3A_1001 : vector<16xi32>
      %add3A_1003 = vector.broadcast %and3A_931 : i32 to vector<16xi32>
      %add3A_1004 = arith.addi %mul3A_1002, %add3A_1003 : vector<16xi32>
      %gather3A_1005 = arith.constant 2 : i32
      %gather3A_1006 = arith.constant 0 : i32
      %gather3A_1007 = arith.constant 0 : i32
      %gather3A_1008 = tpu.memref_slice %arg7[%gather3A_1005, %gather3A_1006, %gather3A_1007] : memref<4x64x128xf32, #tpu.memory_space<vmem>> -> memref<1x64x128xf32, #tpu.memory_space<vmem>>
      %gather3A_1009 = tpu.memref_squeeze %gather3A_1008 : memref<1x64x128xf32, #tpu.memory_space<vmem>> -> memref<64x128xf32, #tpu.memory_space<vmem>>
      %gather3A_1010 = tpu.vector_load_idx %gather3A_1009[%add3A_999, %add3A_1004] : memref<64x128xf32, #tpu.memory_space<vmem>>[vector<16xi32>, vector<16xi32>], vector<16xf32>,
      %get3A_1011 = arith.index_cast %add3A_933 : i32 to index
      %get3A_1012 = arith.constant 48 : index
      %get3A_1013 = tpu.vector_load %arg8[%get3A_1011, %get3A_1012] {strides = array<i32>} : memref<416x64xf32, #tpu.memory_space<vmem>>, vector<16xf32>,
      %add3A_1014 = arith.addf %get3A_1013, %gather3A_1010 : vector<16xf32>
      %swap3A_1015 = arith.index_cast %add3A_933 : i32 to index
      %swap3A_1016 = arith.constant 48 : index
      %swap3A_1017 = tpu.vector_load %arg8[%swap3A_1015, %swap3A_1016] {strides = array<i32>} : memref<416x64xf32, #tpu.memory_space<vmem>>, vector<16xf32>,
      tpu.vector_store %arg8[%swap3A_1015, %swap3A_1016], %add3A_1014 {strides = array<i32>} : memref<416x64xf32, #tpu.memory_space<vmem>>, vector<16xf32>,
      %slice3A_1018 = vector.extract_strided_slice %get3A_158 {offsets = [10], sizes = [1], strides = [1]} : vector<16xi32> to vector<1xi32>
      %squeeze3A_1019 = vector.extract %slice3A_1018[0] : i32 from vector<1xi32>
      %shift_right_logical3A_1020 = arith.constant 7 : i32
      %shift_right_logical3A_1021 = arith.shrui %squeeze3A_1019, %shift_right_logical3A_1020 : i32
      %mul3A_1022 = arith.constant 128 : i32
      %mul3A_1023 = arith.muli %shift_right_logical3A_1021, %mul3A_1022 : i32
      %multiple_of3A_1024 = tpu.assume_multiple %mul3A_1023, 128 : i32
      %dma_start3A_1025 = arith.constant 2 : i32
      %dma_start3A_1026 = arith.constant 0 : i32
      %dma_start3A_1027 = arith.constant 0 : i32
      %dma_start3A_1028 = tpu.memref_slice %arg7[%dma_start3A_1025, %dma_start3A_1026, %dma_start3A_1027] : memref<4x64x128xf32, #tpu.memory_space<vmem>> -> memref<1x64x128xf32, #tpu.memory_space<vmem>>
      %dma_start3A_1029 = tpu.memref_squeeze %dma_start3A_1028 : memref<1x64x128xf32, #tpu.memory_space<vmem>> -> memref<64x128xf32, #tpu.memory_space<vmem>>
      %dma_start3A_1030 = arith.constant 0 : i32
      %dma_start3A_1031 = tpu.memref_slice %arg2[%dma_start3A_1030, %multiple_of3A_1024] : memref<64x1000000xf32, #tpu.memory_space<hbm>> -> memref<64x128xf32, #tpu.memory_space<hbm>>
      %dma_start3A_1032 = arith.constant 0 : i32
      %dma_start3A_1033 = arith.constant 0 : i32
      %dma_start3A_1034 = tpu.memref_slice %arg7[%dma_start3A_1025, %dma_start3A_1032, %dma_start3A_1033] : memref<4x64x128xf32, #tpu.memory_space<vmem>> -> memref<1x64x128xf32, #tpu.memory_space<vmem>>
      %dma_start3A_1035 = tpu.memref_squeeze %dma_start3A_1034 : memref<1x64x128xf32, #tpu.memory_space<vmem>> -> memref<64x128xf32, #tpu.memory_space<vmem>>
      %dma_start3A_1036 = arith.constant 0 : i32
      %dma_start3A_1037 = tpu.memref_slice %arg2[%dma_start3A_1036, %multiple_of3A_1024] : memref<64x1000000xf32, #tpu.memory_space<hbm>> -> memref<64x128xf32, #tpu.memory_space<hbm>>
      tpu.enqueue_dma source(%dma_start3A_1037 : memref<64x128xf32, #tpu.memory_space<hbm>>) target(%dma_start3A_1035 : memref<64x128xf32, #tpu.memory_space<vmem>>) target_semaphore(%arg11 : memref<!tpu.dma_semaphore, #tpu.memory_space<semaphore_mem>>)
      %dma_wait3A_1038 = arith.constant 3 : i32
      %dma_wait3A_1039 = arith.constant 0 : i32
      %dma_wait3A_1040 = arith.constant 0 : i32
      %dma_wait3A_1041 = tpu.memref_slice %arg7[%dma_wait3A_1038, %dma_wait3A_1039, %dma_wait3A_1040] : memref<4x64x128xf32, #tpu.memory_space<vmem>> -> memref<1x64x128xf32, #tpu.memory_space<vmem>>
      %dma_wait3A_1042 = tpu.memref_squeeze %dma_wait3A_1041 : memref<1x64x128xf32, #tpu.memory_space<vmem>> -> memref<64x128xf32, #tpu.memory_space<vmem>>
      %dma_wait3A_1043 = arith.constant 0 : i32
      %dma_wait3A_1044 = arith.constant 0 : i32
      %dma_wait3A_1045 = tpu.memref_slice %arg2[%dma_wait3A_1043, %dma_wait3A_1044] : memref<64x1000000xf32, #tpu.memory_space<hbm>> -> memref<64x128xf32, #tpu.memory_space<hbm>>
      %dma_wait3A_1046 = arith.constant 0 : i32
      %dma_wait3A_1047 = arith.constant 0 : i32
      %dma_wait3A_1048 = tpu.memref_slice %arg7[%dma_wait3A_1038, %dma_wait3A_1046, %dma_wait3A_1047] : memref<4x64x128xf32, #tpu.memory_space<vmem>> -> memref<1x64x128xf32, #tpu.memory_space<vmem>>
      %dma_wait3A_1049 = tpu.memref_squeeze %dma_wait3A_1048 : memref<1x64x128xf32, #tpu.memory_space<vmem>> -> memref<64x128xf32, #tpu.memory_space<vmem>>
      %dma_wait3A_1050 = arith.constant 0 : i32
      %dma_wait3A_1051 = arith.constant 0 : i32
      %dma_wait3A_1052 = tpu.memref_slice %arg2[%dma_wait3A_1050, %dma_wait3A_1051] : memref<64x1000000xf32, #tpu.memory_space<hbm>> -> memref<64x128xf32, #tpu.memory_space<hbm>>
      tpu.wait_dma2 semaphore(%arg12 : memref<!tpu.dma_semaphore, #tpu.memory_space<semaphore_mem>>) src(%dma_wait3A_1052 : memref<64x128xf32, #tpu.memory_space<hbm>>) dst(%dma_wait3A_1049 : memref<64x128xf32, #tpu.memory_space<vmem>>)
      %slice3A_1053 = vector.extract_strided_slice %get3A_158 {offsets = [7], sizes = [1], strides = [1]} : vector<16xi32> to vector<1xi32>
      %squeeze3A_1054 = vector.extract %slice3A_1053[0] : i32 from vector<1xi32>
      %and3A_1055 = arith.constant 127 : i32
      %and3A_1056 = arith.andi %squeeze3A_1054, %and3A_1055 : i32
      %add3A_1057 = arith.constant 7 : i32
      %add3A_1058 = arith.addi %mul3A_156, %add3A_1057 : i32
      %add3A_1059 = arith.constant 0 : i32
      %add3A_1060 = vector.broadcast %add3A_1059 : i32 to vector<16xi32>
      %add3A_1061 = arith.addi %iota3A, %add3A_1060 : vector<16xi32>
      %mul3A_1062 = arith.constant 0 : i32
      %mul3A_1063 = vector.broadcast %mul3A_1062 : i32 to vector<16xi32>
      %mul3A_1064 = arith.muli %iota3A, %mul3A_1063 : vector<16xi32>
      %add3A_1065 = vector.broadcast %and3A_1056 : i32 to vector<16xi32>
      %add3A_1066 = arith.addi %mul3A_1064, %add3A_1065 : vector<16xi32>
      %gather3A_1067 = arith.constant 3 : i32
      %gather3A_1068 = arith.constant 0 : i32
      %gather3A_1069 = arith.constant 0 : i32
      %gather3A_1070 = tpu.memref_slice %arg7[%gather3A_1067, %gather3A_1068, %gather3A_1069] : memref<4x64x128xf32, #tpu.memory_space<vmem>> -> memref<1x64x128xf32, #tpu.memory_space<vmem>>
      %gather3A_1071 = tpu.memref_squeeze %gather3A_1070 : memref<1x64x128xf32, #tpu.memory_space<vmem>> -> memref<64x128xf32, #tpu.memory_space<vmem>>
      %gather3A_1072 = tpu.vector_load_idx %gather3A_1071[%add3A_1061, %add3A_1066] : memref<64x128xf32, #tpu.memory_space<vmem>>[vector<16xi32>, vector<16xi32>], vector<16xf32>,
      %get3A_1073 = arith.index_cast %add3A_1058 : i32 to index
      %get3A_1074 = arith.constant 0 : index
      %get3A_1075 = tpu.vector_load %arg8[%get3A_1073, %get3A_1074] {strides = array<i32>} : memref<416x64xf32, #tpu.memory_space<vmem>>, vector<16xf32>,
      %add3A_1076 = arith.addf %get3A_1075, %gather3A_1072 : vector<16xf32>
      %swap3A_1077 = arith.index_cast %add3A_1058 : i32 to index
      %swap3A_1078 = arith.constant 0 : index
      %swap3A_1079 = tpu.vector_load %arg8[%swap3A_1077, %swap3A_1078] {strides = array<i32>} : memref<416x64xf32, #tpu.memory_space<vmem>>, vector<16xf32>,
      tpu.vector_store %arg8[%swap3A_1077, %swap3A_1078], %add3A_1076 {strides = array<i32>} : memref<416x64xf32, #tpu.memory_space<vmem>>, vector<16xf32>,
      %add3A_1080 = arith.constant 16 : i32
      %add3A_1081 = vector.broadcast %add3A_1080 : i32 to vector<16xi32>
      %add3A_1082 = arith.addi %iota3A, %add3A_1081 : vector<16xi32>
      %mul3A_1083 = arith.constant 0 : i32
      %mul3A_1084 = vector.broadcast %mul3A_1083 : i32 to vector<16xi32>
      %mul3A_1085 = arith.muli %iota3A, %mul3A_1084 : vector<16xi32>
      %add3A_1086 = vector.broadcast %and3A_1056 : i32 to vector<16xi32>
      %add3A_1087 = arith.addi %mul3A_1085, %add3A_1086 : vector<16xi32>
      %gather3A_1088 = arith.constant 3 : i32
      %gather3A_1089 = arith.constant 0 : i32
      %gather3A_1090 = arith.constant 0 : i32
      %gather3A_1091 = tpu.memref_slice %arg7[%gather3A_1088, %gather3A_1089, %gather3A_1090] : memref<4x64x128xf32, #tpu.memory_space<vmem>> -> memref<1x64x128xf32, #tpu.memory_space<vmem>>
      %gather3A_1092 = tpu.memref_squeeze %gather3A_1091 : memref<1x64x128xf32, #tpu.memory_space<vmem>> -> memref<64x128xf32, #tpu.memory_space<vmem>>
      %gather3A_1093 = tpu.vector_load_idx %gather3A_1092[%add3A_1082, %add3A_1087] : memref<64x128xf32, #tpu.memory_space<vmem>>[vector<16xi32>, vector<16xi32>], vector<16xf32>,
      %get3A_1094 = arith.index_cast %add3A_1058 : i32 to index
      %get3A_1095 = arith.constant 16 : index
      %get3A_1096 = tpu.vector_load %arg8[%get3A_1094, %get3A_1095] {strides = array<i32>} : memref<416x64xf32, #tpu.memory_space<vmem>>, vector<16xf32>,
      %add3A_1097 = arith.addf %get3A_1096, %gather3A_1093 : vector<16xf32>
      %swap3A_1098 = arith.index_cast %add3A_1058 : i32 to index
      %swap3A_1099 = arith.constant 16 : index
      %swap3A_1100 = tpu.vector_load %arg8[%swap3A_1098, %swap3A_1099] {strides = array<i32>} : memref<416x64xf32, #tpu.memory_space<vmem>>, vector<16xf32>,
      tpu.vector_store %arg8[%swap3A_1098, %swap3A_1099], %add3A_1097 {strides = array<i32>} : memref<416x64xf32, #tpu.memory_space<vmem>>, vector<16xf32>,
      %add3A_1101 = arith.constant 32 : i32
      %add3A_1102 = vector.broadcast %add3A_1101 : i32 to vector<16xi32>
      %add3A_1103 = arith.addi %iota3A, %add3A_1102 : vector<16xi32>
      %mul3A_1104 = arith.constant 0 : i32
      %mul3A_1105 = vector.broadcast %mul3A_1104 : i32 to vector<16xi32>
      %mul3A_1106 = arith.muli %iota3A, %mul3A_1105 : vector<16xi32>
      %add3A_1107 = vector.broadcast %and3A_1056 : i32 to vector<16xi32>
      %add3A_1108 = arith.addi %mul3A_1106, %add3A_1107 : vector<16xi32>
      %gather3A_1109 = arith.constant 3 : i32
      %gather3A_1110 = arith.constant 0 : i32
      %gather3A_1111 = arith.constant 0 : i32
      %gather3A_1112 = tpu.memref_slice %arg7[%gather3A_1109, %gather3A_1110, %gather3A_1111] : memref<4x64x128xf32, #tpu.memory_space<vmem>> -> memref<1x64x128xf32, #tpu.memory_space<vmem>>
      %gather3A_1113 = tpu.memref_squeeze %gather3A_1112 : memref<1x64x128xf32, #tpu.memory_space<vmem>> -> memref<64x128xf32, #tpu.memory_space<vmem>>
      %gather3A_1114 = tpu.vector_load_idx %gather3A_1113[%add3A_1103, %add3A_1108] : memref<64x128xf32, #tpu.memory_space<vmem>>[vector<16xi32>, vector<16xi32>], vector<16xf32>,
      %get3A_1115 = arith.index_cast %add3A_1058 : i32 to index
      %get3A_1116 = arith.constant 32 : index
      %get3A_1117 = tpu.vector_load %arg8[%get3A_1115, %get3A_1116] {strides = array<i32>} : memref<416x64xf32, #tpu.memory_space<vmem>>, vector<16xf32>,
      %add3A_1118 = arith.addf %get3A_1117, %gather3A_1114 : vector<16xf32>
      %swap3A_1119 = arith.index_cast %add3A_1058 : i32 to index
      %swap3A_1120 = arith.constant 32 : index
      %swap3A_1121 = tpu.vector_load %arg8[%swap3A_1119, %swap3A_1120] {strides = array<i32>} : memref<416x64xf32, #tpu.memory_space<vmem>>, vector<16xf32>,
      tpu.vector_store %arg8[%swap3A_1119, %swap3A_1120], %add3A_1118 {strides = array<i32>} : memref<416x64xf32, #tpu.memory_space<vmem>>, vector<16xf32>,
      %add3A_1122 = arith.constant 48 : i32
      %add3A_1123 = vector.broadcast %add3A_1122 : i32 to vector<16xi32>
      %add3A_1124 = arith.addi %iota3A, %add3A_1123 : vector<16xi32>
      %mul3A_1125 = arith.constant 0 : i32
      %mul3A_1126 = vector.broadcast %mul3A_1125 : i32 to vector<16xi32>
      %mul3A_1127 = arith.muli %iota3A, %mul3A_1126 : vector<16xi32>
      %add3A_1128 = vector.broadcast %and3A_1056 : i32 to vector<16xi32>
      %add3A_1129 = arith.addi %mul3A_1127, %add3A_1128 : vector<16xi32>
      %gather3A_1130 = arith.constant 3 : i32
      %gather3A_1131 = arith.constant 0 : i32
      %gather3A_1132 = arith.constant 0 : i32
      %gather3A_1133 = tpu.memref_slice %arg7[%gather3A_1130, %gather3A_1131, %gather3A_1132] : memref<4x64x128xf32, #tpu.memory_space<vmem>> -> memref<1x64x128xf32, #tpu.memory_space<vmem>>
      %gather3A_1134 = tpu.memref_squeeze %gather3A_1133 : memref<1x64x128xf32, #tpu.memory_space<vmem>> -> memref<64x128xf32, #tpu.memory_space<vmem>>
      %gather3A_1135 = tpu.vector_load_idx %gather3A_1134[%add3A_1124, %add3A_1129] : memref<64x128xf32, #tpu.memory_space<vmem>>[vector<16xi32>, vector<16xi32>], vector<16xf32>,
      %get3A_1136 = arith.index_cast %add3A_1058 : i32 to index
      %get3A_1137 = arith.constant 48 : index
      %get3A_1138 = tpu.vector_load %arg8[%get3A_1136, %get3A_1137] {strides = array<i32>} : memref<416x64xf32, #tpu.memory_space<vmem>>, vector<16xf32>,
      %add3A_1139 = arith.addf %get3A_1138, %gather3A_1135 : vector<16xf32>
      %swap3A_1140 = arith.index_cast %add3A_1058 : i32 to index
      %swap3A_1141 = arith.constant 48 : index
      %swap3A_1142 = tpu.vector_load %arg8[%swap3A_1140, %swap3A_1141] {strides = array<i32>} : memref<416x64xf32, #tpu.memory_space<vmem>>, vector<16xf32>,
      tpu.vector_store %arg8[%swap3A_1140, %swap3A_1141], %add3A_1139 {strides = array<i32>} : memref<416x64xf32, #tpu.memory_space<vmem>>, vector<16xf32>,
      %slice3A_1143 = vector.extract_strided_slice %get3A_158 {offsets = [11], sizes = [1], strides = [1]} : vector<16xi32> to vector<1xi32>
      %squeeze3A_1144 = vector.extract %slice3A_1143[0] : i32 from vector<1xi32>
      %shift_right_logical3A_1145 = arith.constant 7 : i32
      %shift_right_logical3A_1146 = arith.shrui %squeeze3A_1144, %shift_right_logical3A_1145 : i32
      %mul3A_1147 = arith.constant 128 : i32
      %mul3A_1148 = arith.muli %shift_right_logical3A_1146, %mul3A_1147 : i32
      %multiple_of3A_1149 = tpu.assume_multiple %mul3A_1148, 128 : i32
      %dma_start3A_1150 = arith.constant 3 : i32
      %dma_start3A_1151 = arith.constant 0 : i32
      %dma_start3A_1152 = arith.constant 0 : i32
      %dma_start3A_1153 = tpu.memref_slice %arg7[%dma_start3A_1150, %dma_start3A_1151, %dma_start3A_1152] : memref<4x64x128xf32, #tpu.memory_space<vmem>> -> memref<1x64x128xf32, #tpu.memory_space<vmem>>
      %dma_start3A_1154 = tpu.memref_squeeze %dma_start3A_1153 : memref<1x64x128xf32, #tpu.memory_space<vmem>> -> memref<64x128xf32, #tpu.memory_space<vmem>>
      %dma_start3A_1155 = arith.constant 0 : i32
      %dma_start3A_1156 = tpu.memref_slice %arg2[%dma_start3A_1155, %multiple_of3A_1149] : memref<64x1000000xf32, #tpu.memory_space<hbm>> -> memref<64x128xf32, #tpu.memory_space<hbm>>
      %dma_start3A_1157 = arith.constant 0 : i32
      %dma_start3A_1158 = arith.constant 0 : i32
      %dma_start3A_1159 = tpu.memref_slice %arg7[%dma_start3A_1150, %dma_start3A_1157, %dma_start3A_1158] : memref<4x64x128xf32, #tpu.memory_space<vmem>> -> memref<1x64x128xf32, #tpu.memory_space<vmem>>
      %dma_start3A_1160 = tpu.memref_squeeze %dma_start3A_1159 : memref<1x64x128xf32, #tpu.memory_space<vmem>> -> memref<64x128xf32, #tpu.memory_space<vmem>>
      %dma_start3A_1161 = arith.constant 0 : i32
      %dma_start3A_1162 = tpu.memref_slice %arg2[%dma_start3A_1161, %multiple_of3A_1149] : memref<64x1000000xf32, #tpu.memory_space<hbm>> -> memref<64x128xf32, #tpu.memory_space<hbm>>
      tpu.enqueue_dma source(%dma_start3A_1162 : memref<64x128xf32, #tpu.memory_space<hbm>>) target(%dma_start3A_1160 : memref<64x128xf32, #tpu.memory_space<vmem>>) target_semaphore(%arg12 : memref<!tpu.dma_semaphore, #tpu.memory_space<semaphore_mem>>)
      %dma_wait3A_1163 = arith.constant 0 : i32
      %dma_wait3A_1164 = arith.constant 0 : i32
      %dma_wait3A_1165 = arith.constant 0 : i32
      %dma_wait3A_1166 = tpu.memref_slice %arg7[%dma_wait3A_1163, %dma_wait3A_1164, %dma_wait3A_1165] : memref<4x64x128xf32, #tpu.memory_space<vmem>> -> memref<1x64x128xf32, #tpu.memory_space<vmem>>
      %dma_wait3A_1167 = tpu.memref_squeeze %dma_wait3A_1166 : memref<1x64x128xf32, #tpu.memory_space<vmem>> -> memref<64x128xf32, #tpu.memory_space<vmem>>
      %dma_wait3A_1168 = arith.constant 0 : i32
      %dma_wait3A_1169 = arith.constant 0 : i32
      %dma_wait3A_1170 = tpu.memref_slice %arg2[%dma_wait3A_1168, %dma_wait3A_1169] : memref<64x1000000xf32, #tpu.memory_space<hbm>> -> memref<64x128xf32, #tpu.memory_space<hbm>>
      %dma_wait3A_1171 = arith.constant 0 : i32
      %dma_wait3A_1172 = arith.constant 0 : i32
      %dma_wait3A_1173 = tpu.memref_slice %arg7[%dma_wait3A_1163, %dma_wait3A_1171, %dma_wait3A_1172] : memref<4x64x128xf32, #tpu.memory_space<vmem>> -> memref<1x64x128xf32, #tpu.memory_space<vmem>>
      %dma_wait3A_1174 = tpu.memref_squeeze %dma_wait3A_1173 : memref<1x64x128xf32, #tpu.memory_space<vmem>> -> memref<64x128xf32, #tpu.memory_space<vmem>>
      %dma_wait3A_1175 = arith.constant 0 : i32
      %dma_wait3A_1176 = arith.constant 0 : i32
      %dma_wait3A_1177 = tpu.memref_slice %arg2[%dma_wait3A_1175, %dma_wait3A_1176] : memref<64x1000000xf32, #tpu.memory_space<hbm>> -> memref<64x128xf32, #tpu.memory_space<hbm>>
      tpu.wait_dma2 semaphore(%arg9 : memref<!tpu.dma_semaphore, #tpu.memory_space<semaphore_mem>>) src(%dma_wait3A_1177 : memref<64x128xf32, #tpu.memory_space<hbm>>) dst(%dma_wait3A_1174 : memref<64x128xf32, #tpu.memory_space<vmem>>)
      %slice3A_1178 = vector.extract_strided_slice %get3A_158 {offsets = [8], sizes = [1], strides = [1]} : vector<16xi32> to vector<1xi32>
      %squeeze3A_1179 = vector.extract %slice3A_1178[0] : i32 from vector<1xi32>
      %and3A_1180 = arith.constant 127 : i32
      %and3A_1181 = arith.andi %squeeze3A_1179, %and3A_1180 : i32
      %add3A_1182 = arith.constant 8 : i32
      %add3A_1183 = arith.addi %mul3A_156, %add3A_1182 : i32
      %add3A_1184 = arith.constant 0 : i32
      %add3A_1185 = vector.broadcast %add3A_1184 : i32 to vector<16xi32>
      %add3A_1186 = arith.addi %iota3A, %add3A_1185 : vector<16xi32>
      %mul3A_1187 = arith.constant 0 : i32
      %mul3A_1188 = vector.broadcast %mul3A_1187 : i32 to vector<16xi32>
      %mul3A_1189 = arith.muli %iota3A, %mul3A_1188 : vector<16xi32>
      %add3A_1190 = vector.broadcast %and3A_1181 : i32 to vector<16xi32>
      %add3A_1191 = arith.addi %mul3A_1189, %add3A_1190 : vector<16xi32>
      %gather3A_1192 = arith.constant 0 : i32
      %gather3A_1193 = arith.constant 0 : i32
      %gather3A_1194 = arith.constant 0 : i32
      %gather3A_1195 = tpu.memref_slice %arg7[%gather3A_1192, %gather3A_1193, %gather3A_1194] : memref<4x64x128xf32, #tpu.memory_space<vmem>> -> memref<1x64x128xf32, #tpu.memory_space<vmem>>
      %gather3A_1196 = tpu.memref_squeeze %gather3A_1195 : memref<1x64x128xf32, #tpu.memory_space<vmem>> -> memref<64x128xf32, #tpu.memory_space<vmem>>
      %gather3A_1197 = tpu.vector_load_idx %gather3A_1196[%add3A_1186, %add3A_1191] : memref<64x128xf32, #tpu.memory_space<vmem>>[vector<16xi32>, vector<16xi32>], vector<16xf32>,
      %get3A_1198 = arith.index_cast %add3A_1183 : i32 to index
      %get3A_1199 = arith.constant 0 : index
      %get3A_1200 = tpu.vector_load %arg8[%get3A_1198, %get3A_1199] {strides = array<i32>} : memref<416x64xf32, #tpu.memory_space<vmem>>, vector<16xf32>,
      %add3A_1201 = arith.addf %get3A_1200, %gather3A_1197 : vector<16xf32>
      %swap3A_1202 = arith.index_cast %add3A_1183 : i32 to index
      %swap3A_1203 = arith.constant 0 : index
      %swap3A_1204 = tpu.vector_load %arg8[%swap3A_1202, %swap3A_1203] {strides = array<i32>} : memref<416x64xf32, #tpu.memory_space<vmem>>, vector<16xf32>,
      tpu.vector_store %arg8[%swap3A_1202, %swap3A_1203], %add3A_1201 {strides = array<i32>} : memref<416x64xf32, #tpu.memory_space<vmem>>, vector<16xf32>,
      %add3A_1205 = arith.constant 16 : i32
      %add3A_1206 = vector.broadcast %add3A_1205 : i32 to vector<16xi32>
      %add3A_1207 = arith.addi %iota3A, %add3A_1206 : vector<16xi32>
      %mul3A_1208 = arith.constant 0 : i32
      %mul3A_1209 = vector.broadcast %mul3A_1208 : i32 to vector<16xi32>
      %mul3A_1210 = arith.muli %iota3A, %mul3A_1209 : vector<16xi32>
      %add3A_1211 = vector.broadcast %and3A_1181 : i32 to vector<16xi32>
      %add3A_1212 = arith.addi %mul3A_1210, %add3A_1211 : vector<16xi32>
      %gather3A_1213 = arith.constant 0 : i32
      %gather3A_1214 = arith.constant 0 : i32
      %gather3A_1215 = arith.constant 0 : i32
      %gather3A_1216 = tpu.memref_slice %arg7[%gather3A_1213, %gather3A_1214, %gather3A_1215] : memref<4x64x128xf32, #tpu.memory_space<vmem>> -> memref<1x64x128xf32, #tpu.memory_space<vmem>>
      %gather3A_1217 = tpu.memref_squeeze %gather3A_1216 : memref<1x64x128xf32, #tpu.memory_space<vmem>> -> memref<64x128xf32, #tpu.memory_space<vmem>>
      %gather3A_1218 = tpu.vector_load_idx %gather3A_1217[%add3A_1207, %add3A_1212] : memref<64x128xf32, #tpu.memory_space<vmem>>[vector<16xi32>, vector<16xi32>], vector<16xf32>,
      %get3A_1219 = arith.index_cast %add3A_1183 : i32 to index
      %get3A_1220 = arith.constant 16 : index
      %get3A_1221 = tpu.vector_load %arg8[%get3A_1219, %get3A_1220] {strides = array<i32>} : memref<416x64xf32, #tpu.memory_space<vmem>>, vector<16xf32>,
      %add3A_1222 = arith.addf %get3A_1221, %gather3A_1218 : vector<16xf32>
      %swap3A_1223 = arith.index_cast %add3A_1183 : i32 to index
      %swap3A_1224 = arith.constant 16 : index
      %swap3A_1225 = tpu.vector_load %arg8[%swap3A_1223, %swap3A_1224] {strides = array<i32>} : memref<416x64xf32, #tpu.memory_space<vmem>>, vector<16xf32>,
      tpu.vector_store %arg8[%swap3A_1223, %swap3A_1224], %add3A_1222 {strides = array<i32>} : memref<416x64xf32, #tpu.memory_space<vmem>>, vector<16xf32>,
      %add3A_1226 = arith.constant 32 : i32
      %add3A_1227 = vector.broadcast %add3A_1226 : i32 to vector<16xi32>
      %add3A_1228 = arith.addi %iota3A, %add3A_1227 : vector<16xi32>
      %mul3A_1229 = arith.constant 0 : i32
      %mul3A_1230 = vector.broadcast %mul3A_1229 : i32 to vector<16xi32>
      %mul3A_1231 = arith.muli %iota3A, %mul3A_1230 : vector<16xi32>
      %add3A_1232 = vector.broadcast %and3A_1181 : i32 to vector<16xi32>
      %add3A_1233 = arith.addi %mul3A_1231, %add3A_1232 : vector<16xi32>
      %gather3A_1234 = arith.constant 0 : i32
      %gather3A_1235 = arith.constant 0 : i32
      %gather3A_1236 = arith.constant 0 : i32
      %gather3A_1237 = tpu.memref_slice %arg7[%gather3A_1234, %gather3A_1235, %gather3A_1236] : memref<4x64x128xf32, #tpu.memory_space<vmem>> -> memref<1x64x128xf32, #tpu.memory_space<vmem>>
      %gather3A_1238 = tpu.memref_squeeze %gather3A_1237 : memref<1x64x128xf32, #tpu.memory_space<vmem>> -> memref<64x128xf32, #tpu.memory_space<vmem>>
      %gather3A_1239 = tpu.vector_load_idx %gather3A_1238[%add3A_1228, %add3A_1233] : memref<64x128xf32, #tpu.memory_space<vmem>>[vector<16xi32>, vector<16xi32>], vector<16xf32>,
      %get3A_1240 = arith.index_cast %add3A_1183 : i32 to index
      %get3A_1241 = arith.constant 32 : index
      %get3A_1242 = tpu.vector_load %arg8[%get3A_1240, %get3A_1241] {strides = array<i32>} : memref<416x64xf32, #tpu.memory_space<vmem>>, vector<16xf32>,
      %add3A_1243 = arith.addf %get3A_1242, %gather3A_1239 : vector<16xf32>
      %swap3A_1244 = arith.index_cast %add3A_1183 : i32 to index
      %swap3A_1245 = arith.constant 32 : index
      %swap3A_1246 = tpu.vector_load %arg8[%swap3A_1244, %swap3A_1245] {strides = array<i32>} : memref<416x64xf32, #tpu.memory_space<vmem>>, vector<16xf32>,
      tpu.vector_store %arg8[%swap3A_1244, %swap3A_1245], %add3A_1243 {strides = array<i32>} : memref<416x64xf32, #tpu.memory_space<vmem>>, vector<16xf32>,
      %add3A_1247 = arith.constant 48 : i32
      %add3A_1248 = vector.broadcast %add3A_1247 : i32 to vector<16xi32>
      %add3A_1249 = arith.addi %iota3A, %add3A_1248 : vector<16xi32>
      %mul3A_1250 = arith.constant 0 : i32
      %mul3A_1251 = vector.broadcast %mul3A_1250 : i32 to vector<16xi32>
      %mul3A_1252 = arith.muli %iota3A, %mul3A_1251 : vector<16xi32>
      %add3A_1253 = vector.broadcast %and3A_1181 : i32 to vector<16xi32>
      %add3A_1254 = arith.addi %mul3A_1252, %add3A_1253 : vector<16xi32>
      %gather3A_1255 = arith.constant 0 : i32
      %gather3A_1256 = arith.constant 0 : i32
      %gather3A_1257 = arith.constant 0 : i32
      %gather3A_1258 = tpu.memref_slice %arg7[%gather3A_1255, %gather3A_1256, %gather3A_1257] : memref<4x64x128xf32, #tpu.memory_space<vmem>> -> memref<1x64x128xf32, #tpu.memory_space<vmem>>
      %gather3A_1259 = tpu.memref_squeeze %gather3A_1258 : memref<1x64x128xf32, #tpu.memory_space<vmem>> -> memref<64x128xf32, #tpu.memory_space<vmem>>
      %gather3A_1260 = tpu.vector_load_idx %gather3A_1259[%add3A_1249, %add3A_1254] : memref<64x128xf32, #tpu.memory_space<vmem>>[vector<16xi32>, vector<16xi32>], vector<16xf32>,
      %get3A_1261 = arith.index_cast %add3A_1183 : i32 to index
      %get3A_1262 = arith.constant 48 : index
      %get3A_1263 = tpu.vector_load %arg8[%get3A_1261, %get3A_1262] {strides = array<i32>} : memref<416x64xf32, #tpu.memory_space<vmem>>, vector<16xf32>,
      %add3A_1264 = arith.addf %get3A_1263, %gather3A_1260 : vector<16xf32>
      %swap3A_1265 = arith.index_cast %add3A_1183 : i32 to index
      %swap3A_1266 = arith.constant 48 : index
      %swap3A_1267 = tpu.vector_load %arg8[%swap3A_1265, %swap3A_1266] {strides = array<i32>} : memref<416x64xf32, #tpu.memory_space<vmem>>, vector<16xf32>,
      tpu.vector_store %arg8[%swap3A_1265, %swap3A_1266], %add3A_1264 {strides = array<i32>} : memref<416x64xf32, #tpu.memory_space<vmem>>, vector<16xf32>,
      %slice3A_1268 = vector.extract_strided_slice %get3A_158 {offsets = [12], sizes = [1], strides = [1]} : vector<16xi32> to vector<1xi32>
      %squeeze3A_1269 = vector.extract %slice3A_1268[0] : i32 from vector<1xi32>
      %shift_right_logical3A_1270 = arith.constant 7 : i32
      %shift_right_logical3A_1271 = arith.shrui %squeeze3A_1269, %shift_right_logical3A_1270 : i32
      %mul3A_1272 = arith.constant 128 : i32
      %mul3A_1273 = arith.muli %shift_right_logical3A_1271, %mul3A_1272 : i32
      %multiple_of3A_1274 = tpu.assume_multiple %mul3A_1273, 128 : i32
      %dma_start3A_1275 = arith.constant 0 : i32
      %dma_start3A_1276 = arith.constant 0 : i32
      %dma_start3A_1277 = arith.constant 0 : i32
      %dma_start3A_1278 = tpu.memref_slice %arg7[%dma_start3A_1275, %dma_start3A_1276, %dma_start3A_1277] : memref<4x64x128xf32, #tpu.memory_space<vmem>> -> memref<1x64x128xf32, #tpu.memory_space<vmem>>
      %dma_start3A_1279 = tpu.memref_squeeze %dma_start3A_1278 : memref<1x64x128xf32, #tpu.memory_space<vmem>> -> memref<64x128xf32, #tpu.memory_space<vmem>>
      %dma_start3A_1280 = arith.constant 0 : i32
      %dma_start3A_1281 = tpu.memref_slice %arg2[%dma_start3A_1280, %multiple_of3A_1274] : memref<64x1000000xf32, #tpu.memory_space<hbm>> -> memref<64x128xf32, #tpu.memory_space<hbm>>
      %dma_start3A_1282 = arith.constant 0 : i32
      %dma_start3A_1283 = arith.constant 0 : i32
      %dma_start3A_1284 = tpu.memref_slice %arg7[%dma_start3A_1275, %dma_start3A_1282, %dma_start3A_1283] : memref<4x64x128xf32, #tpu.memory_space<vmem>> -> memref<1x64x128xf32, #tpu.memory_space<vmem>>
      %dma_start3A_1285 = tpu.memref_squeeze %dma_start3A_1284 : memref<1x64x128xf32, #tpu.memory_space<vmem>> -> memref<64x128xf32, #tpu.memory_space<vmem>>
      %dma_start3A_1286 = arith.constant 0 : i32
      %dma_start3A_1287 = tpu.memref_slice %arg2[%dma_start3A_1286, %multiple_of3A_1274] : memref<64x1000000xf32, #tpu.memory_space<hbm>> -> memref<64x128xf32, #tpu.memory_space<hbm>>
      tpu.enqueue_dma source(%dma_start3A_1287 : memref<64x128xf32, #tpu.memory_space<hbm>>) target(%dma_start3A_1285 : memref<64x128xf32, #tpu.memory_space<vmem>>) target_semaphore(%arg9 : memref<!tpu.dma_semaphore, #tpu.memory_space<semaphore_mem>>)
      %dma_wait3A_1288 = arith.constant 1 : i32
      %dma_wait3A_1289 = arith.constant 0 : i32
      %dma_wait3A_1290 = arith.constant 0 : i32
      %dma_wait3A_1291 = tpu.memref_slice %arg7[%dma_wait3A_1288, %dma_wait3A_1289, %dma_wait3A_1290] : memref<4x64x128xf32, #tpu.memory_space<vmem>> -> memref<1x64x128xf32, #tpu.memory_space<vmem>>
      %dma_wait3A_1292 = tpu.memref_squeeze %dma_wait3A_1291 : memref<1x64x128xf32, #tpu.memory_space<vmem>> -> memref<64x128xf32, #tpu.memory_space<vmem>>
      %dma_wait3A_1293 = arith.constant 0 : i32
      %dma_wait3A_1294 = arith.constant 0 : i32
      %dma_wait3A_1295 = tpu.memref_slice %arg2[%dma_wait3A_1293, %dma_wait3A_1294] : memref<64x1000000xf32, #tpu.memory_space<hbm>> -> memref<64x128xf32, #tpu.memory_space<hbm>>
      %dma_wait3A_1296 = arith.constant 0 : i32
      %dma_wait3A_1297 = arith.constant 0 : i32
      %dma_wait3A_1298 = tpu.memref_slice %arg7[%dma_wait3A_1288, %dma_wait3A_1296, %dma_wait3A_1297] : memref<4x64x128xf32, #tpu.memory_space<vmem>> -> memref<1x64x128xf32, #tpu.memory_space<vmem>>
      %dma_wait3A_1299 = tpu.memref_squeeze %dma_wait3A_1298 : memref<1x64x128xf32, #tpu.memory_space<vmem>> -> memref<64x128xf32, #tpu.memory_space<vmem>>
      %dma_wait3A_1300 = arith.constant 0 : i32
      %dma_wait3A_1301 = arith.constant 0 : i32
      %dma_wait3A_1302 = tpu.memref_slice %arg2[%dma_wait3A_1300, %dma_wait3A_1301] : memref<64x1000000xf32, #tpu.memory_space<hbm>> -> memref<64x128xf32, #tpu.memory_space<hbm>>
      tpu.wait_dma2 semaphore(%arg10 : memref<!tpu.dma_semaphore, #tpu.memory_space<semaphore_mem>>) src(%dma_wait3A_1302 : memref<64x128xf32, #tpu.memory_space<hbm>>) dst(%dma_wait3A_1299 : memref<64x128xf32, #tpu.memory_space<vmem>>)
      %slice3A_1303 = vector.extract_strided_slice %get3A_158 {offsets = [9], sizes = [1], strides = [1]} : vector<16xi32> to vector<1xi32>
      %squeeze3A_1304 = vector.extract %slice3A_1303[0] : i32 from vector<1xi32>
      %and3A_1305 = arith.constant 127 : i32
      %and3A_1306 = arith.andi %squeeze3A_1304, %and3A_1305 : i32
      %add3A_1307 = arith.constant 9 : i32
      %add3A_1308 = arith.addi %mul3A_156, %add3A_1307 : i32
      %add3A_1309 = arith.constant 0 : i32
      %add3A_1310 = vector.broadcast %add3A_1309 : i32 to vector<16xi32>
      %add3A_1311 = arith.addi %iota3A, %add3A_1310 : vector<16xi32>
      %mul3A_1312 = arith.constant 0 : i32
      %mul3A_1313 = vector.broadcast %mul3A_1312 : i32 to vector<16xi32>
      %mul3A_1314 = arith.muli %iota3A, %mul3A_1313 : vector<16xi32>
      %add3A_1315 = vector.broadcast %and3A_1306 : i32 to vector<16xi32>
      %add3A_1316 = arith.addi %mul3A_1314, %add3A_1315 : vector<16xi32>
      %gather3A_1317 = arith.constant 1 : i32
      %gather3A_1318 = arith.constant 0 : i32
      %gather3A_1319 = arith.constant 0 : i32
      %gather3A_1320 = tpu.memref_slice %arg7[%gather3A_1317, %gather3A_1318, %gather3A_1319] : memref<4x64x128xf32, #tpu.memory_space<vmem>> -> memref<1x64x128xf32, #tpu.memory_space<vmem>>
      %gather3A_1321 = tpu.memref_squeeze %gather3A_1320 : memref<1x64x128xf32, #tpu.memory_space<vmem>> -> memref<64x128xf32, #tpu.memory_space<vmem>>
      %gather3A_1322 = tpu.vector_load_idx %gather3A_1321[%add3A_1311, %add3A_1316] : memref<64x128xf32, #tpu.memory_space<vmem>>[vector<16xi32>, vector<16xi32>], vector<16xf32>,
      %get3A_1323 = arith.index_cast %add3A_1308 : i32 to index
      %get3A_1324 = arith.constant 0 : index
      %get3A_1325 = tpu.vector_load %arg8[%get3A_1323, %get3A_1324] {strides = array<i32>} : memref<416x64xf32, #tpu.memory_space<vmem>>, vector<16xf32>,
      %add3A_1326 = arith.addf %get3A_1325, %gather3A_1322 : vector<16xf32>
      %swap3A_1327 = arith.index_cast %add3A_1308 : i32 to index
      %swap3A_1328 = arith.constant 0 : index
      %swap3A_1329 = tpu.vector_load %arg8[%swap3A_1327, %swap3A_1328] {strides = array<i32>} : memref<416x64xf32, #tpu.memory_space<vmem>>, vector<16xf32>,
      tpu.vector_store %arg8[%swap3A_1327, %swap3A_1328], %add3A_1326 {strides = array<i32>} : memref<416x64xf32, #tpu.memory_space<vmem>>, vector<16xf32>,
      %add3A_1330 = arith.constant 16 : i32
      %add3A_1331 = vector.broadcast %add3A_1330 : i32 to vector<16xi32>
      %add3A_1332 = arith.addi %iota3A, %add3A_1331 : vector<16xi32>
      %mul3A_1333 = arith.constant 0 : i32
      %mul3A_1334 = vector.broadcast %mul3A_1333 : i32 to vector<16xi32>
      %mul3A_1335 = arith.muli %iota3A, %mul3A_1334 : vector<16xi32>
      %add3A_1336 = vector.broadcast %and3A_1306 : i32 to vector<16xi32>
      %add3A_1337 = arith.addi %mul3A_1335, %add3A_1336 : vector<16xi32>
      %gather3A_1338 = arith.constant 1 : i32
      %gather3A_1339 = arith.constant 0 : i32
      %gather3A_1340 = arith.constant 0 : i32
      %gather3A_1341 = tpu.memref_slice %arg7[%gather3A_1338, %gather3A_1339, %gather3A_1340] : memref<4x64x128xf32, #tpu.memory_space<vmem>> -> memref<1x64x128xf32, #tpu.memory_space<vmem>>
      %gather3A_1342 = tpu.memref_squeeze %gather3A_1341 : memref<1x64x128xf32, #tpu.memory_space<vmem>> -> memref<64x128xf32, #tpu.memory_space<vmem>>
      %gather3A_1343 = tpu.vector_load_idx %gather3A_1342[%add3A_1332, %add3A_1337] : memref<64x128xf32, #tpu.memory_space<vmem>>[vector<16xi32>, vector<16xi32>], vector<16xf32>,
      %get3A_1344 = arith.index_cast %add3A_1308 : i32 to index
      %get3A_1345 = arith.constant 16 : index
      %get3A_1346 = tpu.vector_load %arg8[%get3A_1344, %get3A_1345] {strides = array<i32>} : memref<416x64xf32, #tpu.memory_space<vmem>>, vector<16xf32>,
      %add3A_1347 = arith.addf %get3A_1346, %gather3A_1343 : vector<16xf32>
      %swap3A_1348 = arith.index_cast %add3A_1308 : i32 to index
      %swap3A_1349 = arith.constant 16 : index
      %swap3A_1350 = tpu.vector_load %arg8[%swap3A_1348, %swap3A_1349] {strides = array<i32>} : memref<416x64xf32, #tpu.memory_space<vmem>>, vector<16xf32>,
      tpu.vector_store %arg8[%swap3A_1348, %swap3A_1349], %add3A_1347 {strides = array<i32>} : memref<416x64xf32, #tpu.memory_space<vmem>>, vector<16xf32>,
      %add3A_1351 = arith.constant 32 : i32
      %add3A_1352 = vector.broadcast %add3A_1351 : i32 to vector<16xi32>
      %add3A_1353 = arith.addi %iota3A, %add3A_1352 : vector<16xi32>
      %mul3A_1354 = arith.constant 0 : i32
      %mul3A_1355 = vector.broadcast %mul3A_1354 : i32 to vector<16xi32>
      %mul3A_1356 = arith.muli %iota3A, %mul3A_1355 : vector<16xi32>
      %add3A_1357 = vector.broadcast %and3A_1306 : i32 to vector<16xi32>
      %add3A_1358 = arith.addi %mul3A_1356, %add3A_1357 : vector<16xi32>
      %gather3A_1359 = arith.constant 1 : i32
      %gather3A_1360 = arith.constant 0 : i32
      %gather3A_1361 = arith.constant 0 : i32
      %gather3A_1362 = tpu.memref_slice %arg7[%gather3A_1359, %gather3A_1360, %gather3A_1361] : memref<4x64x128xf32, #tpu.memory_space<vmem>> -> memref<1x64x128xf32, #tpu.memory_space<vmem>>
      %gather3A_1363 = tpu.memref_squeeze %gather3A_1362 : memref<1x64x128xf32, #tpu.memory_space<vmem>> -> memref<64x128xf32, #tpu.memory_space<vmem>>
      %gather3A_1364 = tpu.vector_load_idx %gather3A_1363[%add3A_1353, %add3A_1358] : memref<64x128xf32, #tpu.memory_space<vmem>>[vector<16xi32>, vector<16xi32>], vector<16xf32>,
      %get3A_1365 = arith.index_cast %add3A_1308 : i32 to index
      %get3A_1366 = arith.constant 32 : index
      %get3A_1367 = tpu.vector_load %arg8[%get3A_1365, %get3A_1366] {strides = array<i32>} : memref<416x64xf32, #tpu.memory_space<vmem>>, vector<16xf32>,
      %add3A_1368 = arith.addf %get3A_1367, %gather3A_1364 : vector<16xf32>
      %swap3A_1369 = arith.index_cast %add3A_1308 : i32 to index
      %swap3A_1370 = arith.constant 32 : index
      %swap3A_1371 = tpu.vector_load %arg8[%swap3A_1369, %swap3A_1370] {strides = array<i32>} : memref<416x64xf32, #tpu.memory_space<vmem>>, vector<16xf32>,
      tpu.vector_store %arg8[%swap3A_1369, %swap3A_1370], %add3A_1368 {strides = array<i32>} : memref<416x64xf32, #tpu.memory_space<vmem>>, vector<16xf32>,
      %add3A_1372 = arith.constant 48 : i32
      %add3A_1373 = vector.broadcast %add3A_1372 : i32 to vector<16xi32>
      %add3A_1374 = arith.addi %iota3A, %add3A_1373 : vector<16xi32>
      %mul3A_1375 = arith.constant 0 : i32
      %mul3A_1376 = vector.broadcast %mul3A_1375 : i32 to vector<16xi32>
      %mul3A_1377 = arith.muli %iota3A, %mul3A_1376 : vector<16xi32>
      %add3A_1378 = vector.broadcast %and3A_1306 : i32 to vector<16xi32>
      %add3A_1379 = arith.addi %mul3A_1377, %add3A_1378 : vector<16xi32>
      %gather3A_1380 = arith.constant 1 : i32
      %gather3A_1381 = arith.constant 0 : i32
      %gather3A_1382 = arith.constant 0 : i32
      %gather3A_1383 = tpu.memref_slice %arg7[%gather3A_1380, %gather3A_1381, %gather3A_1382] : memref<4x64x128xf32, #tpu.memory_space<vmem>> -> memref<1x64x128xf32, #tpu.memory_space<vmem>>
      %gather3A_1384 = tpu.memref_squeeze %gather3A_1383 : memref<1x64x128xf32, #tpu.memory_space<vmem>> -> memref<64x128xf32, #tpu.memory_space<vmem>>
      %gather3A_1385 = tpu.vector_load_idx %gather3A_1384[%add3A_1374, %add3A_1379] : memref<64x128xf32, #tpu.memory_space<vmem>>[vector<16xi32>, vector<16xi32>], vector<16xf32>,
      %get3A_1386 = arith.index_cast %add3A_1308 : i32 to index
      %get3A_1387 = arith.constant 48 : index
      %get3A_1388 = tpu.vector_load %arg8[%get3A_1386, %get3A_1387] {strides = array<i32>} : memref<416x64xf32, #tpu.memory_space<vmem>>, vector<16xf32>,
      %add3A_1389 = arith.addf %get3A_1388, %gather3A_1385 : vector<16xf32>
      %swap3A_1390 = arith.index_cast %add3A_1308 : i32 to index
      %swap3A_1391 = arith.constant 48 : index
      %swap3A_1392 = tpu.vector_load %arg8[%swap3A_1390, %swap3A_1391] {strides = array<i32>} : memref<416x64xf32, #tpu.memory_space<vmem>>, vector<16xf32>,
      tpu.vector_store %arg8[%swap3A_1390, %swap3A_1391], %add3A_1389 {strides = array<i32>} : memref<416x64xf32, #tpu.memory_space<vmem>>, vector<16xf32>,
      %slice3A_1393 = vector.extract_strided_slice %get3A_158 {offsets = [13], sizes = [1], strides = [1]} : vector<16xi32> to vector<1xi32>
      %squeeze3A_1394 = vector.extract %slice3A_1393[0] : i32 from vector<1xi32>
      %shift_right_logical3A_1395 = arith.constant 7 : i32
      %shift_right_logical3A_1396 = arith.shrui %squeeze3A_1394, %shift_right_logical3A_1395 : i32
      %mul3A_1397 = arith.constant 128 : i32
      %mul3A_1398 = arith.muli %shift_right_logical3A_1396, %mul3A_1397 : i32
      %multiple_of3A_1399 = tpu.assume_multiple %mul3A_1398, 128 : i32
      %dma_start3A_1400 = arith.constant 1 : i32
      %dma_start3A_1401 = arith.constant 0 : i32
      %dma_start3A_1402 = arith.constant 0 : i32
      %dma_start3A_1403 = tpu.memref_slice %arg7[%dma_start3A_1400, %dma_start3A_1401, %dma_start3A_1402] : memref<4x64x128xf32, #tpu.memory_space<vmem>> -> memref<1x64x128xf32, #tpu.memory_space<vmem>>
      %dma_start3A_1404 = tpu.memref_squeeze %dma_start3A_1403 : memref<1x64x128xf32, #tpu.memory_space<vmem>> -> memref<64x128xf32, #tpu.memory_space<vmem>>
      %dma_start3A_1405 = arith.constant 0 : i32
      %dma_start3A_1406 = tpu.memref_slice %arg2[%dma_start3A_1405, %multiple_of3A_1399] : memref<64x1000000xf32, #tpu.memory_space<hbm>> -> memref<64x128xf32, #tpu.memory_space<hbm>>
      %dma_start3A_1407 = arith.constant 0 : i32
      %dma_start3A_1408 = arith.constant 0 : i32
      %dma_start3A_1409 = tpu.memref_slice %arg7[%dma_start3A_1400, %dma_start3A_1407, %dma_start3A_1408] : memref<4x64x128xf32, #tpu.memory_space<vmem>> -> memref<1x64x128xf32, #tpu.memory_space<vmem>>
      %dma_start3A_1410 = tpu.memref_squeeze %dma_start3A_1409 : memref<1x64x128xf32, #tpu.memory_space<vmem>> -> memref<64x128xf32, #tpu.memory_space<vmem>>
      %dma_start3A_1411 = arith.constant 0 : i32
      %dma_start3A_1412 = tpu.memref_slice %arg2[%dma_start3A_1411, %multiple_of3A_1399] : memref<64x1000000xf32, #tpu.memory_space<hbm>> -> memref<64x128xf32, #tpu.memory_space<hbm>>
      tpu.enqueue_dma source(%dma_start3A_1412 : memref<64x128xf32, #tpu.memory_space<hbm>>) target(%dma_start3A_1410 : memref<64x128xf32, #tpu.memory_space<vmem>>) target_semaphore(%arg10 : memref<!tpu.dma_semaphore, #tpu.memory_space<semaphore_mem>>)
      %dma_wait3A_1413 = arith.constant 2 : i32
      %dma_wait3A_1414 = arith.constant 0 : i32
      %dma_wait3A_1415 = arith.constant 0 : i32
      %dma_wait3A_1416 = tpu.memref_slice %arg7[%dma_wait3A_1413, %dma_wait3A_1414, %dma_wait3A_1415] : memref<4x64x128xf32, #tpu.memory_space<vmem>> -> memref<1x64x128xf32, #tpu.memory_space<vmem>>
      %dma_wait3A_1417 = tpu.memref_squeeze %dma_wait3A_1416 : memref<1x64x128xf32, #tpu.memory_space<vmem>> -> memref<64x128xf32, #tpu.memory_space<vmem>>
      %dma_wait3A_1418 = arith.constant 0 : i32
      %dma_wait3A_1419 = arith.constant 0 : i32
      %dma_wait3A_1420 = tpu.memref_slice %arg2[%dma_wait3A_1418, %dma_wait3A_1419] : memref<64x1000000xf32, #tpu.memory_space<hbm>> -> memref<64x128xf32, #tpu.memory_space<hbm>>
      %dma_wait3A_1421 = arith.constant 0 : i32
      %dma_wait3A_1422 = arith.constant 0 : i32
      %dma_wait3A_1423 = tpu.memref_slice %arg7[%dma_wait3A_1413, %dma_wait3A_1421, %dma_wait3A_1422] : memref<4x64x128xf32, #tpu.memory_space<vmem>> -> memref<1x64x128xf32, #tpu.memory_space<vmem>>
      %dma_wait3A_1424 = tpu.memref_squeeze %dma_wait3A_1423 : memref<1x64x128xf32, #tpu.memory_space<vmem>> -> memref<64x128xf32, #tpu.memory_space<vmem>>
      %dma_wait3A_1425 = arith.constant 0 : i32
      %dma_wait3A_1426 = arith.constant 0 : i32
      %dma_wait3A_1427 = tpu.memref_slice %arg2[%dma_wait3A_1425, %dma_wait3A_1426] : memref<64x1000000xf32, #tpu.memory_space<hbm>> -> memref<64x128xf32, #tpu.memory_space<hbm>>
      tpu.wait_dma2 semaphore(%arg11 : memref<!tpu.dma_semaphore, #tpu.memory_space<semaphore_mem>>) src(%dma_wait3A_1427 : memref<64x128xf32, #tpu.memory_space<hbm>>) dst(%dma_wait3A_1424 : memref<64x128xf32, #tpu.memory_space<vmem>>)
      %slice3A_1428 = vector.extract_strided_slice %get3A_158 {offsets = [10], sizes = [1], strides = [1]} : vector<16xi32> to vector<1xi32>
      %squeeze3A_1429 = vector.extract %slice3A_1428[0] : i32 from vector<1xi32>
      %and3A_1430 = arith.constant 127 : i32
      %and3A_1431 = arith.andi %squeeze3A_1429, %and3A_1430 : i32
      %add3A_1432 = arith.constant 10 : i32
      %add3A_1433 = arith.addi %mul3A_156, %add3A_1432 : i32
      %add3A_1434 = arith.constant 0 : i32
      %add3A_1435 = vector.broadcast %add3A_1434 : i32 to vector<16xi32>
      %add3A_1436 = arith.addi %iota3A, %add3A_1435 : vector<16xi32>
      %mul3A_1437 = arith.constant 0 : i32
      %mul3A_1438 = vector.broadcast %mul3A_1437 : i32 to vector<16xi32>
      %mul3A_1439 = arith.muli %iota3A, %mul3A_1438 : vector<16xi32>
      %add3A_1440 = vector.broadcast %and3A_1431 : i32 to vector<16xi32>
      %add3A_1441 = arith.addi %mul3A_1439, %add3A_1440 : vector<16xi32>
      %gather3A_1442 = arith.constant 2 : i32
      %gather3A_1443 = arith.constant 0 : i32
      %gather3A_1444 = arith.constant 0 : i32
      %gather3A_1445 = tpu.memref_slice %arg7[%gather3A_1442, %gather3A_1443, %gather3A_1444] : memref<4x64x128xf32, #tpu.memory_space<vmem>> -> memref<1x64x128xf32, #tpu.memory_space<vmem>>
      %gather3A_1446 = tpu.memref_squeeze %gather3A_1445 : memref<1x64x128xf32, #tpu.memory_space<vmem>> -> memref<64x128xf32, #tpu.memory_space<vmem>>
      %gather3A_1447 = tpu.vector_load_idx %gather3A_1446[%add3A_1436, %add3A_1441] : memref<64x128xf32, #tpu.memory_space<vmem>>[vector<16xi32>, vector<16xi32>], vector<16xf32>,
      %get3A_1448 = arith.index_cast %add3A_1433 : i32 to index
      %get3A_1449 = arith.constant 0 : index
      %get3A_1450 = tpu.vector_load %arg8[%get3A_1448, %get3A_1449] {strides = array<i32>} : memref<416x64xf32, #tpu.memory_space<vmem>>, vector<16xf32>,
      %add3A_1451 = arith.addf %get3A_1450, %gather3A_1447 : vector<16xf32>
      %swap3A_1452 = arith.index_cast %add3A_1433 : i32 to index
      %swap3A_1453 = arith.constant 0 : index
      %swap3A_1454 = tpu.vector_load %arg8[%swap3A_1452, %swap3A_1453] {strides = array<i32>} : memref<416x64xf32, #tpu.memory_space<vmem>>, vector<16xf32>,
      tpu.vector_store %arg8[%swap3A_1452, %swap3A_1453], %add3A_1451 {strides = array<i32>} : memref<416x64xf32, #tpu.memory_space<vmem>>, vector<16xf32>,
      %add3A_1455 = arith.constant 16 : i32
      %add3A_1456 = vector.broadcast %add3A_1455 : i32 to vector<16xi32>
      %add3A_1457 = arith.addi %iota3A, %add3A_1456 : vector<16xi32>
      %mul3A_1458 = arith.constant 0 : i32
      %mul3A_1459 = vector.broadcast %mul3A_1458 : i32 to vector<16xi32>
      %mul3A_1460 = arith.muli %iota3A, %mul3A_1459 : vector<16xi32>
      %add3A_1461 = vector.broadcast %and3A_1431 : i32 to vector<16xi32>
      %add3A_1462 = arith.addi %mul3A_1460, %add3A_1461 : vector<16xi32>
      %gather3A_1463 = arith.constant 2 : i32
      %gather3A_1464 = arith.constant 0 : i32
      %gather3A_1465 = arith.constant 0 : i32
      %gather3A_1466 = tpu.memref_slice %arg7[%gather3A_1463, %gather3A_1464, %gather3A_1465] : memref<4x64x128xf32, #tpu.memory_space<vmem>> -> memref<1x64x128xf32, #tpu.memory_space<vmem>>
      %gather3A_1467 = tpu.memref_squeeze %gather3A_1466 : memref<1x64x128xf32, #tpu.memory_space<vmem>> -> memref<64x128xf32, #tpu.memory_space<vmem>>
      %gather3A_1468 = tpu.vector_load_idx %gather3A_1467[%add3A_1457, %add3A_1462] : memref<64x128xf32, #tpu.memory_space<vmem>>[vector<16xi32>, vector<16xi32>], vector<16xf32>,
      %get3A_1469 = arith.index_cast %add3A_1433 : i32 to index
      %get3A_1470 = arith.constant 16 : index
      %get3A_1471 = tpu.vector_load %arg8[%get3A_1469, %get3A_1470] {strides = array<i32>} : memref<416x64xf32, #tpu.memory_space<vmem>>, vector<16xf32>,
      %add3A_1472 = arith.addf %get3A_1471, %gather3A_1468 : vector<16xf32>
      %swap3A_1473 = arith.index_cast %add3A_1433 : i32 to index
      %swap3A_1474 = arith.constant 16 : index
      %swap3A_1475 = tpu.vector_load %arg8[%swap3A_1473, %swap3A_1474] {strides = array<i32>} : memref<416x64xf32, #tpu.memory_space<vmem>>, vector<16xf32>,
      tpu.vector_store %arg8[%swap3A_1473, %swap3A_1474], %add3A_1472 {strides = array<i32>} : memref<416x64xf32, #tpu.memory_space<vmem>>, vector<16xf32>,
      %add3A_1476 = arith.constant 32 : i32
      %add3A_1477 = vector.broadcast %add3A_1476 : i32 to vector<16xi32>
      %add3A_1478 = arith.addi %iota3A, %add3A_1477 : vector<16xi32>
      %mul3A_1479 = arith.constant 0 : i32
      %mul3A_1480 = vector.broadcast %mul3A_1479 : i32 to vector<16xi32>
      %mul3A_1481 = arith.muli %iota3A, %mul3A_1480 : vector<16xi32>
      %add3A_1482 = vector.broadcast %and3A_1431 : i32 to vector<16xi32>
      %add3A_1483 = arith.addi %mul3A_1481, %add3A_1482 : vector<16xi32>
      %gather3A_1484 = arith.constant 2 : i32
      %gather3A_1485 = arith.constant 0 : i32
      %gather3A_1486 = arith.constant 0 : i32
      %gather3A_1487 = tpu.memref_slice %arg7[%gather3A_1484, %gather3A_1485, %gather3A_1486] : memref<4x64x128xf32, #tpu.memory_space<vmem>> -> memref<1x64x128xf32, #tpu.memory_space<vmem>>
      %gather3A_1488 = tpu.memref_squeeze %gather3A_1487 : memref<1x64x128xf32, #tpu.memory_space<vmem>> -> memref<64x128xf32, #tpu.memory_space<vmem>>
      %gather3A_1489 = tpu.vector_load_idx %gather3A_1488[%add3A_1478, %add3A_1483] : memref<64x128xf32, #tpu.memory_space<vmem>>[vector<16xi32>, vector<16xi32>], vector<16xf32>,
      %get3A_1490 = arith.index_cast %add3A_1433 : i32 to index
      %get3A_1491 = arith.constant 32 : index
      %get3A_1492 = tpu.vector_load %arg8[%get3A_1490, %get3A_1491] {strides = array<i32>} : memref<416x64xf32, #tpu.memory_space<vmem>>, vector<16xf32>,
      %add3A_1493 = arith.addf %get3A_1492, %gather3A_1489 : vector<16xf32>
      %swap3A_1494 = arith.index_cast %add3A_1433 : i32 to index
      %swap3A_1495 = arith.constant 32 : index
      %swap3A_1496 = tpu.vector_load %arg8[%swap3A_1494, %swap3A_1495] {strides = array<i32>} : memref<416x64xf32, #tpu.memory_space<vmem>>, vector<16xf32>,
      tpu.vector_store %arg8[%swap3A_1494, %swap3A_1495], %add3A_1493 {strides = array<i32>} : memref<416x64xf32, #tpu.memory_space<vmem>>, vector<16xf32>,
      %add3A_1497 = arith.constant 48 : i32
      %add3A_1498 = vector.broadcast %add3A_1497 : i32 to vector<16xi32>
      %add3A_1499 = arith.addi %iota3A, %add3A_1498 : vector<16xi32>
      %mul3A_1500 = arith.constant 0 : i32
      %mul3A_1501 = vector.broadcast %mul3A_1500 : i32 to vector<16xi32>
      %mul3A_1502 = arith.muli %iota3A, %mul3A_1501 : vector<16xi32>
      %add3A_1503 = vector.broadcast %and3A_1431 : i32 to vector<16xi32>
      %add3A_1504 = arith.addi %mul3A_1502, %add3A_1503 : vector<16xi32>
      %gather3A_1505 = arith.constant 2 : i32
      %gather3A_1506 = arith.constant 0 : i32
      %gather3A_1507 = arith.constant 0 : i32
      %gather3A_1508 = tpu.memref_slice %arg7[%gather3A_1505, %gather3A_1506, %gather3A_1507] : memref<4x64x128xf32, #tpu.memory_space<vmem>> -> memref<1x64x128xf32, #tpu.memory_space<vmem>>
      %gather3A_1509 = tpu.memref_squeeze %gather3A_1508 : memref<1x64x128xf32, #tpu.memory_space<vmem>> -> memref<64x128xf32, #tpu.memory_space<vmem>>
      %gather3A_1510 = tpu.vector_load_idx %gather3A_1509[%add3A_1499, %add3A_1504] : memref<64x128xf32, #tpu.memory_space<vmem>>[vector<16xi32>, vector<16xi32>], vector<16xf32>,
      %get3A_1511 = arith.index_cast %add3A_1433 : i32 to index
      %get3A_1512 = arith.constant 48 : index
      %get3A_1513 = tpu.vector_load %arg8[%get3A_1511, %get3A_1512] {strides = array<i32>} : memref<416x64xf32, #tpu.memory_space<vmem>>, vector<16xf32>,
      %add3A_1514 = arith.addf %get3A_1513, %gather3A_1510 : vector<16xf32>
      %swap3A_1515 = arith.index_cast %add3A_1433 : i32 to index
      %swap3A_1516 = arith.constant 48 : index
      %swap3A_1517 = tpu.vector_load %arg8[%swap3A_1515, %swap3A_1516] {strides = array<i32>} : memref<416x64xf32, #tpu.memory_space<vmem>>, vector<16xf32>,
      tpu.vector_store %arg8[%swap3A_1515, %swap3A_1516], %add3A_1514 {strides = array<i32>} : memref<416x64xf32, #tpu.memory_space<vmem>>, vector<16xf32>,
      %slice3A_1518 = vector.extract_strided_slice %get3A_158 {offsets = [14], sizes = [1], strides = [1]} : vector<16xi32> to vector<1xi32>
      %squeeze3A_1519 = vector.extract %slice3A_1518[0] : i32 from vector<1xi32>
      %shift_right_logical3A_1520 = arith.constant 7 : i32
      %shift_right_logical3A_1521 = arith.shrui %squeeze3A_1519, %shift_right_logical3A_1520 : i32
      %mul3A_1522 = arith.constant 128 : i32
      %mul3A_1523 = arith.muli %shift_right_logical3A_1521, %mul3A_1522 : i32
      %multiple_of3A_1524 = tpu.assume_multiple %mul3A_1523, 128 : i32
      %dma_start3A_1525 = arith.constant 2 : i32
      %dma_start3A_1526 = arith.constant 0 : i32
      %dma_start3A_1527 = arith.constant 0 : i32
      %dma_start3A_1528 = tpu.memref_slice %arg7[%dma_start3A_1525, %dma_start3A_1526, %dma_start3A_1527] : memref<4x64x128xf32, #tpu.memory_space<vmem>> -> memref<1x64x128xf32, #tpu.memory_space<vmem>>
      %dma_start3A_1529 = tpu.memref_squeeze %dma_start3A_1528 : memref<1x64x128xf32, #tpu.memory_space<vmem>> -> memref<64x128xf32, #tpu.memory_space<vmem>>
      %dma_start3A_1530 = arith.constant 0 : i32
      %dma_start3A_1531 = tpu.memref_slice %arg2[%dma_start3A_1530, %multiple_of3A_1524] : memref<64x1000000xf32, #tpu.memory_space<hbm>> -> memref<64x128xf32, #tpu.memory_space<hbm>>
      %dma_start3A_1532 = arith.constant 0 : i32
      %dma_start3A_1533 = arith.constant 0 : i32
      %dma_start3A_1534 = tpu.memref_slice %arg7[%dma_start3A_1525, %dma_start3A_1532, %dma_start3A_1533] : memref<4x64x128xf32, #tpu.memory_space<vmem>> -> memref<1x64x128xf32, #tpu.memory_space<vmem>>
      %dma_start3A_1535 = tpu.memref_squeeze %dma_start3A_1534 : memref<1x64x128xf32, #tpu.memory_space<vmem>> -> memref<64x128xf32, #tpu.memory_space<vmem>>
      %dma_start3A_1536 = arith.constant 0 : i32
      %dma_start3A_1537 = tpu.memref_slice %arg2[%dma_start3A_1536, %multiple_of3A_1524] : memref<64x1000000xf32, #tpu.memory_space<hbm>> -> memref<64x128xf32, #tpu.memory_space<hbm>>
      tpu.enqueue_dma source(%dma_start3A_1537 : memref<64x128xf32, #tpu.memory_space<hbm>>) target(%dma_start3A_1535 : memref<64x128xf32, #tpu.memory_space<vmem>>) target_semaphore(%arg11 : memref<!tpu.dma_semaphore, #tpu.memory_space<semaphore_mem>>)
      %dma_wait3A_1538 = arith.constant 3 : i32
      %dma_wait3A_1539 = arith.constant 0 : i32
      %dma_wait3A_1540 = arith.constant 0 : i32
      %dma_wait3A_1541 = tpu.memref_slice %arg7[%dma_wait3A_1538, %dma_wait3A_1539, %dma_wait3A_1540] : memref<4x64x128xf32, #tpu.memory_space<vmem>> -> memref<1x64x128xf32, #tpu.memory_space<vmem>>
      %dma_wait3A_1542 = tpu.memref_squeeze %dma_wait3A_1541 : memref<1x64x128xf32, #tpu.memory_space<vmem>> -> memref<64x128xf32, #tpu.memory_space<vmem>>
      %dma_wait3A_1543 = arith.constant 0 : i32
      %dma_wait3A_1544 = arith.constant 0 : i32
      %dma_wait3A_1545 = tpu.memref_slice %arg2[%dma_wait3A_1543, %dma_wait3A_1544] : memref<64x1000000xf32, #tpu.memory_space<hbm>> -> memref<64x128xf32, #tpu.memory_space<hbm>>
      %dma_wait3A_1546 = arith.constant 0 : i32
      %dma_wait3A_1547 = arith.constant 0 : i32
      %dma_wait3A_1548 = tpu.memref_slice %arg7[%dma_wait3A_1538, %dma_wait3A_1546, %dma_wait3A_1547] : memref<4x64x128xf32, #tpu.memory_space<vmem>> -> memref<1x64x128xf32, #tpu.memory_space<vmem>>
      %dma_wait3A_1549 = tpu.memref_squeeze %dma_wait3A_1548 : memref<1x64x128xf32, #tpu.memory_space<vmem>> -> memref<64x128xf32, #tpu.memory_space<vmem>>
      %dma_wait3A_1550 = arith.constant 0 : i32
      %dma_wait3A_1551 = arith.constant 0 : i32
      %dma_wait3A_1552 = tpu.memref_slice %arg2[%dma_wait3A_1550, %dma_wait3A_1551] : memref<64x1000000xf32, #tpu.memory_space<hbm>> -> memref<64x128xf32, #tpu.memory_space<hbm>>
      tpu.wait_dma2 semaphore(%arg12 : memref<!tpu.dma_semaphore, #tpu.memory_space<semaphore_mem>>) src(%dma_wait3A_1552 : memref<64x128xf32, #tpu.memory_space<hbm>>) dst(%dma_wait3A_1549 : memref<64x128xf32, #tpu.memory_space<vmem>>)
      %slice3A_1553 = vector.extract_strided_slice %get3A_158 {offsets = [11], sizes = [1], strides = [1]} : vector<16xi32> to vector<1xi32>
      %squeeze3A_1554 = vector.extract %slice3A_1553[0] : i32 from vector<1xi32>
      %and3A_1555 = arith.constant 127 : i32
      %and3A_1556 = arith.andi %squeeze3A_1554, %and3A_1555 : i32
      %add3A_1557 = arith.constant 11 : i32
      %add3A_1558 = arith.addi %mul3A_156, %add3A_1557 : i32
      %add3A_1559 = arith.constant 0 : i32
      %add3A_1560 = vector.broadcast %add3A_1559 : i32 to vector<16xi32>
      %add3A_1561 = arith.addi %iota3A, %add3A_1560 : vector<16xi32>
      %mul3A_1562 = arith.constant 0 : i32
      %mul3A_1563 = vector.broadcast %mul3A_1562 : i32 to vector<16xi32>
      %mul3A_1564 = arith.muli %iota3A, %mul3A_1563 : vector<16xi32>
      %add3A_1565 = vector.broadcast %and3A_1556 : i32 to vector<16xi32>
      %add3A_1566 = arith.addi %mul3A_1564, %add3A_1565 : vector<16xi32>
      %gather3A_1567 = arith.constant 3 : i32
      %gather3A_1568 = arith.constant 0 : i32
      %gather3A_1569 = arith.constant 0 : i32
      %gather3A_1570 = tpu.memref_slice %arg7[%gather3A_1567, %gather3A_1568, %gather3A_1569] : memref<4x64x128xf32, #tpu.memory_space<vmem>> -> memref<1x64x128xf32, #tpu.memory_space<vmem>>
      %gather3A_1571 = tpu.memref_squeeze %gather3A_1570 : memref<1x64x128xf32, #tpu.memory_space<vmem>> -> memref<64x128xf32, #tpu.memory_space<vmem>>
      %gather3A_1572 = tpu.vector_load_idx %gather3A_1571[%add3A_1561, %add3A_1566] : memref<64x128xf32, #tpu.memory_space<vmem>>[vector<16xi32>, vector<16xi32>], vector<16xf32>,
      %get3A_1573 = arith.index_cast %add3A_1558 : i32 to index
      %get3A_1574 = arith.constant 0 : index
      %get3A_1575 = tpu.vector_load %arg8[%get3A_1573, %get3A_1574] {strides = array<i32>} : memref<416x64xf32, #tpu.memory_space<vmem>>, vector<16xf32>,
      %add3A_1576 = arith.addf %get3A_1575, %gather3A_1572 : vector<16xf32>
      %swap3A_1577 = arith.index_cast %add3A_1558 : i32 to index
      %swap3A_1578 = arith.constant 0 : index
      %swap3A_1579 = tpu.vector_load %arg8[%swap3A_1577, %swap3A_1578] {strides = array<i32>} : memref<416x64xf32, #tpu.memory_space<vmem>>, vector<16xf32>,
      tpu.vector_store %arg8[%swap3A_1577, %swap3A_1578], %add3A_1576 {strides = array<i32>} : memref<416x64xf32, #tpu.memory_space<vmem>>, vector<16xf32>,
      %add3A_1580 = arith.constant 16 : i32
      %add3A_1581 = vector.broadcast %add3A_1580 : i32 to vector<16xi32>
      %add3A_1582 = arith.addi %iota3A, %add3A_1581 : vector<16xi32>
      %mul3A_1583 = arith.constant 0 : i32
      %mul3A_1584 = vector.broadcast %mul3A_1583 : i32 to vector<16xi32>
      %mul3A_1585 = arith.muli %iota3A, %mul3A_1584 : vector<16xi32>
      %add3A_1586 = vector.broadcast %and3A_1556 : i32 to vector<16xi32>
      %add3A_1587 = arith.addi %mul3A_1585, %add3A_1586 : vector<16xi32>
      %gather3A_1588 = arith.constant 3 : i32
      %gather3A_1589 = arith.constant 0 : i32
      %gather3A_1590 = arith.constant 0 : i32
      %gather3A_1591 = tpu.memref_slice %arg7[%gather3A_1588, %gather3A_1589, %gather3A_1590] : memref<4x64x128xf32, #tpu.memory_space<vmem>> -> memref<1x64x128xf32, #tpu.memory_space<vmem>>
      %gather3A_1592 = tpu.memref_squeeze %gather3A_1591 : memref<1x64x128xf32, #tpu.memory_space<vmem>> -> memref<64x128xf32, #tpu.memory_space<vmem>>
      %gather3A_1593 = tpu.vector_load_idx %gather3A_1592[%add3A_1582, %add3A_1587] : memref<64x128xf32, #tpu.memory_space<vmem>>[vector<16xi32>, vector<16xi32>], vector<16xf32>,
      %get3A_1594 = arith.index_cast %add3A_1558 : i32 to index
      %get3A_1595 = arith.constant 16 : index
      %get3A_1596 = tpu.vector_load %arg8[%get3A_1594, %get3A_1595] {strides = array<i32>} : memref<416x64xf32, #tpu.memory_space<vmem>>, vector<16xf32>,
      %add3A_1597 = arith.addf %get3A_1596, %gather3A_1593 : vector<16xf32>
      %swap3A_1598 = arith.index_cast %add3A_1558 : i32 to index
      %swap3A_1599 = arith.constant 16 : index
      %swap3A_1600 = tpu.vector_load %arg8[%swap3A_1598, %swap3A_1599] {strides = array<i32>} : memref<416x64xf32, #tpu.memory_space<vmem>>, vector<16xf32>,
      tpu.vector_store %arg8[%swap3A_1598, %swap3A_1599], %add3A_1597 {strides = array<i32>} : memref<416x64xf32, #tpu.memory_space<vmem>>, vector<16xf32>,
      %add3A_1601 = arith.constant 32 : i32
      %add3A_1602 = vector.broadcast %add3A_1601 : i32 to vector<16xi32>
      %add3A_1603 = arith.addi %iota3A, %add3A_1602 : vector<16xi32>
      %mul3A_1604 = arith.constant 0 : i32
      %mul3A_1605 = vector.broadcast %mul3A_1604 : i32 to vector<16xi32>
      %mul3A_1606 = arith.muli %iota3A, %mul3A_1605 : vector<16xi32>
      %add3A_1607 = vector.broadcast %and3A_1556 : i32 to vector<16xi32>
      %add3A_1608 = arith.addi %mul3A_1606, %add3A_1607 : vector<16xi32>
      %gather3A_1609 = arith.constant 3 : i32
      %gather3A_1610 = arith.constant 0 : i32
      %gather3A_1611 = arith.constant 0 : i32
      %gather3A_1612 = tpu.memref_slice %arg7[%gather3A_1609, %gather3A_1610, %gather3A_1611] : memref<4x64x128xf32, #tpu.memory_space<vmem>> -> memref<1x64x128xf32, #tpu.memory_space<vmem>>
      %gather3A_1613 = tpu.memref_squeeze %gather3A_1612 : memref<1x64x128xf32, #tpu.memory_space<vmem>> -> memref<64x128xf32, #tpu.memory_space<vmem>>
      %gather3A_1614 = tpu.vector_load_idx %gather3A_1613[%add3A_1603, %add3A_1608] : memref<64x128xf32, #tpu.memory_space<vmem>>[vector<16xi32>, vector<16xi32>], vector<16xf32>,
      %get3A_1615 = arith.index_cast %add3A_1558 : i32 to index
      %get3A_1616 = arith.constant 32 : index
      %get3A_1617 = tpu.vector_load %arg8[%get3A_1615, %get3A_1616] {strides = array<i32>} : memref<416x64xf32, #tpu.memory_space<vmem>>, vector<16xf32>,
      %add3A_1618 = arith.addf %get3A_1617, %gather3A_1614 : vector<16xf32>
      %swap3A_1619 = arith.index_cast %add3A_1558 : i32 to index
      %swap3A_1620 = arith.constant 32 : index
      %swap3A_1621 = tpu.vector_load %arg8[%swap3A_1619, %swap3A_1620] {strides = array<i32>} : memref<416x64xf32, #tpu.memory_space<vmem>>, vector<16xf32>,
      tpu.vector_store %arg8[%swap3A_1619, %swap3A_1620], %add3A_1618 {strides = array<i32>} : memref<416x64xf32, #tpu.memory_space<vmem>>, vector<16xf32>,
      %add3A_1622 = arith.constant 48 : i32
      %add3A_1623 = vector.broadcast %add3A_1622 : i32 to vector<16xi32>
      %add3A_1624 = arith.addi %iota3A, %add3A_1623 : vector<16xi32>
      %mul3A_1625 = arith.constant 0 : i32
      %mul3A_1626 = vector.broadcast %mul3A_1625 : i32 to vector<16xi32>
      %mul3A_1627 = arith.muli %iota3A, %mul3A_1626 : vector<16xi32>
      %add3A_1628 = vector.broadcast %and3A_1556 : i32 to vector<16xi32>
      %add3A_1629 = arith.addi %mul3A_1627, %add3A_1628 : vector<16xi32>
      %gather3A_1630 = arith.constant 3 : i32
      %gather3A_1631 = arith.constant 0 : i32
      %gather3A_1632 = arith.constant 0 : i32
      %gather3A_1633 = tpu.memref_slice %arg7[%gather3A_1630, %gather3A_1631, %gather3A_1632] : memref<4x64x128xf32, #tpu.memory_space<vmem>> -> memref<1x64x128xf32, #tpu.memory_space<vmem>>
      %gather3A_1634 = tpu.memref_squeeze %gather3A_1633 : memref<1x64x128xf32, #tpu.memory_space<vmem>> -> memref<64x128xf32, #tpu.memory_space<vmem>>
      %gather3A_1635 = tpu.vector_load_idx %gather3A_1634[%add3A_1624, %add3A_1629] : memref<64x128xf32, #tpu.memory_space<vmem>>[vector<16xi32>, vector<16xi32>], vector<16xf32>,
      %get3A_1636 = arith.index_cast %add3A_1558 : i32 to index
      %get3A_1637 = arith.constant 48 : index
      %get3A_1638 = tpu.vector_load %arg8[%get3A_1636, %get3A_1637] {strides = array<i32>} : memref<416x64xf32, #tpu.memory_space<vmem>>, vector<16xf32>,
      %add3A_1639 = arith.addf %get3A_1638, %gather3A_1635 : vector<16xf32>
      %swap3A_1640 = arith.index_cast %add3A_1558 : i32 to index
      %swap3A_1641 = arith.constant 48 : index
      %swap3A_1642 = tpu.vector_load %arg8[%swap3A_1640, %swap3A_1641] {strides = array<i32>} : memref<416x64xf32, #tpu.memory_space<vmem>>, vector<16xf32>,
      tpu.vector_store %arg8[%swap3A_1640, %swap3A_1641], %add3A_1639 {strides = array<i32>} : memref<416x64xf32, #tpu.memory_space<vmem>>, vector<16xf32>,
      %slice3A_1643 = vector.extract_strided_slice %get3A_158 {offsets = [15], sizes = [1], strides = [1]} : vector<16xi32> to vector<1xi32>
      %squeeze3A_1644 = vector.extract %slice3A_1643[0] : i32 from vector<1xi32>
      %shift_right_logical3A_1645 = arith.constant 7 : i32
      %shift_right_logical3A_1646 = arith.shrui %squeeze3A_1644, %shift_right_logical3A_1645 : i32
      %mul3A_1647 = arith.constant 128 : i32
      %mul3A_1648 = arith.muli %shift_right_logical3A_1646, %mul3A_1647 : i32
      %multiple_of3A_1649 = tpu.assume_multiple %mul3A_1648, 128 : i32
      %dma_start3A_1650 = arith.constant 3 : i32
      %dma_start3A_1651 = arith.constant 0 : i32
      %dma_start3A_1652 = arith.constant 0 : i32
      %dma_start3A_1653 = tpu.memref_slice %arg7[%dma_start3A_1650, %dma_start3A_1651, %dma_start3A_1652] : memref<4x64x128xf32, #tpu.memory_space<vmem>> -> memref<1x64x128xf32, #tpu.memory_space<vmem>>
      %dma_start3A_1654 = tpu.memref_squeeze %dma_start3A_1653 : memref<1x64x128xf32, #tpu.memory_space<vmem>> -> memref<64x128xf32, #tpu.memory_space<vmem>>
      %dma_start3A_1655 = arith.constant 0 : i32
      %dma_start3A_1656 = tpu.memref_slice %arg2[%dma_start3A_1655, %multiple_of3A_1649] : memref<64x1000000xf32, #tpu.memory_space<hbm>> -> memref<64x128xf32, #tpu.memory_space<hbm>>
      %dma_start3A_1657 = arith.constant 0 : i32
      %dma_start3A_1658 = arith.constant 0 : i32
      %dma_start3A_1659 = tpu.memref_slice %arg7[%dma_start3A_1650, %dma_start3A_1657, %dma_start3A_1658] : memref<4x64x128xf32, #tpu.memory_space<vmem>> -> memref<1x64x128xf32, #tpu.memory_space<vmem>>
      %dma_start3A_1660 = tpu.memref_squeeze %dma_start3A_1659 : memref<1x64x128xf32, #tpu.memory_space<vmem>> -> memref<64x128xf32, #tpu.memory_space<vmem>>
      %dma_start3A_1661 = arith.constant 0 : i32
      %dma_start3A_1662 = tpu.memref_slice %arg2[%dma_start3A_1661, %multiple_of3A_1649] : memref<64x1000000xf32, #tpu.memory_space<hbm>> -> memref<64x128xf32, #tpu.memory_space<hbm>>
      tpu.enqueue_dma source(%dma_start3A_1662 : memref<64x128xf32, #tpu.memory_space<hbm>>) target(%dma_start3A_1660 : memref<64x128xf32, #tpu.memory_space<vmem>>) target_semaphore(%arg12 : memref<!tpu.dma_semaphore, #tpu.memory_space<semaphore_mem>>)
      %dma_wait3A_1663 = arith.constant 0 : i32
      %dma_wait3A_1664 = arith.constant 0 : i32
      %dma_wait3A_1665 = arith.constant 0 : i32
      %dma_wait3A_1666 = tpu.memref_slice %arg7[%dma_wait3A_1663, %dma_wait3A_1664, %dma_wait3A_1665] : memref<4x64x128xf32, #tpu.memory_space<vmem>> -> memref<1x64x128xf32, #tpu.memory_space<vmem>>
      %dma_wait3A_1667 = tpu.memref_squeeze %dma_wait3A_1666 : memref<1x64x128xf32, #tpu.memory_space<vmem>> -> memref<64x128xf32, #tpu.memory_space<vmem>>
      %dma_wait3A_1668 = arith.constant 0 : i32
      %dma_wait3A_1669 = arith.constant 0 : i32
      %dma_wait3A_1670 = tpu.memref_slice %arg2[%dma_wait3A_1668, %dma_wait3A_1669] : memref<64x1000000xf32, #tpu.memory_space<hbm>> -> memref<64x128xf32, #tpu.memory_space<hbm>>
      %dma_wait3A_1671 = arith.constant 0 : i32
      %dma_wait3A_1672 = arith.constant 0 : i32
      %dma_wait3A_1673 = tpu.memref_slice %arg7[%dma_wait3A_1663, %dma_wait3A_1671, %dma_wait3A_1672] : memref<4x64x128xf32, #tpu.memory_space<vmem>> -> memref<1x64x128xf32, #tpu.memory_space<vmem>>
      %dma_wait3A_1674 = tpu.memref_squeeze %dma_wait3A_1673 : memref<1x64x128xf32, #tpu.memory_space<vmem>> -> memref<64x128xf32, #tpu.memory_space<vmem>>
      %dma_wait3A_1675 = arith.constant 0 : i32
      %dma_wait3A_1676 = arith.constant 0 : i32
      %dma_wait3A_1677 = tpu.memref_slice %arg2[%dma_wait3A_1675, %dma_wait3A_1676] : memref<64x1000000xf32, #tpu.memory_space<hbm>> -> memref<64x128xf32, #tpu.memory_space<hbm>>
      tpu.wait_dma2 semaphore(%arg9 : memref<!tpu.dma_semaphore, #tpu.memory_space<semaphore_mem>>) src(%dma_wait3A_1677 : memref<64x128xf32, #tpu.memory_space<hbm>>) dst(%dma_wait3A_1674 : memref<64x128xf32, #tpu.memory_space<vmem>>)
      %slice3A_1678 = vector.extract_strided_slice %get3A_158 {offsets = [12], sizes = [1], strides = [1]} : vector<16xi32> to vector<1xi32>
      %squeeze3A_1679 = vector.extract %slice3A_1678[0] : i32 from vector<1xi32>
      %and3A_1680 = arith.constant 127 : i32
      %and3A_1681 = arith.andi %squeeze3A_1679, %and3A_1680 : i32
      %add3A_1682 = arith.constant 12 : i32
      %add3A_1683 = arith.addi %mul3A_156, %add3A_1682 : i32
      %add3A_1684 = arith.constant 0 : i32
      %add3A_1685 = vector.broadcast %add3A_1684 : i32 to vector<16xi32>
      %add3A_1686 = arith.addi %iota3A, %add3A_1685 : vector<16xi32>
      %mul3A_1687 = arith.constant 0 : i32
      %mul3A_1688 = vector.broadcast %mul3A_1687 : i32 to vector<16xi32>
      %mul3A_1689 = arith.muli %iota3A, %mul3A_1688 : vector<16xi32>
      %add3A_1690 = vector.broadcast %and3A_1681 : i32 to vector<16xi32>
      %add3A_1691 = arith.addi %mul3A_1689, %add3A_1690 : vector<16xi32>
      %gather3A_1692 = arith.constant 0 : i32
      %gather3A_1693 = arith.constant 0 : i32
      %gather3A_1694 = arith.constant 0 : i32
      %gather3A_1695 = tpu.memref_slice %arg7[%gather3A_1692, %gather3A_1693, %gather3A_1694] : memref<4x64x128xf32, #tpu.memory_space<vmem>> -> memref<1x64x128xf32, #tpu.memory_space<vmem>>
      %gather3A_1696 = tpu.memref_squeeze %gather3A_1695 : memref<1x64x128xf32, #tpu.memory_space<vmem>> -> memref<64x128xf32, #tpu.memory_space<vmem>>
      %gather3A_1697 = tpu.vector_load_idx %gather3A_1696[%add3A_1686, %add3A_1691] : memref<64x128xf32, #tpu.memory_space<vmem>>[vector<16xi32>, vector<16xi32>], vector<16xf32>,
      %get3A_1698 = arith.index_cast %add3A_1683 : i32 to index
      %get3A_1699 = arith.constant 0 : index
      %get3A_1700 = tpu.vector_load %arg8[%get3A_1698, %get3A_1699] {strides = array<i32>} : memref<416x64xf32, #tpu.memory_space<vmem>>, vector<16xf32>,
      %add3A_1701 = arith.addf %get3A_1700, %gather3A_1697 : vector<16xf32>
      %swap3A_1702 = arith.index_cast %add3A_1683 : i32 to index
      %swap3A_1703 = arith.constant 0 : index
      %swap3A_1704 = tpu.vector_load %arg8[%swap3A_1702, %swap3A_1703] {strides = array<i32>} : memref<416x64xf32, #tpu.memory_space<vmem>>, vector<16xf32>,
      tpu.vector_store %arg8[%swap3A_1702, %swap3A_1703], %add3A_1701 {strides = array<i32>} : memref<416x64xf32, #tpu.memory_space<vmem>>, vector<16xf32>,
      %add3A_1705 = arith.constant 16 : i32
      %add3A_1706 = vector.broadcast %add3A_1705 : i32 to vector<16xi32>
      %add3A_1707 = arith.addi %iota3A, %add3A_1706 : vector<16xi32>
      %mul3A_1708 = arith.constant 0 : i32
      %mul3A_1709 = vector.broadcast %mul3A_1708 : i32 to vector<16xi32>
      %mul3A_1710 = arith.muli %iota3A, %mul3A_1709 : vector<16xi32>
      %add3A_1711 = vector.broadcast %and3A_1681 : i32 to vector<16xi32>
      %add3A_1712 = arith.addi %mul3A_1710, %add3A_1711 : vector<16xi32>
      %gather3A_1713 = arith.constant 0 : i32
      %gather3A_1714 = arith.constant 0 : i32
      %gather3A_1715 = arith.constant 0 : i32
      %gather3A_1716 = tpu.memref_slice %arg7[%gather3A_1713, %gather3A_1714, %gather3A_1715] : memref<4x64x128xf32, #tpu.memory_space<vmem>> -> memref<1x64x128xf32, #tpu.memory_space<vmem>>
      %gather3A_1717 = tpu.memref_squeeze %gather3A_1716 : memref<1x64x128xf32, #tpu.memory_space<vmem>> -> memref<64x128xf32, #tpu.memory_space<vmem>>
      %gather3A_1718 = tpu.vector_load_idx %gather3A_1717[%add3A_1707, %add3A_1712] : memref<64x128xf32, #tpu.memory_space<vmem>>[vector<16xi32>, vector<16xi32>], vector<16xf32>,
      %get3A_1719 = arith.index_cast %add3A_1683 : i32 to index
      %get3A_1720 = arith.constant 16 : index
      %get3A_1721 = tpu.vector_load %arg8[%get3A_1719, %get3A_1720] {strides = array<i32>} : memref<416x64xf32, #tpu.memory_space<vmem>>, vector<16xf32>,
      %add3A_1722 = arith.addf %get3A_1721, %gather3A_1718 : vector<16xf32>
      %swap3A_1723 = arith.index_cast %add3A_1683 : i32 to index
      %swap3A_1724 = arith.constant 16 : index
      %swap3A_1725 = tpu.vector_load %arg8[%swap3A_1723, %swap3A_1724] {strides = array<i32>} : memref<416x64xf32, #tpu.memory_space<vmem>>, vector<16xf32>,
      tpu.vector_store %arg8[%swap3A_1723, %swap3A_1724], %add3A_1722 {strides = array<i32>} : memref<416x64xf32, #tpu.memory_space<vmem>>, vector<16xf32>,
      %add3A_1726 = arith.constant 32 : i32
      %add3A_1727 = vector.broadcast %add3A_1726 : i32 to vector<16xi32>
      %add3A_1728 = arith.addi %iota3A, %add3A_1727 : vector<16xi32>
      %mul3A_1729 = arith.constant 0 : i32
      %mul3A_1730 = vector.broadcast %mul3A_1729 : i32 to vector<16xi32>
      %mul3A_1731 = arith.muli %iota3A, %mul3A_1730 : vector<16xi32>
      %add3A_1732 = vector.broadcast %and3A_1681 : i32 to vector<16xi32>
      %add3A_1733 = arith.addi %mul3A_1731, %add3A_1732 : vector<16xi32>
      %gather3A_1734 = arith.constant 0 : i32
      %gather3A_1735 = arith.constant 0 : i32
      %gather3A_1736 = arith.constant 0 : i32
      %gather3A_1737 = tpu.memref_slice %arg7[%gather3A_1734, %gather3A_1735, %gather3A_1736] : memref<4x64x128xf32, #tpu.memory_space<vmem>> -> memref<1x64x128xf32, #tpu.memory_space<vmem>>
      %gather3A_1738 = tpu.memref_squeeze %gather3A_1737 : memref<1x64x128xf32, #tpu.memory_space<vmem>> -> memref<64x128xf32, #tpu.memory_space<vmem>>
      %gather3A_1739 = tpu.vector_load_idx %gather3A_1738[%add3A_1728, %add3A_1733] : memref<64x128xf32, #tpu.memory_space<vmem>>[vector<16xi32>, vector<16xi32>], vector<16xf32>,
      %get3A_1740 = arith.index_cast %add3A_1683 : i32 to index
      %get3A_1741 = arith.constant 32 : index
      %get3A_1742 = tpu.vector_load %arg8[%get3A_1740, %get3A_1741] {strides = array<i32>} : memref<416x64xf32, #tpu.memory_space<vmem>>, vector<16xf32>,
      %add3A_1743 = arith.addf %get3A_1742, %gather3A_1739 : vector<16xf32>
      %swap3A_1744 = arith.index_cast %add3A_1683 : i32 to index
      %swap3A_1745 = arith.constant 32 : index
      %swap3A_1746 = tpu.vector_load %arg8[%swap3A_1744, %swap3A_1745] {strides = array<i32>} : memref<416x64xf32, #tpu.memory_space<vmem>>, vector<16xf32>,
      tpu.vector_store %arg8[%swap3A_1744, %swap3A_1745], %add3A_1743 {strides = array<i32>} : memref<416x64xf32, #tpu.memory_space<vmem>>, vector<16xf32>,
      %add3A_1747 = arith.constant 48 : i32
      %add3A_1748 = vector.broadcast %add3A_1747 : i32 to vector<16xi32>
      %add3A_1749 = arith.addi %iota3A, %add3A_1748 : vector<16xi32>
      %mul3A_1750 = arith.constant 0 : i32
      %mul3A_1751 = vector.broadcast %mul3A_1750 : i32 to vector<16xi32>
      %mul3A_1752 = arith.muli %iota3A, %mul3A_1751 : vector<16xi32>
      %add3A_1753 = vector.broadcast %and3A_1681 : i32 to vector<16xi32>
      %add3A_1754 = arith.addi %mul3A_1752, %add3A_1753 : vector<16xi32>
      %gather3A_1755 = arith.constant 0 : i32
      %gather3A_1756 = arith.constant 0 : i32
      %gather3A_1757 = arith.constant 0 : i32
      %gather3A_1758 = tpu.memref_slice %arg7[%gather3A_1755, %gather3A_1756, %gather3A_1757] : memref<4x64x128xf32, #tpu.memory_space<vmem>> -> memref<1x64x128xf32, #tpu.memory_space<vmem>>
      %gather3A_1759 = tpu.memref_squeeze %gather3A_1758 : memref<1x64x128xf32, #tpu.memory_space<vmem>> -> memref<64x128xf32, #tpu.memory_space<vmem>>
      %gather3A_1760 = tpu.vector_load_idx %gather3A_1759[%add3A_1749, %add3A_1754] : memref<64x128xf32, #tpu.memory_space<vmem>>[vector<16xi32>, vector<16xi32>], vector<16xf32>,
      %get3A_1761 = arith.index_cast %add3A_1683 : i32 to index
      %get3A_1762 = arith.constant 48 : index
      %get3A_1763 = tpu.vector_load %arg8[%get3A_1761, %get3A_1762] {strides = array<i32>} : memref<416x64xf32, #tpu.memory_space<vmem>>, vector<16xf32>,
      %add3A_1764 = arith.addf %get3A_1763, %gather3A_1760 : vector<16xf32>
      %swap3A_1765 = arith.index_cast %add3A_1683 : i32 to index
      %swap3A_1766 = arith.constant 48 : index
      %swap3A_1767 = tpu.vector_load %arg8[%swap3A_1765, %swap3A_1766] {strides = array<i32>} : memref<416x64xf32, #tpu.memory_space<vmem>>, vector<16xf32>,
      tpu.vector_store %arg8[%swap3A_1765, %swap3A_1766], %add3A_1764 {strides = array<i32>} : memref<416x64xf32, #tpu.memory_space<vmem>>, vector<16xf32>,
      %slice3A_1768 = vector.extract_strided_slice %get3A_165 {offsets = [0], sizes = [1], strides = [1]} : vector<16xi32> to vector<1xi32>
      %squeeze3A_1769 = vector.extract %slice3A_1768[0] : i32 from vector<1xi32>
      %shift_right_logical3A_1770 = arith.constant 7 : i32
      %shift_right_logical3A_1771 = arith.shrui %squeeze3A_1769, %shift_right_logical3A_1770 : i32
      %mul3A_1772 = arith.constant 128 : i32
      %mul3A_1773 = arith.muli %shift_right_logical3A_1771, %mul3A_1772 : i32
      %multiple_of3A_1774 = tpu.assume_multiple %mul3A_1773, 128 : i32
      %dma_start3A_1775 = arith.constant 0 : i32
      %dma_start3A_1776 = arith.constant 0 : i32
      %dma_start3A_1777 = arith.constant 0 : i32
      %dma_start3A_1778 = tpu.memref_slice %arg7[%dma_start3A_1775, %dma_start3A_1776, %dma_start3A_1777] : memref<4x64x128xf32, #tpu.memory_space<vmem>> -> memref<1x64x128xf32, #tpu.memory_space<vmem>>
      %dma_start3A_1779 = tpu.memref_squeeze %dma_start3A_1778 : memref<1x64x128xf32, #tpu.memory_space<vmem>> -> memref<64x128xf32, #tpu.memory_space<vmem>>
      %dma_start3A_1780 = arith.constant 0 : i32
      %dma_start3A_1781 = tpu.memref_slice %arg2[%dma_start3A_1780, %multiple_of3A_1774] : memref<64x1000000xf32, #tpu.memory_space<hbm>> -> memref<64x128xf32, #tpu.memory_space<hbm>>
      %dma_start3A_1782 = arith.constant 0 : i32
      %dma_start3A_1783 = arith.constant 0 : i32
      %dma_start3A_1784 = tpu.memref_slice %arg7[%dma_start3A_1775, %dma_start3A_1782, %dma_start3A_1783] : memref<4x64x128xf32, #tpu.memory_space<vmem>> -> memref<1x64x128xf32, #tpu.memory_space<vmem>>
      %dma_start3A_1785 = tpu.memref_squeeze %dma_start3A_1784 : memref<1x64x128xf32, #tpu.memory_space<vmem>> -> memref<64x128xf32, #tpu.memory_space<vmem>>
      %dma_start3A_1786 = arith.constant 0 : i32
      %dma_start3A_1787 = tpu.memref_slice %arg2[%dma_start3A_1786, %multiple_of3A_1774] : memref<64x1000000xf32, #tpu.memory_space<hbm>> -> memref<64x128xf32, #tpu.memory_space<hbm>>
      tpu.enqueue_dma source(%dma_start3A_1787 : memref<64x128xf32, #tpu.memory_space<hbm>>) target(%dma_start3A_1785 : memref<64x128xf32, #tpu.memory_space<vmem>>) target_semaphore(%arg9 : memref<!tpu.dma_semaphore, #tpu.memory_space<semaphore_mem>>)
      %dma_wait3A_1788 = arith.constant 1 : i32
      %dma_wait3A_1789 = arith.constant 0 : i32
      %dma_wait3A_1790 = arith.constant 0 : i32
      %dma_wait3A_1791 = tpu.memref_slice %arg7[%dma_wait3A_1788, %dma_wait3A_1789, %dma_wait3A_1790] : memref<4x64x128xf32, #tpu.memory_space<vmem>> -> memref<1x64x128xf32, #tpu.memory_space<vmem>>
      %dma_wait3A_1792 = tpu.memref_squeeze %dma_wait3A_1791 : memref<1x64x128xf32, #tpu.memory_space<vmem>> -> memref<64x128xf32, #tpu.memory_space<vmem>>
      %dma_wait3A_1793 = arith.constant 0 : i32
      %dma_wait3A_1794 = arith.constant 0 : i32
      %dma_wait3A_1795 = tpu.memref_slice %arg2[%dma_wait3A_1793, %dma_wait3A_1794] : memref<64x1000000xf32, #tpu.memory_space<hbm>> -> memref<64x128xf32, #tpu.memory_space<hbm>>
      %dma_wait3A_1796 = arith.constant 0 : i32
      %dma_wait3A_1797 = arith.constant 0 : i32
      %dma_wait3A_1798 = tpu.memref_slice %arg7[%dma_wait3A_1788, %dma_wait3A_1796, %dma_wait3A_1797] : memref<4x64x128xf32, #tpu.memory_space<vmem>> -> memref<1x64x128xf32, #tpu.memory_space<vmem>>
      %dma_wait3A_1799 = tpu.memref_squeeze %dma_wait3A_1798 : memref<1x64x128xf32, #tpu.memory_space<vmem>> -> memref<64x128xf32, #tpu.memory_space<vmem>>
      %dma_wait3A_1800 = arith.constant 0 : i32
      %dma_wait3A_1801 = arith.constant 0 : i32
      %dma_wait3A_1802 = tpu.memref_slice %arg2[%dma_wait3A_1800, %dma_wait3A_1801] : memref<64x1000000xf32, #tpu.memory_space<hbm>> -> memref<64x128xf32, #tpu.memory_space<hbm>>
      tpu.wait_dma2 semaphore(%arg10 : memref<!tpu.dma_semaphore, #tpu.memory_space<semaphore_mem>>) src(%dma_wait3A_1802 : memref<64x128xf32, #tpu.memory_space<hbm>>) dst(%dma_wait3A_1799 : memref<64x128xf32, #tpu.memory_space<vmem>>)
      %slice3A_1803 = vector.extract_strided_slice %get3A_158 {offsets = [13], sizes = [1], strides = [1]} : vector<16xi32> to vector<1xi32>
      %squeeze3A_1804 = vector.extract %slice3A_1803[0] : i32 from vector<1xi32>
      %and3A_1805 = arith.constant 127 : i32
      %and3A_1806 = arith.andi %squeeze3A_1804, %and3A_1805 : i32
      %add3A_1807 = arith.constant 13 : i32
      %add3A_1808 = arith.addi %mul3A_156, %add3A_1807 : i32
      %add3A_1809 = arith.constant 0 : i32
      %add3A_1810 = vector.broadcast %add3A_1809 : i32 to vector<16xi32>
      %add3A_1811 = arith.addi %iota3A, %add3A_1810 : vector<16xi32>
      %mul3A_1812 = arith.constant 0 : i32
      %mul3A_1813 = vector.broadcast %mul3A_1812 : i32 to vector<16xi32>
      %mul3A_1814 = arith.muli %iota3A, %mul3A_1813 : vector<16xi32>
      %add3A_1815 = vector.broadcast %and3A_1806 : i32 to vector<16xi32>
      %add3A_1816 = arith.addi %mul3A_1814, %add3A_1815 : vector<16xi32>
      %gather3A_1817 = arith.constant 1 : i32
      %gather3A_1818 = arith.constant 0 : i32
      %gather3A_1819 = arith.constant 0 : i32
      %gather3A_1820 = tpu.memref_slice %arg7[%gather3A_1817, %gather3A_1818, %gather3A_1819] : memref<4x64x128xf32, #tpu.memory_space<vmem>> -> memref<1x64x128xf32, #tpu.memory_space<vmem>>
      %gather3A_1821 = tpu.memref_squeeze %gather3A_1820 : memref<1x64x128xf32, #tpu.memory_space<vmem>> -> memref<64x128xf32, #tpu.memory_space<vmem>>
      %gather3A_1822 = tpu.vector_load_idx %gather3A_1821[%add3A_1811, %add3A_1816] : memref<64x128xf32, #tpu.memory_space<vmem>>[vector<16xi32>, vector<16xi32>], vector<16xf32>,
      %get3A_1823 = arith.index_cast %add3A_1808 : i32 to index
      %get3A_1824 = arith.constant 0 : index
      %get3A_1825 = tpu.vector_load %arg8[%get3A_1823, %get3A_1824] {strides = array<i32>} : memref<416x64xf32, #tpu.memory_space<vmem>>, vector<16xf32>,
      %add3A_1826 = arith.addf %get3A_1825, %gather3A_1822 : vector<16xf32>
      %swap3A_1827 = arith.index_cast %add3A_1808 : i32 to index
      %swap3A_1828 = arith.constant 0 : index
      %swap3A_1829 = tpu.vector_load %arg8[%swap3A_1827, %swap3A_1828] {strides = array<i32>} : memref<416x64xf32, #tpu.memory_space<vmem>>, vector<16xf32>,
      tpu.vector_store %arg8[%swap3A_1827, %swap3A_1828], %add3A_1826 {strides = array<i32>} : memref<416x64xf32, #tpu.memory_space<vmem>>, vector<16xf32>,
      %add3A_1830 = arith.constant 16 : i32
      %add3A_1831 = vector.broadcast %add3A_1830 : i32 to vector<16xi32>
      %add3A_1832 = arith.addi %iota3A, %add3A_1831 : vector<16xi32>
      %mul3A_1833 = arith.constant 0 : i32
      %mul3A_1834 = vector.broadcast %mul3A_1833 : i32 to vector<16xi32>
      %mul3A_1835 = arith.muli %iota3A, %mul3A_1834 : vector<16xi32>
      %add3A_1836 = vector.broadcast %and3A_1806 : i32 to vector<16xi32>
      %add3A_1837 = arith.addi %mul3A_1835, %add3A_1836 : vector<16xi32>
      %gather3A_1838 = arith.constant 1 : i32
      %gather3A_1839 = arith.constant 0 : i32
      %gather3A_1840 = arith.constant 0 : i32
      %gather3A_1841 = tpu.memref_slice %arg7[%gather3A_1838, %gather3A_1839, %gather3A_1840] : memref<4x64x128xf32, #tpu.memory_space<vmem>> -> memref<1x64x128xf32, #tpu.memory_space<vmem>>
      %gather3A_1842 = tpu.memref_squeeze %gather3A_1841 : memref<1x64x128xf32, #tpu.memory_space<vmem>> -> memref<64x128xf32, #tpu.memory_space<vmem>>
      %gather3A_1843 = tpu.vector_load_idx %gather3A_1842[%add3A_1832, %add3A_1837] : memref<64x128xf32, #tpu.memory_space<vmem>>[vector<16xi32>, vector<16xi32>], vector<16xf32>,
      %get3A_1844 = arith.index_cast %add3A_1808 : i32 to index
      %get3A_1845 = arith.constant 16 : index
      %get3A_1846 = tpu.vector_load %arg8[%get3A_1844, %get3A_1845] {strides = array<i32>} : memref<416x64xf32, #tpu.memory_space<vmem>>, vector<16xf32>,
      %add3A_1847 = arith.addf %get3A_1846, %gather3A_1843 : vector<16xf32>
      %swap3A_1848 = arith.index_cast %add3A_1808 : i32 to index
      %swap3A_1849 = arith.constant 16 : index
      %swap3A_1850 = tpu.vector_load %arg8[%swap3A_1848, %swap3A_1849] {strides = array<i32>} : memref<416x64xf32, #tpu.memory_space<vmem>>, vector<16xf32>,
      tpu.vector_store %arg8[%swap3A_1848, %swap3A_1849], %add3A_1847 {strides = array<i32>} : memref<416x64xf32, #tpu.memory_space<vmem>>, vector<16xf32>,
      %add3A_1851 = arith.constant 32 : i32
      %add3A_1852 = vector.broadcast %add3A_1851 : i32 to vector<16xi32>
      %add3A_1853 = arith.addi %iota3A, %add3A_1852 : vector<16xi32>
      %mul3A_1854 = arith.constant 0 : i32
      %mul3A_1855 = vector.broadcast %mul3A_1854 : i32 to vector<16xi32>
      %mul3A_1856 = arith.muli %iota3A, %mul3A_1855 : vector<16xi32>
      %add3A_1857 = vector.broadcast %and3A_1806 : i32 to vector<16xi32>
      %add3A_1858 = arith.addi %mul3A_1856, %add3A_1857 : vector<16xi32>
      %gather3A_1859 = arith.constant 1 : i32
      %gather3A_1860 = arith.constant 0 : i32
      %gather3A_1861 = arith.constant 0 : i32
      %gather3A_1862 = tpu.memref_slice %arg7[%gather3A_1859, %gather3A_1860, %gather3A_1861] : memref<4x64x128xf32, #tpu.memory_space<vmem>> -> memref<1x64x128xf32, #tpu.memory_space<vmem>>
      %gather3A_1863 = tpu.memref_squeeze %gather3A_1862 : memref<1x64x128xf32, #tpu.memory_space<vmem>> -> memref<64x128xf32, #tpu.memory_space<vmem>>
      %gather3A_1864 = tpu.vector_load_idx %gather3A_1863[%add3A_1853, %add3A_1858] : memref<64x128xf32, #tpu.memory_space<vmem>>[vector<16xi32>, vector<16xi32>], vector<16xf32>,
      %get3A_1865 = arith.index_cast %add3A_1808 : i32 to index
      %get3A_1866 = arith.constant 32 : index
      %get3A_1867 = tpu.vector_load %arg8[%get3A_1865, %get3A_1866] {strides = array<i32>} : memref<416x64xf32, #tpu.memory_space<vmem>>, vector<16xf32>,
      %add3A_1868 = arith.addf %get3A_1867, %gather3A_1864 : vector<16xf32>
      %swap3A_1869 = arith.index_cast %add3A_1808 : i32 to index
      %swap3A_1870 = arith.constant 32 : index
      %swap3A_1871 = tpu.vector_load %arg8[%swap3A_1869, %swap3A_1870] {strides = array<i32>} : memref<416x64xf32, #tpu.memory_space<vmem>>, vector<16xf32>,
      tpu.vector_store %arg8[%swap3A_1869, %swap3A_1870], %add3A_1868 {strides = array<i32>} : memref<416x64xf32, #tpu.memory_space<vmem>>, vector<16xf32>,
      %add3A_1872 = arith.constant 48 : i32
      %add3A_1873 = vector.broadcast %add3A_1872 : i32 to vector<16xi32>
      %add3A_1874 = arith.addi %iota3A, %add3A_1873 : vector<16xi32>
      %mul3A_1875 = arith.constant 0 : i32
      %mul3A_1876 = vector.broadcast %mul3A_1875 : i32 to vector<16xi32>
      %mul3A_1877 = arith.muli %iota3A, %mul3A_1876 : vector<16xi32>
      %add3A_1878 = vector.broadcast %and3A_1806 : i32 to vector<16xi32>
      %add3A_1879 = arith.addi %mul3A_1877, %add3A_1878 : vector<16xi32>
      %gather3A_1880 = arith.constant 1 : i32
      %gather3A_1881 = arith.constant 0 : i32
      %gather3A_1882 = arith.constant 0 : i32
      %gather3A_1883 = tpu.memref_slice %arg7[%gather3A_1880, %gather3A_1881, %gather3A_1882] : memref<4x64x128xf32, #tpu.memory_space<vmem>> -> memref<1x64x128xf32, #tpu.memory_space<vmem>>
      %gather3A_1884 = tpu.memref_squeeze %gather3A_1883 : memref<1x64x128xf32, #tpu.memory_space<vmem>> -> memref<64x128xf32, #tpu.memory_space<vmem>>
      %gather3A_1885 = tpu.vector_load_idx %gather3A_1884[%add3A_1874, %add3A_1879] : memref<64x128xf32, #tpu.memory_space<vmem>>[vector<16xi32>, vector<16xi32>], vector<16xf32>,
      %get3A_1886 = arith.index_cast %add3A_1808 : i32 to index
      %get3A_1887 = arith.constant 48 : index
      %get3A_1888 = tpu.vector_load %arg8[%get3A_1886, %get3A_1887] {strides = array<i32>} : memref<416x64xf32, #tpu.memory_space<vmem>>, vector<16xf32>,
      %add3A_1889 = arith.addf %get3A_1888, %gather3A_1885 : vector<16xf32>
      %swap3A_1890 = arith.index_cast %add3A_1808 : i32 to index
      %swap3A_1891 = arith.constant 48 : index
      %swap3A_1892 = tpu.vector_load %arg8[%swap3A_1890, %swap3A_1891] {strides = array<i32>} : memref<416x64xf32, #tpu.memory_space<vmem>>, vector<16xf32>,
      tpu.vector_store %arg8[%swap3A_1890, %swap3A_1891], %add3A_1889 {strides = array<i32>} : memref<416x64xf32, #tpu.memory_space<vmem>>, vector<16xf32>,
      %slice3A_1893 = vector.extract_strided_slice %get3A_165 {offsets = [1], sizes = [1], strides = [1]} : vector<16xi32> to vector<1xi32>
      %squeeze3A_1894 = vector.extract %slice3A_1893[0] : i32 from vector<1xi32>
      %shift_right_logical3A_1895 = arith.constant 7 : i32
      %shift_right_logical3A_1896 = arith.shrui %squeeze3A_1894, %shift_right_logical3A_1895 : i32
      %mul3A_1897 = arith.constant 128 : i32
      %mul3A_1898 = arith.muli %shift_right_logical3A_1896, %mul3A_1897 : i32
      %multiple_of3A_1899 = tpu.assume_multiple %mul3A_1898, 128 : i32
      %dma_start3A_1900 = arith.constant 1 : i32
      %dma_start3A_1901 = arith.constant 0 : i32
      %dma_start3A_1902 = arith.constant 0 : i32
      %dma_start3A_1903 = tpu.memref_slice %arg7[%dma_start3A_1900, %dma_start3A_1901, %dma_start3A_1902] : memref<4x64x128xf32, #tpu.memory_space<vmem>> -> memref<1x64x128xf32, #tpu.memory_space<vmem>>
      %dma_start3A_1904 = tpu.memref_squeeze %dma_start3A_1903 : memref<1x64x128xf32, #tpu.memory_space<vmem>> -> memref<64x128xf32, #tpu.memory_space<vmem>>
      %dma_start3A_1905 = arith.constant 0 : i32
      %dma_start3A_1906 = tpu.memref_slice %arg2[%dma_start3A_1905, %multiple_of3A_1899] : memref<64x1000000xf32, #tpu.memory_space<hbm>> -> memref<64x128xf32, #tpu.memory_space<hbm>>
      %dma_start3A_1907 = arith.constant 0 : i32
      %dma_start3A_1908 = arith.constant 0 : i32
      %dma_start3A_1909 = tpu.memref_slice %arg7[%dma_start3A_1900, %dma_start3A_1907, %dma_start3A_1908] : memref<4x64x128xf32, #tpu.memory_space<vmem>> -> memref<1x64x128xf32, #tpu.memory_space<vmem>>
      %dma_start3A_1910 = tpu.memref_squeeze %dma_start3A_1909 : memref<1x64x128xf32, #tpu.memory_space<vmem>> -> memref<64x128xf32, #tpu.memory_space<vmem>>
      %dma_start3A_1911 = arith.constant 0 : i32
      %dma_start3A_1912 = tpu.memref_slice %arg2[%dma_start3A_1911, %multiple_of3A_1899] : memref<64x1000000xf32, #tpu.memory_space<hbm>> -> memref<64x128xf32, #tpu.memory_space<hbm>>
      tpu.enqueue_dma source(%dma_start3A_1912 : memref<64x128xf32, #tpu.memory_space<hbm>>) target(%dma_start3A_1910 : memref<64x128xf32, #tpu.memory_space<vmem>>) target_semaphore(%arg10 : memref<!tpu.dma_semaphore, #tpu.memory_space<semaphore_mem>>)
      %dma_wait3A_1913 = arith.constant 2 : i32
      %dma_wait3A_1914 = arith.constant 0 : i32
      %dma_wait3A_1915 = arith.constant 0 : i32
      %dma_wait3A_1916 = tpu.memref_slice %arg7[%dma_wait3A_1913, %dma_wait3A_1914, %dma_wait3A_1915] : memref<4x64x128xf32, #tpu.memory_space<vmem>> -> memref<1x64x128xf32, #tpu.memory_space<vmem>>
      %dma_wait3A_1917 = tpu.memref_squeeze %dma_wait3A_1916 : memref<1x64x128xf32, #tpu.memory_space<vmem>> -> memref<64x128xf32, #tpu.memory_space<vmem>>
      %dma_wait3A_1918 = arith.constant 0 : i32
      %dma_wait3A_1919 = arith.constant 0 : i32
      %dma_wait3A_1920 = tpu.memref_slice %arg2[%dma_wait3A_1918, %dma_wait3A_1919] : memref<64x1000000xf32, #tpu.memory_space<hbm>> -> memref<64x128xf32, #tpu.memory_space<hbm>>
      %dma_wait3A_1921 = arith.constant 0 : i32
      %dma_wait3A_1922 = arith.constant 0 : i32
      %dma_wait3A_1923 = tpu.memref_slice %arg7[%dma_wait3A_1913, %dma_wait3A_1921, %dma_wait3A_1922] : memref<4x64x128xf32, #tpu.memory_space<vmem>> -> memref<1x64x128xf32, #tpu.memory_space<vmem>>
      %dma_wait3A_1924 = tpu.memref_squeeze %dma_wait3A_1923 : memref<1x64x128xf32, #tpu.memory_space<vmem>> -> memref<64x128xf32, #tpu.memory_space<vmem>>
      %dma_wait3A_1925 = arith.constant 0 : i32
      %dma_wait3A_1926 = arith.constant 0 : i32
      %dma_wait3A_1927 = tpu.memref_slice %arg2[%dma_wait3A_1925, %dma_wait3A_1926] : memref<64x1000000xf32, #tpu.memory_space<hbm>> -> memref<64x128xf32, #tpu.memory_space<hbm>>
      tpu.wait_dma2 semaphore(%arg11 : memref<!tpu.dma_semaphore, #tpu.memory_space<semaphore_mem>>) src(%dma_wait3A_1927 : memref<64x128xf32, #tpu.memory_space<hbm>>) dst(%dma_wait3A_1924 : memref<64x128xf32, #tpu.memory_space<vmem>>)
      %slice3A_1928 = vector.extract_strided_slice %get3A_158 {offsets = [14], sizes = [1], strides = [1]} : vector<16xi32> to vector<1xi32>
      %squeeze3A_1929 = vector.extract %slice3A_1928[0] : i32 from vector<1xi32>
      %and3A_1930 = arith.constant 127 : i32
      %and3A_1931 = arith.andi %squeeze3A_1929, %and3A_1930 : i32
      %add3A_1932 = arith.constant 14 : i32
      %add3A_1933 = arith.addi %mul3A_156, %add3A_1932 : i32
      %add3A_1934 = arith.constant 0 : i32
      %add3A_1935 = vector.broadcast %add3A_1934 : i32 to vector<16xi32>
      %add3A_1936 = arith.addi %iota3A, %add3A_1935 : vector<16xi32>
      %mul3A_1937 = arith.constant 0 : i32
      %mul3A_1938 = vector.broadcast %mul3A_1937 : i32 to vector<16xi32>
      %mul3A_1939 = arith.muli %iota3A, %mul3A_1938 : vector<16xi32>
      %add3A_1940 = vector.broadcast %and3A_1931 : i32 to vector<16xi32>
      %add3A_1941 = arith.addi %mul3A_1939, %add3A_1940 : vector<16xi32>
      %gather3A_1942 = arith.constant 2 : i32
      %gather3A_1943 = arith.constant 0 : i32
      %gather3A_1944 = arith.constant 0 : i32
      %gather3A_1945 = tpu.memref_slice %arg7[%gather3A_1942, %gather3A_1943, %gather3A_1944] : memref<4x64x128xf32, #tpu.memory_space<vmem>> -> memref<1x64x128xf32, #tpu.memory_space<vmem>>
      %gather3A_1946 = tpu.memref_squeeze %gather3A_1945 : memref<1x64x128xf32, #tpu.memory_space<vmem>> -> memref<64x128xf32, #tpu.memory_space<vmem>>
      %gather3A_1947 = tpu.vector_load_idx %gather3A_1946[%add3A_1936, %add3A_1941] : memref<64x128xf32, #tpu.memory_space<vmem>>[vector<16xi32>, vector<16xi32>], vector<16xf32>,
      %get3A_1948 = arith.index_cast %add3A_1933 : i32 to index
      %get3A_1949 = arith.constant 0 : index
      %get3A_1950 = tpu.vector_load %arg8[%get3A_1948, %get3A_1949] {strides = array<i32>} : memref<416x64xf32, #tpu.memory_space<vmem>>, vector<16xf32>,
      %add3A_1951 = arith.addf %get3A_1950, %gather3A_1947 : vector<16xf32>
      %swap3A_1952 = arith.index_cast %add3A_1933 : i32 to index
      %swap3A_1953 = arith.constant 0 : index
      %swap3A_1954 = tpu.vector_load %arg8[%swap3A_1952, %swap3A_1953] {strides = array<i32>} : memref<416x64xf32, #tpu.memory_space<vmem>>, vector<16xf32>,
      tpu.vector_store %arg8[%swap3A_1952, %swap3A_1953], %add3A_1951 {strides = array<i32>} : memref<416x64xf32, #tpu.memory_space<vmem>>, vector<16xf32>,
      %add3A_1955 = arith.constant 16 : i32
      %add3A_1956 = vector.broadcast %add3A_1955 : i32 to vector<16xi32>
      %add3A_1957 = arith.addi %iota3A, %add3A_1956 : vector<16xi32>
      %mul3A_1958 = arith.constant 0 : i32
      %mul3A_1959 = vector.broadcast %mul3A_1958 : i32 to vector<16xi32>
      %mul3A_1960 = arith.muli %iota3A, %mul3A_1959 : vector<16xi32>
      %add3A_1961 = vector.broadcast %and3A_1931 : i32 to vector<16xi32>
      %add3A_1962 = arith.addi %mul3A_1960, %add3A_1961 : vector<16xi32>
      %gather3A_1963 = arith.constant 2 : i32
      %gather3A_1964 = arith.constant 0 : i32
      %gather3A_1965 = arith.constant 0 : i32
      %gather3A_1966 = tpu.memref_slice %arg7[%gather3A_1963, %gather3A_1964, %gather3A_1965] : memref<4x64x128xf32, #tpu.memory_space<vmem>> -> memref<1x64x128xf32, #tpu.memory_space<vmem>>
      %gather3A_1967 = tpu.memref_squeeze %gather3A_1966 : memref<1x64x128xf32, #tpu.memory_space<vmem>> -> memref<64x128xf32, #tpu.memory_space<vmem>>
      %gather3A_1968 = tpu.vector_load_idx %gather3A_1967[%add3A_1957, %add3A_1962] : memref<64x128xf32, #tpu.memory_space<vmem>>[vector<16xi32>, vector<16xi32>], vector<16xf32>,
      %get3A_1969 = arith.index_cast %add3A_1933 : i32 to index
      %get3A_1970 = arith.constant 16 : index
      %get3A_1971 = tpu.vector_load %arg8[%get3A_1969, %get3A_1970] {strides = array<i32>} : memref<416x64xf32, #tpu.memory_space<vmem>>, vector<16xf32>,
      %add3A_1972 = arith.addf %get3A_1971, %gather3A_1968 : vector<16xf32>
      %swap3A_1973 = arith.index_cast %add3A_1933 : i32 to index
      %swap3A_1974 = arith.constant 16 : index
      %swap3A_1975 = tpu.vector_load %arg8[%swap3A_1973, %swap3A_1974] {strides = array<i32>} : memref<416x64xf32, #tpu.memory_space<vmem>>, vector<16xf32>,
      tpu.vector_store %arg8[%swap3A_1973, %swap3A_1974], %add3A_1972 {strides = array<i32>} : memref<416x64xf32, #tpu.memory_space<vmem>>, vector<16xf32>,
      %add3A_1976 = arith.constant 32 : i32
      %add3A_1977 = vector.broadcast %add3A_1976 : i32 to vector<16xi32>
      %add3A_1978 = arith.addi %iota3A, %add3A_1977 : vector<16xi32>
      %mul3A_1979 = arith.constant 0 : i32
      %mul3A_1980 = vector.broadcast %mul3A_1979 : i32 to vector<16xi32>
      %mul3A_1981 = arith.muli %iota3A, %mul3A_1980 : vector<16xi32>
      %add3A_1982 = vector.broadcast %and3A_1931 : i32 to vector<16xi32>
      %add3A_1983 = arith.addi %mul3A_1981, %add3A_1982 : vector<16xi32>
      %gather3A_1984 = arith.constant 2 : i32
      %gather3A_1985 = arith.constant 0 : i32
      %gather3A_1986 = arith.constant 0 : i32
      %gather3A_1987 = tpu.memref_slice %arg7[%gather3A_1984, %gather3A_1985, %gather3A_1986] : memref<4x64x128xf32, #tpu.memory_space<vmem>> -> memref<1x64x128xf32, #tpu.memory_space<vmem>>
      %gather3A_1988 = tpu.memref_squeeze %gather3A_1987 : memref<1x64x128xf32, #tpu.memory_space<vmem>> -> memref<64x128xf32, #tpu.memory_space<vmem>>
      %gather3A_1989 = tpu.vector_load_idx %gather3A_1988[%add3A_1978, %add3A_1983] : memref<64x128xf32, #tpu.memory_space<vmem>>[vector<16xi32>, vector<16xi32>], vector<16xf32>,
      %get3A_1990 = arith.index_cast %add3A_1933 : i32 to index
      %get3A_1991 = arith.constant 32 : index
      %get3A_1992 = tpu.vector_load %arg8[%get3A_1990, %get3A_1991] {strides = array<i32>} : memref<416x64xf32, #tpu.memory_space<vmem>>, vector<16xf32>,
      %add3A_1993 = arith.addf %get3A_1992, %gather3A_1989 : vector<16xf32>
      %swap3A_1994 = arith.index_cast %add3A_1933 : i32 to index
      %swap3A_1995 = arith.constant 32 : index
      %swap3A_1996 = tpu.vector_load %arg8[%swap3A_1994, %swap3A_1995] {strides = array<i32>} : memref<416x64xf32, #tpu.memory_space<vmem>>, vector<16xf32>,
      tpu.vector_store %arg8[%swap3A_1994, %swap3A_1995], %add3A_1993 {strides = array<i32>} : memref<416x64xf32, #tpu.memory_space<vmem>>, vector<16xf32>,
      %add3A_1997 = arith.constant 48 : i32
      %add3A_1998 = vector.broadcast %add3A_1997 : i32 to vector<16xi32>
      %add3A_1999 = arith.addi %iota3A, %add3A_1998 : vector<16xi32>
      %mul3A_2000 = arith.constant 0 : i32
      %mul3A_2001 = vector.broadcast %mul3A_2000 : i32 to vector<16xi32>
      %mul3A_2002 = arith.muli %iota3A, %mul3A_2001 : vector<16xi32>
      %add3A_2003 = vector.broadcast %and3A_1931 : i32 to vector<16xi32>
      %add3A_2004 = arith.addi %mul3A_2002, %add3A_2003 : vector<16xi32>
      %gather3A_2005 = arith.constant 2 : i32
      %gather3A_2006 = arith.constant 0 : i32
      %gather3A_2007 = arith.constant 0 : i32
      %gather3A_2008 = tpu.memref_slice %arg7[%gather3A_2005, %gather3A_2006, %gather3A_2007] : memref<4x64x128xf32, #tpu.memory_space<vmem>> -> memref<1x64x128xf32, #tpu.memory_space<vmem>>
      %gather3A_2009 = tpu.memref_squeeze %gather3A_2008 : memref<1x64x128xf32, #tpu.memory_space<vmem>> -> memref<64x128xf32, #tpu.memory_space<vmem>>
      %gather3A_2010 = tpu.vector_load_idx %gather3A_2009[%add3A_1999, %add3A_2004] : memref<64x128xf32, #tpu.memory_space<vmem>>[vector<16xi32>, vector<16xi32>], vector<16xf32>,
      %get3A_2011 = arith.index_cast %add3A_1933 : i32 to index
      %get3A_2012 = arith.constant 48 : index
      %get3A_2013 = tpu.vector_load %arg8[%get3A_2011, %get3A_2012] {strides = array<i32>} : memref<416x64xf32, #tpu.memory_space<vmem>>, vector<16xf32>,
      %add3A_2014 = arith.addf %get3A_2013, %gather3A_2010 : vector<16xf32>
      %swap3A_2015 = arith.index_cast %add3A_1933 : i32 to index
      %swap3A_2016 = arith.constant 48 : index
      %swap3A_2017 = tpu.vector_load %arg8[%swap3A_2015, %swap3A_2016] {strides = array<i32>} : memref<416x64xf32, #tpu.memory_space<vmem>>, vector<16xf32>,
      tpu.vector_store %arg8[%swap3A_2015, %swap3A_2016], %add3A_2014 {strides = array<i32>} : memref<416x64xf32, #tpu.memory_space<vmem>>, vector<16xf32>,
      %slice3A_2018 = vector.extract_strided_slice %get3A_165 {offsets = [2], sizes = [1], strides = [1]} : vector<16xi32> to vector<1xi32>
      %squeeze3A_2019 = vector.extract %slice3A_2018[0] : i32 from vector<1xi32>
      %shift_right_logical3A_2020 = arith.constant 7 : i32
      %shift_right_logical3A_2021 = arith.shrui %squeeze3A_2019, %shift_right_logical3A_2020 : i32
      %mul3A_2022 = arith.constant 128 : i32
      %mul3A_2023 = arith.muli %shift_right_logical3A_2021, %mul3A_2022 : i32
      %multiple_of3A_2024 = tpu.assume_multiple %mul3A_2023, 128 : i32
      %dma_start3A_2025 = arith.constant 2 : i32
      %dma_start3A_2026 = arith.constant 0 : i32
      %dma_start3A_2027 = arith.constant 0 : i32
      %dma_start3A_2028 = tpu.memref_slice %arg7[%dma_start3A_2025, %dma_start3A_2026, %dma_start3A_2027] : memref<4x64x128xf32, #tpu.memory_space<vmem>> -> memref<1x64x128xf32, #tpu.memory_space<vmem>>
      %dma_start3A_2029 = tpu.memref_squeeze %dma_start3A_2028 : memref<1x64x128xf32, #tpu.memory_space<vmem>> -> memref<64x128xf32, #tpu.memory_space<vmem>>
      %dma_start3A_2030 = arith.constant 0 : i32
      %dma_start3A_2031 = tpu.memref_slice %arg2[%dma_start3A_2030, %multiple_of3A_2024] : memref<64x1000000xf32, #tpu.memory_space<hbm>> -> memref<64x128xf32, #tpu.memory_space<hbm>>
      %dma_start3A_2032 = arith.constant 0 : i32
      %dma_start3A_2033 = arith.constant 0 : i32
      %dma_start3A_2034 = tpu.memref_slice %arg7[%dma_start3A_2025, %dma_start3A_2032, %dma_start3A_2033] : memref<4x64x128xf32, #tpu.memory_space<vmem>> -> memref<1x64x128xf32, #tpu.memory_space<vmem>>
      %dma_start3A_2035 = tpu.memref_squeeze %dma_start3A_2034 : memref<1x64x128xf32, #tpu.memory_space<vmem>> -> memref<64x128xf32, #tpu.memory_space<vmem>>
      %dma_start3A_2036 = arith.constant 0 : i32
      %dma_start3A_2037 = tpu.memref_slice %arg2[%dma_start3A_2036, %multiple_of3A_2024] : memref<64x1000000xf32, #tpu.memory_space<hbm>> -> memref<64x128xf32, #tpu.memory_space<hbm>>
      tpu.enqueue_dma source(%dma_start3A_2037 : memref<64x128xf32, #tpu.memory_space<hbm>>) target(%dma_start3A_2035 : memref<64x128xf32, #tpu.memory_space<vmem>>) target_semaphore(%arg11 : memref<!tpu.dma_semaphore, #tpu.memory_space<semaphore_mem>>)
      %dma_wait3A_2038 = arith.constant 3 : i32
      %dma_wait3A_2039 = arith.constant 0 : i32
      %dma_wait3A_2040 = arith.constant 0 : i32
      %dma_wait3A_2041 = tpu.memref_slice %arg7[%dma_wait3A_2038, %dma_wait3A_2039, %dma_wait3A_2040] : memref<4x64x128xf32, #tpu.memory_space<vmem>> -> memref<1x64x128xf32, #tpu.memory_space<vmem>>
      %dma_wait3A_2042 = tpu.memref_squeeze %dma_wait3A_2041 : memref<1x64x128xf32, #tpu.memory_space<vmem>> -> memref<64x128xf32, #tpu.memory_space<vmem>>
      %dma_wait3A_2043 = arith.constant 0 : i32
      %dma_wait3A_2044 = arith.constant 0 : i32
      %dma_wait3A_2045 = tpu.memref_slice %arg2[%dma_wait3A_2043, %dma_wait3A_2044] : memref<64x1000000xf32, #tpu.memory_space<hbm>> -> memref<64x128xf32, #tpu.memory_space<hbm>>
      %dma_wait3A_2046 = arith.constant 0 : i32
      %dma_wait3A_2047 = arith.constant 0 : i32
      %dma_wait3A_2048 = tpu.memref_slice %arg7[%dma_wait3A_2038, %dma_wait3A_2046, %dma_wait3A_2047] : memref<4x64x128xf32, #tpu.memory_space<vmem>> -> memref<1x64x128xf32, #tpu.memory_space<vmem>>
      %dma_wait3A_2049 = tpu.memref_squeeze %dma_wait3A_2048 : memref<1x64x128xf32, #tpu.memory_space<vmem>> -> memref<64x128xf32, #tpu.memory_space<vmem>>
      %dma_wait3A_2050 = arith.constant 0 : i32
      %dma_wait3A_2051 = arith.constant 0 : i32
      %dma_wait3A_2052 = tpu.memref_slice %arg2[%dma_wait3A_2050, %dma_wait3A_2051] : memref<64x1000000xf32, #tpu.memory_space<hbm>> -> memref<64x128xf32, #tpu.memory_space<hbm>>
      tpu.wait_dma2 semaphore(%arg12 : memref<!tpu.dma_semaphore, #tpu.memory_space<semaphore_mem>>) src(%dma_wait3A_2052 : memref<64x128xf32, #tpu.memory_space<hbm>>) dst(%dma_wait3A_2049 : memref<64x128xf32, #tpu.memory_space<vmem>>)
      %slice3A_2053 = vector.extract_strided_slice %get3A_158 {offsets = [15], sizes = [1], strides = [1]} : vector<16xi32> to vector<1xi32>
      %squeeze3A_2054 = vector.extract %slice3A_2053[0] : i32 from vector<1xi32>
      %and3A_2055 = arith.constant 127 : i32
      %and3A_2056 = arith.andi %squeeze3A_2054, %and3A_2055 : i32
      %add3A_2057 = arith.constant 15 : i32
      %add3A_2058 = arith.addi %mul3A_156, %add3A_2057 : i32
      %add3A_2059 = arith.constant 0 : i32
      %add3A_2060 = vector.broadcast %add3A_2059 : i32 to vector<16xi32>
      %add3A_2061 = arith.addi %iota3A, %add3A_2060 : vector<16xi32>
      %mul3A_2062 = arith.constant 0 : i32
      %mul3A_2063 = vector.broadcast %mul3A_2062 : i32 to vector<16xi32>
      %mul3A_2064 = arith.muli %iota3A, %mul3A_2063 : vector<16xi32>
      %add3A_2065 = vector.broadcast %and3A_2056 : i32 to vector<16xi32>
      %add3A_2066 = arith.addi %mul3A_2064, %add3A_2065 : vector<16xi32>
      %gather3A_2067 = arith.constant 3 : i32
      %gather3A_2068 = arith.constant 0 : i32
      %gather3A_2069 = arith.constant 0 : i32
      %gather3A_2070 = tpu.memref_slice %arg7[%gather3A_2067, %gather3A_2068, %gather3A_2069] : memref<4x64x128xf32, #tpu.memory_space<vmem>> -> memref<1x64x128xf32, #tpu.memory_space<vmem>>
      %gather3A_2071 = tpu.memref_squeeze %gather3A_2070 : memref<1x64x128xf32, #tpu.memory_space<vmem>> -> memref<64x128xf32, #tpu.memory_space<vmem>>
      %gather3A_2072 = tpu.vector_load_idx %gather3A_2071[%add3A_2061, %add3A_2066] : memref<64x128xf32, #tpu.memory_space<vmem>>[vector<16xi32>, vector<16xi32>], vector<16xf32>,
      %get3A_2073 = arith.index_cast %add3A_2058 : i32 to index
      %get3A_2074 = arith.constant 0 : index
      %get3A_2075 = tpu.vector_load %arg8[%get3A_2073, %get3A_2074] {strides = array<i32>} : memref<416x64xf32, #tpu.memory_space<vmem>>, vector<16xf32>,
      %add3A_2076 = arith.addf %get3A_2075, %gather3A_2072 : vector<16xf32>
      %swap3A_2077 = arith.index_cast %add3A_2058 : i32 to index
      %swap3A_2078 = arith.constant 0 : index
      %swap3A_2079 = tpu.vector_load %arg8[%swap3A_2077, %swap3A_2078] {strides = array<i32>} : memref<416x64xf32, #tpu.memory_space<vmem>>, vector<16xf32>,
      tpu.vector_store %arg8[%swap3A_2077, %swap3A_2078], %add3A_2076 {strides = array<i32>} : memref<416x64xf32, #tpu.memory_space<vmem>>, vector<16xf32>,
      %add3A_2080 = arith.constant 16 : i32
      %add3A_2081 = vector.broadcast %add3A_2080 : i32 to vector<16xi32>
      %add3A_2082 = arith.addi %iota3A, %add3A_2081 : vector<16xi32>
      %mul3A_2083 = arith.constant 0 : i32
      %mul3A_2084 = vector.broadcast %mul3A_2083 : i32 to vector<16xi32>
      %mul3A_2085 = arith.muli %iota3A, %mul3A_2084 : vector<16xi32>
      %add3A_2086 = vector.broadcast %and3A_2056 : i32 to vector<16xi32>
      %add3A_2087 = arith.addi %mul3A_2085, %add3A_2086 : vector<16xi32>
      %gather3A_2088 = arith.constant 3 : i32
      %gather3A_2089 = arith.constant 0 : i32
      %gather3A_2090 = arith.constant 0 : i32
      %gather3A_2091 = tpu.memref_slice %arg7[%gather3A_2088, %gather3A_2089, %gather3A_2090] : memref<4x64x128xf32, #tpu.memory_space<vmem>> -> memref<1x64x128xf32, #tpu.memory_space<vmem>>
      %gather3A_2092 = tpu.memref_squeeze %gather3A_2091 : memref<1x64x128xf32, #tpu.memory_space<vmem>> -> memref<64x128xf32, #tpu.memory_space<vmem>>
      %gather3A_2093 = tpu.vector_load_idx %gather3A_2092[%add3A_2082, %add3A_2087] : memref<64x128xf32, #tpu.memory_space<vmem>>[vector<16xi32>, vector<16xi32>], vector<16xf32>,
      %get3A_2094 = arith.index_cast %add3A_2058 : i32 to index
      %get3A_2095 = arith.constant 16 : index
      %get3A_2096 = tpu.vector_load %arg8[%get3A_2094, %get3A_2095] {strides = array<i32>} : memref<416x64xf32, #tpu.memory_space<vmem>>, vector<16xf32>,
      %add3A_2097 = arith.addf %get3A_2096, %gather3A_2093 : vector<16xf32>
      %swap3A_2098 = arith.index_cast %add3A_2058 : i32 to index
      %swap3A_2099 = arith.constant 16 : index
      %swap3A_2100 = tpu.vector_load %arg8[%swap3A_2098, %swap3A_2099] {strides = array<i32>} : memref<416x64xf32, #tpu.memory_space<vmem>>, vector<16xf32>,
      tpu.vector_store %arg8[%swap3A_2098, %swap3A_2099], %add3A_2097 {strides = array<i32>} : memref<416x64xf32, #tpu.memory_space<vmem>>, vector<16xf32>,
      %add3A_2101 = arith.constant 32 : i32
      %add3A_2102 = vector.broadcast %add3A_2101 : i32 to vector<16xi32>
      %add3A_2103 = arith.addi %iota3A, %add3A_2102 : vector<16xi32>
      %mul3A_2104 = arith.constant 0 : i32
      %mul3A_2105 = vector.broadcast %mul3A_2104 : i32 to vector<16xi32>
      %mul3A_2106 = arith.muli %iota3A, %mul3A_2105 : vector<16xi32>
      %add3A_2107 = vector.broadcast %and3A_2056 : i32 to vector<16xi32>
      %add3A_2108 = arith.addi %mul3A_2106, %add3A_2107 : vector<16xi32>
      %gather3A_2109 = arith.constant 3 : i32
      %gather3A_2110 = arith.constant 0 : i32
      %gather3A_2111 = arith.constant 0 : i32
      %gather3A_2112 = tpu.memref_slice %arg7[%gather3A_2109, %gather3A_2110, %gather3A_2111] : memref<4x64x128xf32, #tpu.memory_space<vmem>> -> memref<1x64x128xf32, #tpu.memory_space<vmem>>
      %gather3A_2113 = tpu.memref_squeeze %gather3A_2112 : memref<1x64x128xf32, #tpu.memory_space<vmem>> -> memref<64x128xf32, #tpu.memory_space<vmem>>
      %gather3A_2114 = tpu.vector_load_idx %gather3A_2113[%add3A_2103, %add3A_2108] : memref<64x128xf32, #tpu.memory_space<vmem>>[vector<16xi32>, vector<16xi32>], vector<16xf32>,
      %get3A_2115 = arith.index_cast %add3A_2058 : i32 to index
      %get3A_2116 = arith.constant 32 : index
      %get3A_2117 = tpu.vector_load %arg8[%get3A_2115, %get3A_2116] {strides = array<i32>} : memref<416x64xf32, #tpu.memory_space<vmem>>, vector<16xf32>,
      %add3A_2118 = arith.addf %get3A_2117, %gather3A_2114 : vector<16xf32>
      %swap3A_2119 = arith.index_cast %add3A_2058 : i32 to index
      %swap3A_2120 = arith.constant 32 : index
      %swap3A_2121 = tpu.vector_load %arg8[%swap3A_2119, %swap3A_2120] {strides = array<i32>} : memref<416x64xf32, #tpu.memory_space<vmem>>, vector<16xf32>,
      tpu.vector_store %arg8[%swap3A_2119, %swap3A_2120], %add3A_2118 {strides = array<i32>} : memref<416x64xf32, #tpu.memory_space<vmem>>, vector<16xf32>,
      %add3A_2122 = arith.constant 48 : i32
      %add3A_2123 = vector.broadcast %add3A_2122 : i32 to vector<16xi32>
      %add3A_2124 = arith.addi %iota3A, %add3A_2123 : vector<16xi32>
      %mul3A_2125 = arith.constant 0 : i32
      %mul3A_2126 = vector.broadcast %mul3A_2125 : i32 to vector<16xi32>
      %mul3A_2127 = arith.muli %iota3A, %mul3A_2126 : vector<16xi32>
      %add3A_2128 = vector.broadcast %and3A_2056 : i32 to vector<16xi32>
      %add3A_2129 = arith.addi %mul3A_2127, %add3A_2128 : vector<16xi32>
      %gather3A_2130 = arith.constant 3 : i32
      %gather3A_2131 = arith.constant 0 : i32
      %gather3A_2132 = arith.constant 0 : i32
      %gather3A_2133 = tpu.memref_slice %arg7[%gather3A_2130, %gather3A_2131, %gather3A_2132] : memref<4x64x128xf32, #tpu.memory_space<vmem>> -> memref<1x64x128xf32, #tpu.memory_space<vmem>>
      %gather3A_2134 = tpu.memref_squeeze %gather3A_2133 : memref<1x64x128xf32, #tpu.memory_space<vmem>> -> memref<64x128xf32, #tpu.memory_space<vmem>>
      %gather3A_2135 = tpu.vector_load_idx %gather3A_2134[%add3A_2124, %add3A_2129] : memref<64x128xf32, #tpu.memory_space<vmem>>[vector<16xi32>, vector<16xi32>], vector<16xf32>,
      %get3A_2136 = arith.index_cast %add3A_2058 : i32 to index
      %get3A_2137 = arith.constant 48 : index
      %get3A_2138 = tpu.vector_load %arg8[%get3A_2136, %get3A_2137] {strides = array<i32>} : memref<416x64xf32, #tpu.memory_space<vmem>>, vector<16xf32>,
      %add3A_2139 = arith.addf %get3A_2138, %gather3A_2135 : vector<16xf32>
      %swap3A_2140 = arith.index_cast %add3A_2058 : i32 to index
      %swap3A_2141 = arith.constant 48 : index
      %swap3A_2142 = tpu.vector_load %arg8[%swap3A_2140, %swap3A_2141] {strides = array<i32>} : memref<416x64xf32, #tpu.memory_space<vmem>>, vector<16xf32>,
      tpu.vector_store %arg8[%swap3A_2140, %swap3A_2141], %add3A_2139 {strides = array<i32>} : memref<416x64xf32, #tpu.memory_space<vmem>>, vector<16xf32>,
      %slice3A_2143 = vector.extract_strided_slice %get3A_165 {offsets = [3], sizes = [1], strides = [1]} : vector<16xi32> to vector<1xi32>
      %squeeze3A_2144 = vector.extract %slice3A_2143[0] : i32 from vector<1xi32>
      %shift_right_logical3A_2145 = arith.constant 7 : i32
      %shift_right_logical3A_2146 = arith.shrui %squeeze3A_2144, %shift_right_logical3A_2145 : i32
      %mul3A_2147 = arith.constant 128 : i32
      %mul3A_2148 = arith.muli %shift_right_logical3A_2146, %mul3A_2147 : i32
      %multiple_of3A_2149 = tpu.assume_multiple %mul3A_2148, 128 : i32
      %dma_start3A_2150 = arith.constant 3 : i32
      %dma_start3A_2151 = arith.constant 0 : i32
      %dma_start3A_2152 = arith.constant 0 : i32
      %dma_start3A_2153 = tpu.memref_slice %arg7[%dma_start3A_2150, %dma_start3A_2151, %dma_start3A_2152] : memref<4x64x128xf32, #tpu.memory_space<vmem>> -> memref<1x64x128xf32, #tpu.memory_space<vmem>>
      %dma_start3A_2154 = tpu.memref_squeeze %dma_start3A_2153 : memref<1x64x128xf32, #tpu.memory_space<vmem>> -> memref<64x128xf32, #tpu.memory_space<vmem>>
      %dma_start3A_2155 = arith.constant 0 : i32
      %dma_start3A_2156 = tpu.memref_slice %arg2[%dma_start3A_2155, %multiple_of3A_2149] : memref<64x1000000xf32, #tpu.memory_space<hbm>> -> memref<64x128xf32, #tpu.memory_space<hbm>>
      %dma_start3A_2157 = arith.constant 0 : i32
      %dma_start3A_2158 = arith.constant 0 : i32
      %dma_start3A_2159 = tpu.memref_slice %arg7[%dma_start3A_2150, %dma_start3A_2157, %dma_start3A_2158] : memref<4x64x128xf32, #tpu.memory_space<vmem>> -> memref<1x64x128xf32, #tpu.memory_space<vmem>>
      %dma_start3A_2160 = tpu.memref_squeeze %dma_start3A_2159 : memref<1x64x128xf32, #tpu.memory_space<vmem>> -> memref<64x128xf32, #tpu.memory_space<vmem>>
      %dma_start3A_2161 = arith.constant 0 : i32
      %dma_start3A_2162 = tpu.memref_slice %arg2[%dma_start3A_2161, %multiple_of3A_2149] : memref<64x1000000xf32, #tpu.memory_space<hbm>> -> memref<64x128xf32, #tpu.memory_space<hbm>>
      tpu.enqueue_dma source(%dma_start3A_2162 : memref<64x128xf32, #tpu.memory_space<hbm>>) target(%dma_start3A_2160 : memref<64x128xf32, #tpu.memory_space<vmem>>) target_semaphore(%arg12 : memref<!tpu.dma_semaphore, #tpu.memory_space<semaphore_mem>>)
    }
    %scan3A_89 = arith.constant 26 : i32
    %dma_wait3A_90 = arith.constant 0 : i32
    %dma_wait3A_91 = arith.constant 0 : i32
    %dma_wait3A_92 = arith.constant 0 : i32
    %dma_wait3A_93 = tpu.memref_slice %arg7[%dma_wait3A_90, %dma_wait3A_91, %dma_wait3A_92] : memref<4x64x128xf32, #tpu.memory_space<vmem>> -> memref<1x64x128xf32, #tpu.memory_space<vmem>>
    %dma_wait3A_94 = tpu.memref_squeeze %dma_wait3A_93 : memref<1x64x128xf32, #tpu.memory_space<vmem>> -> memref<64x128xf32, #tpu.memory_space<vmem>>
    %dma_wait3A_95 = arith.constant 0 : i32
    %dma_wait3A_96 = arith.constant 0 : i32
    %dma_wait3A_97 = tpu.memref_slice %arg2[%dma_wait3A_95, %dma_wait3A_96] : memref<64x1000000xf32, #tpu.memory_space<hbm>> -> memref<64x128xf32, #tpu.memory_space<hbm>>
    %dma_wait3A_98 = arith.constant 0 : i32
    %dma_wait3A_99 = arith.constant 0 : i32
    %dma_wait3A_100 = tpu.memref_slice %arg7[%dma_wait3A_90, %dma_wait3A_98, %dma_wait3A_99] : memref<4x64x128xf32, #tpu.memory_space<vmem>> -> memref<1x64x128xf32, #tpu.memory_space<vmem>>
    %dma_wait3A_101 = tpu.memref_squeeze %dma_wait3A_100 : memref<1x64x128xf32, #tpu.memory_space<vmem>> -> memref<64x128xf32, #tpu.memory_space<vmem>>
    %dma_wait3A_102 = arith.constant 0 : i32
    %dma_wait3A_103 = arith.constant 0 : i32
    %dma_wait3A_104 = tpu.memref_slice %arg2[%dma_wait3A_102, %dma_wait3A_103] : memref<64x1000000xf32, #tpu.memory_space<hbm>> -> memref<64x128xf32, #tpu.memory_space<hbm>>
    tpu.wait_dma2 semaphore(%arg9 : memref<!tpu.dma_semaphore, #tpu.memory_space<semaphore_mem>>) src(%dma_wait3A_104 : memref<64x128xf32, #tpu.memory_space<hbm>>) dst(%dma_wait3A_101 : memref<64x128xf32, #tpu.memory_space<vmem>>)
    %dma_wait3A_105 = arith.constant 1 : i32
    %dma_wait3A_106 = arith.constant 0 : i32
    %dma_wait3A_107 = arith.constant 0 : i32
    %dma_wait3A_108 = tpu.memref_slice %arg7[%dma_wait3A_105, %dma_wait3A_106, %dma_wait3A_107] : memref<4x64x128xf32, #tpu.memory_space<vmem>> -> memref<1x64x128xf32, #tpu.memory_space<vmem>>
    %dma_wait3A_109 = tpu.memref_squeeze %dma_wait3A_108 : memref<1x64x128xf32, #tpu.memory_space<vmem>> -> memref<64x128xf32, #tpu.memory_space<vmem>>
    %dma_wait3A_110 = arith.constant 0 : i32
    %dma_wait3A_111 = arith.constant 0 : i32
    %dma_wait3A_112 = tpu.memref_slice %arg2[%dma_wait3A_110, %dma_wait3A_111] : memref<64x1000000xf32, #tpu.memory_space<hbm>> -> memref<64x128xf32, #tpu.memory_space<hbm>>
    %dma_wait3A_113 = arith.constant 0 : i32
    %dma_wait3A_114 = arith.constant 0 : i32
    %dma_wait3A_115 = tpu.memref_slice %arg7[%dma_wait3A_105, %dma_wait3A_113, %dma_wait3A_114] : memref<4x64x128xf32, #tpu.memory_space<vmem>> -> memref<1x64x128xf32, #tpu.memory_space<vmem>>
    %dma_wait3A_116 = tpu.memref_squeeze %dma_wait3A_115 : memref<1x64x128xf32, #tpu.memory_space<vmem>> -> memref<64x128xf32, #tpu.memory_space<vmem>>
    %dma_wait3A_117 = arith.constant 0 : i32
    %dma_wait3A_118 = arith.constant 0 : i32
    %dma_wait3A_119 = tpu.memref_slice %arg2[%dma_wait3A_117, %dma_wait3A_118] : memref<64x1000000xf32, #tpu.memory_space<hbm>> -> memref<64x128xf32, #tpu.memory_space<hbm>>
    tpu.wait_dma2 semaphore(%arg10 : memref<!tpu.dma_semaphore, #tpu.memory_space<semaphore_mem>>) src(%dma_wait3A_119 : memref<64x128xf32, #tpu.memory_space<hbm>>) dst(%dma_wait3A_116 : memref<64x128xf32, #tpu.memory_space<vmem>>)
    %dma_wait3A_120 = arith.constant 2 : i32
    %dma_wait3A_121 = arith.constant 0 : i32
    %dma_wait3A_122 = arith.constant 0 : i32
    %dma_wait3A_123 = tpu.memref_slice %arg7[%dma_wait3A_120, %dma_wait3A_121, %dma_wait3A_122] : memref<4x64x128xf32, #tpu.memory_space<vmem>> -> memref<1x64x128xf32, #tpu.memory_space<vmem>>
    %dma_wait3A_124 = tpu.memref_squeeze %dma_wait3A_123 : memref<1x64x128xf32, #tpu.memory_space<vmem>> -> memref<64x128xf32, #tpu.memory_space<vmem>>
    %dma_wait3A_125 = arith.constant 0 : i32
    %dma_wait3A_126 = arith.constant 0 : i32
    %dma_wait3A_127 = tpu.memref_slice %arg2[%dma_wait3A_125, %dma_wait3A_126] : memref<64x1000000xf32, #tpu.memory_space<hbm>> -> memref<64x128xf32, #tpu.memory_space<hbm>>
    %dma_wait3A_128 = arith.constant 0 : i32
    %dma_wait3A_129 = arith.constant 0 : i32
    %dma_wait3A_130 = tpu.memref_slice %arg7[%dma_wait3A_120, %dma_wait3A_128, %dma_wait3A_129] : memref<4x64x128xf32, #tpu.memory_space<vmem>> -> memref<1x64x128xf32, #tpu.memory_space<vmem>>
    %dma_wait3A_131 = tpu.memref_squeeze %dma_wait3A_130 : memref<1x64x128xf32, #tpu.memory_space<vmem>> -> memref<64x128xf32, #tpu.memory_space<vmem>>
    %dma_wait3A_132 = arith.constant 0 : i32
    %dma_wait3A_133 = arith.constant 0 : i32
    %dma_wait3A_134 = tpu.memref_slice %arg2[%dma_wait3A_132, %dma_wait3A_133] : memref<64x1000000xf32, #tpu.memory_space<hbm>> -> memref<64x128xf32, #tpu.memory_space<hbm>>
    tpu.wait_dma2 semaphore(%arg11 : memref<!tpu.dma_semaphore, #tpu.memory_space<semaphore_mem>>) src(%dma_wait3A_134 : memref<64x128xf32, #tpu.memory_space<hbm>>) dst(%dma_wait3A_131 : memref<64x128xf32, #tpu.memory_space<vmem>>)
    %dma_wait3A_135 = arith.constant 3 : i32
    %dma_wait3A_136 = arith.constant 0 : i32
    %dma_wait3A_137 = arith.constant 0 : i32
    %dma_wait3A_138 = tpu.memref_slice %arg7[%dma_wait3A_135, %dma_wait3A_136, %dma_wait3A_137] : memref<4x64x128xf32, #tpu.memory_space<vmem>> -> memref<1x64x128xf32, #tpu.memory_space<vmem>>
    %dma_wait3A_139 = tpu.memref_squeeze %dma_wait3A_138 : memref<1x64x128xf32, #tpu.memory_space<vmem>> -> memref<64x128xf32, #tpu.memory_space<vmem>>
    %dma_wait3A_140 = arith.constant 0 : i32
    %dma_wait3A_141 = arith.constant 0 : i32
    %dma_wait3A_142 = tpu.memref_slice %arg2[%dma_wait3A_140, %dma_wait3A_141] : memref<64x1000000xf32, #tpu.memory_space<hbm>> -> memref<64x128xf32, #tpu.memory_space<hbm>>
    %dma_wait3A_143 = arith.constant 0 : i32
    %dma_wait3A_144 = arith.constant 0 : i32
    %dma_wait3A_145 = tpu.memref_slice %arg7[%dma_wait3A_135, %dma_wait3A_143, %dma_wait3A_144] : memref<4x64x128xf32, #tpu.memory_space<vmem>> -> memref<1x64x128xf32, #tpu.memory_space<vmem>>
    %dma_wait3A_146 = tpu.memref_squeeze %dma_wait3A_145 : memref<1x64x128xf32, #tpu.memory_space<vmem>> -> memref<64x128xf32, #tpu.memory_space<vmem>>
    %dma_wait3A_147 = arith.constant 0 : i32
    %dma_wait3A_148 = arith.constant 0 : i32
    %dma_wait3A_149 = tpu.memref_slice %arg2[%dma_wait3A_147, %dma_wait3A_148] : memref<64x1000000xf32, #tpu.memory_space<hbm>> -> memref<64x128xf32, #tpu.memory_space<hbm>>
    tpu.wait_dma2 semaphore(%arg12 : memref<!tpu.dma_semaphore, #tpu.memory_space<semaphore_mem>>) src(%dma_wait3A_149 : memref<64x128xf32, #tpu.memory_space<hbm>>) dst(%dma_wait3A_146 : memref<64x128xf32, #tpu.memory_space<vmem>>)
    "tpu.region"() ({
      %run_scoped3A = tpu.sem_alloc : memref<!tpu.dma_semaphore, #tpu.memory_space<semaphore_mem>>
      %dma_start3A_150 = arith.constant 0 : i32
      %dma_start3A_151 = tpu.memref_slice %arg5[%mul3A_2, %dma_start3A_150] : memref<13312x64xf32, #tpu.memory_space<hbm>> -> memref<416x64xf32, #tpu.memory_space<hbm>>
      %dma_start3A_152 = arith.constant 0 : i32
      %dma_start3A_153 = tpu.memref_slice %arg5[%mul3A_2, %dma_start3A_152] : memref<13312x64xf32, #tpu.memory_space<hbm>> -> memref<416x64xf32, #tpu.memory_space<hbm>>
      tpu.enqueue_dma source(%arg8 : memref<416x64xf32, #tpu.memory_space<vmem>>) target(%dma_start3A_153 : memref<416x64xf32, #tpu.memory_space<hbm>>) target_semaphore(%run_scoped3A : memref<!tpu.dma_semaphore, #tpu.memory_space<semaphore_mem>>)
      %dma_wait3A_154 = arith.constant 0 : i32
      %dma_wait3A_155 = tpu.memref_slice %arg5[%mul3A_2, %dma_wait3A_154] : memref<13312x64xf32, #tpu.memory_space<hbm>> -> memref<416x64xf32, #tpu.memory_space<hbm>>
      %dma_wait3A_156 = arith.constant 0 : i32
      %dma_wait3A_157 = tpu.memref_slice %arg5[%mul3A_2, %dma_wait3A_156] : memref<13312x64xf32, #tpu.memory_space<hbm>> -> memref<416x64xf32, #tpu.memory_space<hbm>>
      tpu.wait_dma2 semaphore(%run_scoped3A : memref<!tpu.dma_semaphore, #tpu.memory_space<semaphore_mem>>) src(%arg8 : memref<416x64xf32, #tpu.memory_space<vmem>>) dst(%dma_wait3A_157 : memref<416x64xf32, #tpu.memory_space<hbm>>)
      tpu.yield
    }) : () -> ()
    return
  }
}

module attributes {stable_mosaic.version = 14 : i64} {
  func.func @_tc_body(%arg0: i32, %arg1: memref<3072xi32, #tpu.memory_space<smem>>, %arg2: memref<64x1000000xf32, #tpu.memory_space<any>>, %arg3: memref<3072x64xf32, #tpu.memory_space<vmem>>, %arg4: memref<3072x64xf32, #tpu.memory_space<vmem>>, %arg5: memref<2x16x64x128xf32, #tpu.memory_space<vmem>>, %arg6: memref<2x16x!tpu.dma_semaphore, #tpu.memory_space<semaphore_mem>>) attributes {dimension_semantics = [#tpu.dimension_semantics<arbitrary>], iteration_bounds = array<i64: 1>, scalar_prefetch = 1 : i64, scratch_operands = 2 : i64, tpu.core_type = #tpu.core_type<tc>, window_params = [{}, {pipeline_mode = #tpu.pipeline_mode<synchronous>, transform_indices = @transform_1, window_bounds = array<i64: 3072, 64>}, {pipeline_mode = #tpu.pipeline_mode<synchronous>, transform_indices = @transform_2, window_bounds = array<i64: 3072, 64>}]} {
    %get3A = arith.constant 0 : index
    %get3A_0 = memref.load %arg1[%get3A] : memref<3072xi32, #tpu.memory_space<smem>>
    %shift_right_logical3A = arith.constant 7 : i32
    %shift_right_logical3A_1 = arith.shrui %get3A_0, %shift_right_logical3A : i32
    %mul3A = arith.constant 2 : i32
    %mul3A_2 = arith.muli %shift_right_logical3A_1, %mul3A : i32
    %mul3A_3 = arith.constant 64 : i32
    %mul3A_4 = arith.muli %mul3A_2, %mul3A_3 : i32
    %multiple_of3A = tpu.assume_multiple %mul3A_4, 128 : i32
    %dma_start3A = arith.constant 0 : i32
    %dma_start3A_5 = arith.constant 0 : i32
    %dma_start3A_6 = arith.constant 0 : i32
    %dma_start3A_7 = arith.constant 0 : i32
    %dma_start3A_8 = tpu.memref_slice %arg6[%dma_start3A_6, %dma_start3A_7] : memref<2x16x!tpu.dma_semaphore, #tpu.memory_space<semaphore_mem>> -> memref<1x1x!tpu.dma_semaphore, #tpu.memory_space<semaphore_mem>>
    %dma_start3A_9 = tpu.memref_squeeze %dma_start3A_8 : memref<1x1x!tpu.dma_semaphore, #tpu.memory_space<semaphore_mem>> -> memref<!tpu.dma_semaphore, #tpu.memory_space<semaphore_mem>>
    %dma_start3A_10 = arith.constant 0 : i32
    %dma_start3A_11 = arith.constant 0 : i32
    %dma_start3A_12 = tpu.memref_slice %arg5[%dma_start3A, %dma_start3A_5, %dma_start3A_10, %dma_start3A_11] : memref<2x16x64x128xf32, #tpu.memory_space<vmem>> -> memref<1x1x64x128xf32, #tpu.memory_space<vmem>>
    %dma_start3A_13 = tpu.memref_squeeze %dma_start3A_12 : memref<1x1x64x128xf32, #tpu.memory_space<vmem>> -> memref<64x128xf32, #tpu.memory_space<vmem>>
    %dma_start3A_14 = arith.constant 0 : i32
    %dma_start3A_15 = tpu.memref_slice %arg2[%dma_start3A_14, %multiple_of3A] : memref<64x1000000xf32, #tpu.memory_space<any>> -> memref<64x128xf32, #tpu.memory_space<any>>
    tpu.enqueue_dma source(%dma_start3A_15 : memref<64x128xf32, #tpu.memory_space<any>>) target(%dma_start3A_13 : memref<64x128xf32, #tpu.memory_space<vmem>>) target_semaphore(%dma_start3A_9 : memref<!tpu.dma_semaphore, #tpu.memory_space<semaphore_mem>>)
    %get3A_16 = arith.constant 1 : index
    %get3A_17 = memref.load %arg1[%get3A_16] : memref<3072xi32, #tpu.memory_space<smem>>
    %shift_right_logical3A_18 = arith.constant 7 : i32
    %shift_right_logical3A_19 = arith.shrui %get3A_17, %shift_right_logical3A_18 : i32
    %mul3A_20 = arith.constant 2 : i32
    %mul3A_21 = arith.muli %shift_right_logical3A_19, %mul3A_20 : i32
    %mul3A_22 = arith.constant 64 : i32
    %mul3A_23 = arith.muli %mul3A_21, %mul3A_22 : i32
    %multiple_of3A_24 = tpu.assume_multiple %mul3A_23, 128 : i32
    %dma_start3A_25 = arith.constant 0 : i32
    %dma_start3A_26 = arith.constant 1 : i32
    %dma_start3A_27 = arith.constant 0 : i32
    %dma_start3A_28 = arith.constant 1 : i32
    %dma_start3A_29 = tpu.memref_slice %arg6[%dma_start3A_27, %dma_start3A_28] : memref<2x16x!tpu.dma_semaphore, #tpu.memory_space<semaphore_mem>> -> memref<1x1x!tpu.dma_semaphore, #tpu.memory_space<semaphore_mem>>
    %dma_start3A_30 = tpu.memref_squeeze %dma_start3A_29 : memref<1x1x!tpu.dma_semaphore, #tpu.memory_space<semaphore_mem>> -> memref<!tpu.dma_semaphore, #tpu.memory_space<semaphore_mem>>
    %dma_start3A_31 = arith.constant 0 : i32
    %dma_start3A_32 = arith.constant 0 : i32
    %dma_start3A_33 = tpu.memref_slice %arg5[%dma_start3A_25, %dma_start3A_26, %dma_start3A_31, %dma_start3A_32] : memref<2x16x64x128xf32, #tpu.memory_space<vmem>> -> memref<1x1x64x128xf32, #tpu.memory_space<vmem>>
    %dma_start3A_34 = tpu.memref_squeeze %dma_start3A_33 : memref<1x1x64x128xf32, #tpu.memory_space<vmem>> -> memref<64x128xf32, #tpu.memory_space<vmem>>
    %dma_start3A_35 = arith.constant 0 : i32
    %dma_start3A_36 = tpu.memref_slice %arg2[%dma_start3A_35, %multiple_of3A_24] : memref<64x1000000xf32, #tpu.memory_space<any>> -> memref<64x128xf32, #tpu.memory_space<any>>
    tpu.enqueue_dma source(%dma_start3A_36 : memref<64x128xf32, #tpu.memory_space<any>>) target(%dma_start3A_34 : memref<64x128xf32, #tpu.memory_space<vmem>>) target_semaphore(%dma_start3A_30 : memref<!tpu.dma_semaphore, #tpu.memory_space<semaphore_mem>>)
    %get3A_37 = arith.constant 2 : index
    %get3A_38 = memref.load %arg1[%get3A_37] : memref<3072xi32, #tpu.memory_space<smem>>
    %shift_right_logical3A_39 = arith.constant 7 : i32
    %shift_right_logical3A_40 = arith.shrui %get3A_38, %shift_right_logical3A_39 : i32
    %mul3A_41 = arith.constant 2 : i32
    %mul3A_42 = arith.muli %shift_right_logical3A_40, %mul3A_41 : i32
    %mul3A_43 = arith.constant 64 : i32
    %mul3A_44 = arith.muli %mul3A_42, %mul3A_43 : i32
    %multiple_of3A_45 = tpu.assume_multiple %mul3A_44, 128 : i32
    %dma_start3A_46 = arith.constant 0 : i32
    %dma_start3A_47 = arith.constant 2 : i32
    %dma_start3A_48 = arith.constant 0 : i32
    %dma_start3A_49 = arith.constant 2 : i32
    %dma_start3A_50 = tpu.memref_slice %arg6[%dma_start3A_48, %dma_start3A_49] : memref<2x16x!tpu.dma_semaphore, #tpu.memory_space<semaphore_mem>> -> memref<1x1x!tpu.dma_semaphore, #tpu.memory_space<semaphore_mem>>
    %dma_start3A_51 = tpu.memref_squeeze %dma_start3A_50 : memref<1x1x!tpu.dma_semaphore, #tpu.memory_space<semaphore_mem>> -> memref<!tpu.dma_semaphore, #tpu.memory_space<semaphore_mem>>
    %dma_start3A_52 = arith.constant 0 : i32
    %dma_start3A_53 = arith.constant 0 : i32
    %dma_start3A_54 = tpu.memref_slice %arg5[%dma_start3A_46, %dma_start3A_47, %dma_start3A_52, %dma_start3A_53] : memref<2x16x64x128xf32, #tpu.memory_space<vmem>> -> memref<1x1x64x128xf32, #tpu.memory_space<vmem>>
    %dma_start3A_55 = tpu.memref_squeeze %dma_start3A_54 : memref<1x1x64x128xf32, #tpu.memory_space<vmem>> -> memref<64x128xf32, #tpu.memory_space<vmem>>
    %dma_start3A_56 = arith.constant 0 : i32
    %dma_start3A_57 = tpu.memref_slice %arg2[%dma_start3A_56, %multiple_of3A_45] : memref<64x1000000xf32, #tpu.memory_space<any>> -> memref<64x128xf32, #tpu.memory_space<any>>
    tpu.enqueue_dma source(%dma_start3A_57 : memref<64x128xf32, #tpu.memory_space<any>>) target(%dma_start3A_55 : memref<64x128xf32, #tpu.memory_space<vmem>>) target_semaphore(%dma_start3A_51 : memref<!tpu.dma_semaphore, #tpu.memory_space<semaphore_mem>>)
    %get3A_58 = arith.constant 3 : index
    %get3A_59 = memref.load %arg1[%get3A_58] : memref<3072xi32, #tpu.memory_space<smem>>
    %shift_right_logical3A_60 = arith.constant 7 : i32
    %shift_right_logical3A_61 = arith.shrui %get3A_59, %shift_right_logical3A_60 : i32
    %mul3A_62 = arith.constant 2 : i32
    %mul3A_63 = arith.muli %shift_right_logical3A_61, %mul3A_62 : i32
    %mul3A_64 = arith.constant 64 : i32
    %mul3A_65 = arith.muli %mul3A_63, %mul3A_64 : i32
    %multiple_of3A_66 = tpu.assume_multiple %mul3A_65, 128 : i32
    %dma_start3A_67 = arith.constant 0 : i32
    %dma_start3A_68 = arith.constant 3 : i32
    %dma_start3A_69 = arith.constant 0 : i32
    %dma_start3A_70 = arith.constant 3 : i32
    %dma_start3A_71 = tpu.memref_slice %arg6[%dma_start3A_69, %dma_start3A_70] : memref<2x16x!tpu.dma_semaphore, #tpu.memory_space<semaphore_mem>> -> memref<1x1x!tpu.dma_semaphore, #tpu.memory_space<semaphore_mem>>
    %dma_start3A_72 = tpu.memref_squeeze %dma_start3A_71 : memref<1x1x!tpu.dma_semaphore, #tpu.memory_space<semaphore_mem>> -> memref<!tpu.dma_semaphore, #tpu.memory_space<semaphore_mem>>
    %dma_start3A_73 = arith.constant 0 : i32
    %dma_start3A_74 = arith.constant 0 : i32
    %dma_start3A_75 = tpu.memref_slice %arg5[%dma_start3A_67, %dma_start3A_68, %dma_start3A_73, %dma_start3A_74] : memref<2x16x64x128xf32, #tpu.memory_space<vmem>> -> memref<1x1x64x128xf32, #tpu.memory_space<vmem>>
    %dma_start3A_76 = tpu.memref_squeeze %dma_start3A_75 : memref<1x1x64x128xf32, #tpu.memory_space<vmem>> -> memref<64x128xf32, #tpu.memory_space<vmem>>
    %dma_start3A_77 = arith.constant 0 : i32
    %dma_start3A_78 = tpu.memref_slice %arg2[%dma_start3A_77, %multiple_of3A_66] : memref<64x1000000xf32, #tpu.memory_space<any>> -> memref<64x128xf32, #tpu.memory_space<any>>
    tpu.enqueue_dma source(%dma_start3A_78 : memref<64x128xf32, #tpu.memory_space<any>>) target(%dma_start3A_76 : memref<64x128xf32, #tpu.memory_space<vmem>>) target_semaphore(%dma_start3A_72 : memref<!tpu.dma_semaphore, #tpu.memory_space<semaphore_mem>>)
    %get3A_79 = arith.constant 4 : index
    %get3A_80 = memref.load %arg1[%get3A_79] : memref<3072xi32, #tpu.memory_space<smem>>
    %shift_right_logical3A_81 = arith.constant 7 : i32
    %shift_right_logical3A_82 = arith.shrui %get3A_80, %shift_right_logical3A_81 : i32
    %mul3A_83 = arith.constant 2 : i32
    %mul3A_84 = arith.muli %shift_right_logical3A_82, %mul3A_83 : i32
    %mul3A_85 = arith.constant 64 : i32
    %mul3A_86 = arith.muli %mul3A_84, %mul3A_85 : i32
    %multiple_of3A_87 = tpu.assume_multiple %mul3A_86, 128 : i32
    %dma_start3A_88 = arith.constant 0 : i32
    %dma_start3A_89 = arith.constant 4 : i32
    %dma_start3A_90 = arith.constant 0 : i32
    %dma_start3A_91 = arith.constant 4 : i32
    %dma_start3A_92 = tpu.memref_slice %arg6[%dma_start3A_90, %dma_start3A_91] : memref<2x16x!tpu.dma_semaphore, #tpu.memory_space<semaphore_mem>> -> memref<1x1x!tpu.dma_semaphore, #tpu.memory_space<semaphore_mem>>
    %dma_start3A_93 = tpu.memref_squeeze %dma_start3A_92 : memref<1x1x!tpu.dma_semaphore, #tpu.memory_space<semaphore_mem>> -> memref<!tpu.dma_semaphore, #tpu.memory_space<semaphore_mem>>
    %dma_start3A_94 = arith.constant 0 : i32
    %dma_start3A_95 = arith.constant 0 : i32
    %dma_start3A_96 = tpu.memref_slice %arg5[%dma_start3A_88, %dma_start3A_89, %dma_start3A_94, %dma_start3A_95] : memref<2x16x64x128xf32, #tpu.memory_space<vmem>> -> memref<1x1x64x128xf32, #tpu.memory_space<vmem>>
    %dma_start3A_97 = tpu.memref_squeeze %dma_start3A_96 : memref<1x1x64x128xf32, #tpu.memory_space<vmem>> -> memref<64x128xf32, #tpu.memory_space<vmem>>
    %dma_start3A_98 = arith.constant 0 : i32
    %dma_start3A_99 = tpu.memref_slice %arg2[%dma_start3A_98, %multiple_of3A_87] : memref<64x1000000xf32, #tpu.memory_space<any>> -> memref<64x128xf32, #tpu.memory_space<any>>
    tpu.enqueue_dma source(%dma_start3A_99 : memref<64x128xf32, #tpu.memory_space<any>>) target(%dma_start3A_97 : memref<64x128xf32, #tpu.memory_space<vmem>>) target_semaphore(%dma_start3A_93 : memref<!tpu.dma_semaphore, #tpu.memory_space<semaphore_mem>>)
    %get3A_100 = arith.constant 5 : index
    %get3A_101 = memref.load %arg1[%get3A_100] : memref<3072xi32, #tpu.memory_space<smem>>
    %shift_right_logical3A_102 = arith.constant 7 : i32
    %shift_right_logical3A_103 = arith.shrui %get3A_101, %shift_right_logical3A_102 : i32
    %mul3A_104 = arith.constant 2 : i32
    %mul3A_105 = arith.muli %shift_right_logical3A_103, %mul3A_104 : i32
    %mul3A_106 = arith.constant 64 : i32
    %mul3A_107 = arith.muli %mul3A_105, %mul3A_106 : i32
    %multiple_of3A_108 = tpu.assume_multiple %mul3A_107, 128 : i32
    %dma_start3A_109 = arith.constant 0 : i32
    %dma_start3A_110 = arith.constant 5 : i32
    %dma_start3A_111 = arith.constant 0 : i32
    %dma_start3A_112 = arith.constant 5 : i32
    %dma_start3A_113 = tpu.memref_slice %arg6[%dma_start3A_111, %dma_start3A_112] : memref<2x16x!tpu.dma_semaphore, #tpu.memory_space<semaphore_mem>> -> memref<1x1x!tpu.dma_semaphore, #tpu.memory_space<semaphore_mem>>
    %dma_start3A_114 = tpu.memref_squeeze %dma_start3A_113 : memref<1x1x!tpu.dma_semaphore, #tpu.memory_space<semaphore_mem>> -> memref<!tpu.dma_semaphore, #tpu.memory_space<semaphore_mem>>
    %dma_start3A_115 = arith.constant 0 : i32
    %dma_start3A_116 = arith.constant 0 : i32
    %dma_start3A_117 = tpu.memref_slice %arg5[%dma_start3A_109, %dma_start3A_110, %dma_start3A_115, %dma_start3A_116] : memref<2x16x64x128xf32, #tpu.memory_space<vmem>> -> memref<1x1x64x128xf32, #tpu.memory_space<vmem>>
    %dma_start3A_118 = tpu.memref_squeeze %dma_start3A_117 : memref<1x1x64x128xf32, #tpu.memory_space<vmem>> -> memref<64x128xf32, #tpu.memory_space<vmem>>
    %dma_start3A_119 = arith.constant 0 : i32
    %dma_start3A_120 = tpu.memref_slice %arg2[%dma_start3A_119, %multiple_of3A_108] : memref<64x1000000xf32, #tpu.memory_space<any>> -> memref<64x128xf32, #tpu.memory_space<any>>
    tpu.enqueue_dma source(%dma_start3A_120 : memref<64x128xf32, #tpu.memory_space<any>>) target(%dma_start3A_118 : memref<64x128xf32, #tpu.memory_space<vmem>>) target_semaphore(%dma_start3A_114 : memref<!tpu.dma_semaphore, #tpu.memory_space<semaphore_mem>>)
    %get3A_121 = arith.constant 6 : index
    %get3A_122 = memref.load %arg1[%get3A_121] : memref<3072xi32, #tpu.memory_space<smem>>
    %shift_right_logical3A_123 = arith.constant 7 : i32
    %shift_right_logical3A_124 = arith.shrui %get3A_122, %shift_right_logical3A_123 : i32
    %mul3A_125 = arith.constant 2 : i32
    %mul3A_126 = arith.muli %shift_right_logical3A_124, %mul3A_125 : i32
    %mul3A_127 = arith.constant 64 : i32
    %mul3A_128 = arith.muli %mul3A_126, %mul3A_127 : i32
    %multiple_of3A_129 = tpu.assume_multiple %mul3A_128, 128 : i32
    %dma_start3A_130 = arith.constant 0 : i32
    %dma_start3A_131 = arith.constant 6 : i32
    %dma_start3A_132 = arith.constant 0 : i32
    %dma_start3A_133 = arith.constant 6 : i32
    %dma_start3A_134 = tpu.memref_slice %arg6[%dma_start3A_132, %dma_start3A_133] : memref<2x16x!tpu.dma_semaphore, #tpu.memory_space<semaphore_mem>> -> memref<1x1x!tpu.dma_semaphore, #tpu.memory_space<semaphore_mem>>
    %dma_start3A_135 = tpu.memref_squeeze %dma_start3A_134 : memref<1x1x!tpu.dma_semaphore, #tpu.memory_space<semaphore_mem>> -> memref<!tpu.dma_semaphore, #tpu.memory_space<semaphore_mem>>
    %dma_start3A_136 = arith.constant 0 : i32
    %dma_start3A_137 = arith.constant 0 : i32
    %dma_start3A_138 = tpu.memref_slice %arg5[%dma_start3A_130, %dma_start3A_131, %dma_start3A_136, %dma_start3A_137] : memref<2x16x64x128xf32, #tpu.memory_space<vmem>> -> memref<1x1x64x128xf32, #tpu.memory_space<vmem>>
    %dma_start3A_139 = tpu.memref_squeeze %dma_start3A_138 : memref<1x1x64x128xf32, #tpu.memory_space<vmem>> -> memref<64x128xf32, #tpu.memory_space<vmem>>
    %dma_start3A_140 = arith.constant 0 : i32
    %dma_start3A_141 = tpu.memref_slice %arg2[%dma_start3A_140, %multiple_of3A_129] : memref<64x1000000xf32, #tpu.memory_space<any>> -> memref<64x128xf32, #tpu.memory_space<any>>
    tpu.enqueue_dma source(%dma_start3A_141 : memref<64x128xf32, #tpu.memory_space<any>>) target(%dma_start3A_139 : memref<64x128xf32, #tpu.memory_space<vmem>>) target_semaphore(%dma_start3A_135 : memref<!tpu.dma_semaphore, #tpu.memory_space<semaphore_mem>>)
    %get3A_142 = arith.constant 7 : index
    %get3A_143 = memref.load %arg1[%get3A_142] : memref<3072xi32, #tpu.memory_space<smem>>
    %shift_right_logical3A_144 = arith.constant 7 : i32
    %shift_right_logical3A_145 = arith.shrui %get3A_143, %shift_right_logical3A_144 : i32
    %mul3A_146 = arith.constant 2 : i32
    %mul3A_147 = arith.muli %shift_right_logical3A_145, %mul3A_146 : i32
    %mul3A_148 = arith.constant 64 : i32
    %mul3A_149 = arith.muli %mul3A_147, %mul3A_148 : i32
    %multiple_of3A_150 = tpu.assume_multiple %mul3A_149, 128 : i32
    %dma_start3A_151 = arith.constant 0 : i32
    %dma_start3A_152 = arith.constant 7 : i32
    %dma_start3A_153 = arith.constant 0 : i32
    %dma_start3A_154 = arith.constant 7 : i32
    %dma_start3A_155 = tpu.memref_slice %arg6[%dma_start3A_153, %dma_start3A_154] : memref<2x16x!tpu.dma_semaphore, #tpu.memory_space<semaphore_mem>> -> memref<1x1x!tpu.dma_semaphore, #tpu.memory_space<semaphore_mem>>
    %dma_start3A_156 = tpu.memref_squeeze %dma_start3A_155 : memref<1x1x!tpu.dma_semaphore, #tpu.memory_space<semaphore_mem>> -> memref<!tpu.dma_semaphore, #tpu.memory_space<semaphore_mem>>
    %dma_start3A_157 = arith.constant 0 : i32
    %dma_start3A_158 = arith.constant 0 : i32
    %dma_start3A_159 = tpu.memref_slice %arg5[%dma_start3A_151, %dma_start3A_152, %dma_start3A_157, %dma_start3A_158] : memref<2x16x64x128xf32, #tpu.memory_space<vmem>> -> memref<1x1x64x128xf32, #tpu.memory_space<vmem>>
    %dma_start3A_160 = tpu.memref_squeeze %dma_start3A_159 : memref<1x1x64x128xf32, #tpu.memory_space<vmem>> -> memref<64x128xf32, #tpu.memory_space<vmem>>
    %dma_start3A_161 = arith.constant 0 : i32
    %dma_start3A_162 = tpu.memref_slice %arg2[%dma_start3A_161, %multiple_of3A_150] : memref<64x1000000xf32, #tpu.memory_space<any>> -> memref<64x128xf32, #tpu.memory_space<any>>
    tpu.enqueue_dma source(%dma_start3A_162 : memref<64x128xf32, #tpu.memory_space<any>>) target(%dma_start3A_160 : memref<64x128xf32, #tpu.memory_space<vmem>>) target_semaphore(%dma_start3A_156 : memref<!tpu.dma_semaphore, #tpu.memory_space<semaphore_mem>>)
    %get3A_163 = arith.constant 8 : index
    %get3A_164 = memref.load %arg1[%get3A_163] : memref<3072xi32, #tpu.memory_space<smem>>
    %shift_right_logical3A_165 = arith.constant 7 : i32
    %shift_right_logical3A_166 = arith.shrui %get3A_164, %shift_right_logical3A_165 : i32
    %mul3A_167 = arith.constant 2 : i32
    %mul3A_168 = arith.muli %shift_right_logical3A_166, %mul3A_167 : i32
    %mul3A_169 = arith.constant 64 : i32
    %mul3A_170 = arith.muli %mul3A_168, %mul3A_169 : i32
    %multiple_of3A_171 = tpu.assume_multiple %mul3A_170, 128 : i32
    %dma_start3A_172 = arith.constant 0 : i32
    %dma_start3A_173 = arith.constant 8 : i32
    %dma_start3A_174 = arith.constant 0 : i32
    %dma_start3A_175 = arith.constant 8 : i32
    %dma_start3A_176 = tpu.memref_slice %arg6[%dma_start3A_174, %dma_start3A_175] : memref<2x16x!tpu.dma_semaphore, #tpu.memory_space<semaphore_mem>> -> memref<1x1x!tpu.dma_semaphore, #tpu.memory_space<semaphore_mem>>
    %dma_start3A_177 = tpu.memref_squeeze %dma_start3A_176 : memref<1x1x!tpu.dma_semaphore, #tpu.memory_space<semaphore_mem>> -> memref<!tpu.dma_semaphore, #tpu.memory_space<semaphore_mem>>
    %dma_start3A_178 = arith.constant 0 : i32
    %dma_start3A_179 = arith.constant 0 : i32
    %dma_start3A_180 = tpu.memref_slice %arg5[%dma_start3A_172, %dma_start3A_173, %dma_start3A_178, %dma_start3A_179] : memref<2x16x64x128xf32, #tpu.memory_space<vmem>> -> memref<1x1x64x128xf32, #tpu.memory_space<vmem>>
    %dma_start3A_181 = tpu.memref_squeeze %dma_start3A_180 : memref<1x1x64x128xf32, #tpu.memory_space<vmem>> -> memref<64x128xf32, #tpu.memory_space<vmem>>
    %dma_start3A_182 = arith.constant 0 : i32
    %dma_start3A_183 = tpu.memref_slice %arg2[%dma_start3A_182, %multiple_of3A_171] : memref<64x1000000xf32, #tpu.memory_space<any>> -> memref<64x128xf32, #tpu.memory_space<any>>
    tpu.enqueue_dma source(%dma_start3A_183 : memref<64x128xf32, #tpu.memory_space<any>>) target(%dma_start3A_181 : memref<64x128xf32, #tpu.memory_space<vmem>>) target_semaphore(%dma_start3A_177 : memref<!tpu.dma_semaphore, #tpu.memory_space<semaphore_mem>>)
    %get3A_184 = arith.constant 9 : index
    %get3A_185 = memref.load %arg1[%get3A_184] : memref<3072xi32, #tpu.memory_space<smem>>
    %shift_right_logical3A_186 = arith.constant 7 : i32
    %shift_right_logical3A_187 = arith.shrui %get3A_185, %shift_right_logical3A_186 : i32
    %mul3A_188 = arith.constant 2 : i32
    %mul3A_189 = arith.muli %shift_right_logical3A_187, %mul3A_188 : i32
    %mul3A_190 = arith.constant 64 : i32
    %mul3A_191 = arith.muli %mul3A_189, %mul3A_190 : i32
    %multiple_of3A_192 = tpu.assume_multiple %mul3A_191, 128 : i32
    %dma_start3A_193 = arith.constant 0 : i32
    %dma_start3A_194 = arith.constant 9 : i32
    %dma_start3A_195 = arith.constant 0 : i32
    %dma_start3A_196 = arith.constant 9 : i32
    %dma_start3A_197 = tpu.memref_slice %arg6[%dma_start3A_195, %dma_start3A_196] : memref<2x16x!tpu.dma_semaphore, #tpu.memory_space<semaphore_mem>> -> memref<1x1x!tpu.dma_semaphore, #tpu.memory_space<semaphore_mem>>
    %dma_start3A_198 = tpu.memref_squeeze %dma_start3A_197 : memref<1x1x!tpu.dma_semaphore, #tpu.memory_space<semaphore_mem>> -> memref<!tpu.dma_semaphore, #tpu.memory_space<semaphore_mem>>
    %dma_start3A_199 = arith.constant 0 : i32
    %dma_start3A_200 = arith.constant 0 : i32
    %dma_start3A_201 = tpu.memref_slice %arg5[%dma_start3A_193, %dma_start3A_194, %dma_start3A_199, %dma_start3A_200] : memref<2x16x64x128xf32, #tpu.memory_space<vmem>> -> memref<1x1x64x128xf32, #tpu.memory_space<vmem>>
    %dma_start3A_202 = tpu.memref_squeeze %dma_start3A_201 : memref<1x1x64x128xf32, #tpu.memory_space<vmem>> -> memref<64x128xf32, #tpu.memory_space<vmem>>
    %dma_start3A_203 = arith.constant 0 : i32
    %dma_start3A_204 = tpu.memref_slice %arg2[%dma_start3A_203, %multiple_of3A_192] : memref<64x1000000xf32, #tpu.memory_space<any>> -> memref<64x128xf32, #tpu.memory_space<any>>
    tpu.enqueue_dma source(%dma_start3A_204 : memref<64x128xf32, #tpu.memory_space<any>>) target(%dma_start3A_202 : memref<64x128xf32, #tpu.memory_space<vmem>>) target_semaphore(%dma_start3A_198 : memref<!tpu.dma_semaphore, #tpu.memory_space<semaphore_mem>>)
    %get3A_205 = arith.constant 10 : index
    %get3A_206 = memref.load %arg1[%get3A_205] : memref<3072xi32, #tpu.memory_space<smem>>
    %shift_right_logical3A_207 = arith.constant 7 : i32
    %shift_right_logical3A_208 = arith.shrui %get3A_206, %shift_right_logical3A_207 : i32
    %mul3A_209 = arith.constant 2 : i32
    %mul3A_210 = arith.muli %shift_right_logical3A_208, %mul3A_209 : i32
    %mul3A_211 = arith.constant 64 : i32
    %mul3A_212 = arith.muli %mul3A_210, %mul3A_211 : i32
    %multiple_of3A_213 = tpu.assume_multiple %mul3A_212, 128 : i32
    %dma_start3A_214 = arith.constant 0 : i32
    %dma_start3A_215 = arith.constant 10 : i32
    %dma_start3A_216 = arith.constant 0 : i32
    %dma_start3A_217 = arith.constant 10 : i32
    %dma_start3A_218 = tpu.memref_slice %arg6[%dma_start3A_216, %dma_start3A_217] : memref<2x16x!tpu.dma_semaphore, #tpu.memory_space<semaphore_mem>> -> memref<1x1x!tpu.dma_semaphore, #tpu.memory_space<semaphore_mem>>
    %dma_start3A_219 = tpu.memref_squeeze %dma_start3A_218 : memref<1x1x!tpu.dma_semaphore, #tpu.memory_space<semaphore_mem>> -> memref<!tpu.dma_semaphore, #tpu.memory_space<semaphore_mem>>
    %dma_start3A_220 = arith.constant 0 : i32
    %dma_start3A_221 = arith.constant 0 : i32
    %dma_start3A_222 = tpu.memref_slice %arg5[%dma_start3A_214, %dma_start3A_215, %dma_start3A_220, %dma_start3A_221] : memref<2x16x64x128xf32, #tpu.memory_space<vmem>> -> memref<1x1x64x128xf32, #tpu.memory_space<vmem>>
    %dma_start3A_223 = tpu.memref_squeeze %dma_start3A_222 : memref<1x1x64x128xf32, #tpu.memory_space<vmem>> -> memref<64x128xf32, #tpu.memory_space<vmem>>
    %dma_start3A_224 = arith.constant 0 : i32
    %dma_start3A_225 = tpu.memref_slice %arg2[%dma_start3A_224, %multiple_of3A_213] : memref<64x1000000xf32, #tpu.memory_space<any>> -> memref<64x128xf32, #tpu.memory_space<any>>
    tpu.enqueue_dma source(%dma_start3A_225 : memref<64x128xf32, #tpu.memory_space<any>>) target(%dma_start3A_223 : memref<64x128xf32, #tpu.memory_space<vmem>>) target_semaphore(%dma_start3A_219 : memref<!tpu.dma_semaphore, #tpu.memory_space<semaphore_mem>>)
    %get3A_226 = arith.constant 11 : index
    %get3A_227 = memref.load %arg1[%get3A_226] : memref<3072xi32, #tpu.memory_space<smem>>
    %shift_right_logical3A_228 = arith.constant 7 : i32
    %shift_right_logical3A_229 = arith.shrui %get3A_227, %shift_right_logical3A_228 : i32
    %mul3A_230 = arith.constant 2 : i32
    %mul3A_231 = arith.muli %shift_right_logical3A_229, %mul3A_230 : i32
    %mul3A_232 = arith.constant 64 : i32
    %mul3A_233 = arith.muli %mul3A_231, %mul3A_232 : i32
    %multiple_of3A_234 = tpu.assume_multiple %mul3A_233, 128 : i32
    %dma_start3A_235 = arith.constant 0 : i32
    %dma_start3A_236 = arith.constant 11 : i32
    %dma_start3A_237 = arith.constant 0 : i32
    %dma_start3A_238 = arith.constant 11 : i32
    %dma_start3A_239 = tpu.memref_slice %arg6[%dma_start3A_237, %dma_start3A_238] : memref<2x16x!tpu.dma_semaphore, #tpu.memory_space<semaphore_mem>> -> memref<1x1x!tpu.dma_semaphore, #tpu.memory_space<semaphore_mem>>
    %dma_start3A_240 = tpu.memref_squeeze %dma_start3A_239 : memref<1x1x!tpu.dma_semaphore, #tpu.memory_space<semaphore_mem>> -> memref<!tpu.dma_semaphore, #tpu.memory_space<semaphore_mem>>
    %dma_start3A_241 = arith.constant 0 : i32
    %dma_start3A_242 = arith.constant 0 : i32
    %dma_start3A_243 = tpu.memref_slice %arg5[%dma_start3A_235, %dma_start3A_236, %dma_start3A_241, %dma_start3A_242] : memref<2x16x64x128xf32, #tpu.memory_space<vmem>> -> memref<1x1x64x128xf32, #tpu.memory_space<vmem>>
    %dma_start3A_244 = tpu.memref_squeeze %dma_start3A_243 : memref<1x1x64x128xf32, #tpu.memory_space<vmem>> -> memref<64x128xf32, #tpu.memory_space<vmem>>
    %dma_start3A_245 = arith.constant 0 : i32
    %dma_start3A_246 = tpu.memref_slice %arg2[%dma_start3A_245, %multiple_of3A_234] : memref<64x1000000xf32, #tpu.memory_space<any>> -> memref<64x128xf32, #tpu.memory_space<any>>
    tpu.enqueue_dma source(%dma_start3A_246 : memref<64x128xf32, #tpu.memory_space<any>>) target(%dma_start3A_244 : memref<64x128xf32, #tpu.memory_space<vmem>>) target_semaphore(%dma_start3A_240 : memref<!tpu.dma_semaphore, #tpu.memory_space<semaphore_mem>>)
    %get3A_247 = arith.constant 12 : index
    %get3A_248 = memref.load %arg1[%get3A_247] : memref<3072xi32, #tpu.memory_space<smem>>
    %shift_right_logical3A_249 = arith.constant 7 : i32
    %shift_right_logical3A_250 = arith.shrui %get3A_248, %shift_right_logical3A_249 : i32
    %mul3A_251 = arith.constant 2 : i32
    %mul3A_252 = arith.muli %shift_right_logical3A_250, %mul3A_251 : i32
    %mul3A_253 = arith.constant 64 : i32
    %mul3A_254 = arith.muli %mul3A_252, %mul3A_253 : i32
    %multiple_of3A_255 = tpu.assume_multiple %mul3A_254, 128 : i32
    %dma_start3A_256 = arith.constant 0 : i32
    %dma_start3A_257 = arith.constant 12 : i32
    %dma_start3A_258 = arith.constant 0 : i32
    %dma_start3A_259 = arith.constant 12 : i32
    %dma_start3A_260 = tpu.memref_slice %arg6[%dma_start3A_258, %dma_start3A_259] : memref<2x16x!tpu.dma_semaphore, #tpu.memory_space<semaphore_mem>> -> memref<1x1x!tpu.dma_semaphore, #tpu.memory_space<semaphore_mem>>
    %dma_start3A_261 = tpu.memref_squeeze %dma_start3A_260 : memref<1x1x!tpu.dma_semaphore, #tpu.memory_space<semaphore_mem>> -> memref<!tpu.dma_semaphore, #tpu.memory_space<semaphore_mem>>
    %dma_start3A_262 = arith.constant 0 : i32
    %dma_start3A_263 = arith.constant 0 : i32
    %dma_start3A_264 = tpu.memref_slice %arg5[%dma_start3A_256, %dma_start3A_257, %dma_start3A_262, %dma_start3A_263] : memref<2x16x64x128xf32, #tpu.memory_space<vmem>> -> memref<1x1x64x128xf32, #tpu.memory_space<vmem>>
    %dma_start3A_265 = tpu.memref_squeeze %dma_start3A_264 : memref<1x1x64x128xf32, #tpu.memory_space<vmem>> -> memref<64x128xf32, #tpu.memory_space<vmem>>
    %dma_start3A_266 = arith.constant 0 : i32
    %dma_start3A_267 = tpu.memref_slice %arg2[%dma_start3A_266, %multiple_of3A_255] : memref<64x1000000xf32, #tpu.memory_space<any>> -> memref<64x128xf32, #tpu.memory_space<any>>
    tpu.enqueue_dma source(%dma_start3A_267 : memref<64x128xf32, #tpu.memory_space<any>>) target(%dma_start3A_265 : memref<64x128xf32, #tpu.memory_space<vmem>>) target_semaphore(%dma_start3A_261 : memref<!tpu.dma_semaphore, #tpu.memory_space<semaphore_mem>>)
    %get3A_268 = arith.constant 13 : index
    %get3A_269 = memref.load %arg1[%get3A_268] : memref<3072xi32, #tpu.memory_space<smem>>
    %shift_right_logical3A_270 = arith.constant 7 : i32
    %shift_right_logical3A_271 = arith.shrui %get3A_269, %shift_right_logical3A_270 : i32
    %mul3A_272 = arith.constant 2 : i32
    %mul3A_273 = arith.muli %shift_right_logical3A_271, %mul3A_272 : i32
    %mul3A_274 = arith.constant 64 : i32
    %mul3A_275 = arith.muli %mul3A_273, %mul3A_274 : i32
    %multiple_of3A_276 = tpu.assume_multiple %mul3A_275, 128 : i32
    %dma_start3A_277 = arith.constant 0 : i32
    %dma_start3A_278 = arith.constant 13 : i32
    %dma_start3A_279 = arith.constant 0 : i32
    %dma_start3A_280 = arith.constant 13 : i32
    %dma_start3A_281 = tpu.memref_slice %arg6[%dma_start3A_279, %dma_start3A_280] : memref<2x16x!tpu.dma_semaphore, #tpu.memory_space<semaphore_mem>> -> memref<1x1x!tpu.dma_semaphore, #tpu.memory_space<semaphore_mem>>
    %dma_start3A_282 = tpu.memref_squeeze %dma_start3A_281 : memref<1x1x!tpu.dma_semaphore, #tpu.memory_space<semaphore_mem>> -> memref<!tpu.dma_semaphore, #tpu.memory_space<semaphore_mem>>
    %dma_start3A_283 = arith.constant 0 : i32
    %dma_start3A_284 = arith.constant 0 : i32
    %dma_start3A_285 = tpu.memref_slice %arg5[%dma_start3A_277, %dma_start3A_278, %dma_start3A_283, %dma_start3A_284] : memref<2x16x64x128xf32, #tpu.memory_space<vmem>> -> memref<1x1x64x128xf32, #tpu.memory_space<vmem>>
    %dma_start3A_286 = tpu.memref_squeeze %dma_start3A_285 : memref<1x1x64x128xf32, #tpu.memory_space<vmem>> -> memref<64x128xf32, #tpu.memory_space<vmem>>
    %dma_start3A_287 = arith.constant 0 : i32
    %dma_start3A_288 = tpu.memref_slice %arg2[%dma_start3A_287, %multiple_of3A_276] : memref<64x1000000xf32, #tpu.memory_space<any>> -> memref<64x128xf32, #tpu.memory_space<any>>
    tpu.enqueue_dma source(%dma_start3A_288 : memref<64x128xf32, #tpu.memory_space<any>>) target(%dma_start3A_286 : memref<64x128xf32, #tpu.memory_space<vmem>>) target_semaphore(%dma_start3A_282 : memref<!tpu.dma_semaphore, #tpu.memory_space<semaphore_mem>>)
    %get3A_289 = arith.constant 14 : index
    %get3A_290 = memref.load %arg1[%get3A_289] : memref<3072xi32, #tpu.memory_space<smem>>
    %shift_right_logical3A_291 = arith.constant 7 : i32
    %shift_right_logical3A_292 = arith.shrui %get3A_290, %shift_right_logical3A_291 : i32
    %mul3A_293 = arith.constant 2 : i32
    %mul3A_294 = arith.muli %shift_right_logical3A_292, %mul3A_293 : i32
    %mul3A_295 = arith.constant 64 : i32
    %mul3A_296 = arith.muli %mul3A_294, %mul3A_295 : i32
    %multiple_of3A_297 = tpu.assume_multiple %mul3A_296, 128 : i32
    %dma_start3A_298 = arith.constant 0 : i32
    %dma_start3A_299 = arith.constant 14 : i32
    %dma_start3A_300 = arith.constant 0 : i32
    %dma_start3A_301 = arith.constant 14 : i32
    %dma_start3A_302 = tpu.memref_slice %arg6[%dma_start3A_300, %dma_start3A_301] : memref<2x16x!tpu.dma_semaphore, #tpu.memory_space<semaphore_mem>> -> memref<1x1x!tpu.dma_semaphore, #tpu.memory_space<semaphore_mem>>
    %dma_start3A_303 = tpu.memref_squeeze %dma_start3A_302 : memref<1x1x!tpu.dma_semaphore, #tpu.memory_space<semaphore_mem>> -> memref<!tpu.dma_semaphore, #tpu.memory_space<semaphore_mem>>
    %dma_start3A_304 = arith.constant 0 : i32
    %dma_start3A_305 = arith.constant 0 : i32
    %dma_start3A_306 = tpu.memref_slice %arg5[%dma_start3A_298, %dma_start3A_299, %dma_start3A_304, %dma_start3A_305] : memref<2x16x64x128xf32, #tpu.memory_space<vmem>> -> memref<1x1x64x128xf32, #tpu.memory_space<vmem>>
    %dma_start3A_307 = tpu.memref_squeeze %dma_start3A_306 : memref<1x1x64x128xf32, #tpu.memory_space<vmem>> -> memref<64x128xf32, #tpu.memory_space<vmem>>
    %dma_start3A_308 = arith.constant 0 : i32
    %dma_start3A_309 = tpu.memref_slice %arg2[%dma_start3A_308, %multiple_of3A_297] : memref<64x1000000xf32, #tpu.memory_space<any>> -> memref<64x128xf32, #tpu.memory_space<any>>
    tpu.enqueue_dma source(%dma_start3A_309 : memref<64x128xf32, #tpu.memory_space<any>>) target(%dma_start3A_307 : memref<64x128xf32, #tpu.memory_space<vmem>>) target_semaphore(%dma_start3A_303 : memref<!tpu.dma_semaphore, #tpu.memory_space<semaphore_mem>>)
    %get3A_310 = arith.constant 15 : index
    %get3A_311 = memref.load %arg1[%get3A_310] : memref<3072xi32, #tpu.memory_space<smem>>
    %shift_right_logical3A_312 = arith.constant 7 : i32
    %shift_right_logical3A_313 = arith.shrui %get3A_311, %shift_right_logical3A_312 : i32
    %mul3A_314 = arith.constant 2 : i32
    %mul3A_315 = arith.muli %shift_right_logical3A_313, %mul3A_314 : i32
    %mul3A_316 = arith.constant 64 : i32
    %mul3A_317 = arith.muli %mul3A_315, %mul3A_316 : i32
    %multiple_of3A_318 = tpu.assume_multiple %mul3A_317, 128 : i32
    %dma_start3A_319 = arith.constant 0 : i32
    %dma_start3A_320 = arith.constant 15 : i32
    %dma_start3A_321 = arith.constant 0 : i32
    %dma_start3A_322 = arith.constant 15 : i32
    %dma_start3A_323 = tpu.memref_slice %arg6[%dma_start3A_321, %dma_start3A_322] : memref<2x16x!tpu.dma_semaphore, #tpu.memory_space<semaphore_mem>> -> memref<1x1x!tpu.dma_semaphore, #tpu.memory_space<semaphore_mem>>
    %dma_start3A_324 = tpu.memref_squeeze %dma_start3A_323 : memref<1x1x!tpu.dma_semaphore, #tpu.memory_space<semaphore_mem>> -> memref<!tpu.dma_semaphore, #tpu.memory_space<semaphore_mem>>
    %dma_start3A_325 = arith.constant 0 : i32
    %dma_start3A_326 = arith.constant 0 : i32
    %dma_start3A_327 = tpu.memref_slice %arg5[%dma_start3A_319, %dma_start3A_320, %dma_start3A_325, %dma_start3A_326] : memref<2x16x64x128xf32, #tpu.memory_space<vmem>> -> memref<1x1x64x128xf32, #tpu.memory_space<vmem>>
    %dma_start3A_328 = tpu.memref_squeeze %dma_start3A_327 : memref<1x1x64x128xf32, #tpu.memory_space<vmem>> -> memref<64x128xf32, #tpu.memory_space<vmem>>
    %dma_start3A_329 = arith.constant 0 : i32
    %dma_start3A_330 = tpu.memref_slice %arg2[%dma_start3A_329, %multiple_of3A_318] : memref<64x1000000xf32, #tpu.memory_space<any>> -> memref<64x128xf32, #tpu.memory_space<any>>
    tpu.enqueue_dma source(%dma_start3A_330 : memref<64x128xf32, #tpu.memory_space<any>>) target(%dma_start3A_328 : memref<64x128xf32, #tpu.memory_space<vmem>>) target_semaphore(%dma_start3A_324 : memref<!tpu.dma_semaphore, #tpu.memory_space<semaphore_mem>>)
    %get3A_331 = arith.constant 16 : index
    %get3A_332 = memref.load %arg1[%get3A_331] : memref<3072xi32, #tpu.memory_space<smem>>
    %shift_right_logical3A_333 = arith.constant 7 : i32
    %shift_right_logical3A_334 = arith.shrui %get3A_332, %shift_right_logical3A_333 : i32
    %mul3A_335 = arith.constant 2 : i32
    %mul3A_336 = arith.muli %shift_right_logical3A_334, %mul3A_335 : i32
    %mul3A_337 = arith.constant 64 : i32
    %mul3A_338 = arith.muli %mul3A_336, %mul3A_337 : i32
    %multiple_of3A_339 = tpu.assume_multiple %mul3A_338, 128 : i32
    %dma_start3A_340 = arith.constant 1 : i32
    %dma_start3A_341 = arith.constant 0 : i32
    %dma_start3A_342 = arith.constant 1 : i32
    %dma_start3A_343 = arith.constant 0 : i32
    %dma_start3A_344 = tpu.memref_slice %arg6[%dma_start3A_342, %dma_start3A_343] : memref<2x16x!tpu.dma_semaphore, #tpu.memory_space<semaphore_mem>> -> memref<1x1x!tpu.dma_semaphore, #tpu.memory_space<semaphore_mem>>
    %dma_start3A_345 = tpu.memref_squeeze %dma_start3A_344 : memref<1x1x!tpu.dma_semaphore, #tpu.memory_space<semaphore_mem>> -> memref<!tpu.dma_semaphore, #tpu.memory_space<semaphore_mem>>
    %dma_start3A_346 = arith.constant 0 : i32
    %dma_start3A_347 = arith.constant 0 : i32
    %dma_start3A_348 = tpu.memref_slice %arg5[%dma_start3A_340, %dma_start3A_341, %dma_start3A_346, %dma_start3A_347] : memref<2x16x64x128xf32, #tpu.memory_space<vmem>> -> memref<1x1x64x128xf32, #tpu.memory_space<vmem>>
    %dma_start3A_349 = tpu.memref_squeeze %dma_start3A_348 : memref<1x1x64x128xf32, #tpu.memory_space<vmem>> -> memref<64x128xf32, #tpu.memory_space<vmem>>
    %dma_start3A_350 = arith.constant 0 : i32
    %dma_start3A_351 = tpu.memref_slice %arg2[%dma_start3A_350, %multiple_of3A_339] : memref<64x1000000xf32, #tpu.memory_space<any>> -> memref<64x128xf32, #tpu.memory_space<any>>
    tpu.enqueue_dma source(%dma_start3A_351 : memref<64x128xf32, #tpu.memory_space<any>>) target(%dma_start3A_349 : memref<64x128xf32, #tpu.memory_space<vmem>>) target_semaphore(%dma_start3A_345 : memref<!tpu.dma_semaphore, #tpu.memory_space<semaphore_mem>>)
    %get3A_352 = arith.constant 17 : index
    %get3A_353 = memref.load %arg1[%get3A_352] : memref<3072xi32, #tpu.memory_space<smem>>
    %shift_right_logical3A_354 = arith.constant 7 : i32
    %shift_right_logical3A_355 = arith.shrui %get3A_353, %shift_right_logical3A_354 : i32
    %mul3A_356 = arith.constant 2 : i32
    %mul3A_357 = arith.muli %shift_right_logical3A_355, %mul3A_356 : i32
    %mul3A_358 = arith.constant 64 : i32
    %mul3A_359 = arith.muli %mul3A_357, %mul3A_358 : i32
    %multiple_of3A_360 = tpu.assume_multiple %mul3A_359, 128 : i32
    %dma_start3A_361 = arith.constant 1 : i32
    %dma_start3A_362 = arith.constant 1 : i32
    %dma_start3A_363 = arith.constant 1 : i32
    %dma_start3A_364 = arith.constant 1 : i32
    %dma_start3A_365 = tpu.memref_slice %arg6[%dma_start3A_363, %dma_start3A_364] : memref<2x16x!tpu.dma_semaphore, #tpu.memory_space<semaphore_mem>> -> memref<1x1x!tpu.dma_semaphore, #tpu.memory_space<semaphore_mem>>
    %dma_start3A_366 = tpu.memref_squeeze %dma_start3A_365 : memref<1x1x!tpu.dma_semaphore, #tpu.memory_space<semaphore_mem>> -> memref<!tpu.dma_semaphore, #tpu.memory_space<semaphore_mem>>
    %dma_start3A_367 = arith.constant 0 : i32
    %dma_start3A_368 = arith.constant 0 : i32
    %dma_start3A_369 = tpu.memref_slice %arg5[%dma_start3A_361, %dma_start3A_362, %dma_start3A_367, %dma_start3A_368] : memref<2x16x64x128xf32, #tpu.memory_space<vmem>> -> memref<1x1x64x128xf32, #tpu.memory_space<vmem>>
    %dma_start3A_370 = tpu.memref_squeeze %dma_start3A_369 : memref<1x1x64x128xf32, #tpu.memory_space<vmem>> -> memref<64x128xf32, #tpu.memory_space<vmem>>
    %dma_start3A_371 = arith.constant 0 : i32
    %dma_start3A_372 = tpu.memref_slice %arg2[%dma_start3A_371, %multiple_of3A_360] : memref<64x1000000xf32, #tpu.memory_space<any>> -> memref<64x128xf32, #tpu.memory_space<any>>
    tpu.enqueue_dma source(%dma_start3A_372 : memref<64x128xf32, #tpu.memory_space<any>>) target(%dma_start3A_370 : memref<64x128xf32, #tpu.memory_space<vmem>>) target_semaphore(%dma_start3A_366 : memref<!tpu.dma_semaphore, #tpu.memory_space<semaphore_mem>>)
    %get3A_373 = arith.constant 18 : index
    %get3A_374 = memref.load %arg1[%get3A_373] : memref<3072xi32, #tpu.memory_space<smem>>
    %shift_right_logical3A_375 = arith.constant 7 : i32
    %shift_right_logical3A_376 = arith.shrui %get3A_374, %shift_right_logical3A_375 : i32
    %mul3A_377 = arith.constant 2 : i32
    %mul3A_378 = arith.muli %shift_right_logical3A_376, %mul3A_377 : i32
    %mul3A_379 = arith.constant 64 : i32
    %mul3A_380 = arith.muli %mul3A_378, %mul3A_379 : i32
    %multiple_of3A_381 = tpu.assume_multiple %mul3A_380, 128 : i32
    %dma_start3A_382 = arith.constant 1 : i32
    %dma_start3A_383 = arith.constant 2 : i32
    %dma_start3A_384 = arith.constant 1 : i32
    %dma_start3A_385 = arith.constant 2 : i32
    %dma_start3A_386 = tpu.memref_slice %arg6[%dma_start3A_384, %dma_start3A_385] : memref<2x16x!tpu.dma_semaphore, #tpu.memory_space<semaphore_mem>> -> memref<1x1x!tpu.dma_semaphore, #tpu.memory_space<semaphore_mem>>
    %dma_start3A_387 = tpu.memref_squeeze %dma_start3A_386 : memref<1x1x!tpu.dma_semaphore, #tpu.memory_space<semaphore_mem>> -> memref<!tpu.dma_semaphore, #tpu.memory_space<semaphore_mem>>
    %dma_start3A_388 = arith.constant 0 : i32
    %dma_start3A_389 = arith.constant 0 : i32
    %dma_start3A_390 = tpu.memref_slice %arg5[%dma_start3A_382, %dma_start3A_383, %dma_start3A_388, %dma_start3A_389] : memref<2x16x64x128xf32, #tpu.memory_space<vmem>> -> memref<1x1x64x128xf32, #tpu.memory_space<vmem>>
    %dma_start3A_391 = tpu.memref_squeeze %dma_start3A_390 : memref<1x1x64x128xf32, #tpu.memory_space<vmem>> -> memref<64x128xf32, #tpu.memory_space<vmem>>
    %dma_start3A_392 = arith.constant 0 : i32
    %dma_start3A_393 = tpu.memref_slice %arg2[%dma_start3A_392, %multiple_of3A_381] : memref<64x1000000xf32, #tpu.memory_space<any>> -> memref<64x128xf32, #tpu.memory_space<any>>
    tpu.enqueue_dma source(%dma_start3A_393 : memref<64x128xf32, #tpu.memory_space<any>>) target(%dma_start3A_391 : memref<64x128xf32, #tpu.memory_space<vmem>>) target_semaphore(%dma_start3A_387 : memref<!tpu.dma_semaphore, #tpu.memory_space<semaphore_mem>>)
    %get3A_394 = arith.constant 19 : index
    %get3A_395 = memref.load %arg1[%get3A_394] : memref<3072xi32, #tpu.memory_space<smem>>
    %shift_right_logical3A_396 = arith.constant 7 : i32
    %shift_right_logical3A_397 = arith.shrui %get3A_395, %shift_right_logical3A_396 : i32
    %mul3A_398 = arith.constant 2 : i32
    %mul3A_399 = arith.muli %shift_right_logical3A_397, %mul3A_398 : i32
    %mul3A_400 = arith.constant 64 : i32
    %mul3A_401 = arith.muli %mul3A_399, %mul3A_400 : i32
    %multiple_of3A_402 = tpu.assume_multiple %mul3A_401, 128 : i32
    %dma_start3A_403 = arith.constant 1 : i32
    %dma_start3A_404 = arith.constant 3 : i32
    %dma_start3A_405 = arith.constant 1 : i32
    %dma_start3A_406 = arith.constant 3 : i32
    %dma_start3A_407 = tpu.memref_slice %arg6[%dma_start3A_405, %dma_start3A_406] : memref<2x16x!tpu.dma_semaphore, #tpu.memory_space<semaphore_mem>> -> memref<1x1x!tpu.dma_semaphore, #tpu.memory_space<semaphore_mem>>
    %dma_start3A_408 = tpu.memref_squeeze %dma_start3A_407 : memref<1x1x!tpu.dma_semaphore, #tpu.memory_space<semaphore_mem>> -> memref<!tpu.dma_semaphore, #tpu.memory_space<semaphore_mem>>
    %dma_start3A_409 = arith.constant 0 : i32
    %dma_start3A_410 = arith.constant 0 : i32
    %dma_start3A_411 = tpu.memref_slice %arg5[%dma_start3A_403, %dma_start3A_404, %dma_start3A_409, %dma_start3A_410] : memref<2x16x64x128xf32, #tpu.memory_space<vmem>> -> memref<1x1x64x128xf32, #tpu.memory_space<vmem>>
    %dma_start3A_412 = tpu.memref_squeeze %dma_start3A_411 : memref<1x1x64x128xf32, #tpu.memory_space<vmem>> -> memref<64x128xf32, #tpu.memory_space<vmem>>
    %dma_start3A_413 = arith.constant 0 : i32
    %dma_start3A_414 = tpu.memref_slice %arg2[%dma_start3A_413, %multiple_of3A_402] : memref<64x1000000xf32, #tpu.memory_space<any>> -> memref<64x128xf32, #tpu.memory_space<any>>
    tpu.enqueue_dma source(%dma_start3A_414 : memref<64x128xf32, #tpu.memory_space<any>>) target(%dma_start3A_412 : memref<64x128xf32, #tpu.memory_space<vmem>>) target_semaphore(%dma_start3A_408 : memref<!tpu.dma_semaphore, #tpu.memory_space<semaphore_mem>>)
    %get3A_415 = arith.constant 20 : index
    %get3A_416 = memref.load %arg1[%get3A_415] : memref<3072xi32, #tpu.memory_space<smem>>
    %shift_right_logical3A_417 = arith.constant 7 : i32
    %shift_right_logical3A_418 = arith.shrui %get3A_416, %shift_right_logical3A_417 : i32
    %mul3A_419 = arith.constant 2 : i32
    %mul3A_420 = arith.muli %shift_right_logical3A_418, %mul3A_419 : i32
    %mul3A_421 = arith.constant 64 : i32
    %mul3A_422 = arith.muli %mul3A_420, %mul3A_421 : i32
    %multiple_of3A_423 = tpu.assume_multiple %mul3A_422, 128 : i32
    %dma_start3A_424 = arith.constant 1 : i32
    %dma_start3A_425 = arith.constant 4 : i32
    %dma_start3A_426 = arith.constant 1 : i32
    %dma_start3A_427 = arith.constant 4 : i32
    %dma_start3A_428 = tpu.memref_slice %arg6[%dma_start3A_426, %dma_start3A_427] : memref<2x16x!tpu.dma_semaphore, #tpu.memory_space<semaphore_mem>> -> memref<1x1x!tpu.dma_semaphore, #tpu.memory_space<semaphore_mem>>
    %dma_start3A_429 = tpu.memref_squeeze %dma_start3A_428 : memref<1x1x!tpu.dma_semaphore, #tpu.memory_space<semaphore_mem>> -> memref<!tpu.dma_semaphore, #tpu.memory_space<semaphore_mem>>
    %dma_start3A_430 = arith.constant 0 : i32
    %dma_start3A_431 = arith.constant 0 : i32
    %dma_start3A_432 = tpu.memref_slice %arg5[%dma_start3A_424, %dma_start3A_425, %dma_start3A_430, %dma_start3A_431] : memref<2x16x64x128xf32, #tpu.memory_space<vmem>> -> memref<1x1x64x128xf32, #tpu.memory_space<vmem>>
    %dma_start3A_433 = tpu.memref_squeeze %dma_start3A_432 : memref<1x1x64x128xf32, #tpu.memory_space<vmem>> -> memref<64x128xf32, #tpu.memory_space<vmem>>
    %dma_start3A_434 = arith.constant 0 : i32
    %dma_start3A_435 = tpu.memref_slice %arg2[%dma_start3A_434, %multiple_of3A_423] : memref<64x1000000xf32, #tpu.memory_space<any>> -> memref<64x128xf32, #tpu.memory_space<any>>
    tpu.enqueue_dma source(%dma_start3A_435 : memref<64x128xf32, #tpu.memory_space<any>>) target(%dma_start3A_433 : memref<64x128xf32, #tpu.memory_space<vmem>>) target_semaphore(%dma_start3A_429 : memref<!tpu.dma_semaphore, #tpu.memory_space<semaphore_mem>>)
    %get3A_436 = arith.constant 21 : index
    %get3A_437 = memref.load %arg1[%get3A_436] : memref<3072xi32, #tpu.memory_space<smem>>
    %shift_right_logical3A_438 = arith.constant 7 : i32
    %shift_right_logical3A_439 = arith.shrui %get3A_437, %shift_right_logical3A_438 : i32
    %mul3A_440 = arith.constant 2 : i32
    %mul3A_441 = arith.muli %shift_right_logical3A_439, %mul3A_440 : i32
    %mul3A_442 = arith.constant 64 : i32
    %mul3A_443 = arith.muli %mul3A_441, %mul3A_442 : i32
    %multiple_of3A_444 = tpu.assume_multiple %mul3A_443, 128 : i32
    %dma_start3A_445 = arith.constant 1 : i32
    %dma_start3A_446 = arith.constant 5 : i32
    %dma_start3A_447 = arith.constant 1 : i32
    %dma_start3A_448 = arith.constant 5 : i32
    %dma_start3A_449 = tpu.memref_slice %arg6[%dma_start3A_447, %dma_start3A_448] : memref<2x16x!tpu.dma_semaphore, #tpu.memory_space<semaphore_mem>> -> memref<1x1x!tpu.dma_semaphore, #tpu.memory_space<semaphore_mem>>
    %dma_start3A_450 = tpu.memref_squeeze %dma_start3A_449 : memref<1x1x!tpu.dma_semaphore, #tpu.memory_space<semaphore_mem>> -> memref<!tpu.dma_semaphore, #tpu.memory_space<semaphore_mem>>
    %dma_start3A_451 = arith.constant 0 : i32
    %dma_start3A_452 = arith.constant 0 : i32
    %dma_start3A_453 = tpu.memref_slice %arg5[%dma_start3A_445, %dma_start3A_446, %dma_start3A_451, %dma_start3A_452] : memref<2x16x64x128xf32, #tpu.memory_space<vmem>> -> memref<1x1x64x128xf32, #tpu.memory_space<vmem>>
    %dma_start3A_454 = tpu.memref_squeeze %dma_start3A_453 : memref<1x1x64x128xf32, #tpu.memory_space<vmem>> -> memref<64x128xf32, #tpu.memory_space<vmem>>
    %dma_start3A_455 = arith.constant 0 : i32
    %dma_start3A_456 = tpu.memref_slice %arg2[%dma_start3A_455, %multiple_of3A_444] : memref<64x1000000xf32, #tpu.memory_space<any>> -> memref<64x128xf32, #tpu.memory_space<any>>
    tpu.enqueue_dma source(%dma_start3A_456 : memref<64x128xf32, #tpu.memory_space<any>>) target(%dma_start3A_454 : memref<64x128xf32, #tpu.memory_space<vmem>>) target_semaphore(%dma_start3A_450 : memref<!tpu.dma_semaphore, #tpu.memory_space<semaphore_mem>>)
    %get3A_457 = arith.constant 22 : index
    %get3A_458 = memref.load %arg1[%get3A_457] : memref<3072xi32, #tpu.memory_space<smem>>
    %shift_right_logical3A_459 = arith.constant 7 : i32
    %shift_right_logical3A_460 = arith.shrui %get3A_458, %shift_right_logical3A_459 : i32
    %mul3A_461 = arith.constant 2 : i32
    %mul3A_462 = arith.muli %shift_right_logical3A_460, %mul3A_461 : i32
    %mul3A_463 = arith.constant 64 : i32
    %mul3A_464 = arith.muli %mul3A_462, %mul3A_463 : i32
    %multiple_of3A_465 = tpu.assume_multiple %mul3A_464, 128 : i32
    %dma_start3A_466 = arith.constant 1 : i32
    %dma_start3A_467 = arith.constant 6 : i32
    %dma_start3A_468 = arith.constant 1 : i32
    %dma_start3A_469 = arith.constant 6 : i32
    %dma_start3A_470 = tpu.memref_slice %arg6[%dma_start3A_468, %dma_start3A_469] : memref<2x16x!tpu.dma_semaphore, #tpu.memory_space<semaphore_mem>> -> memref<1x1x!tpu.dma_semaphore, #tpu.memory_space<semaphore_mem>>
    %dma_start3A_471 = tpu.memref_squeeze %dma_start3A_470 : memref<1x1x!tpu.dma_semaphore, #tpu.memory_space<semaphore_mem>> -> memref<!tpu.dma_semaphore, #tpu.memory_space<semaphore_mem>>
    %dma_start3A_472 = arith.constant 0 : i32
    %dma_start3A_473 = arith.constant 0 : i32
    %dma_start3A_474 = tpu.memref_slice %arg5[%dma_start3A_466, %dma_start3A_467, %dma_start3A_472, %dma_start3A_473] : memref<2x16x64x128xf32, #tpu.memory_space<vmem>> -> memref<1x1x64x128xf32, #tpu.memory_space<vmem>>
    %dma_start3A_475 = tpu.memref_squeeze %dma_start3A_474 : memref<1x1x64x128xf32, #tpu.memory_space<vmem>> -> memref<64x128xf32, #tpu.memory_space<vmem>>
    %dma_start3A_476 = arith.constant 0 : i32
    %dma_start3A_477 = tpu.memref_slice %arg2[%dma_start3A_476, %multiple_of3A_465] : memref<64x1000000xf32, #tpu.memory_space<any>> -> memref<64x128xf32, #tpu.memory_space<any>>
    tpu.enqueue_dma source(%dma_start3A_477 : memref<64x128xf32, #tpu.memory_space<any>>) target(%dma_start3A_475 : memref<64x128xf32, #tpu.memory_space<vmem>>) target_semaphore(%dma_start3A_471 : memref<!tpu.dma_semaphore, #tpu.memory_space<semaphore_mem>>)
    %get3A_478 = arith.constant 23 : index
    %get3A_479 = memref.load %arg1[%get3A_478] : memref<3072xi32, #tpu.memory_space<smem>>
    %shift_right_logical3A_480 = arith.constant 7 : i32
    %shift_right_logical3A_481 = arith.shrui %get3A_479, %shift_right_logical3A_480 : i32
    %mul3A_482 = arith.constant 2 : i32
    %mul3A_483 = arith.muli %shift_right_logical3A_481, %mul3A_482 : i32
    %mul3A_484 = arith.constant 64 : i32
    %mul3A_485 = arith.muli %mul3A_483, %mul3A_484 : i32
    %multiple_of3A_486 = tpu.assume_multiple %mul3A_485, 128 : i32
    %dma_start3A_487 = arith.constant 1 : i32
    %dma_start3A_488 = arith.constant 7 : i32
    %dma_start3A_489 = arith.constant 1 : i32
    %dma_start3A_490 = arith.constant 7 : i32
    %dma_start3A_491 = tpu.memref_slice %arg6[%dma_start3A_489, %dma_start3A_490] : memref<2x16x!tpu.dma_semaphore, #tpu.memory_space<semaphore_mem>> -> memref<1x1x!tpu.dma_semaphore, #tpu.memory_space<semaphore_mem>>
    %dma_start3A_492 = tpu.memref_squeeze %dma_start3A_491 : memref<1x1x!tpu.dma_semaphore, #tpu.memory_space<semaphore_mem>> -> memref<!tpu.dma_semaphore, #tpu.memory_space<semaphore_mem>>
    %dma_start3A_493 = arith.constant 0 : i32
    %dma_start3A_494 = arith.constant 0 : i32
    %dma_start3A_495 = tpu.memref_slice %arg5[%dma_start3A_487, %dma_start3A_488, %dma_start3A_493, %dma_start3A_494] : memref<2x16x64x128xf32, #tpu.memory_space<vmem>> -> memref<1x1x64x128xf32, #tpu.memory_space<vmem>>
    %dma_start3A_496 = tpu.memref_squeeze %dma_start3A_495 : memref<1x1x64x128xf32, #tpu.memory_space<vmem>> -> memref<64x128xf32, #tpu.memory_space<vmem>>
    %dma_start3A_497 = arith.constant 0 : i32
    %dma_start3A_498 = tpu.memref_slice %arg2[%dma_start3A_497, %multiple_of3A_486] : memref<64x1000000xf32, #tpu.memory_space<any>> -> memref<64x128xf32, #tpu.memory_space<any>>
    tpu.enqueue_dma source(%dma_start3A_498 : memref<64x128xf32, #tpu.memory_space<any>>) target(%dma_start3A_496 : memref<64x128xf32, #tpu.memory_space<vmem>>) target_semaphore(%dma_start3A_492 : memref<!tpu.dma_semaphore, #tpu.memory_space<semaphore_mem>>)
    %get3A_499 = arith.constant 24 : index
    %get3A_500 = memref.load %arg1[%get3A_499] : memref<3072xi32, #tpu.memory_space<smem>>
    %shift_right_logical3A_501 = arith.constant 7 : i32
    %shift_right_logical3A_502 = arith.shrui %get3A_500, %shift_right_logical3A_501 : i32
    %mul3A_503 = arith.constant 2 : i32
    %mul3A_504 = arith.muli %shift_right_logical3A_502, %mul3A_503 : i32
    %mul3A_505 = arith.constant 64 : i32
    %mul3A_506 = arith.muli %mul3A_504, %mul3A_505 : i32
    %multiple_of3A_507 = tpu.assume_multiple %mul3A_506, 128 : i32
    %dma_start3A_508 = arith.constant 1 : i32
    %dma_start3A_509 = arith.constant 8 : i32
    %dma_start3A_510 = arith.constant 1 : i32
    %dma_start3A_511 = arith.constant 8 : i32
    %dma_start3A_512 = tpu.memref_slice %arg6[%dma_start3A_510, %dma_start3A_511] : memref<2x16x!tpu.dma_semaphore, #tpu.memory_space<semaphore_mem>> -> memref<1x1x!tpu.dma_semaphore, #tpu.memory_space<semaphore_mem>>
    %dma_start3A_513 = tpu.memref_squeeze %dma_start3A_512 : memref<1x1x!tpu.dma_semaphore, #tpu.memory_space<semaphore_mem>> -> memref<!tpu.dma_semaphore, #tpu.memory_space<semaphore_mem>>
    %dma_start3A_514 = arith.constant 0 : i32
    %dma_start3A_515 = arith.constant 0 : i32
    %dma_start3A_516 = tpu.memref_slice %arg5[%dma_start3A_508, %dma_start3A_509, %dma_start3A_514, %dma_start3A_515] : memref<2x16x64x128xf32, #tpu.memory_space<vmem>> -> memref<1x1x64x128xf32, #tpu.memory_space<vmem>>
    %dma_start3A_517 = tpu.memref_squeeze %dma_start3A_516 : memref<1x1x64x128xf32, #tpu.memory_space<vmem>> -> memref<64x128xf32, #tpu.memory_space<vmem>>
    %dma_start3A_518 = arith.constant 0 : i32
    %dma_start3A_519 = tpu.memref_slice %arg2[%dma_start3A_518, %multiple_of3A_507] : memref<64x1000000xf32, #tpu.memory_space<any>> -> memref<64x128xf32, #tpu.memory_space<any>>
    tpu.enqueue_dma source(%dma_start3A_519 : memref<64x128xf32, #tpu.memory_space<any>>) target(%dma_start3A_517 : memref<64x128xf32, #tpu.memory_space<vmem>>) target_semaphore(%dma_start3A_513 : memref<!tpu.dma_semaphore, #tpu.memory_space<semaphore_mem>>)
    %get3A_520 = arith.constant 25 : index
    %get3A_521 = memref.load %arg1[%get3A_520] : memref<3072xi32, #tpu.memory_space<smem>>
    %shift_right_logical3A_522 = arith.constant 7 : i32
    %shift_right_logical3A_523 = arith.shrui %get3A_521, %shift_right_logical3A_522 : i32
    %mul3A_524 = arith.constant 2 : i32
    %mul3A_525 = arith.muli %shift_right_logical3A_523, %mul3A_524 : i32
    %mul3A_526 = arith.constant 64 : i32
    %mul3A_527 = arith.muli %mul3A_525, %mul3A_526 : i32
    %multiple_of3A_528 = tpu.assume_multiple %mul3A_527, 128 : i32
    %dma_start3A_529 = arith.constant 1 : i32
    %dma_start3A_530 = arith.constant 9 : i32
    %dma_start3A_531 = arith.constant 1 : i32
    %dma_start3A_532 = arith.constant 9 : i32
    %dma_start3A_533 = tpu.memref_slice %arg6[%dma_start3A_531, %dma_start3A_532] : memref<2x16x!tpu.dma_semaphore, #tpu.memory_space<semaphore_mem>> -> memref<1x1x!tpu.dma_semaphore, #tpu.memory_space<semaphore_mem>>
    %dma_start3A_534 = tpu.memref_squeeze %dma_start3A_533 : memref<1x1x!tpu.dma_semaphore, #tpu.memory_space<semaphore_mem>> -> memref<!tpu.dma_semaphore, #tpu.memory_space<semaphore_mem>>
    %dma_start3A_535 = arith.constant 0 : i32
    %dma_start3A_536 = arith.constant 0 : i32
    %dma_start3A_537 = tpu.memref_slice %arg5[%dma_start3A_529, %dma_start3A_530, %dma_start3A_535, %dma_start3A_536] : memref<2x16x64x128xf32, #tpu.memory_space<vmem>> -> memref<1x1x64x128xf32, #tpu.memory_space<vmem>>
    %dma_start3A_538 = tpu.memref_squeeze %dma_start3A_537 : memref<1x1x64x128xf32, #tpu.memory_space<vmem>> -> memref<64x128xf32, #tpu.memory_space<vmem>>
    %dma_start3A_539 = arith.constant 0 : i32
    %dma_start3A_540 = tpu.memref_slice %arg2[%dma_start3A_539, %multiple_of3A_528] : memref<64x1000000xf32, #tpu.memory_space<any>> -> memref<64x128xf32, #tpu.memory_space<any>>
    tpu.enqueue_dma source(%dma_start3A_540 : memref<64x128xf32, #tpu.memory_space<any>>) target(%dma_start3A_538 : memref<64x128xf32, #tpu.memory_space<vmem>>) target_semaphore(%dma_start3A_534 : memref<!tpu.dma_semaphore, #tpu.memory_space<semaphore_mem>>)
    %get3A_541 = arith.constant 26 : index
    %get3A_542 = memref.load %arg1[%get3A_541] : memref<3072xi32, #tpu.memory_space<smem>>
    %shift_right_logical3A_543 = arith.constant 7 : i32
    %shift_right_logical3A_544 = arith.shrui %get3A_542, %shift_right_logical3A_543 : i32
    %mul3A_545 = arith.constant 2 : i32
    %mul3A_546 = arith.muli %shift_right_logical3A_544, %mul3A_545 : i32
    %mul3A_547 = arith.constant 64 : i32
    %mul3A_548 = arith.muli %mul3A_546, %mul3A_547 : i32
    %multiple_of3A_549 = tpu.assume_multiple %mul3A_548, 128 : i32
    %dma_start3A_550 = arith.constant 1 : i32
    %dma_start3A_551 = arith.constant 10 : i32
    %dma_start3A_552 = arith.constant 1 : i32
    %dma_start3A_553 = arith.constant 10 : i32
    %dma_start3A_554 = tpu.memref_slice %arg6[%dma_start3A_552, %dma_start3A_553] : memref<2x16x!tpu.dma_semaphore, #tpu.memory_space<semaphore_mem>> -> memref<1x1x!tpu.dma_semaphore, #tpu.memory_space<semaphore_mem>>
    %dma_start3A_555 = tpu.memref_squeeze %dma_start3A_554 : memref<1x1x!tpu.dma_semaphore, #tpu.memory_space<semaphore_mem>> -> memref<!tpu.dma_semaphore, #tpu.memory_space<semaphore_mem>>
    %dma_start3A_556 = arith.constant 0 : i32
    %dma_start3A_557 = arith.constant 0 : i32
    %dma_start3A_558 = tpu.memref_slice %arg5[%dma_start3A_550, %dma_start3A_551, %dma_start3A_556, %dma_start3A_557] : memref<2x16x64x128xf32, #tpu.memory_space<vmem>> -> memref<1x1x64x128xf32, #tpu.memory_space<vmem>>
    %dma_start3A_559 = tpu.memref_squeeze %dma_start3A_558 : memref<1x1x64x128xf32, #tpu.memory_space<vmem>> -> memref<64x128xf32, #tpu.memory_space<vmem>>
    %dma_start3A_560 = arith.constant 0 : i32
    %dma_start3A_561 = tpu.memref_slice %arg2[%dma_start3A_560, %multiple_of3A_549] : memref<64x1000000xf32, #tpu.memory_space<any>> -> memref<64x128xf32, #tpu.memory_space<any>>
    tpu.enqueue_dma source(%dma_start3A_561 : memref<64x128xf32, #tpu.memory_space<any>>) target(%dma_start3A_559 : memref<64x128xf32, #tpu.memory_space<vmem>>) target_semaphore(%dma_start3A_555 : memref<!tpu.dma_semaphore, #tpu.memory_space<semaphore_mem>>)
    %get3A_562 = arith.constant 27 : index
    %get3A_563 = memref.load %arg1[%get3A_562] : memref<3072xi32, #tpu.memory_space<smem>>
    %shift_right_logical3A_564 = arith.constant 7 : i32
    %shift_right_logical3A_565 = arith.shrui %get3A_563, %shift_right_logical3A_564 : i32
    %mul3A_566 = arith.constant 2 : i32
    %mul3A_567 = arith.muli %shift_right_logical3A_565, %mul3A_566 : i32
    %mul3A_568 = arith.constant 64 : i32
    %mul3A_569 = arith.muli %mul3A_567, %mul3A_568 : i32
    %multiple_of3A_570 = tpu.assume_multiple %mul3A_569, 128 : i32
    %dma_start3A_571 = arith.constant 1 : i32
    %dma_start3A_572 = arith.constant 11 : i32
    %dma_start3A_573 = arith.constant 1 : i32
    %dma_start3A_574 = arith.constant 11 : i32
    %dma_start3A_575 = tpu.memref_slice %arg6[%dma_start3A_573, %dma_start3A_574] : memref<2x16x!tpu.dma_semaphore, #tpu.memory_space<semaphore_mem>> -> memref<1x1x!tpu.dma_semaphore, #tpu.memory_space<semaphore_mem>>
    %dma_start3A_576 = tpu.memref_squeeze %dma_start3A_575 : memref<1x1x!tpu.dma_semaphore, #tpu.memory_space<semaphore_mem>> -> memref<!tpu.dma_semaphore, #tpu.memory_space<semaphore_mem>>
    %dma_start3A_577 = arith.constant 0 : i32
    %dma_start3A_578 = arith.constant 0 : i32
    %dma_start3A_579 = tpu.memref_slice %arg5[%dma_start3A_571, %dma_start3A_572, %dma_start3A_577, %dma_start3A_578] : memref<2x16x64x128xf32, #tpu.memory_space<vmem>> -> memref<1x1x64x128xf32, #tpu.memory_space<vmem>>
    %dma_start3A_580 = tpu.memref_squeeze %dma_start3A_579 : memref<1x1x64x128xf32, #tpu.memory_space<vmem>> -> memref<64x128xf32, #tpu.memory_space<vmem>>
    %dma_start3A_581 = arith.constant 0 : i32
    %dma_start3A_582 = tpu.memref_slice %arg2[%dma_start3A_581, %multiple_of3A_570] : memref<64x1000000xf32, #tpu.memory_space<any>> -> memref<64x128xf32, #tpu.memory_space<any>>
    tpu.enqueue_dma source(%dma_start3A_582 : memref<64x128xf32, #tpu.memory_space<any>>) target(%dma_start3A_580 : memref<64x128xf32, #tpu.memory_space<vmem>>) target_semaphore(%dma_start3A_576 : memref<!tpu.dma_semaphore, #tpu.memory_space<semaphore_mem>>)
    %get3A_583 = arith.constant 28 : index
    %get3A_584 = memref.load %arg1[%get3A_583] : memref<3072xi32, #tpu.memory_space<smem>>
    %shift_right_logical3A_585 = arith.constant 7 : i32
    %shift_right_logical3A_586 = arith.shrui %get3A_584, %shift_right_logical3A_585 : i32
    %mul3A_587 = arith.constant 2 : i32
    %mul3A_588 = arith.muli %shift_right_logical3A_586, %mul3A_587 : i32
    %mul3A_589 = arith.constant 64 : i32
    %mul3A_590 = arith.muli %mul3A_588, %mul3A_589 : i32
    %multiple_of3A_591 = tpu.assume_multiple %mul3A_590, 128 : i32
    %dma_start3A_592 = arith.constant 1 : i32
    %dma_start3A_593 = arith.constant 12 : i32
    %dma_start3A_594 = arith.constant 1 : i32
    %dma_start3A_595 = arith.constant 12 : i32
    %dma_start3A_596 = tpu.memref_slice %arg6[%dma_start3A_594, %dma_start3A_595] : memref<2x16x!tpu.dma_semaphore, #tpu.memory_space<semaphore_mem>> -> memref<1x1x!tpu.dma_semaphore, #tpu.memory_space<semaphore_mem>>
    %dma_start3A_597 = tpu.memref_squeeze %dma_start3A_596 : memref<1x1x!tpu.dma_semaphore, #tpu.memory_space<semaphore_mem>> -> memref<!tpu.dma_semaphore, #tpu.memory_space<semaphore_mem>>
    %dma_start3A_598 = arith.constant 0 : i32
    %dma_start3A_599 = arith.constant 0 : i32
    %dma_start3A_600 = tpu.memref_slice %arg5[%dma_start3A_592, %dma_start3A_593, %dma_start3A_598, %dma_start3A_599] : memref<2x16x64x128xf32, #tpu.memory_space<vmem>> -> memref<1x1x64x128xf32, #tpu.memory_space<vmem>>
    %dma_start3A_601 = tpu.memref_squeeze %dma_start3A_600 : memref<1x1x64x128xf32, #tpu.memory_space<vmem>> -> memref<64x128xf32, #tpu.memory_space<vmem>>
    %dma_start3A_602 = arith.constant 0 : i32
    %dma_start3A_603 = tpu.memref_slice %arg2[%dma_start3A_602, %multiple_of3A_591] : memref<64x1000000xf32, #tpu.memory_space<any>> -> memref<64x128xf32, #tpu.memory_space<any>>
    tpu.enqueue_dma source(%dma_start3A_603 : memref<64x128xf32, #tpu.memory_space<any>>) target(%dma_start3A_601 : memref<64x128xf32, #tpu.memory_space<vmem>>) target_semaphore(%dma_start3A_597 : memref<!tpu.dma_semaphore, #tpu.memory_space<semaphore_mem>>)
    %get3A_604 = arith.constant 29 : index
    %get3A_605 = memref.load %arg1[%get3A_604] : memref<3072xi32, #tpu.memory_space<smem>>
    %shift_right_logical3A_606 = arith.constant 7 : i32
    %shift_right_logical3A_607 = arith.shrui %get3A_605, %shift_right_logical3A_606 : i32
    %mul3A_608 = arith.constant 2 : i32
    %mul3A_609 = arith.muli %shift_right_logical3A_607, %mul3A_608 : i32
    %mul3A_610 = arith.constant 64 : i32
    %mul3A_611 = arith.muli %mul3A_609, %mul3A_610 : i32
    %multiple_of3A_612 = tpu.assume_multiple %mul3A_611, 128 : i32
    %dma_start3A_613 = arith.constant 1 : i32
    %dma_start3A_614 = arith.constant 13 : i32
    %dma_start3A_615 = arith.constant 1 : i32
    %dma_start3A_616 = arith.constant 13 : i32
    %dma_start3A_617 = tpu.memref_slice %arg6[%dma_start3A_615, %dma_start3A_616] : memref<2x16x!tpu.dma_semaphore, #tpu.memory_space<semaphore_mem>> -> memref<1x1x!tpu.dma_semaphore, #tpu.memory_space<semaphore_mem>>
    %dma_start3A_618 = tpu.memref_squeeze %dma_start3A_617 : memref<1x1x!tpu.dma_semaphore, #tpu.memory_space<semaphore_mem>> -> memref<!tpu.dma_semaphore, #tpu.memory_space<semaphore_mem>>
    %dma_start3A_619 = arith.constant 0 : i32
    %dma_start3A_620 = arith.constant 0 : i32
    %dma_start3A_621 = tpu.memref_slice %arg5[%dma_start3A_613, %dma_start3A_614, %dma_start3A_619, %dma_start3A_620] : memref<2x16x64x128xf32, #tpu.memory_space<vmem>> -> memref<1x1x64x128xf32, #tpu.memory_space<vmem>>
    %dma_start3A_622 = tpu.memref_squeeze %dma_start3A_621 : memref<1x1x64x128xf32, #tpu.memory_space<vmem>> -> memref<64x128xf32, #tpu.memory_space<vmem>>
    %dma_start3A_623 = arith.constant 0 : i32
    %dma_start3A_624 = tpu.memref_slice %arg2[%dma_start3A_623, %multiple_of3A_612] : memref<64x1000000xf32, #tpu.memory_space<any>> -> memref<64x128xf32, #tpu.memory_space<any>>
    tpu.enqueue_dma source(%dma_start3A_624 : memref<64x128xf32, #tpu.memory_space<any>>) target(%dma_start3A_622 : memref<64x128xf32, #tpu.memory_space<vmem>>) target_semaphore(%dma_start3A_618 : memref<!tpu.dma_semaphore, #tpu.memory_space<semaphore_mem>>)
    %get3A_625 = arith.constant 30 : index
    %get3A_626 = memref.load %arg1[%get3A_625] : memref<3072xi32, #tpu.memory_space<smem>>
    %shift_right_logical3A_627 = arith.constant 7 : i32
    %shift_right_logical3A_628 = arith.shrui %get3A_626, %shift_right_logical3A_627 : i32
    %mul3A_629 = arith.constant 2 : i32
    %mul3A_630 = arith.muli %shift_right_logical3A_628, %mul3A_629 : i32
    %mul3A_631 = arith.constant 64 : i32
    %mul3A_632 = arith.muli %mul3A_630, %mul3A_631 : i32
    %multiple_of3A_633 = tpu.assume_multiple %mul3A_632, 128 : i32
    %dma_start3A_634 = arith.constant 1 : i32
    %dma_start3A_635 = arith.constant 14 : i32
    %dma_start3A_636 = arith.constant 1 : i32
    %dma_start3A_637 = arith.constant 14 : i32
    %dma_start3A_638 = tpu.memref_slice %arg6[%dma_start3A_636, %dma_start3A_637] : memref<2x16x!tpu.dma_semaphore, #tpu.memory_space<semaphore_mem>> -> memref<1x1x!tpu.dma_semaphore, #tpu.memory_space<semaphore_mem>>
    %dma_start3A_639 = tpu.memref_squeeze %dma_start3A_638 : memref<1x1x!tpu.dma_semaphore, #tpu.memory_space<semaphore_mem>> -> memref<!tpu.dma_semaphore, #tpu.memory_space<semaphore_mem>>
    %dma_start3A_640 = arith.constant 0 : i32
    %dma_start3A_641 = arith.constant 0 : i32
    %dma_start3A_642 = tpu.memref_slice %arg5[%dma_start3A_634, %dma_start3A_635, %dma_start3A_640, %dma_start3A_641] : memref<2x16x64x128xf32, #tpu.memory_space<vmem>> -> memref<1x1x64x128xf32, #tpu.memory_space<vmem>>
    %dma_start3A_643 = tpu.memref_squeeze %dma_start3A_642 : memref<1x1x64x128xf32, #tpu.memory_space<vmem>> -> memref<64x128xf32, #tpu.memory_space<vmem>>
    %dma_start3A_644 = arith.constant 0 : i32
    %dma_start3A_645 = tpu.memref_slice %arg2[%dma_start3A_644, %multiple_of3A_633] : memref<64x1000000xf32, #tpu.memory_space<any>> -> memref<64x128xf32, #tpu.memory_space<any>>
    tpu.enqueue_dma source(%dma_start3A_645 : memref<64x128xf32, #tpu.memory_space<any>>) target(%dma_start3A_643 : memref<64x128xf32, #tpu.memory_space<vmem>>) target_semaphore(%dma_start3A_639 : memref<!tpu.dma_semaphore, #tpu.memory_space<semaphore_mem>>)
    %get3A_646 = arith.constant 31 : index
    %get3A_647 = memref.load %arg1[%get3A_646] : memref<3072xi32, #tpu.memory_space<smem>>
    %shift_right_logical3A_648 = arith.constant 7 : i32
    %shift_right_logical3A_649 = arith.shrui %get3A_647, %shift_right_logical3A_648 : i32
    %mul3A_650 = arith.constant 2 : i32
    %mul3A_651 = arith.muli %shift_right_logical3A_649, %mul3A_650 : i32
    %mul3A_652 = arith.constant 64 : i32
    %mul3A_653 = arith.muli %mul3A_651, %mul3A_652 : i32
    %multiple_of3A_654 = tpu.assume_multiple %mul3A_653, 128 : i32
    %dma_start3A_655 = arith.constant 1 : i32
    %dma_start3A_656 = arith.constant 15 : i32
    %dma_start3A_657 = arith.constant 1 : i32
    %dma_start3A_658 = arith.constant 15 : i32
    %dma_start3A_659 = tpu.memref_slice %arg6[%dma_start3A_657, %dma_start3A_658] : memref<2x16x!tpu.dma_semaphore, #tpu.memory_space<semaphore_mem>> -> memref<1x1x!tpu.dma_semaphore, #tpu.memory_space<semaphore_mem>>
    %dma_start3A_660 = tpu.memref_squeeze %dma_start3A_659 : memref<1x1x!tpu.dma_semaphore, #tpu.memory_space<semaphore_mem>> -> memref<!tpu.dma_semaphore, #tpu.memory_space<semaphore_mem>>
    %dma_start3A_661 = arith.constant 0 : i32
    %dma_start3A_662 = arith.constant 0 : i32
    %dma_start3A_663 = tpu.memref_slice %arg5[%dma_start3A_655, %dma_start3A_656, %dma_start3A_661, %dma_start3A_662] : memref<2x16x64x128xf32, #tpu.memory_space<vmem>> -> memref<1x1x64x128xf32, #tpu.memory_space<vmem>>
    %dma_start3A_664 = tpu.memref_squeeze %dma_start3A_663 : memref<1x1x64x128xf32, #tpu.memory_space<vmem>> -> memref<64x128xf32, #tpu.memory_space<vmem>>
    %dma_start3A_665 = arith.constant 0 : i32
    %dma_start3A_666 = tpu.memref_slice %arg2[%dma_start3A_665, %multiple_of3A_654] : memref<64x1000000xf32, #tpu.memory_space<any>> -> memref<64x128xf32, #tpu.memory_space<any>>
    tpu.enqueue_dma source(%dma_start3A_666 : memref<64x128xf32, #tpu.memory_space<any>>) target(%dma_start3A_664 : memref<64x128xf32, #tpu.memory_space<vmem>>) target_semaphore(%dma_start3A_660 : memref<!tpu.dma_semaphore, #tpu.memory_space<semaphore_mem>>)
    %iota3A = tpu.iota {dimensions = array<i32: 1>} : vector<16x2048xi32>
    %scan3A = arith.constant 0 : i32
    %scan3A_667 = arith.constant 192 : i32
    %scan3A_668 = arith.addi %scan3A, %scan3A_667 : i32
    %scan3A_669 = arith.constant 1 : i32
    scf.for %scan3A_1086 = %scan3A to %scan3A_668 step %scan3A_669  : i32 {
      %mul3A_1087 = arith.constant 1 : i32
      %mul3A_1088 = arith.muli %scan3A_1086, %mul3A_1087 : i32
      %add3A = arith.constant 0 : i32
      %add3A_1089 = arith.addi %add3A, %mul3A_1088 : i32
      %jit3A = arith.constant 2 : i32
      %eq3A = arith.constant 0 : i32
      %eq3A_1090 = arith.cmpi eq, %jit3A, %eq3A : i32
      %jit3A_1091 = arith.constant 1 : i32
      %select_n3A = arith.select %eq3A_1090, %jit3A_1091, %jit3A : i32
      %rem3A = arith.remsi %add3A_1089, %select_n3A : i32
      %ne3A = arith.constant 0 : i32
      %ne3A_1092 = arith.cmpi ne, %rem3A, %ne3A : i32
      %lt3A = arith.constant 0 : i32
      %lt3A_1093 = arith.cmpi slt, %rem3A, %lt3A : i32
      %lt3A_1094 = arith.constant 0 : i32
      %lt3A_1095 = arith.cmpi slt, %select_n3A, %lt3A_1094 : i32
      %ne3A_1096 = arith.xori %lt3A_1093, %lt3A_1095 : i1
      %and3A = arith.andi %ne3A_1096, %ne3A_1092 : i1
      %add3A_1097 = arith.addi %rem3A, %select_n3A : i32
      %select_n3A_1098 = arith.select %and3A, %add3A_1097, %rem3A : i32
      %dma_wait3A_1099 = arith.constant 0 : i32
      %dma_wait3A_1100 = arith.constant 0 : i32
      %dma_wait3A_1101 = tpu.memref_slice %arg6[%select_n3A_1098, %dma_wait3A_1100] : memref<2x16x!tpu.dma_semaphore, #tpu.memory_space<semaphore_mem>> -> memref<1x1x!tpu.dma_semaphore, #tpu.memory_space<semaphore_mem>>
      %dma_wait3A_1102 = tpu.memref_squeeze %dma_wait3A_1101 : memref<1x1x!tpu.dma_semaphore, #tpu.memory_space<semaphore_mem>> -> memref<!tpu.dma_semaphore, #tpu.memory_space<semaphore_mem>>
      %dma_wait3A_1103 = arith.constant 0 : i32
      %dma_wait3A_1104 = arith.constant 0 : i32
      %dma_wait3A_1105 = tpu.memref_slice %arg5[%select_n3A_1098, %dma_wait3A_1099, %dma_wait3A_1103, %dma_wait3A_1104] : memref<2x16x64x128xf32, #tpu.memory_space<vmem>> -> memref<1x1x64x128xf32, #tpu.memory_space<vmem>>
      %dma_wait3A_1106 = tpu.memref_squeeze %dma_wait3A_1105 : memref<1x1x64x128xf32, #tpu.memory_space<vmem>> -> memref<64x128xf32, #tpu.memory_space<vmem>>
      %dma_wait3A_1107 = arith.constant 0 : i32
      %dma_wait3A_1108 = arith.constant 0 : i32
      %dma_wait3A_1109 = tpu.memref_slice %arg2[%dma_wait3A_1107, %dma_wait3A_1108] : memref<64x1000000xf32, #tpu.memory_space<any>> -> memref<64x128xf32, #tpu.memory_space<any>>
      tpu.wait_dma2 semaphore(%dma_wait3A_1102 : memref<!tpu.dma_semaphore, #tpu.memory_space<semaphore_mem>>) src(%dma_wait3A_1109 : memref<64x128xf32, #tpu.memory_space<any>>) dst(%dma_wait3A_1106 : memref<64x128xf32, #tpu.memory_space<vmem>>)
      %dma_wait3A_1110 = arith.constant 1 : i32
      %dma_wait3A_1111 = arith.constant 1 : i32
      %dma_wait3A_1112 = tpu.memref_slice %arg6[%select_n3A_1098, %dma_wait3A_1111] : memref<2x16x!tpu.dma_semaphore, #tpu.memory_space<semaphore_mem>> -> memref<1x1x!tpu.dma_semaphore, #tpu.memory_space<semaphore_mem>>
      %dma_wait3A_1113 = tpu.memref_squeeze %dma_wait3A_1112 : memref<1x1x!tpu.dma_semaphore, #tpu.memory_space<semaphore_mem>> -> memref<!tpu.dma_semaphore, #tpu.memory_space<semaphore_mem>>
      %dma_wait3A_1114 = arith.constant 0 : i32
      %dma_wait3A_1115 = arith.constant 0 : i32
      %dma_wait3A_1116 = tpu.memref_slice %arg5[%select_n3A_1098, %dma_wait3A_1110, %dma_wait3A_1114, %dma_wait3A_1115] : memref<2x16x64x128xf32, #tpu.memory_space<vmem>> -> memref<1x1x64x128xf32, #tpu.memory_space<vmem>>
      %dma_wait3A_1117 = tpu.memref_squeeze %dma_wait3A_1116 : memref<1x1x64x128xf32, #tpu.memory_space<vmem>> -> memref<64x128xf32, #tpu.memory_space<vmem>>
      %dma_wait3A_1118 = arith.constant 0 : i32
      %dma_wait3A_1119 = arith.constant 0 : i32
      %dma_wait3A_1120 = tpu.memref_slice %arg2[%dma_wait3A_1118, %dma_wait3A_1119] : memref<64x1000000xf32, #tpu.memory_space<any>> -> memref<64x128xf32, #tpu.memory_space<any>>
      tpu.wait_dma2 semaphore(%dma_wait3A_1113 : memref<!tpu.dma_semaphore, #tpu.memory_space<semaphore_mem>>) src(%dma_wait3A_1120 : memref<64x128xf32, #tpu.memory_space<any>>) dst(%dma_wait3A_1117 : memref<64x128xf32, #tpu.memory_space<vmem>>)
      %dma_wait3A_1121 = arith.constant 2 : i32
      %dma_wait3A_1122 = arith.constant 2 : i32
      %dma_wait3A_1123 = tpu.memref_slice %arg6[%select_n3A_1098, %dma_wait3A_1122] : memref<2x16x!tpu.dma_semaphore, #tpu.memory_space<semaphore_mem>> -> memref<1x1x!tpu.dma_semaphore, #tpu.memory_space<semaphore_mem>>
      %dma_wait3A_1124 = tpu.memref_squeeze %dma_wait3A_1123 : memref<1x1x!tpu.dma_semaphore, #tpu.memory_space<semaphore_mem>> -> memref<!tpu.dma_semaphore, #tpu.memory_space<semaphore_mem>>
      %dma_wait3A_1125 = arith.constant 0 : i32
      %dma_wait3A_1126 = arith.constant 0 : i32
      %dma_wait3A_1127 = tpu.memref_slice %arg5[%select_n3A_1098, %dma_wait3A_1121, %dma_wait3A_1125, %dma_wait3A_1126] : memref<2x16x64x128xf32, #tpu.memory_space<vmem>> -> memref<1x1x64x128xf32, #tpu.memory_space<vmem>>
      %dma_wait3A_1128 = tpu.memref_squeeze %dma_wait3A_1127 : memref<1x1x64x128xf32, #tpu.memory_space<vmem>> -> memref<64x128xf32, #tpu.memory_space<vmem>>
      %dma_wait3A_1129 = arith.constant 0 : i32
      %dma_wait3A_1130 = arith.constant 0 : i32
      %dma_wait3A_1131 = tpu.memref_slice %arg2[%dma_wait3A_1129, %dma_wait3A_1130] : memref<64x1000000xf32, #tpu.memory_space<any>> -> memref<64x128xf32, #tpu.memory_space<any>>
      tpu.wait_dma2 semaphore(%dma_wait3A_1124 : memref<!tpu.dma_semaphore, #tpu.memory_space<semaphore_mem>>) src(%dma_wait3A_1131 : memref<64x128xf32, #tpu.memory_space<any>>) dst(%dma_wait3A_1128 : memref<64x128xf32, #tpu.memory_space<vmem>>)
      %dma_wait3A_1132 = arith.constant 3 : i32
      %dma_wait3A_1133 = arith.constant 3 : i32
      %dma_wait3A_1134 = tpu.memref_slice %arg6[%select_n3A_1098, %dma_wait3A_1133] : memref<2x16x!tpu.dma_semaphore, #tpu.memory_space<semaphore_mem>> -> memref<1x1x!tpu.dma_semaphore, #tpu.memory_space<semaphore_mem>>
      %dma_wait3A_1135 = tpu.memref_squeeze %dma_wait3A_1134 : memref<1x1x!tpu.dma_semaphore, #tpu.memory_space<semaphore_mem>> -> memref<!tpu.dma_semaphore, #tpu.memory_space<semaphore_mem>>
      %dma_wait3A_1136 = arith.constant 0 : i32
      %dma_wait3A_1137 = arith.constant 0 : i32
      %dma_wait3A_1138 = tpu.memref_slice %arg5[%select_n3A_1098, %dma_wait3A_1132, %dma_wait3A_1136, %dma_wait3A_1137] : memref<2x16x64x128xf32, #tpu.memory_space<vmem>> -> memref<1x1x64x128xf32, #tpu.memory_space<vmem>>
      %dma_wait3A_1139 = tpu.memref_squeeze %dma_wait3A_1138 : memref<1x1x64x128xf32, #tpu.memory_space<vmem>> -> memref<64x128xf32, #tpu.memory_space<vmem>>
      %dma_wait3A_1140 = arith.constant 0 : i32
      %dma_wait3A_1141 = arith.constant 0 : i32
      %dma_wait3A_1142 = tpu.memref_slice %arg2[%dma_wait3A_1140, %dma_wait3A_1141] : memref<64x1000000xf32, #tpu.memory_space<any>> -> memref<64x128xf32, #tpu.memory_space<any>>
      tpu.wait_dma2 semaphore(%dma_wait3A_1135 : memref<!tpu.dma_semaphore, #tpu.memory_space<semaphore_mem>>) src(%dma_wait3A_1142 : memref<64x128xf32, #tpu.memory_space<any>>) dst(%dma_wait3A_1139 : memref<64x128xf32, #tpu.memory_space<vmem>>)
      %dma_wait3A_1143 = arith.constant 4 : i32
      %dma_wait3A_1144 = arith.constant 4 : i32
      %dma_wait3A_1145 = tpu.memref_slice %arg6[%select_n3A_1098, %dma_wait3A_1144] : memref<2x16x!tpu.dma_semaphore, #tpu.memory_space<semaphore_mem>> -> memref<1x1x!tpu.dma_semaphore, #tpu.memory_space<semaphore_mem>>
      %dma_wait3A_1146 = tpu.memref_squeeze %dma_wait3A_1145 : memref<1x1x!tpu.dma_semaphore, #tpu.memory_space<semaphore_mem>> -> memref<!tpu.dma_semaphore, #tpu.memory_space<semaphore_mem>>
      %dma_wait3A_1147 = arith.constant 0 : i32
      %dma_wait3A_1148 = arith.constant 0 : i32
      %dma_wait3A_1149 = tpu.memref_slice %arg5[%select_n3A_1098, %dma_wait3A_1143, %dma_wait3A_1147, %dma_wait3A_1148] : memref<2x16x64x128xf32, #tpu.memory_space<vmem>> -> memref<1x1x64x128xf32, #tpu.memory_space<vmem>>
      %dma_wait3A_1150 = tpu.memref_squeeze %dma_wait3A_1149 : memref<1x1x64x128xf32, #tpu.memory_space<vmem>> -> memref<64x128xf32, #tpu.memory_space<vmem>>
      %dma_wait3A_1151 = arith.constant 0 : i32
      %dma_wait3A_1152 = arith.constant 0 : i32
      %dma_wait3A_1153 = tpu.memref_slice %arg2[%dma_wait3A_1151, %dma_wait3A_1152] : memref<64x1000000xf32, #tpu.memory_space<any>> -> memref<64x128xf32, #tpu.memory_space<any>>
      tpu.wait_dma2 semaphore(%dma_wait3A_1146 : memref<!tpu.dma_semaphore, #tpu.memory_space<semaphore_mem>>) src(%dma_wait3A_1153 : memref<64x128xf32, #tpu.memory_space<any>>) dst(%dma_wait3A_1150 : memref<64x128xf32, #tpu.memory_space<vmem>>)
      %dma_wait3A_1154 = arith.constant 5 : i32
      %dma_wait3A_1155 = arith.constant 5 : i32
      %dma_wait3A_1156 = tpu.memref_slice %arg6[%select_n3A_1098, %dma_wait3A_1155] : memref<2x16x!tpu.dma_semaphore, #tpu.memory_space<semaphore_mem>> -> memref<1x1x!tpu.dma_semaphore, #tpu.memory_space<semaphore_mem>>
      %dma_wait3A_1157 = tpu.memref_squeeze %dma_wait3A_1156 : memref<1x1x!tpu.dma_semaphore, #tpu.memory_space<semaphore_mem>> -> memref<!tpu.dma_semaphore, #tpu.memory_space<semaphore_mem>>
      %dma_wait3A_1158 = arith.constant 0 : i32
      %dma_wait3A_1159 = arith.constant 0 : i32
      %dma_wait3A_1160 = tpu.memref_slice %arg5[%select_n3A_1098, %dma_wait3A_1154, %dma_wait3A_1158, %dma_wait3A_1159] : memref<2x16x64x128xf32, #tpu.memory_space<vmem>> -> memref<1x1x64x128xf32, #tpu.memory_space<vmem>>
      %dma_wait3A_1161 = tpu.memref_squeeze %dma_wait3A_1160 : memref<1x1x64x128xf32, #tpu.memory_space<vmem>> -> memref<64x128xf32, #tpu.memory_space<vmem>>
      %dma_wait3A_1162 = arith.constant 0 : i32
      %dma_wait3A_1163 = arith.constant 0 : i32
      %dma_wait3A_1164 = tpu.memref_slice %arg2[%dma_wait3A_1162, %dma_wait3A_1163] : memref<64x1000000xf32, #tpu.memory_space<any>> -> memref<64x128xf32, #tpu.memory_space<any>>
      tpu.wait_dma2 semaphore(%dma_wait3A_1157 : memref<!tpu.dma_semaphore, #tpu.memory_space<semaphore_mem>>) src(%dma_wait3A_1164 : memref<64x128xf32, #tpu.memory_space<any>>) dst(%dma_wait3A_1161 : memref<64x128xf32, #tpu.memory_space<vmem>>)
      %dma_wait3A_1165 = arith.constant 6 : i32
      %dma_wait3A_1166 = arith.constant 6 : i32
      %dma_wait3A_1167 = tpu.memref_slice %arg6[%select_n3A_1098, %dma_wait3A_1166] : memref<2x16x!tpu.dma_semaphore, #tpu.memory_space<semaphore_mem>> -> memref<1x1x!tpu.dma_semaphore, #tpu.memory_space<semaphore_mem>>
      %dma_wait3A_1168 = tpu.memref_squeeze %dma_wait3A_1167 : memref<1x1x!tpu.dma_semaphore, #tpu.memory_space<semaphore_mem>> -> memref<!tpu.dma_semaphore, #tpu.memory_space<semaphore_mem>>
      %dma_wait3A_1169 = arith.constant 0 : i32
      %dma_wait3A_1170 = arith.constant 0 : i32
      %dma_wait3A_1171 = tpu.memref_slice %arg5[%select_n3A_1098, %dma_wait3A_1165, %dma_wait3A_1169, %dma_wait3A_1170] : memref<2x16x64x128xf32, #tpu.memory_space<vmem>> -> memref<1x1x64x128xf32, #tpu.memory_space<vmem>>
      %dma_wait3A_1172 = tpu.memref_squeeze %dma_wait3A_1171 : memref<1x1x64x128xf32, #tpu.memory_space<vmem>> -> memref<64x128xf32, #tpu.memory_space<vmem>>
      %dma_wait3A_1173 = arith.constant 0 : i32
      %dma_wait3A_1174 = arith.constant 0 : i32
      %dma_wait3A_1175 = tpu.memref_slice %arg2[%dma_wait3A_1173, %dma_wait3A_1174] : memref<64x1000000xf32, #tpu.memory_space<any>> -> memref<64x128xf32, #tpu.memory_space<any>>
      tpu.wait_dma2 semaphore(%dma_wait3A_1168 : memref<!tpu.dma_semaphore, #tpu.memory_space<semaphore_mem>>) src(%dma_wait3A_1175 : memref<64x128xf32, #tpu.memory_space<any>>) dst(%dma_wait3A_1172 : memref<64x128xf32, #tpu.memory_space<vmem>>)
      %dma_wait3A_1176 = arith.constant 7 : i32
      %dma_wait3A_1177 = arith.constant 7 : i32
      %dma_wait3A_1178 = tpu.memref_slice %arg6[%select_n3A_1098, %dma_wait3A_1177] : memref<2x16x!tpu.dma_semaphore, #tpu.memory_space<semaphore_mem>> -> memref<1x1x!tpu.dma_semaphore, #tpu.memory_space<semaphore_mem>>
      %dma_wait3A_1179 = tpu.memref_squeeze %dma_wait3A_1178 : memref<1x1x!tpu.dma_semaphore, #tpu.memory_space<semaphore_mem>> -> memref<!tpu.dma_semaphore, #tpu.memory_space<semaphore_mem>>
      %dma_wait3A_1180 = arith.constant 0 : i32
      %dma_wait3A_1181 = arith.constant 0 : i32
      %dma_wait3A_1182 = tpu.memref_slice %arg5[%select_n3A_1098, %dma_wait3A_1176, %dma_wait3A_1180, %dma_wait3A_1181] : memref<2x16x64x128xf32, #tpu.memory_space<vmem>> -> memref<1x1x64x128xf32, #tpu.memory_space<vmem>>
      %dma_wait3A_1183 = tpu.memref_squeeze %dma_wait3A_1182 : memref<1x1x64x128xf32, #tpu.memory_space<vmem>> -> memref<64x128xf32, #tpu.memory_space<vmem>>
      %dma_wait3A_1184 = arith.constant 0 : i32
      %dma_wait3A_1185 = arith.constant 0 : i32
      %dma_wait3A_1186 = tpu.memref_slice %arg2[%dma_wait3A_1184, %dma_wait3A_1185] : memref<64x1000000xf32, #tpu.memory_space<any>> -> memref<64x128xf32, #tpu.memory_space<any>>
      tpu.wait_dma2 semaphore(%dma_wait3A_1179 : memref<!tpu.dma_semaphore, #tpu.memory_space<semaphore_mem>>) src(%dma_wait3A_1186 : memref<64x128xf32, #tpu.memory_space<any>>) dst(%dma_wait3A_1183 : memref<64x128xf32, #tpu.memory_space<vmem>>)
      %dma_wait3A_1187 = arith.constant 8 : i32
      %dma_wait3A_1188 = arith.constant 8 : i32
      %dma_wait3A_1189 = tpu.memref_slice %arg6[%select_n3A_1098, %dma_wait3A_1188] : memref<2x16x!tpu.dma_semaphore, #tpu.memory_space<semaphore_mem>> -> memref<1x1x!tpu.dma_semaphore, #tpu.memory_space<semaphore_mem>>
      %dma_wait3A_1190 = tpu.memref_squeeze %dma_wait3A_1189 : memref<1x1x!tpu.dma_semaphore, #tpu.memory_space<semaphore_mem>> -> memref<!tpu.dma_semaphore, #tpu.memory_space<semaphore_mem>>
      %dma_wait3A_1191 = arith.constant 0 : i32
      %dma_wait3A_1192 = arith.constant 0 : i32
      %dma_wait3A_1193 = tpu.memref_slice %arg5[%select_n3A_1098, %dma_wait3A_1187, %dma_wait3A_1191, %dma_wait3A_1192] : memref<2x16x64x128xf32, #tpu.memory_space<vmem>> -> memref<1x1x64x128xf32, #tpu.memory_space<vmem>>
      %dma_wait3A_1194 = tpu.memref_squeeze %dma_wait3A_1193 : memref<1x1x64x128xf32, #tpu.memory_space<vmem>> -> memref<64x128xf32, #tpu.memory_space<vmem>>
      %dma_wait3A_1195 = arith.constant 0 : i32
      %dma_wait3A_1196 = arith.constant 0 : i32
      %dma_wait3A_1197 = tpu.memref_slice %arg2[%dma_wait3A_1195, %dma_wait3A_1196] : memref<64x1000000xf32, #tpu.memory_space<any>> -> memref<64x128xf32, #tpu.memory_space<any>>
      tpu.wait_dma2 semaphore(%dma_wait3A_1190 : memref<!tpu.dma_semaphore, #tpu.memory_space<semaphore_mem>>) src(%dma_wait3A_1197 : memref<64x128xf32, #tpu.memory_space<any>>) dst(%dma_wait3A_1194 : memref<64x128xf32, #tpu.memory_space<vmem>>)
      %dma_wait3A_1198 = arith.constant 9 : i32
      %dma_wait3A_1199 = arith.constant 9 : i32
      %dma_wait3A_1200 = tpu.memref_slice %arg6[%select_n3A_1098, %dma_wait3A_1199] : memref<2x16x!tpu.dma_semaphore, #tpu.memory_space<semaphore_mem>> -> memref<1x1x!tpu.dma_semaphore, #tpu.memory_space<semaphore_mem>>
      %dma_wait3A_1201 = tpu.memref_squeeze %dma_wait3A_1200 : memref<1x1x!tpu.dma_semaphore, #tpu.memory_space<semaphore_mem>> -> memref<!tpu.dma_semaphore, #tpu.memory_space<semaphore_mem>>
      %dma_wait3A_1202 = arith.constant 0 : i32
      %dma_wait3A_1203 = arith.constant 0 : i32
      %dma_wait3A_1204 = tpu.memref_slice %arg5[%select_n3A_1098, %dma_wait3A_1198, %dma_wait3A_1202, %dma_wait3A_1203] : memref<2x16x64x128xf32, #tpu.memory_space<vmem>> -> memref<1x1x64x128xf32, #tpu.memory_space<vmem>>
      %dma_wait3A_1205 = tpu.memref_squeeze %dma_wait3A_1204 : memref<1x1x64x128xf32, #tpu.memory_space<vmem>> -> memref<64x128xf32, #tpu.memory_space<vmem>>
      %dma_wait3A_1206 = arith.constant 0 : i32
      %dma_wait3A_1207 = arith.constant 0 : i32
      %dma_wait3A_1208 = tpu.memref_slice %arg2[%dma_wait3A_1206, %dma_wait3A_1207] : memref<64x1000000xf32, #tpu.memory_space<any>> -> memref<64x128xf32, #tpu.memory_space<any>>
      tpu.wait_dma2 semaphore(%dma_wait3A_1201 : memref<!tpu.dma_semaphore, #tpu.memory_space<semaphore_mem>>) src(%dma_wait3A_1208 : memref<64x128xf32, #tpu.memory_space<any>>) dst(%dma_wait3A_1205 : memref<64x128xf32, #tpu.memory_space<vmem>>)
      %dma_wait3A_1209 = arith.constant 10 : i32
      %dma_wait3A_1210 = arith.constant 10 : i32
      %dma_wait3A_1211 = tpu.memref_slice %arg6[%select_n3A_1098, %dma_wait3A_1210] : memref<2x16x!tpu.dma_semaphore, #tpu.memory_space<semaphore_mem>> -> memref<1x1x!tpu.dma_semaphore, #tpu.memory_space<semaphore_mem>>
      %dma_wait3A_1212 = tpu.memref_squeeze %dma_wait3A_1211 : memref<1x1x!tpu.dma_semaphore, #tpu.memory_space<semaphore_mem>> -> memref<!tpu.dma_semaphore, #tpu.memory_space<semaphore_mem>>
      %dma_wait3A_1213 = arith.constant 0 : i32
      %dma_wait3A_1214 = arith.constant 0 : i32
      %dma_wait3A_1215 = tpu.memref_slice %arg5[%select_n3A_1098, %dma_wait3A_1209, %dma_wait3A_1213, %dma_wait3A_1214] : memref<2x16x64x128xf32, #tpu.memory_space<vmem>> -> memref<1x1x64x128xf32, #tpu.memory_space<vmem>>
      %dma_wait3A_1216 = tpu.memref_squeeze %dma_wait3A_1215 : memref<1x1x64x128xf32, #tpu.memory_space<vmem>> -> memref<64x128xf32, #tpu.memory_space<vmem>>
      %dma_wait3A_1217 = arith.constant 0 : i32
      %dma_wait3A_1218 = arith.constant 0 : i32
      %dma_wait3A_1219 = tpu.memref_slice %arg2[%dma_wait3A_1217, %dma_wait3A_1218] : memref<64x1000000xf32, #tpu.memory_space<any>> -> memref<64x128xf32, #tpu.memory_space<any>>
      tpu.wait_dma2 semaphore(%dma_wait3A_1212 : memref<!tpu.dma_semaphore, #tpu.memory_space<semaphore_mem>>) src(%dma_wait3A_1219 : memref<64x128xf32, #tpu.memory_space<any>>) dst(%dma_wait3A_1216 : memref<64x128xf32, #tpu.memory_space<vmem>>)
      %dma_wait3A_1220 = arith.constant 11 : i32
      %dma_wait3A_1221 = arith.constant 11 : i32
      %dma_wait3A_1222 = tpu.memref_slice %arg6[%select_n3A_1098, %dma_wait3A_1221] : memref<2x16x!tpu.dma_semaphore, #tpu.memory_space<semaphore_mem>> -> memref<1x1x!tpu.dma_semaphore, #tpu.memory_space<semaphore_mem>>
      %dma_wait3A_1223 = tpu.memref_squeeze %dma_wait3A_1222 : memref<1x1x!tpu.dma_semaphore, #tpu.memory_space<semaphore_mem>> -> memref<!tpu.dma_semaphore, #tpu.memory_space<semaphore_mem>>
      %dma_wait3A_1224 = arith.constant 0 : i32
      %dma_wait3A_1225 = arith.constant 0 : i32
      %dma_wait3A_1226 = tpu.memref_slice %arg5[%select_n3A_1098, %dma_wait3A_1220, %dma_wait3A_1224, %dma_wait3A_1225] : memref<2x16x64x128xf32, #tpu.memory_space<vmem>> -> memref<1x1x64x128xf32, #tpu.memory_space<vmem>>
      %dma_wait3A_1227 = tpu.memref_squeeze %dma_wait3A_1226 : memref<1x1x64x128xf32, #tpu.memory_space<vmem>> -> memref<64x128xf32, #tpu.memory_space<vmem>>
      %dma_wait3A_1228 = arith.constant 0 : i32
      %dma_wait3A_1229 = arith.constant 0 : i32
      %dma_wait3A_1230 = tpu.memref_slice %arg2[%dma_wait3A_1228, %dma_wait3A_1229] : memref<64x1000000xf32, #tpu.memory_space<any>> -> memref<64x128xf32, #tpu.memory_space<any>>
      tpu.wait_dma2 semaphore(%dma_wait3A_1223 : memref<!tpu.dma_semaphore, #tpu.memory_space<semaphore_mem>>) src(%dma_wait3A_1230 : memref<64x128xf32, #tpu.memory_space<any>>) dst(%dma_wait3A_1227 : memref<64x128xf32, #tpu.memory_space<vmem>>)
      %dma_wait3A_1231 = arith.constant 12 : i32
      %dma_wait3A_1232 = arith.constant 12 : i32
      %dma_wait3A_1233 = tpu.memref_slice %arg6[%select_n3A_1098, %dma_wait3A_1232] : memref<2x16x!tpu.dma_semaphore, #tpu.memory_space<semaphore_mem>> -> memref<1x1x!tpu.dma_semaphore, #tpu.memory_space<semaphore_mem>>
      %dma_wait3A_1234 = tpu.memref_squeeze %dma_wait3A_1233 : memref<1x1x!tpu.dma_semaphore, #tpu.memory_space<semaphore_mem>> -> memref<!tpu.dma_semaphore, #tpu.memory_space<semaphore_mem>>
      %dma_wait3A_1235 = arith.constant 0 : i32
      %dma_wait3A_1236 = arith.constant 0 : i32
      %dma_wait3A_1237 = tpu.memref_slice %arg5[%select_n3A_1098, %dma_wait3A_1231, %dma_wait3A_1235, %dma_wait3A_1236] : memref<2x16x64x128xf32, #tpu.memory_space<vmem>> -> memref<1x1x64x128xf32, #tpu.memory_space<vmem>>
      %dma_wait3A_1238 = tpu.memref_squeeze %dma_wait3A_1237 : memref<1x1x64x128xf32, #tpu.memory_space<vmem>> -> memref<64x128xf32, #tpu.memory_space<vmem>>
      %dma_wait3A_1239 = arith.constant 0 : i32
      %dma_wait3A_1240 = arith.constant 0 : i32
      %dma_wait3A_1241 = tpu.memref_slice %arg2[%dma_wait3A_1239, %dma_wait3A_1240] : memref<64x1000000xf32, #tpu.memory_space<any>> -> memref<64x128xf32, #tpu.memory_space<any>>
      tpu.wait_dma2 semaphore(%dma_wait3A_1234 : memref<!tpu.dma_semaphore, #tpu.memory_space<semaphore_mem>>) src(%dma_wait3A_1241 : memref<64x128xf32, #tpu.memory_space<any>>) dst(%dma_wait3A_1238 : memref<64x128xf32, #tpu.memory_space<vmem>>)
      %dma_wait3A_1242 = arith.constant 13 : i32
      %dma_wait3A_1243 = arith.constant 13 : i32
      %dma_wait3A_1244 = tpu.memref_slice %arg6[%select_n3A_1098, %dma_wait3A_1243] : memref<2x16x!tpu.dma_semaphore, #tpu.memory_space<semaphore_mem>> -> memref<1x1x!tpu.dma_semaphore, #tpu.memory_space<semaphore_mem>>
      %dma_wait3A_1245 = tpu.memref_squeeze %dma_wait3A_1244 : memref<1x1x!tpu.dma_semaphore, #tpu.memory_space<semaphore_mem>> -> memref<!tpu.dma_semaphore, #tpu.memory_space<semaphore_mem>>
      %dma_wait3A_1246 = arith.constant 0 : i32
      %dma_wait3A_1247 = arith.constant 0 : i32
      %dma_wait3A_1248 = tpu.memref_slice %arg5[%select_n3A_1098, %dma_wait3A_1242, %dma_wait3A_1246, %dma_wait3A_1247] : memref<2x16x64x128xf32, #tpu.memory_space<vmem>> -> memref<1x1x64x128xf32, #tpu.memory_space<vmem>>
      %dma_wait3A_1249 = tpu.memref_squeeze %dma_wait3A_1248 : memref<1x1x64x128xf32, #tpu.memory_space<vmem>> -> memref<64x128xf32, #tpu.memory_space<vmem>>
      %dma_wait3A_1250 = arith.constant 0 : i32
      %dma_wait3A_1251 = arith.constant 0 : i32
      %dma_wait3A_1252 = tpu.memref_slice %arg2[%dma_wait3A_1250, %dma_wait3A_1251] : memref<64x1000000xf32, #tpu.memory_space<any>> -> memref<64x128xf32, #tpu.memory_space<any>>
      tpu.wait_dma2 semaphore(%dma_wait3A_1245 : memref<!tpu.dma_semaphore, #tpu.memory_space<semaphore_mem>>) src(%dma_wait3A_1252 : memref<64x128xf32, #tpu.memory_space<any>>) dst(%dma_wait3A_1249 : memref<64x128xf32, #tpu.memory_space<vmem>>)
      %dma_wait3A_1253 = arith.constant 14 : i32
      %dma_wait3A_1254 = arith.constant 14 : i32
      %dma_wait3A_1255 = tpu.memref_slice %arg6[%select_n3A_1098, %dma_wait3A_1254] : memref<2x16x!tpu.dma_semaphore, #tpu.memory_space<semaphore_mem>> -> memref<1x1x!tpu.dma_semaphore, #tpu.memory_space<semaphore_mem>>
      %dma_wait3A_1256 = tpu.memref_squeeze %dma_wait3A_1255 : memref<1x1x!tpu.dma_semaphore, #tpu.memory_space<semaphore_mem>> -> memref<!tpu.dma_semaphore, #tpu.memory_space<semaphore_mem>>
      %dma_wait3A_1257 = arith.constant 0 : i32
      %dma_wait3A_1258 = arith.constant 0 : i32
      %dma_wait3A_1259 = tpu.memref_slice %arg5[%select_n3A_1098, %dma_wait3A_1253, %dma_wait3A_1257, %dma_wait3A_1258] : memref<2x16x64x128xf32, #tpu.memory_space<vmem>> -> memref<1x1x64x128xf32, #tpu.memory_space<vmem>>
      %dma_wait3A_1260 = tpu.memref_squeeze %dma_wait3A_1259 : memref<1x1x64x128xf32, #tpu.memory_space<vmem>> -> memref<64x128xf32, #tpu.memory_space<vmem>>
      %dma_wait3A_1261 = arith.constant 0 : i32
      %dma_wait3A_1262 = arith.constant 0 : i32
      %dma_wait3A_1263 = tpu.memref_slice %arg2[%dma_wait3A_1261, %dma_wait3A_1262] : memref<64x1000000xf32, #tpu.memory_space<any>> -> memref<64x128xf32, #tpu.memory_space<any>>
      tpu.wait_dma2 semaphore(%dma_wait3A_1256 : memref<!tpu.dma_semaphore, #tpu.memory_space<semaphore_mem>>) src(%dma_wait3A_1263 : memref<64x128xf32, #tpu.memory_space<any>>) dst(%dma_wait3A_1260 : memref<64x128xf32, #tpu.memory_space<vmem>>)
      %dma_wait3A_1264 = arith.constant 15 : i32
      %dma_wait3A_1265 = arith.constant 15 : i32
      %dma_wait3A_1266 = tpu.memref_slice %arg6[%select_n3A_1098, %dma_wait3A_1265] : memref<2x16x!tpu.dma_semaphore, #tpu.memory_space<semaphore_mem>> -> memref<1x1x!tpu.dma_semaphore, #tpu.memory_space<semaphore_mem>>
      %dma_wait3A_1267 = tpu.memref_squeeze %dma_wait3A_1266 : memref<1x1x!tpu.dma_semaphore, #tpu.memory_space<semaphore_mem>> -> memref<!tpu.dma_semaphore, #tpu.memory_space<semaphore_mem>>
      %dma_wait3A_1268 = arith.constant 0 : i32
      %dma_wait3A_1269 = arith.constant 0 : i32
      %dma_wait3A_1270 = tpu.memref_slice %arg5[%select_n3A_1098, %dma_wait3A_1264, %dma_wait3A_1268, %dma_wait3A_1269] : memref<2x16x64x128xf32, #tpu.memory_space<vmem>> -> memref<1x1x64x128xf32, #tpu.memory_space<vmem>>
      %dma_wait3A_1271 = tpu.memref_squeeze %dma_wait3A_1270 : memref<1x1x64x128xf32, #tpu.memory_space<vmem>> -> memref<64x128xf32, #tpu.memory_space<vmem>>
      %dma_wait3A_1272 = arith.constant 0 : i32
      %dma_wait3A_1273 = arith.constant 0 : i32
      %dma_wait3A_1274 = tpu.memref_slice %arg2[%dma_wait3A_1272, %dma_wait3A_1273] : memref<64x1000000xf32, #tpu.memory_space<any>> -> memref<64x128xf32, #tpu.memory_space<any>>
      tpu.wait_dma2 semaphore(%dma_wait3A_1267 : memref<!tpu.dma_semaphore, #tpu.memory_space<semaphore_mem>>) src(%dma_wait3A_1274 : memref<64x128xf32, #tpu.memory_space<any>>) dst(%dma_wait3A_1271 : memref<64x128xf32, #tpu.memory_space<vmem>>)
      %get3A_1275 = arith.index_cast %select_n3A_1098 : i32 to index
      %get3A_1276 = arith.constant 0 : index
      %get3A_1277 = arith.constant 0 : index
      %get3A_1278 = arith.constant 0 : index
      %get3A_1279 = vector.load %arg5[%get3A_1275, %get3A_1276, %get3A_1277, %get3A_1278] : memref<2x16x64x128xf32, #tpu.memory_space<vmem>>, vector<1x1x64x128xf32>
      %get3A_1280 = vector.shape_cast %get3A_1279 : vector<1x1x64x128xf32> to vector<64x128xf32>
      %get3A_1281 = arith.index_cast %select_n3A_1098 : i32 to index
      %get3A_1282 = arith.constant 1 : index
      %get3A_1283 = arith.constant 0 : index
      %get3A_1284 = arith.constant 0 : index
      %get3A_1285 = vector.load %arg5[%get3A_1281, %get3A_1282, %get3A_1283, %get3A_1284] : memref<2x16x64x128xf32, #tpu.memory_space<vmem>>, vector<1x1x64x128xf32>
      %get3A_1286 = vector.shape_cast %get3A_1285 : vector<1x1x64x128xf32> to vector<64x128xf32>
      %get3A_1287 = arith.index_cast %select_n3A_1098 : i32 to index
      %get3A_1288 = arith.constant 2 : index
      %get3A_1289 = arith.constant 0 : index
      %get3A_1290 = arith.constant 0 : index
      %get3A_1291 = vector.load %arg5[%get3A_1287, %get3A_1288, %get3A_1289, %get3A_1290] : memref<2x16x64x128xf32, #tpu.memory_space<vmem>>, vector<1x1x64x128xf32>
      %get3A_1292 = vector.shape_cast %get3A_1291 : vector<1x1x64x128xf32> to vector<64x128xf32>
      %get3A_1293 = arith.index_cast %select_n3A_1098 : i32 to index
      %get3A_1294 = arith.constant 3 : index
      %get3A_1295 = arith.constant 0 : index
      %get3A_1296 = arith.constant 0 : index
      %get3A_1297 = vector.load %arg5[%get3A_1293, %get3A_1294, %get3A_1295, %get3A_1296] : memref<2x16x64x128xf32, #tpu.memory_space<vmem>>, vector<1x1x64x128xf32>
      %get3A_1298 = vector.shape_cast %get3A_1297 : vector<1x1x64x128xf32> to vector<64x128xf32>
      %get3A_1299 = arith.index_cast %select_n3A_1098 : i32 to index
      %get3A_1300 = arith.constant 4 : index
      %get3A_1301 = arith.constant 0 : index
      %get3A_1302 = arith.constant 0 : index
      %get3A_1303 = vector.load %arg5[%get3A_1299, %get3A_1300, %get3A_1301, %get3A_1302] : memref<2x16x64x128xf32, #tpu.memory_space<vmem>>, vector<1x1x64x128xf32>
      %get3A_1304 = vector.shape_cast %get3A_1303 : vector<1x1x64x128xf32> to vector<64x128xf32>
      %get3A_1305 = arith.index_cast %select_n3A_1098 : i32 to index
      %get3A_1306 = arith.constant 5 : index
      %get3A_1307 = arith.constant 0 : index
      %get3A_1308 = arith.constant 0 : index
      %get3A_1309 = vector.load %arg5[%get3A_1305, %get3A_1306, %get3A_1307, %get3A_1308] : memref<2x16x64x128xf32, #tpu.memory_space<vmem>>, vector<1x1x64x128xf32>
      %get3A_1310 = vector.shape_cast %get3A_1309 : vector<1x1x64x128xf32> to vector<64x128xf32>
      %get3A_1311 = arith.index_cast %select_n3A_1098 : i32 to index
      %get3A_1312 = arith.constant 6 : index
      %get3A_1313 = arith.constant 0 : index
      %get3A_1314 = arith.constant 0 : index
      %get3A_1315 = vector.load %arg5[%get3A_1311, %get3A_1312, %get3A_1313, %get3A_1314] : memref<2x16x64x128xf32, #tpu.memory_space<vmem>>, vector<1x1x64x128xf32>
      %get3A_1316 = vector.shape_cast %get3A_1315 : vector<1x1x64x128xf32> to vector<64x128xf32>
      %get3A_1317 = arith.index_cast %select_n3A_1098 : i32 to index
      %get3A_1318 = arith.constant 7 : index
      %get3A_1319 = arith.constant 0 : index
      %get3A_1320 = arith.constant 0 : index
      %get3A_1321 = vector.load %arg5[%get3A_1317, %get3A_1318, %get3A_1319, %get3A_1320] : memref<2x16x64x128xf32, #tpu.memory_space<vmem>>, vector<1x1x64x128xf32>
      %get3A_1322 = vector.shape_cast %get3A_1321 : vector<1x1x64x128xf32> to vector<64x128xf32>
      %get3A_1323 = arith.index_cast %select_n3A_1098 : i32 to index
      %get3A_1324 = arith.constant 8 : index
      %get3A_1325 = arith.constant 0 : index
      %get3A_1326 = arith.constant 0 : index
      %get3A_1327 = vector.load %arg5[%get3A_1323, %get3A_1324, %get3A_1325, %get3A_1326] : memref<2x16x64x128xf32, #tpu.memory_space<vmem>>, vector<1x1x64x128xf32>
      %get3A_1328 = vector.shape_cast %get3A_1327 : vector<1x1x64x128xf32> to vector<64x128xf32>
      %get3A_1329 = arith.index_cast %select_n3A_1098 : i32 to index
      %get3A_1330 = arith.constant 9 : index
      %get3A_1331 = arith.constant 0 : index
      %get3A_1332 = arith.constant 0 : index
      %get3A_1333 = vector.load %arg5[%get3A_1329, %get3A_1330, %get3A_1331, %get3A_1332] : memref<2x16x64x128xf32, #tpu.memory_space<vmem>>, vector<1x1x64x128xf32>
      %get3A_1334 = vector.shape_cast %get3A_1333 : vector<1x1x64x128xf32> to vector<64x128xf32>
      %get3A_1335 = arith.index_cast %select_n3A_1098 : i32 to index
      %get3A_1336 = arith.constant 10 : index
      %get3A_1337 = arith.constant 0 : index
      %get3A_1338 = arith.constant 0 : index
      %get3A_1339 = vector.load %arg5[%get3A_1335, %get3A_1336, %get3A_1337, %get3A_1338] : memref<2x16x64x128xf32, #tpu.memory_space<vmem>>, vector<1x1x64x128xf32>
      %get3A_1340 = vector.shape_cast %get3A_1339 : vector<1x1x64x128xf32> to vector<64x128xf32>
      %get3A_1341 = arith.index_cast %select_n3A_1098 : i32 to index
      %get3A_1342 = arith.constant 11 : index
      %get3A_1343 = arith.constant 0 : index
      %get3A_1344 = arith.constant 0 : index
      %get3A_1345 = vector.load %arg5[%get3A_1341, %get3A_1342, %get3A_1343, %get3A_1344] : memref<2x16x64x128xf32, #tpu.memory_space<vmem>>, vector<1x1x64x128xf32>
      %get3A_1346 = vector.shape_cast %get3A_1345 : vector<1x1x64x128xf32> to vector<64x128xf32>
      %get3A_1347 = arith.index_cast %select_n3A_1098 : i32 to index
      %get3A_1348 = arith.constant 12 : index
      %get3A_1349 = arith.constant 0 : index
      %get3A_1350 = arith.constant 0 : index
      %get3A_1351 = vector.load %arg5[%get3A_1347, %get3A_1348, %get3A_1349, %get3A_1350] : memref<2x16x64x128xf32, #tpu.memory_space<vmem>>, vector<1x1x64x128xf32>
      %get3A_1352 = vector.shape_cast %get3A_1351 : vector<1x1x64x128xf32> to vector<64x128xf32>
      %get3A_1353 = arith.index_cast %select_n3A_1098 : i32 to index
      %get3A_1354 = arith.constant 13 : index
      %get3A_1355 = arith.constant 0 : index
      %get3A_1356 = arith.constant 0 : index
      %get3A_1357 = vector.load %arg5[%get3A_1353, %get3A_1354, %get3A_1355, %get3A_1356] : memref<2x16x64x128xf32, #tpu.memory_space<vmem>>, vector<1x1x64x128xf32>
      %get3A_1358 = vector.shape_cast %get3A_1357 : vector<1x1x64x128xf32> to vector<64x128xf32>
      %get3A_1359 = arith.index_cast %select_n3A_1098 : i32 to index
      %get3A_1360 = arith.constant 14 : index
      %get3A_1361 = arith.constant 0 : index
      %get3A_1362 = arith.constant 0 : index
      %get3A_1363 = vector.load %arg5[%get3A_1359, %get3A_1360, %get3A_1361, %get3A_1362] : memref<2x16x64x128xf32, #tpu.memory_space<vmem>>, vector<1x1x64x128xf32>
      %get3A_1364 = vector.shape_cast %get3A_1363 : vector<1x1x64x128xf32> to vector<64x128xf32>
      %get3A_1365 = arith.index_cast %select_n3A_1098 : i32 to index
      %get3A_1366 = arith.constant 15 : index
      %get3A_1367 = arith.constant 0 : index
      %get3A_1368 = arith.constant 0 : index
      %get3A_1369 = vector.load %arg5[%get3A_1365, %get3A_1366, %get3A_1367, %get3A_1368] : memref<2x16x64x128xf32, #tpu.memory_space<vmem>>, vector<1x1x64x128xf32>
      %get3A_1370 = vector.shape_cast %get3A_1369 : vector<1x1x64x128xf32> to vector<64x128xf32>
      %concatenate3A = tpu.concatenate %get3A_1280, %get3A_1286, %get3A_1292, %get3A_1298, %get3A_1304, %get3A_1310, %get3A_1316, %get3A_1322, %get3A_1328, %get3A_1334, %get3A_1340, %get3A_1346, %get3A_1352, %get3A_1358, %get3A_1364, %get3A_1370 in 1 : vector<64x128xf32>, vector<64x128xf32>, vector<64x128xf32>, vector<64x128xf32>, vector<64x128xf32>, vector<64x128xf32>, vector<64x128xf32>, vector<64x128xf32>, vector<64x128xf32>, vector<64x128xf32>, vector<64x128xf32>, vector<64x128xf32>, vector<64x128xf32>, vector<64x128xf32>, vector<64x128xf32>, vector<64x128xf32> -> vector<64x2048xf32>
      %mul3A_1371 = arith.constant 16 : i32
      %mul3A_1372 = arith.muli %add3A_1089, %mul3A_1371 : i32
      %add3A_1373 = arith.constant 0 : i32
      %add3A_1374 = arith.addi %mul3A_1372, %add3A_1373 : i32
      %get3A_1375 = arith.index_cast %add3A_1374 : i32 to index
      %get3A_1376 = memref.load %arg1[%get3A_1375] : memref<3072xi32, #tpu.memory_space<smem>>
      %and3A_1377 = arith.constant 127 : i32
      %and3A_1378 = arith.andi %get3A_1376, %and3A_1377 : i32
      %add3A_1379 = arith.constant 0 : i32
      %add3A_1380 = arith.addi %and3A_1378, %add3A_1379 : i32
      %mul3A_1381 = arith.constant 16 : i32
      %mul3A_1382 = arith.muli %add3A_1089, %mul3A_1381 : i32
      %add3A_1383 = arith.constant 1 : i32
      %add3A_1384 = arith.addi %mul3A_1382, %add3A_1383 : i32
      %get3A_1385 = arith.index_cast %add3A_1384 : i32 to index
      %get3A_1386 = memref.load %arg1[%get3A_1385] : memref<3072xi32, #tpu.memory_space<smem>>
      %and3A_1387 = arith.constant 127 : i32
      %and3A_1388 = arith.andi %get3A_1386, %and3A_1387 : i32
      %add3A_1389 = arith.constant 128 : i32
      %add3A_1390 = arith.addi %and3A_1388, %add3A_1389 : i32
      %mul3A_1391 = arith.constant 16 : i32
      %mul3A_1392 = arith.muli %add3A_1089, %mul3A_1391 : i32
      %add3A_1393 = arith.constant 2 : i32
      %add3A_1394 = arith.addi %mul3A_1392, %add3A_1393 : i32
      %get3A_1395 = arith.index_cast %add3A_1394 : i32 to index
      %get3A_1396 = memref.load %arg1[%get3A_1395] : memref<3072xi32, #tpu.memory_space<smem>>
      %and3A_1397 = arith.constant 127 : i32
      %and3A_1398 = arith.andi %get3A_1396, %and3A_1397 : i32
      %add3A_1399 = arith.constant 256 : i32
      %add3A_1400 = arith.addi %and3A_1398, %add3A_1399 : i32
      %mul3A_1401 = arith.constant 16 : i32
      %mul3A_1402 = arith.muli %add3A_1089, %mul3A_1401 : i32
      %add3A_1403 = arith.constant 3 : i32
      %add3A_1404 = arith.addi %mul3A_1402, %add3A_1403 : i32
      %get3A_1405 = arith.index_cast %add3A_1404 : i32 to index
      %get3A_1406 = memref.load %arg1[%get3A_1405] : memref<3072xi32, #tpu.memory_space<smem>>
      %and3A_1407 = arith.constant 127 : i32
      %and3A_1408 = arith.andi %get3A_1406, %and3A_1407 : i32
      %add3A_1409 = arith.constant 384 : i32
      %add3A_1410 = arith.addi %and3A_1408, %add3A_1409 : i32
      %mul3A_1411 = arith.constant 16 : i32
      %mul3A_1412 = arith.muli %add3A_1089, %mul3A_1411 : i32
      %add3A_1413 = arith.constant 4 : i32
      %add3A_1414 = arith.addi %mul3A_1412, %add3A_1413 : i32
      %get3A_1415 = arith.index_cast %add3A_1414 : i32 to index
      %get3A_1416 = memref.load %arg1[%get3A_1415] : memref<3072xi32, #tpu.memory_space<smem>>
      %and3A_1417 = arith.constant 127 : i32
      %and3A_1418 = arith.andi %get3A_1416, %and3A_1417 : i32
      %add3A_1419 = arith.constant 512 : i32
      %add3A_1420 = arith.addi %and3A_1418, %add3A_1419 : i32
      %mul3A_1421 = arith.constant 16 : i32
      %mul3A_1422 = arith.muli %add3A_1089, %mul3A_1421 : i32
      %add3A_1423 = arith.constant 5 : i32
      %add3A_1424 = arith.addi %mul3A_1422, %add3A_1423 : i32
      %get3A_1425 = arith.index_cast %add3A_1424 : i32 to index
      %get3A_1426 = memref.load %arg1[%get3A_1425] : memref<3072xi32, #tpu.memory_space<smem>>
      %and3A_1427 = arith.constant 127 : i32
      %and3A_1428 = arith.andi %get3A_1426, %and3A_1427 : i32
      %add3A_1429 = arith.constant 640 : i32
      %add3A_1430 = arith.addi %and3A_1428, %add3A_1429 : i32
      %mul3A_1431 = arith.constant 16 : i32
      %mul3A_1432 = arith.muli %add3A_1089, %mul3A_1431 : i32
      %add3A_1433 = arith.constant 6 : i32
      %add3A_1434 = arith.addi %mul3A_1432, %add3A_1433 : i32
      %get3A_1435 = arith.index_cast %add3A_1434 : i32 to index
      %get3A_1436 = memref.load %arg1[%get3A_1435] : memref<3072xi32, #tpu.memory_space<smem>>
      %and3A_1437 = arith.constant 127 : i32
      %and3A_1438 = arith.andi %get3A_1436, %and3A_1437 : i32
      %add3A_1439 = arith.constant 768 : i32
      %add3A_1440 = arith.addi %and3A_1438, %add3A_1439 : i32
      %mul3A_1441 = arith.constant 16 : i32
      %mul3A_1442 = arith.muli %add3A_1089, %mul3A_1441 : i32
      %add3A_1443 = arith.constant 7 : i32
      %add3A_1444 = arith.addi %mul3A_1442, %add3A_1443 : i32
      %get3A_1445 = arith.index_cast %add3A_1444 : i32 to index
      %get3A_1446 = memref.load %arg1[%get3A_1445] : memref<3072xi32, #tpu.memory_space<smem>>
      %and3A_1447 = arith.constant 127 : i32
      %and3A_1448 = arith.andi %get3A_1446, %and3A_1447 : i32
      %add3A_1449 = arith.constant 896 : i32
      %add3A_1450 = arith.addi %and3A_1448, %add3A_1449 : i32
      %mul3A_1451 = arith.constant 16 : i32
      %mul3A_1452 = arith.muli %add3A_1089, %mul3A_1451 : i32
      %add3A_1453 = arith.constant 8 : i32
      %add3A_1454 = arith.addi %mul3A_1452, %add3A_1453 : i32
      %get3A_1455 = arith.index_cast %add3A_1454 : i32 to index
      %get3A_1456 = memref.load %arg1[%get3A_1455] : memref<3072xi32, #tpu.memory_space<smem>>
      %and3A_1457 = arith.constant 127 : i32
      %and3A_1458 = arith.andi %get3A_1456, %and3A_1457 : i32
      %add3A_1459 = arith.constant 1024 : i32
      %add3A_1460 = arith.addi %and3A_1458, %add3A_1459 : i32
      %mul3A_1461 = arith.constant 16 : i32
      %mul3A_1462 = arith.muli %add3A_1089, %mul3A_1461 : i32
      %add3A_1463 = arith.constant 9 : i32
      %add3A_1464 = arith.addi %mul3A_1462, %add3A_1463 : i32
      %get3A_1465 = arith.index_cast %add3A_1464 : i32 to index
      %get3A_1466 = memref.load %arg1[%get3A_1465] : memref<3072xi32, #tpu.memory_space<smem>>
      %and3A_1467 = arith.constant 127 : i32
      %and3A_1468 = arith.andi %get3A_1466, %and3A_1467 : i32
      %add3A_1469 = arith.constant 1152 : i32
      %add3A_1470 = arith.addi %and3A_1468, %add3A_1469 : i32
      %mul3A_1471 = arith.constant 16 : i32
      %mul3A_1472 = arith.muli %add3A_1089, %mul3A_1471 : i32
      %add3A_1473 = arith.constant 10 : i32
      %add3A_1474 = arith.addi %mul3A_1472, %add3A_1473 : i32
      %get3A_1475 = arith.index_cast %add3A_1474 : i32 to index
      %get3A_1476 = memref.load %arg1[%get3A_1475] : memref<3072xi32, #tpu.memory_space<smem>>
      %and3A_1477 = arith.constant 127 : i32
      %and3A_1478 = arith.andi %get3A_1476, %and3A_1477 : i32
      %add3A_1479 = arith.constant 1280 : i32
      %add3A_1480 = arith.addi %and3A_1478, %add3A_1479 : i32
      %mul3A_1481 = arith.constant 16 : i32
      %mul3A_1482 = arith.muli %add3A_1089, %mul3A_1481 : i32
      %add3A_1483 = arith.constant 11 : i32
      %add3A_1484 = arith.addi %mul3A_1482, %add3A_1483 : i32
      %get3A_1485 = arith.index_cast %add3A_1484 : i32 to index
      %get3A_1486 = memref.load %arg1[%get3A_1485] : memref<3072xi32, #tpu.memory_space<smem>>
      %and3A_1487 = arith.constant 127 : i32
      %and3A_1488 = arith.andi %get3A_1486, %and3A_1487 : i32
      %add3A_1489 = arith.constant 1408 : i32
      %add3A_1490 = arith.addi %and3A_1488, %add3A_1489 : i32
      %mul3A_1491 = arith.constant 16 : i32
      %mul3A_1492 = arith.muli %add3A_1089, %mul3A_1491 : i32
      %add3A_1493 = arith.constant 12 : i32
      %add3A_1494 = arith.addi %mul3A_1492, %add3A_1493 : i32
      %get3A_1495 = arith.index_cast %add3A_1494 : i32 to index
      %get3A_1496 = memref.load %arg1[%get3A_1495] : memref<3072xi32, #tpu.memory_space<smem>>
      %and3A_1497 = arith.constant 127 : i32
      %and3A_1498 = arith.andi %get3A_1496, %and3A_1497 : i32
      %add3A_1499 = arith.constant 1536 : i32
      %add3A_1500 = arith.addi %and3A_1498, %add3A_1499 : i32
      %mul3A_1501 = arith.constant 16 : i32
      %mul3A_1502 = arith.muli %add3A_1089, %mul3A_1501 : i32
      %add3A_1503 = arith.constant 13 : i32
      %add3A_1504 = arith.addi %mul3A_1502, %add3A_1503 : i32
      %get3A_1505 = arith.index_cast %add3A_1504 : i32 to index
      %get3A_1506 = memref.load %arg1[%get3A_1505] : memref<3072xi32, #tpu.memory_space<smem>>
      %and3A_1507 = arith.constant 127 : i32
      %and3A_1508 = arith.andi %get3A_1506, %and3A_1507 : i32
      %add3A_1509 = arith.constant 1664 : i32
      %add3A_1510 = arith.addi %and3A_1508, %add3A_1509 : i32
      %mul3A_1511 = arith.constant 16 : i32
      %mul3A_1512 = arith.muli %add3A_1089, %mul3A_1511 : i32
      %add3A_1513 = arith.constant 14 : i32
      %add3A_1514 = arith.addi %mul3A_1512, %add3A_1513 : i32
      %get3A_1515 = arith.index_cast %add3A_1514 : i32 to index
      %get3A_1516 = memref.load %arg1[%get3A_1515] : memref<3072xi32, #tpu.memory_space<smem>>
      %and3A_1517 = arith.constant 127 : i32
      %and3A_1518 = arith.andi %get3A_1516, %and3A_1517 : i32
      %add3A_1519 = arith.constant 1792 : i32
      %add3A_1520 = arith.addi %and3A_1518, %add3A_1519 : i32
      %mul3A_1521 = arith.constant 16 : i32
      %mul3A_1522 = arith.muli %add3A_1089, %mul3A_1521 : i32
      %add3A_1523 = arith.constant 15 : i32
      %add3A_1524 = arith.addi %mul3A_1522, %add3A_1523 : i32
      %get3A_1525 = arith.index_cast %add3A_1524 : i32 to index
      %get3A_1526 = memref.load %arg1[%get3A_1525] : memref<3072xi32, #tpu.memory_space<smem>>
      %and3A_1527 = arith.constant 127 : i32
      %and3A_1528 = arith.andi %get3A_1526, %and3A_1527 : i32
      %add3A_1529 = arith.constant 1920 : i32
      %add3A_1530 = arith.addi %and3A_1528, %add3A_1529 : i32
      %stack3A = vector.broadcast %add3A_1380 : i32 to vector<1xi32>
      %stack3A_1531 = vector.broadcast %add3A_1390 : i32 to vector<1xi32>
      %stack3A_1532 = vector.broadcast %add3A_1400 : i32 to vector<1xi32>
      %stack3A_1533 = vector.broadcast %add3A_1410 : i32 to vector<1xi32>
      %stack3A_1534 = vector.broadcast %add3A_1420 : i32 to vector<1xi32>
      %stack3A_1535 = vector.broadcast %add3A_1430 : i32 to vector<1xi32>
      %stack3A_1536 = vector.broadcast %add3A_1440 : i32 to vector<1xi32>
      %stack3A_1537 = vector.broadcast %add3A_1450 : i32 to vector<1xi32>
      %stack3A_1538 = vector.broadcast %add3A_1460 : i32 to vector<1xi32>
      %stack3A_1539 = vector.broadcast %add3A_1470 : i32 to vector<1xi32>
      %stack3A_1540 = vector.broadcast %add3A_1480 : i32 to vector<1xi32>
      %stack3A_1541 = vector.broadcast %add3A_1490 : i32 to vector<1xi32>
      %stack3A_1542 = vector.broadcast %add3A_1500 : i32 to vector<1xi32>
      %stack3A_1543 = vector.broadcast %add3A_1510 : i32 to vector<1xi32>
      %stack3A_1544 = vector.broadcast %add3A_1520 : i32 to vector<1xi32>
      %stack3A_1545 = vector.broadcast %add3A_1530 : i32 to vector<1xi32>
      %stack3A_1546 = tpu.concatenate %stack3A, %stack3A_1531, %stack3A_1532, %stack3A_1533, %stack3A_1534, %stack3A_1535, %stack3A_1536, %stack3A_1537, %stack3A_1538, %stack3A_1539, %stack3A_1540, %stack3A_1541, %stack3A_1542, %stack3A_1543, %stack3A_1544, %stack3A_1545 in 0 : vector<1xi32>, vector<1xi32>, vector<1xi32>, vector<1xi32>, vector<1xi32>, vector<1xi32>, vector<1xi32>, vector<1xi32>, vector<1xi32>, vector<1xi32>, vector<1xi32>, vector<1xi32>, vector<1xi32>, vector<1xi32>, vector<1xi32>, vector<1xi32> -> vector<16xi32>
      %broadcast_in_dim3A = vector.shape_cast %stack3A_1546 : vector<16xi32> to vector<16x1xi32>
      %eq3A_1547 = vector.broadcast %broadcast_in_dim3A : vector<16x1xi32> to vector<16x2048xi32>
      %eq3A_1548 = arith.cmpi eq, %iota3A, %eq3A_1547 : vector<16x2048xi32>
      %convert_element_type3A = arith.extui %eq3A_1548 : vector<16x2048xi1> to vector<16x2048xi32>
      %convert_element_type3A_1549 = arith.sitofp %convert_element_type3A : vector<16x2048xi32> to vector<16x2048xf32>
      %dot_general3A = arith.constant dense<0.000000e+00> : vector<16x64xf32>
      %dot_general3A_1550 = tpu.matmul %convert_element_type3A_1549, %concatenate3A, %dot_general3A {dimension_numbers = #tpu.dot_dimension_numbers<[1], [1], [0], [0], [0, 0, 1, 0], [], []>, transpose_lhs_hint = false} : vector<16x2048xf32>, vector<64x2048xf32>, vector<16x64xf32> -> vector<16x64xf32>
      %mul3A_1551 = arith.constant 16 : i32
      %mul3A_1552 = arith.muli %add3A_1089, %mul3A_1551 : i32
      %get3A_1553 = arith.index_cast %mul3A_1552 : i32 to index
      %get3A_1554 = arith.constant 0 : index
      %get3A_1555 = vector.load %arg3[%get3A_1553, %get3A_1554] : memref<3072x64xf32, #tpu.memory_space<vmem>>, vector<16x64xf32>
      %add3A_1556 = arith.addf %dot_general3A_1550, %get3A_1555 : vector<16x64xf32>
      %swap3A = arith.index_cast %mul3A_1552 : i32 to index
      %swap3A_1557 = arith.constant 0 : index
      %swap3A_1558 = vector.load %arg4[%swap3A, %swap3A_1557] : memref<3072x64xf32, #tpu.memory_space<vmem>>, vector<16x64xf32>
      tpu.vector_store %arg4[%swap3A, %swap3A_1557], %add3A_1556 {strides = array<i32>} : memref<3072x64xf32, #tpu.memory_space<vmem>>, vector<16x64xf32>,
      %add3A_1559 = arith.constant 2 : i32
      %add3A_1560 = arith.addi %add3A_1089, %add3A_1559 : i32
      %mul3A_1561 = arith.constant 16 : i32
      %mul3A_1562 = arith.muli %add3A_1560, %mul3A_1561 : i32
      %add3A_1563 = arith.constant 0 : i32
      %add3A_1564 = arith.addi %mul3A_1562, %add3A_1563 : i32
      %min3A = arith.constant 3071 : i32
      %min3A_1565 = arith.minsi %add3A_1564, %min3A : i32
      %get3A_1566 = arith.index_cast %min3A_1565 : i32 to index
      %get3A_1567 = memref.load %arg1[%get3A_1566] : memref<3072xi32, #tpu.memory_space<smem>>
      %shift_right_logical3A_1568 = arith.constant 7 : i32
      %shift_right_logical3A_1569 = arith.shrui %get3A_1567, %shift_right_logical3A_1568 : i32
      %mul3A_1570 = arith.constant 2 : i32
      %mul3A_1571 = arith.muli %shift_right_logical3A_1569, %mul3A_1570 : i32
      %mul3A_1572 = arith.constant 64 : i32
      %mul3A_1573 = arith.muli %mul3A_1571, %mul3A_1572 : i32
      %multiple_of3A_1574 = tpu.assume_multiple %mul3A_1573, 128 : i32
      %dma_start3A_1575 = arith.constant 0 : i32
      %dma_start3A_1576 = arith.constant 0 : i32
      %dma_start3A_1577 = tpu.memref_slice %arg6[%select_n3A_1098, %dma_start3A_1576] : memref<2x16x!tpu.dma_semaphore, #tpu.memory_space<semaphore_mem>> -> memref<1x1x!tpu.dma_semaphore, #tpu.memory_space<semaphore_mem>>
      %dma_start3A_1578 = tpu.memref_squeeze %dma_start3A_1577 : memref<1x1x!tpu.dma_semaphore, #tpu.memory_space<semaphore_mem>> -> memref<!tpu.dma_semaphore, #tpu.memory_space<semaphore_mem>>
      %dma_start3A_1579 = arith.constant 0 : i32
      %dma_start3A_1580 = arith.constant 0 : i32
      %dma_start3A_1581 = tpu.memref_slice %arg5[%select_n3A_1098, %dma_start3A_1575, %dma_start3A_1579, %dma_start3A_1580] : memref<2x16x64x128xf32, #tpu.memory_space<vmem>> -> memref<1x1x64x128xf32, #tpu.memory_space<vmem>>
      %dma_start3A_1582 = tpu.memref_squeeze %dma_start3A_1581 : memref<1x1x64x128xf32, #tpu.memory_space<vmem>> -> memref<64x128xf32, #tpu.memory_space<vmem>>
      %dma_start3A_1583 = arith.constant 0 : i32
      %dma_start3A_1584 = tpu.memref_slice %arg2[%dma_start3A_1583, %multiple_of3A_1574] : memref<64x1000000xf32, #tpu.memory_space<any>> -> memref<64x128xf32, #tpu.memory_space<any>>
      tpu.enqueue_dma source(%dma_start3A_1584 : memref<64x128xf32, #tpu.memory_space<any>>) target(%dma_start3A_1582 : memref<64x128xf32, #tpu.memory_space<vmem>>) target_semaphore(%dma_start3A_1578 : memref<!tpu.dma_semaphore, #tpu.memory_space<semaphore_mem>>)
      %add3A_1585 = arith.constant 2 : i32
      %add3A_1586 = arith.addi %add3A_1089, %add3A_1585 : i32
      %mul3A_1587 = arith.constant 16 : i32
      %mul3A_1588 = arith.muli %add3A_1586, %mul3A_1587 : i32
      %add3A_1589 = arith.constant 1 : i32
      %add3A_1590 = arith.addi %mul3A_1588, %add3A_1589 : i32
      %min3A_1591 = arith.constant 3071 : i32
      %min3A_1592 = arith.minsi %add3A_1590, %min3A_1591 : i32
      %get3A_1593 = arith.index_cast %min3A_1592 : i32 to index
      %get3A_1594 = memref.load %arg1[%get3A_1593] : memref<3072xi32, #tpu.memory_space<smem>>
      %shift_right_logical3A_1595 = arith.constant 7 : i32
      %shift_right_logical3A_1596 = arith.shrui %get3A_1594, %shift_right_logical3A_1595 : i32
      %mul3A_1597 = arith.constant 2 : i32
      %mul3A_1598 = arith.muli %shift_right_logical3A_1596, %mul3A_1597 : i32
      %mul3A_1599 = arith.constant 64 : i32
      %mul3A_1600 = arith.muli %mul3A_1598, %mul3A_1599 : i32
      %multiple_of3A_1601 = tpu.assume_multiple %mul3A_1600, 128 : i32
      %dma_start3A_1602 = arith.constant 1 : i32
      %dma_start3A_1603 = arith.constant 1 : i32
      %dma_start3A_1604 = tpu.memref_slice %arg6[%select_n3A_1098, %dma_start3A_1603] : memref<2x16x!tpu.dma_semaphore, #tpu.memory_space<semaphore_mem>> -> memref<1x1x!tpu.dma_semaphore, #tpu.memory_space<semaphore_mem>>
      %dma_start3A_1605 = tpu.memref_squeeze %dma_start3A_1604 : memref<1x1x!tpu.dma_semaphore, #tpu.memory_space<semaphore_mem>> -> memref<!tpu.dma_semaphore, #tpu.memory_space<semaphore_mem>>
      %dma_start3A_1606 = arith.constant 0 : i32
      %dma_start3A_1607 = arith.constant 0 : i32
      %dma_start3A_1608 = tpu.memref_slice %arg5[%select_n3A_1098, %dma_start3A_1602, %dma_start3A_1606, %dma_start3A_1607] : memref<2x16x64x128xf32, #tpu.memory_space<vmem>> -> memref<1x1x64x128xf32, #tpu.memory_space<vmem>>
      %dma_start3A_1609 = tpu.memref_squeeze %dma_start3A_1608 : memref<1x1x64x128xf32, #tpu.memory_space<vmem>> -> memref<64x128xf32, #tpu.memory_space<vmem>>
      %dma_start3A_1610 = arith.constant 0 : i32
      %dma_start3A_1611 = tpu.memref_slice %arg2[%dma_start3A_1610, %multiple_of3A_1601] : memref<64x1000000xf32, #tpu.memory_space<any>> -> memref<64x128xf32, #tpu.memory_space<any>>
      tpu.enqueue_dma source(%dma_start3A_1611 : memref<64x128xf32, #tpu.memory_space<any>>) target(%dma_start3A_1609 : memref<64x128xf32, #tpu.memory_space<vmem>>) target_semaphore(%dma_start3A_1605 : memref<!tpu.dma_semaphore, #tpu.memory_space<semaphore_mem>>)
      %add3A_1612 = arith.constant 2 : i32
      %add3A_1613 = arith.addi %add3A_1089, %add3A_1612 : i32
      %mul3A_1614 = arith.constant 16 : i32
      %mul3A_1615 = arith.muli %add3A_1613, %mul3A_1614 : i32
      %add3A_1616 = arith.constant 2 : i32
      %add3A_1617 = arith.addi %mul3A_1615, %add3A_1616 : i32
      %min3A_1618 = arith.constant 3071 : i32
      %min3A_1619 = arith.minsi %add3A_1617, %min3A_1618 : i32
      %get3A_1620 = arith.index_cast %min3A_1619 : i32 to index
      %get3A_1621 = memref.load %arg1[%get3A_1620] : memref<3072xi32, #tpu.memory_space<smem>>
      %shift_right_logical3A_1622 = arith.constant 7 : i32
      %shift_right_logical3A_1623 = arith.shrui %get3A_1621, %shift_right_logical3A_1622 : i32
      %mul3A_1624 = arith.constant 2 : i32
      %mul3A_1625 = arith.muli %shift_right_logical3A_1623, %mul3A_1624 : i32
      %mul3A_1626 = arith.constant 64 : i32
      %mul3A_1627 = arith.muli %mul3A_1625, %mul3A_1626 : i32
      %multiple_of3A_1628 = tpu.assume_multiple %mul3A_1627, 128 : i32
      %dma_start3A_1629 = arith.constant 2 : i32
      %dma_start3A_1630 = arith.constant 2 : i32
      %dma_start3A_1631 = tpu.memref_slice %arg6[%select_n3A_1098, %dma_start3A_1630] : memref<2x16x!tpu.dma_semaphore, #tpu.memory_space<semaphore_mem>> -> memref<1x1x!tpu.dma_semaphore, #tpu.memory_space<semaphore_mem>>
      %dma_start3A_1632 = tpu.memref_squeeze %dma_start3A_1631 : memref<1x1x!tpu.dma_semaphore, #tpu.memory_space<semaphore_mem>> -> memref<!tpu.dma_semaphore, #tpu.memory_space<semaphore_mem>>
      %dma_start3A_1633 = arith.constant 0 : i32
      %dma_start3A_1634 = arith.constant 0 : i32
      %dma_start3A_1635 = tpu.memref_slice %arg5[%select_n3A_1098, %dma_start3A_1629, %dma_start3A_1633, %dma_start3A_1634] : memref<2x16x64x128xf32, #tpu.memory_space<vmem>> -> memref<1x1x64x128xf32, #tpu.memory_space<vmem>>
      %dma_start3A_1636 = tpu.memref_squeeze %dma_start3A_1635 : memref<1x1x64x128xf32, #tpu.memory_space<vmem>> -> memref<64x128xf32, #tpu.memory_space<vmem>>
      %dma_start3A_1637 = arith.constant 0 : i32
      %dma_start3A_1638 = tpu.memref_slice %arg2[%dma_start3A_1637, %multiple_of3A_1628] : memref<64x1000000xf32, #tpu.memory_space<any>> -> memref<64x128xf32, #tpu.memory_space<any>>
      tpu.enqueue_dma source(%dma_start3A_1638 : memref<64x128xf32, #tpu.memory_space<any>>) target(%dma_start3A_1636 : memref<64x128xf32, #tpu.memory_space<vmem>>) target_semaphore(%dma_start3A_1632 : memref<!tpu.dma_semaphore, #tpu.memory_space<semaphore_mem>>)
      %add3A_1639 = arith.constant 2 : i32
      %add3A_1640 = arith.addi %add3A_1089, %add3A_1639 : i32
      %mul3A_1641 = arith.constant 16 : i32
      %mul3A_1642 = arith.muli %add3A_1640, %mul3A_1641 : i32
      %add3A_1643 = arith.constant 3 : i32
      %add3A_1644 = arith.addi %mul3A_1642, %add3A_1643 : i32
      %min3A_1645 = arith.constant 3071 : i32
      %min3A_1646 = arith.minsi %add3A_1644, %min3A_1645 : i32
      %get3A_1647 = arith.index_cast %min3A_1646 : i32 to index
      %get3A_1648 = memref.load %arg1[%get3A_1647] : memref<3072xi32, #tpu.memory_space<smem>>
      %shift_right_logical3A_1649 = arith.constant 7 : i32
      %shift_right_logical3A_1650 = arith.shrui %get3A_1648, %shift_right_logical3A_1649 : i32
      %mul3A_1651 = arith.constant 2 : i32
      %mul3A_1652 = arith.muli %shift_right_logical3A_1650, %mul3A_1651 : i32
      %mul3A_1653 = arith.constant 64 : i32
      %mul3A_1654 = arith.muli %mul3A_1652, %mul3A_1653 : i32
      %multiple_of3A_1655 = tpu.assume_multiple %mul3A_1654, 128 : i32
      %dma_start3A_1656 = arith.constant 3 : i32
      %dma_start3A_1657 = arith.constant 3 : i32
      %dma_start3A_1658 = tpu.memref_slice %arg6[%select_n3A_1098, %dma_start3A_1657] : memref<2x16x!tpu.dma_semaphore, #tpu.memory_space<semaphore_mem>> -> memref<1x1x!tpu.dma_semaphore, #tpu.memory_space<semaphore_mem>>
      %dma_start3A_1659 = tpu.memref_squeeze %dma_start3A_1658 : memref<1x1x!tpu.dma_semaphore, #tpu.memory_space<semaphore_mem>> -> memref<!tpu.dma_semaphore, #tpu.memory_space<semaphore_mem>>
      %dma_start3A_1660 = arith.constant 0 : i32
      %dma_start3A_1661 = arith.constant 0 : i32
      %dma_start3A_1662 = tpu.memref_slice %arg5[%select_n3A_1098, %dma_start3A_1656, %dma_start3A_1660, %dma_start3A_1661] : memref<2x16x64x128xf32, #tpu.memory_space<vmem>> -> memref<1x1x64x128xf32, #tpu.memory_space<vmem>>
      %dma_start3A_1663 = tpu.memref_squeeze %dma_start3A_1662 : memref<1x1x64x128xf32, #tpu.memory_space<vmem>> -> memref<64x128xf32, #tpu.memory_space<vmem>>
      %dma_start3A_1664 = arith.constant 0 : i32
      %dma_start3A_1665 = tpu.memref_slice %arg2[%dma_start3A_1664, %multiple_of3A_1655] : memref<64x1000000xf32, #tpu.memory_space<any>> -> memref<64x128xf32, #tpu.memory_space<any>>
      tpu.enqueue_dma source(%dma_start3A_1665 : memref<64x128xf32, #tpu.memory_space<any>>) target(%dma_start3A_1663 : memref<64x128xf32, #tpu.memory_space<vmem>>) target_semaphore(%dma_start3A_1659 : memref<!tpu.dma_semaphore, #tpu.memory_space<semaphore_mem>>)
      %add3A_1666 = arith.constant 2 : i32
      %add3A_1667 = arith.addi %add3A_1089, %add3A_1666 : i32
      %mul3A_1668 = arith.constant 16 : i32
      %mul3A_1669 = arith.muli %add3A_1667, %mul3A_1668 : i32
      %add3A_1670 = arith.constant 4 : i32
      %add3A_1671 = arith.addi %mul3A_1669, %add3A_1670 : i32
      %min3A_1672 = arith.constant 3071 : i32
      %min3A_1673 = arith.minsi %add3A_1671, %min3A_1672 : i32
      %get3A_1674 = arith.index_cast %min3A_1673 : i32 to index
      %get3A_1675 = memref.load %arg1[%get3A_1674] : memref<3072xi32, #tpu.memory_space<smem>>
      %shift_right_logical3A_1676 = arith.constant 7 : i32
      %shift_right_logical3A_1677 = arith.shrui %get3A_1675, %shift_right_logical3A_1676 : i32
      %mul3A_1678 = arith.constant 2 : i32
      %mul3A_1679 = arith.muli %shift_right_logical3A_1677, %mul3A_1678 : i32
      %mul3A_1680 = arith.constant 64 : i32
      %mul3A_1681 = arith.muli %mul3A_1679, %mul3A_1680 : i32
      %multiple_of3A_1682 = tpu.assume_multiple %mul3A_1681, 128 : i32
      %dma_start3A_1683 = arith.constant 4 : i32
      %dma_start3A_1684 = arith.constant 4 : i32
      %dma_start3A_1685 = tpu.memref_slice %arg6[%select_n3A_1098, %dma_start3A_1684] : memref<2x16x!tpu.dma_semaphore, #tpu.memory_space<semaphore_mem>> -> memref<1x1x!tpu.dma_semaphore, #tpu.memory_space<semaphore_mem>>
      %dma_start3A_1686 = tpu.memref_squeeze %dma_start3A_1685 : memref<1x1x!tpu.dma_semaphore, #tpu.memory_space<semaphore_mem>> -> memref<!tpu.dma_semaphore, #tpu.memory_space<semaphore_mem>>
      %dma_start3A_1687 = arith.constant 0 : i32
      %dma_start3A_1688 = arith.constant 0 : i32
      %dma_start3A_1689 = tpu.memref_slice %arg5[%select_n3A_1098, %dma_start3A_1683, %dma_start3A_1687, %dma_start3A_1688] : memref<2x16x64x128xf32, #tpu.memory_space<vmem>> -> memref<1x1x64x128xf32, #tpu.memory_space<vmem>>
      %dma_start3A_1690 = tpu.memref_squeeze %dma_start3A_1689 : memref<1x1x64x128xf32, #tpu.memory_space<vmem>> -> memref<64x128xf32, #tpu.memory_space<vmem>>
      %dma_start3A_1691 = arith.constant 0 : i32
      %dma_start3A_1692 = tpu.memref_slice %arg2[%dma_start3A_1691, %multiple_of3A_1682] : memref<64x1000000xf32, #tpu.memory_space<any>> -> memref<64x128xf32, #tpu.memory_space<any>>
      tpu.enqueue_dma source(%dma_start3A_1692 : memref<64x128xf32, #tpu.memory_space<any>>) target(%dma_start3A_1690 : memref<64x128xf32, #tpu.memory_space<vmem>>) target_semaphore(%dma_start3A_1686 : memref<!tpu.dma_semaphore, #tpu.memory_space<semaphore_mem>>)
      %add3A_1693 = arith.constant 2 : i32
      %add3A_1694 = arith.addi %add3A_1089, %add3A_1693 : i32
      %mul3A_1695 = arith.constant 16 : i32
      %mul3A_1696 = arith.muli %add3A_1694, %mul3A_1695 : i32
      %add3A_1697 = arith.constant 5 : i32
      %add3A_1698 = arith.addi %mul3A_1696, %add3A_1697 : i32
      %min3A_1699 = arith.constant 3071 : i32
      %min3A_1700 = arith.minsi %add3A_1698, %min3A_1699 : i32
      %get3A_1701 = arith.index_cast %min3A_1700 : i32 to index
      %get3A_1702 = memref.load %arg1[%get3A_1701] : memref<3072xi32, #tpu.memory_space<smem>>
      %shift_right_logical3A_1703 = arith.constant 7 : i32
      %shift_right_logical3A_1704 = arith.shrui %get3A_1702, %shift_right_logical3A_1703 : i32
      %mul3A_1705 = arith.constant 2 : i32
      %mul3A_1706 = arith.muli %shift_right_logical3A_1704, %mul3A_1705 : i32
      %mul3A_1707 = arith.constant 64 : i32
      %mul3A_1708 = arith.muli %mul3A_1706, %mul3A_1707 : i32
      %multiple_of3A_1709 = tpu.assume_multiple %mul3A_1708, 128 : i32
      %dma_start3A_1710 = arith.constant 5 : i32
      %dma_start3A_1711 = arith.constant 5 : i32
      %dma_start3A_1712 = tpu.memref_slice %arg6[%select_n3A_1098, %dma_start3A_1711] : memref<2x16x!tpu.dma_semaphore, #tpu.memory_space<semaphore_mem>> -> memref<1x1x!tpu.dma_semaphore, #tpu.memory_space<semaphore_mem>>
      %dma_start3A_1713 = tpu.memref_squeeze %dma_start3A_1712 : memref<1x1x!tpu.dma_semaphore, #tpu.memory_space<semaphore_mem>> -> memref<!tpu.dma_semaphore, #tpu.memory_space<semaphore_mem>>
      %dma_start3A_1714 = arith.constant 0 : i32
      %dma_start3A_1715 = arith.constant 0 : i32
      %dma_start3A_1716 = tpu.memref_slice %arg5[%select_n3A_1098, %dma_start3A_1710, %dma_start3A_1714, %dma_start3A_1715] : memref<2x16x64x128xf32, #tpu.memory_space<vmem>> -> memref<1x1x64x128xf32, #tpu.memory_space<vmem>>
      %dma_start3A_1717 = tpu.memref_squeeze %dma_start3A_1716 : memref<1x1x64x128xf32, #tpu.memory_space<vmem>> -> memref<64x128xf32, #tpu.memory_space<vmem>>
      %dma_start3A_1718 = arith.constant 0 : i32
      %dma_start3A_1719 = tpu.memref_slice %arg2[%dma_start3A_1718, %multiple_of3A_1709] : memref<64x1000000xf32, #tpu.memory_space<any>> -> memref<64x128xf32, #tpu.memory_space<any>>
      tpu.enqueue_dma source(%dma_start3A_1719 : memref<64x128xf32, #tpu.memory_space<any>>) target(%dma_start3A_1717 : memref<64x128xf32, #tpu.memory_space<vmem>>) target_semaphore(%dma_start3A_1713 : memref<!tpu.dma_semaphore, #tpu.memory_space<semaphore_mem>>)
      %add3A_1720 = arith.constant 2 : i32
      %add3A_1721 = arith.addi %add3A_1089, %add3A_1720 : i32
      %mul3A_1722 = arith.constant 16 : i32
      %mul3A_1723 = arith.muli %add3A_1721, %mul3A_1722 : i32
      %add3A_1724 = arith.constant 6 : i32
      %add3A_1725 = arith.addi %mul3A_1723, %add3A_1724 : i32
      %min3A_1726 = arith.constant 3071 : i32
      %min3A_1727 = arith.minsi %add3A_1725, %min3A_1726 : i32
      %get3A_1728 = arith.index_cast %min3A_1727 : i32 to index
      %get3A_1729 = memref.load %arg1[%get3A_1728] : memref<3072xi32, #tpu.memory_space<smem>>
      %shift_right_logical3A_1730 = arith.constant 7 : i32
      %shift_right_logical3A_1731 = arith.shrui %get3A_1729, %shift_right_logical3A_1730 : i32
      %mul3A_1732 = arith.constant 2 : i32
      %mul3A_1733 = arith.muli %shift_right_logical3A_1731, %mul3A_1732 : i32
      %mul3A_1734 = arith.constant 64 : i32
      %mul3A_1735 = arith.muli %mul3A_1733, %mul3A_1734 : i32
      %multiple_of3A_1736 = tpu.assume_multiple %mul3A_1735, 128 : i32
      %dma_start3A_1737 = arith.constant 6 : i32
      %dma_start3A_1738 = arith.constant 6 : i32
      %dma_start3A_1739 = tpu.memref_slice %arg6[%select_n3A_1098, %dma_start3A_1738] : memref<2x16x!tpu.dma_semaphore, #tpu.memory_space<semaphore_mem>> -> memref<1x1x!tpu.dma_semaphore, #tpu.memory_space<semaphore_mem>>
      %dma_start3A_1740 = tpu.memref_squeeze %dma_start3A_1739 : memref<1x1x!tpu.dma_semaphore, #tpu.memory_space<semaphore_mem>> -> memref<!tpu.dma_semaphore, #tpu.memory_space<semaphore_mem>>
      %dma_start3A_1741 = arith.constant 0 : i32
      %dma_start3A_1742 = arith.constant 0 : i32
      %dma_start3A_1743 = tpu.memref_slice %arg5[%select_n3A_1098, %dma_start3A_1737, %dma_start3A_1741, %dma_start3A_1742] : memref<2x16x64x128xf32, #tpu.memory_space<vmem>> -> memref<1x1x64x128xf32, #tpu.memory_space<vmem>>
      %dma_start3A_1744 = tpu.memref_squeeze %dma_start3A_1743 : memref<1x1x64x128xf32, #tpu.memory_space<vmem>> -> memref<64x128xf32, #tpu.memory_space<vmem>>
      %dma_start3A_1745 = arith.constant 0 : i32
      %dma_start3A_1746 = tpu.memref_slice %arg2[%dma_start3A_1745, %multiple_of3A_1736] : memref<64x1000000xf32, #tpu.memory_space<any>> -> memref<64x128xf32, #tpu.memory_space<any>>
      tpu.enqueue_dma source(%dma_start3A_1746 : memref<64x128xf32, #tpu.memory_space<any>>) target(%dma_start3A_1744 : memref<64x128xf32, #tpu.memory_space<vmem>>) target_semaphore(%dma_start3A_1740 : memref<!tpu.dma_semaphore, #tpu.memory_space<semaphore_mem>>)
      %add3A_1747 = arith.constant 2 : i32
      %add3A_1748 = arith.addi %add3A_1089, %add3A_1747 : i32
      %mul3A_1749 = arith.constant 16 : i32
      %mul3A_1750 = arith.muli %add3A_1748, %mul3A_1749 : i32
      %add3A_1751 = arith.constant 7 : i32
      %add3A_1752 = arith.addi %mul3A_1750, %add3A_1751 : i32
      %min3A_1753 = arith.constant 3071 : i32
      %min3A_1754 = arith.minsi %add3A_1752, %min3A_1753 : i32
      %get3A_1755 = arith.index_cast %min3A_1754 : i32 to index
      %get3A_1756 = memref.load %arg1[%get3A_1755] : memref<3072xi32, #tpu.memory_space<smem>>
      %shift_right_logical3A_1757 = arith.constant 7 : i32
      %shift_right_logical3A_1758 = arith.shrui %get3A_1756, %shift_right_logical3A_1757 : i32
      %mul3A_1759 = arith.constant 2 : i32
      %mul3A_1760 = arith.muli %shift_right_logical3A_1758, %mul3A_1759 : i32
      %mul3A_1761 = arith.constant 64 : i32
      %mul3A_1762 = arith.muli %mul3A_1760, %mul3A_1761 : i32
      %multiple_of3A_1763 = tpu.assume_multiple %mul3A_1762, 128 : i32
      %dma_start3A_1764 = arith.constant 7 : i32
      %dma_start3A_1765 = arith.constant 7 : i32
      %dma_start3A_1766 = tpu.memref_slice %arg6[%select_n3A_1098, %dma_start3A_1765] : memref<2x16x!tpu.dma_semaphore, #tpu.memory_space<semaphore_mem>> -> memref<1x1x!tpu.dma_semaphore, #tpu.memory_space<semaphore_mem>>
      %dma_start3A_1767 = tpu.memref_squeeze %dma_start3A_1766 : memref<1x1x!tpu.dma_semaphore, #tpu.memory_space<semaphore_mem>> -> memref<!tpu.dma_semaphore, #tpu.memory_space<semaphore_mem>>
      %dma_start3A_1768 = arith.constant 0 : i32
      %dma_start3A_1769 = arith.constant 0 : i32
      %dma_start3A_1770 = tpu.memref_slice %arg5[%select_n3A_1098, %dma_start3A_1764, %dma_start3A_1768, %dma_start3A_1769] : memref<2x16x64x128xf32, #tpu.memory_space<vmem>> -> memref<1x1x64x128xf32, #tpu.memory_space<vmem>>
      %dma_start3A_1771 = tpu.memref_squeeze %dma_start3A_1770 : memref<1x1x64x128xf32, #tpu.memory_space<vmem>> -> memref<64x128xf32, #tpu.memory_space<vmem>>
      %dma_start3A_1772 = arith.constant 0 : i32
      %dma_start3A_1773 = tpu.memref_slice %arg2[%dma_start3A_1772, %multiple_of3A_1763] : memref<64x1000000xf32, #tpu.memory_space<any>> -> memref<64x128xf32, #tpu.memory_space<any>>
      tpu.enqueue_dma source(%dma_start3A_1773 : memref<64x128xf32, #tpu.memory_space<any>>) target(%dma_start3A_1771 : memref<64x128xf32, #tpu.memory_space<vmem>>) target_semaphore(%dma_start3A_1767 : memref<!tpu.dma_semaphore, #tpu.memory_space<semaphore_mem>>)
      %add3A_1774 = arith.constant 2 : i32
      %add3A_1775 = arith.addi %add3A_1089, %add3A_1774 : i32
      %mul3A_1776 = arith.constant 16 : i32
      %mul3A_1777 = arith.muli %add3A_1775, %mul3A_1776 : i32
      %add3A_1778 = arith.constant 8 : i32
      %add3A_1779 = arith.addi %mul3A_1777, %add3A_1778 : i32
      %min3A_1780 = arith.constant 3071 : i32
      %min3A_1781 = arith.minsi %add3A_1779, %min3A_1780 : i32
      %get3A_1782 = arith.index_cast %min3A_1781 : i32 to index
      %get3A_1783 = memref.load %arg1[%get3A_1782] : memref<3072xi32, #tpu.memory_space<smem>>
      %shift_right_logical3A_1784 = arith.constant 7 : i32
      %shift_right_logical3A_1785 = arith.shrui %get3A_1783, %shift_right_logical3A_1784 : i32
      %mul3A_1786 = arith.constant 2 : i32
      %mul3A_1787 = arith.muli %shift_right_logical3A_1785, %mul3A_1786 : i32
      %mul3A_1788 = arith.constant 64 : i32
      %mul3A_1789 = arith.muli %mul3A_1787, %mul3A_1788 : i32
      %multiple_of3A_1790 = tpu.assume_multiple %mul3A_1789, 128 : i32
      %dma_start3A_1791 = arith.constant 8 : i32
      %dma_start3A_1792 = arith.constant 8 : i32
      %dma_start3A_1793 = tpu.memref_slice %arg6[%select_n3A_1098, %dma_start3A_1792] : memref<2x16x!tpu.dma_semaphore, #tpu.memory_space<semaphore_mem>> -> memref<1x1x!tpu.dma_semaphore, #tpu.memory_space<semaphore_mem>>
      %dma_start3A_1794 = tpu.memref_squeeze %dma_start3A_1793 : memref<1x1x!tpu.dma_semaphore, #tpu.memory_space<semaphore_mem>> -> memref<!tpu.dma_semaphore, #tpu.memory_space<semaphore_mem>>
      %dma_start3A_1795 = arith.constant 0 : i32
      %dma_start3A_1796 = arith.constant 0 : i32
      %dma_start3A_1797 = tpu.memref_slice %arg5[%select_n3A_1098, %dma_start3A_1791, %dma_start3A_1795, %dma_start3A_1796] : memref<2x16x64x128xf32, #tpu.memory_space<vmem>> -> memref<1x1x64x128xf32, #tpu.memory_space<vmem>>
      %dma_start3A_1798 = tpu.memref_squeeze %dma_start3A_1797 : memref<1x1x64x128xf32, #tpu.memory_space<vmem>> -> memref<64x128xf32, #tpu.memory_space<vmem>>
      %dma_start3A_1799 = arith.constant 0 : i32
      %dma_start3A_1800 = tpu.memref_slice %arg2[%dma_start3A_1799, %multiple_of3A_1790] : memref<64x1000000xf32, #tpu.memory_space<any>> -> memref<64x128xf32, #tpu.memory_space<any>>
      tpu.enqueue_dma source(%dma_start3A_1800 : memref<64x128xf32, #tpu.memory_space<any>>) target(%dma_start3A_1798 : memref<64x128xf32, #tpu.memory_space<vmem>>) target_semaphore(%dma_start3A_1794 : memref<!tpu.dma_semaphore, #tpu.memory_space<semaphore_mem>>)
      %add3A_1801 = arith.constant 2 : i32
      %add3A_1802 = arith.addi %add3A_1089, %add3A_1801 : i32
      %mul3A_1803 = arith.constant 16 : i32
      %mul3A_1804 = arith.muli %add3A_1802, %mul3A_1803 : i32
      %add3A_1805 = arith.constant 9 : i32
      %add3A_1806 = arith.addi %mul3A_1804, %add3A_1805 : i32
      %min3A_1807 = arith.constant 3071 : i32
      %min3A_1808 = arith.minsi %add3A_1806, %min3A_1807 : i32
      %get3A_1809 = arith.index_cast %min3A_1808 : i32 to index
      %get3A_1810 = memref.load %arg1[%get3A_1809] : memref<3072xi32, #tpu.memory_space<smem>>
      %shift_right_logical3A_1811 = arith.constant 7 : i32
      %shift_right_logical3A_1812 = arith.shrui %get3A_1810, %shift_right_logical3A_1811 : i32
      %mul3A_1813 = arith.constant 2 : i32
      %mul3A_1814 = arith.muli %shift_right_logical3A_1812, %mul3A_1813 : i32
      %mul3A_1815 = arith.constant 64 : i32
      %mul3A_1816 = arith.muli %mul3A_1814, %mul3A_1815 : i32
      %multiple_of3A_1817 = tpu.assume_multiple %mul3A_1816, 128 : i32
      %dma_start3A_1818 = arith.constant 9 : i32
      %dma_start3A_1819 = arith.constant 9 : i32
      %dma_start3A_1820 = tpu.memref_slice %arg6[%select_n3A_1098, %dma_start3A_1819] : memref<2x16x!tpu.dma_semaphore, #tpu.memory_space<semaphore_mem>> -> memref<1x1x!tpu.dma_semaphore, #tpu.memory_space<semaphore_mem>>
      %dma_start3A_1821 = tpu.memref_squeeze %dma_start3A_1820 : memref<1x1x!tpu.dma_semaphore, #tpu.memory_space<semaphore_mem>> -> memref<!tpu.dma_semaphore, #tpu.memory_space<semaphore_mem>>
      %dma_start3A_1822 = arith.constant 0 : i32
      %dma_start3A_1823 = arith.constant 0 : i32
      %dma_start3A_1824 = tpu.memref_slice %arg5[%select_n3A_1098, %dma_start3A_1818, %dma_start3A_1822, %dma_start3A_1823] : memref<2x16x64x128xf32, #tpu.memory_space<vmem>> -> memref<1x1x64x128xf32, #tpu.memory_space<vmem>>
      %dma_start3A_1825 = tpu.memref_squeeze %dma_start3A_1824 : memref<1x1x64x128xf32, #tpu.memory_space<vmem>> -> memref<64x128xf32, #tpu.memory_space<vmem>>
      %dma_start3A_1826 = arith.constant 0 : i32
      %dma_start3A_1827 = tpu.memref_slice %arg2[%dma_start3A_1826, %multiple_of3A_1817] : memref<64x1000000xf32, #tpu.memory_space<any>> -> memref<64x128xf32, #tpu.memory_space<any>>
      tpu.enqueue_dma source(%dma_start3A_1827 : memref<64x128xf32, #tpu.memory_space<any>>) target(%dma_start3A_1825 : memref<64x128xf32, #tpu.memory_space<vmem>>) target_semaphore(%dma_start3A_1821 : memref<!tpu.dma_semaphore, #tpu.memory_space<semaphore_mem>>)
      %add3A_1828 = arith.constant 2 : i32
      %add3A_1829 = arith.addi %add3A_1089, %add3A_1828 : i32
      %mul3A_1830 = arith.constant 16 : i32
      %mul3A_1831 = arith.muli %add3A_1829, %mul3A_1830 : i32
      %add3A_1832 = arith.constant 10 : i32
      %add3A_1833 = arith.addi %mul3A_1831, %add3A_1832 : i32
      %min3A_1834 = arith.constant 3071 : i32
      %min3A_1835 = arith.minsi %add3A_1833, %min3A_1834 : i32
      %get3A_1836 = arith.index_cast %min3A_1835 : i32 to index
      %get3A_1837 = memref.load %arg1[%get3A_1836] : memref<3072xi32, #tpu.memory_space<smem>>
      %shift_right_logical3A_1838 = arith.constant 7 : i32
      %shift_right_logical3A_1839 = arith.shrui %get3A_1837, %shift_right_logical3A_1838 : i32
      %mul3A_1840 = arith.constant 2 : i32
      %mul3A_1841 = arith.muli %shift_right_logical3A_1839, %mul3A_1840 : i32
      %mul3A_1842 = arith.constant 64 : i32
      %mul3A_1843 = arith.muli %mul3A_1841, %mul3A_1842 : i32
      %multiple_of3A_1844 = tpu.assume_multiple %mul3A_1843, 128 : i32
      %dma_start3A_1845 = arith.constant 10 : i32
      %dma_start3A_1846 = arith.constant 10 : i32
      %dma_start3A_1847 = tpu.memref_slice %arg6[%select_n3A_1098, %dma_start3A_1846] : memref<2x16x!tpu.dma_semaphore, #tpu.memory_space<semaphore_mem>> -> memref<1x1x!tpu.dma_semaphore, #tpu.memory_space<semaphore_mem>>
      %dma_start3A_1848 = tpu.memref_squeeze %dma_start3A_1847 : memref<1x1x!tpu.dma_semaphore, #tpu.memory_space<semaphore_mem>> -> memref<!tpu.dma_semaphore, #tpu.memory_space<semaphore_mem>>
      %dma_start3A_1849 = arith.constant 0 : i32
      %dma_start3A_1850 = arith.constant 0 : i32
      %dma_start3A_1851 = tpu.memref_slice %arg5[%select_n3A_1098, %dma_start3A_1845, %dma_start3A_1849, %dma_start3A_1850] : memref<2x16x64x128xf32, #tpu.memory_space<vmem>> -> memref<1x1x64x128xf32, #tpu.memory_space<vmem>>
      %dma_start3A_1852 = tpu.memref_squeeze %dma_start3A_1851 : memref<1x1x64x128xf32, #tpu.memory_space<vmem>> -> memref<64x128xf32, #tpu.memory_space<vmem>>
      %dma_start3A_1853 = arith.constant 0 : i32
      %dma_start3A_1854 = tpu.memref_slice %arg2[%dma_start3A_1853, %multiple_of3A_1844] : memref<64x1000000xf32, #tpu.memory_space<any>> -> memref<64x128xf32, #tpu.memory_space<any>>
      tpu.enqueue_dma source(%dma_start3A_1854 : memref<64x128xf32, #tpu.memory_space<any>>) target(%dma_start3A_1852 : memref<64x128xf32, #tpu.memory_space<vmem>>) target_semaphore(%dma_start3A_1848 : memref<!tpu.dma_semaphore, #tpu.memory_space<semaphore_mem>>)
      %add3A_1855 = arith.constant 2 : i32
      %add3A_1856 = arith.addi %add3A_1089, %add3A_1855 : i32
      %mul3A_1857 = arith.constant 16 : i32
      %mul3A_1858 = arith.muli %add3A_1856, %mul3A_1857 : i32
      %add3A_1859 = arith.constant 11 : i32
      %add3A_1860 = arith.addi %mul3A_1858, %add3A_1859 : i32
      %min3A_1861 = arith.constant 3071 : i32
      %min3A_1862 = arith.minsi %add3A_1860, %min3A_1861 : i32
      %get3A_1863 = arith.index_cast %min3A_1862 : i32 to index
      %get3A_1864 = memref.load %arg1[%get3A_1863] : memref<3072xi32, #tpu.memory_space<smem>>
      %shift_right_logical3A_1865 = arith.constant 7 : i32
      %shift_right_logical3A_1866 = arith.shrui %get3A_1864, %shift_right_logical3A_1865 : i32
      %mul3A_1867 = arith.constant 2 : i32
      %mul3A_1868 = arith.muli %shift_right_logical3A_1866, %mul3A_1867 : i32
      %mul3A_1869 = arith.constant 64 : i32
      %mul3A_1870 = arith.muli %mul3A_1868, %mul3A_1869 : i32
      %multiple_of3A_1871 = tpu.assume_multiple %mul3A_1870, 128 : i32
      %dma_start3A_1872 = arith.constant 11 : i32
      %dma_start3A_1873 = arith.constant 11 : i32
      %dma_start3A_1874 = tpu.memref_slice %arg6[%select_n3A_1098, %dma_start3A_1873] : memref<2x16x!tpu.dma_semaphore, #tpu.memory_space<semaphore_mem>> -> memref<1x1x!tpu.dma_semaphore, #tpu.memory_space<semaphore_mem>>
      %dma_start3A_1875 = tpu.memref_squeeze %dma_start3A_1874 : memref<1x1x!tpu.dma_semaphore, #tpu.memory_space<semaphore_mem>> -> memref<!tpu.dma_semaphore, #tpu.memory_space<semaphore_mem>>
      %dma_start3A_1876 = arith.constant 0 : i32
      %dma_start3A_1877 = arith.constant 0 : i32
      %dma_start3A_1878 = tpu.memref_slice %arg5[%select_n3A_1098, %dma_start3A_1872, %dma_start3A_1876, %dma_start3A_1877] : memref<2x16x64x128xf32, #tpu.memory_space<vmem>> -> memref<1x1x64x128xf32, #tpu.memory_space<vmem>>
      %dma_start3A_1879 = tpu.memref_squeeze %dma_start3A_1878 : memref<1x1x64x128xf32, #tpu.memory_space<vmem>> -> memref<64x128xf32, #tpu.memory_space<vmem>>
      %dma_start3A_1880 = arith.constant 0 : i32
      %dma_start3A_1881 = tpu.memref_slice %arg2[%dma_start3A_1880, %multiple_of3A_1871] : memref<64x1000000xf32, #tpu.memory_space<any>> -> memref<64x128xf32, #tpu.memory_space<any>>
      tpu.enqueue_dma source(%dma_start3A_1881 : memref<64x128xf32, #tpu.memory_space<any>>) target(%dma_start3A_1879 : memref<64x128xf32, #tpu.memory_space<vmem>>) target_semaphore(%dma_start3A_1875 : memref<!tpu.dma_semaphore, #tpu.memory_space<semaphore_mem>>)
      %add3A_1882 = arith.constant 2 : i32
      %add3A_1883 = arith.addi %add3A_1089, %add3A_1882 : i32
      %mul3A_1884 = arith.constant 16 : i32
      %mul3A_1885 = arith.muli %add3A_1883, %mul3A_1884 : i32
      %add3A_1886 = arith.constant 12 : i32
      %add3A_1887 = arith.addi %mul3A_1885, %add3A_1886 : i32
      %min3A_1888 = arith.constant 3071 : i32
      %min3A_1889 = arith.minsi %add3A_1887, %min3A_1888 : i32
      %get3A_1890 = arith.index_cast %min3A_1889 : i32 to index
      %get3A_1891 = memref.load %arg1[%get3A_1890] : memref<3072xi32, #tpu.memory_space<smem>>
      %shift_right_logical3A_1892 = arith.constant 7 : i32
      %shift_right_logical3A_1893 = arith.shrui %get3A_1891, %shift_right_logical3A_1892 : i32
      %mul3A_1894 = arith.constant 2 : i32
      %mul3A_1895 = arith.muli %shift_right_logical3A_1893, %mul3A_1894 : i32
      %mul3A_1896 = arith.constant 64 : i32
      %mul3A_1897 = arith.muli %mul3A_1895, %mul3A_1896 : i32
      %multiple_of3A_1898 = tpu.assume_multiple %mul3A_1897, 128 : i32
      %dma_start3A_1899 = arith.constant 12 : i32
      %dma_start3A_1900 = arith.constant 12 : i32
      %dma_start3A_1901 = tpu.memref_slice %arg6[%select_n3A_1098, %dma_start3A_1900] : memref<2x16x!tpu.dma_semaphore, #tpu.memory_space<semaphore_mem>> -> memref<1x1x!tpu.dma_semaphore, #tpu.memory_space<semaphore_mem>>
      %dma_start3A_1902 = tpu.memref_squeeze %dma_start3A_1901 : memref<1x1x!tpu.dma_semaphore, #tpu.memory_space<semaphore_mem>> -> memref<!tpu.dma_semaphore, #tpu.memory_space<semaphore_mem>>
      %dma_start3A_1903 = arith.constant 0 : i32
      %dma_start3A_1904 = arith.constant 0 : i32
      %dma_start3A_1905 = tpu.memref_slice %arg5[%select_n3A_1098, %dma_start3A_1899, %dma_start3A_1903, %dma_start3A_1904] : memref<2x16x64x128xf32, #tpu.memory_space<vmem>> -> memref<1x1x64x128xf32, #tpu.memory_space<vmem>>
      %dma_start3A_1906 = tpu.memref_squeeze %dma_start3A_1905 : memref<1x1x64x128xf32, #tpu.memory_space<vmem>> -> memref<64x128xf32, #tpu.memory_space<vmem>>
      %dma_start3A_1907 = arith.constant 0 : i32
      %dma_start3A_1908 = tpu.memref_slice %arg2[%dma_start3A_1907, %multiple_of3A_1898] : memref<64x1000000xf32, #tpu.memory_space<any>> -> memref<64x128xf32, #tpu.memory_space<any>>
      tpu.enqueue_dma source(%dma_start3A_1908 : memref<64x128xf32, #tpu.memory_space<any>>) target(%dma_start3A_1906 : memref<64x128xf32, #tpu.memory_space<vmem>>) target_semaphore(%dma_start3A_1902 : memref<!tpu.dma_semaphore, #tpu.memory_space<semaphore_mem>>)
      %add3A_1909 = arith.constant 2 : i32
      %add3A_1910 = arith.addi %add3A_1089, %add3A_1909 : i32
      %mul3A_1911 = arith.constant 16 : i32
      %mul3A_1912 = arith.muli %add3A_1910, %mul3A_1911 : i32
      %add3A_1913 = arith.constant 13 : i32
      %add3A_1914 = arith.addi %mul3A_1912, %add3A_1913 : i32
      %min3A_1915 = arith.constant 3071 : i32
      %min3A_1916 = arith.minsi %add3A_1914, %min3A_1915 : i32
      %get3A_1917 = arith.index_cast %min3A_1916 : i32 to index
      %get3A_1918 = memref.load %arg1[%get3A_1917] : memref<3072xi32, #tpu.memory_space<smem>>
      %shift_right_logical3A_1919 = arith.constant 7 : i32
      %shift_right_logical3A_1920 = arith.shrui %get3A_1918, %shift_right_logical3A_1919 : i32
      %mul3A_1921 = arith.constant 2 : i32
      %mul3A_1922 = arith.muli %shift_right_logical3A_1920, %mul3A_1921 : i32
      %mul3A_1923 = arith.constant 64 : i32
      %mul3A_1924 = arith.muli %mul3A_1922, %mul3A_1923 : i32
      %multiple_of3A_1925 = tpu.assume_multiple %mul3A_1924, 128 : i32
      %dma_start3A_1926 = arith.constant 13 : i32
      %dma_start3A_1927 = arith.constant 13 : i32
      %dma_start3A_1928 = tpu.memref_slice %arg6[%select_n3A_1098, %dma_start3A_1927] : memref<2x16x!tpu.dma_semaphore, #tpu.memory_space<semaphore_mem>> -> memref<1x1x!tpu.dma_semaphore, #tpu.memory_space<semaphore_mem>>
      %dma_start3A_1929 = tpu.memref_squeeze %dma_start3A_1928 : memref<1x1x!tpu.dma_semaphore, #tpu.memory_space<semaphore_mem>> -> memref<!tpu.dma_semaphore, #tpu.memory_space<semaphore_mem>>
      %dma_start3A_1930 = arith.constant 0 : i32
      %dma_start3A_1931 = arith.constant 0 : i32
      %dma_start3A_1932 = tpu.memref_slice %arg5[%select_n3A_1098, %dma_start3A_1926, %dma_start3A_1930, %dma_start3A_1931] : memref<2x16x64x128xf32, #tpu.memory_space<vmem>> -> memref<1x1x64x128xf32, #tpu.memory_space<vmem>>
      %dma_start3A_1933 = tpu.memref_squeeze %dma_start3A_1932 : memref<1x1x64x128xf32, #tpu.memory_space<vmem>> -> memref<64x128xf32, #tpu.memory_space<vmem>>
      %dma_start3A_1934 = arith.constant 0 : i32
      %dma_start3A_1935 = tpu.memref_slice %arg2[%dma_start3A_1934, %multiple_of3A_1925] : memref<64x1000000xf32, #tpu.memory_space<any>> -> memref<64x128xf32, #tpu.memory_space<any>>
      tpu.enqueue_dma source(%dma_start3A_1935 : memref<64x128xf32, #tpu.memory_space<any>>) target(%dma_start3A_1933 : memref<64x128xf32, #tpu.memory_space<vmem>>) target_semaphore(%dma_start3A_1929 : memref<!tpu.dma_semaphore, #tpu.memory_space<semaphore_mem>>)
      %add3A_1936 = arith.constant 2 : i32
      %add3A_1937 = arith.addi %add3A_1089, %add3A_1936 : i32
      %mul3A_1938 = arith.constant 16 : i32
      %mul3A_1939 = arith.muli %add3A_1937, %mul3A_1938 : i32
      %add3A_1940 = arith.constant 14 : i32
      %add3A_1941 = arith.addi %mul3A_1939, %add3A_1940 : i32
      %min3A_1942 = arith.constant 3071 : i32
      %min3A_1943 = arith.minsi %add3A_1941, %min3A_1942 : i32
      %get3A_1944 = arith.index_cast %min3A_1943 : i32 to index
      %get3A_1945 = memref.load %arg1[%get3A_1944] : memref<3072xi32, #tpu.memory_space<smem>>
      %shift_right_logical3A_1946 = arith.constant 7 : i32
      %shift_right_logical3A_1947 = arith.shrui %get3A_1945, %shift_right_logical3A_1946 : i32
      %mul3A_1948 = arith.constant 2 : i32
      %mul3A_1949 = arith.muli %shift_right_logical3A_1947, %mul3A_1948 : i32
      %mul3A_1950 = arith.constant 64 : i32
      %mul3A_1951 = arith.muli %mul3A_1949, %mul3A_1950 : i32
      %multiple_of3A_1952 = tpu.assume_multiple %mul3A_1951, 128 : i32
      %dma_start3A_1953 = arith.constant 14 : i32
      %dma_start3A_1954 = arith.constant 14 : i32
      %dma_start3A_1955 = tpu.memref_slice %arg6[%select_n3A_1098, %dma_start3A_1954] : memref<2x16x!tpu.dma_semaphore, #tpu.memory_space<semaphore_mem>> -> memref<1x1x!tpu.dma_semaphore, #tpu.memory_space<semaphore_mem>>
      %dma_start3A_1956 = tpu.memref_squeeze %dma_start3A_1955 : memref<1x1x!tpu.dma_semaphore, #tpu.memory_space<semaphore_mem>> -> memref<!tpu.dma_semaphore, #tpu.memory_space<semaphore_mem>>
      %dma_start3A_1957 = arith.constant 0 : i32
      %dma_start3A_1958 = arith.constant 0 : i32
      %dma_start3A_1959 = tpu.memref_slice %arg5[%select_n3A_1098, %dma_start3A_1953, %dma_start3A_1957, %dma_start3A_1958] : memref<2x16x64x128xf32, #tpu.memory_space<vmem>> -> memref<1x1x64x128xf32, #tpu.memory_space<vmem>>
      %dma_start3A_1960 = tpu.memref_squeeze %dma_start3A_1959 : memref<1x1x64x128xf32, #tpu.memory_space<vmem>> -> memref<64x128xf32, #tpu.memory_space<vmem>>
      %dma_start3A_1961 = arith.constant 0 : i32
      %dma_start3A_1962 = tpu.memref_slice %arg2[%dma_start3A_1961, %multiple_of3A_1952] : memref<64x1000000xf32, #tpu.memory_space<any>> -> memref<64x128xf32, #tpu.memory_space<any>>
      tpu.enqueue_dma source(%dma_start3A_1962 : memref<64x128xf32, #tpu.memory_space<any>>) target(%dma_start3A_1960 : memref<64x128xf32, #tpu.memory_space<vmem>>) target_semaphore(%dma_start3A_1956 : memref<!tpu.dma_semaphore, #tpu.memory_space<semaphore_mem>>)
      %add3A_1963 = arith.constant 2 : i32
      %add3A_1964 = arith.addi %add3A_1089, %add3A_1963 : i32
      %mul3A_1965 = arith.constant 16 : i32
      %mul3A_1966 = arith.muli %add3A_1964, %mul3A_1965 : i32
      %add3A_1967 = arith.constant 15 : i32
      %add3A_1968 = arith.addi %mul3A_1966, %add3A_1967 : i32
      %min3A_1969 = arith.constant 3071 : i32
      %min3A_1970 = arith.minsi %add3A_1968, %min3A_1969 : i32
      %get3A_1971 = arith.index_cast %min3A_1970 : i32 to index
      %get3A_1972 = memref.load %arg1[%get3A_1971] : memref<3072xi32, #tpu.memory_space<smem>>
      %shift_right_logical3A_1973 = arith.constant 7 : i32
      %shift_right_logical3A_1974 = arith.shrui %get3A_1972, %shift_right_logical3A_1973 : i32
      %mul3A_1975 = arith.constant 2 : i32
      %mul3A_1976 = arith.muli %shift_right_logical3A_1974, %mul3A_1975 : i32
      %mul3A_1977 = arith.constant 64 : i32
      %mul3A_1978 = arith.muli %mul3A_1976, %mul3A_1977 : i32
      %multiple_of3A_1979 = tpu.assume_multiple %mul3A_1978, 128 : i32
      %dma_start3A_1980 = arith.constant 15 : i32
      %dma_start3A_1981 = arith.constant 15 : i32
      %dma_start3A_1982 = tpu.memref_slice %arg6[%select_n3A_1098, %dma_start3A_1981] : memref<2x16x!tpu.dma_semaphore, #tpu.memory_space<semaphore_mem>> -> memref<1x1x!tpu.dma_semaphore, #tpu.memory_space<semaphore_mem>>
      %dma_start3A_1983 = tpu.memref_squeeze %dma_start3A_1982 : memref<1x1x!tpu.dma_semaphore, #tpu.memory_space<semaphore_mem>> -> memref<!tpu.dma_semaphore, #tpu.memory_space<semaphore_mem>>
      %dma_start3A_1984 = arith.constant 0 : i32
      %dma_start3A_1985 = arith.constant 0 : i32
      %dma_start3A_1986 = tpu.memref_slice %arg5[%select_n3A_1098, %dma_start3A_1980, %dma_start3A_1984, %dma_start3A_1985] : memref<2x16x64x128xf32, #tpu.memory_space<vmem>> -> memref<1x1x64x128xf32, #tpu.memory_space<vmem>>
      %dma_start3A_1987 = tpu.memref_squeeze %dma_start3A_1986 : memref<1x1x64x128xf32, #tpu.memory_space<vmem>> -> memref<64x128xf32, #tpu.memory_space<vmem>>
      %dma_start3A_1988 = arith.constant 0 : i32
      %dma_start3A_1989 = tpu.memref_slice %arg2[%dma_start3A_1988, %multiple_of3A_1979] : memref<64x1000000xf32, #tpu.memory_space<any>> -> memref<64x128xf32, #tpu.memory_space<any>>
      tpu.enqueue_dma source(%dma_start3A_1989 : memref<64x128xf32, #tpu.memory_space<any>>) target(%dma_start3A_1987 : memref<64x128xf32, #tpu.memory_space<vmem>>) target_semaphore(%dma_start3A_1983 : memref<!tpu.dma_semaphore, #tpu.memory_space<semaphore_mem>>)
    }
    %scan3A_670 = arith.constant 192 : i32
    %dma_wait3A = arith.constant 0 : i32
    %dma_wait3A_671 = arith.constant 0 : i32
    %dma_wait3A_672 = arith.constant 0 : i32
    %dma_wait3A_673 = arith.constant 0 : i32
    %dma_wait3A_674 = tpu.memref_slice %arg6[%dma_wait3A_672, %dma_wait3A_673] : memref<2x16x!tpu.dma_semaphore, #tpu.memory_space<semaphore_mem>> -> memref<1x1x!tpu.dma_semaphore, #tpu.memory_space<semaphore_mem>>
    %dma_wait3A_675 = tpu.memref_squeeze %dma_wait3A_674 : memref<1x1x!tpu.dma_semaphore, #tpu.memory_space<semaphore_mem>> -> memref<!tpu.dma_semaphore, #tpu.memory_space<semaphore_mem>>
    %dma_wait3A_676 = arith.constant 0 : i32
    %dma_wait3A_677 = arith.constant 0 : i32
    %dma_wait3A_678 = tpu.memref_slice %arg5[%dma_wait3A, %dma_wait3A_671, %dma_wait3A_676, %dma_wait3A_677] : memref<2x16x64x128xf32, #tpu.memory_space<vmem>> -> memref<1x1x64x128xf32, #tpu.memory_space<vmem>>
    %dma_wait3A_679 = tpu.memref_squeeze %dma_wait3A_678 : memref<1x1x64x128xf32, #tpu.memory_space<vmem>> -> memref<64x128xf32, #tpu.memory_space<vmem>>
    %dma_wait3A_680 = arith.constant 0 : i32
    %dma_wait3A_681 = arith.constant 0 : i32
    %dma_wait3A_682 = tpu.memref_slice %arg2[%dma_wait3A_680, %dma_wait3A_681] : memref<64x1000000xf32, #tpu.memory_space<any>> -> memref<64x128xf32, #tpu.memory_space<any>>
    tpu.wait_dma2 semaphore(%dma_wait3A_675 : memref<!tpu.dma_semaphore, #tpu.memory_space<semaphore_mem>>) src(%dma_wait3A_682 : memref<64x128xf32, #tpu.memory_space<any>>) dst(%dma_wait3A_679 : memref<64x128xf32, #tpu.memory_space<vmem>>)
    %dma_wait3A_683 = arith.constant 0 : i32
    %dma_wait3A_684 = arith.constant 1 : i32
    %dma_wait3A_685 = arith.constant 0 : i32
    %dma_wait3A_686 = arith.constant 1 : i32
    %dma_wait3A_687 = tpu.memref_slice %arg6[%dma_wait3A_685, %dma_wait3A_686] : memref<2x16x!tpu.dma_semaphore, #tpu.memory_space<semaphore_mem>> -> memref<1x1x!tpu.dma_semaphore, #tpu.memory_space<semaphore_mem>>
    %dma_wait3A_688 = tpu.memref_squeeze %dma_wait3A_687 : memref<1x1x!tpu.dma_semaphore, #tpu.memory_space<semaphore_mem>> -> memref<!tpu.dma_semaphore, #tpu.memory_space<semaphore_mem>>
    %dma_wait3A_689 = arith.constant 0 : i32
    %dma_wait3A_690 = arith.constant 0 : i32
    %dma_wait3A_691 = tpu.memref_slice %arg5[%dma_wait3A_683, %dma_wait3A_684, %dma_wait3A_689, %dma_wait3A_690] : memref<2x16x64x128xf32, #tpu.memory_space<vmem>> -> memref<1x1x64x128xf32, #tpu.memory_space<vmem>>
    %dma_wait3A_692 = tpu.memref_squeeze %dma_wait3A_691 : memref<1x1x64x128xf32, #tpu.memory_space<vmem>> -> memref<64x128xf32, #tpu.memory_space<vmem>>
    %dma_wait3A_693 = arith.constant 0 : i32
    %dma_wait3A_694 = arith.constant 0 : i32
    %dma_wait3A_695 = tpu.memref_slice %arg2[%dma_wait3A_693, %dma_wait3A_694] : memref<64x1000000xf32, #tpu.memory_space<any>> -> memref<64x128xf32, #tpu.memory_space<any>>
    tpu.wait_dma2 semaphore(%dma_wait3A_688 : memref<!tpu.dma_semaphore, #tpu.memory_space<semaphore_mem>>) src(%dma_wait3A_695 : memref<64x128xf32, #tpu.memory_space<any>>) dst(%dma_wait3A_692 : memref<64x128xf32, #tpu.memory_space<vmem>>)
    %dma_wait3A_696 = arith.constant 0 : i32
    %dma_wait3A_697 = arith.constant 2 : i32
    %dma_wait3A_698 = arith.constant 0 : i32
    %dma_wait3A_699 = arith.constant 2 : i32
    %dma_wait3A_700 = tpu.memref_slice %arg6[%dma_wait3A_698, %dma_wait3A_699] : memref<2x16x!tpu.dma_semaphore, #tpu.memory_space<semaphore_mem>> -> memref<1x1x!tpu.dma_semaphore, #tpu.memory_space<semaphore_mem>>
    %dma_wait3A_701 = tpu.memref_squeeze %dma_wait3A_700 : memref<1x1x!tpu.dma_semaphore, #tpu.memory_space<semaphore_mem>> -> memref<!tpu.dma_semaphore, #tpu.memory_space<semaphore_mem>>
    %dma_wait3A_702 = arith.constant 0 : i32
    %dma_wait3A_703 = arith.constant 0 : i32
    %dma_wait3A_704 = tpu.memref_slice %arg5[%dma_wait3A_696, %dma_wait3A_697, %dma_wait3A_702, %dma_wait3A_703] : memref<2x16x64x128xf32, #tpu.memory_space<vmem>> -> memref<1x1x64x128xf32, #tpu.memory_space<vmem>>
    %dma_wait3A_705 = tpu.memref_squeeze %dma_wait3A_704 : memref<1x1x64x128xf32, #tpu.memory_space<vmem>> -> memref<64x128xf32, #tpu.memory_space<vmem>>
    %dma_wait3A_706 = arith.constant 0 : i32
    %dma_wait3A_707 = arith.constant 0 : i32
    %dma_wait3A_708 = tpu.memref_slice %arg2[%dma_wait3A_706, %dma_wait3A_707] : memref<64x1000000xf32, #tpu.memory_space<any>> -> memref<64x128xf32, #tpu.memory_space<any>>
    tpu.wait_dma2 semaphore(%dma_wait3A_701 : memref<!tpu.dma_semaphore, #tpu.memory_space<semaphore_mem>>) src(%dma_wait3A_708 : memref<64x128xf32, #tpu.memory_space<any>>) dst(%dma_wait3A_705 : memref<64x128xf32, #tpu.memory_space<vmem>>)
    %dma_wait3A_709 = arith.constant 0 : i32
    %dma_wait3A_710 = arith.constant 3 : i32
    %dma_wait3A_711 = arith.constant 0 : i32
    %dma_wait3A_712 = arith.constant 3 : i32
    %dma_wait3A_713 = tpu.memref_slice %arg6[%dma_wait3A_711, %dma_wait3A_712] : memref<2x16x!tpu.dma_semaphore, #tpu.memory_space<semaphore_mem>> -> memref<1x1x!tpu.dma_semaphore, #tpu.memory_space<semaphore_mem>>
    %dma_wait3A_714 = tpu.memref_squeeze %dma_wait3A_713 : memref<1x1x!tpu.dma_semaphore, #tpu.memory_space<semaphore_mem>> -> memref<!tpu.dma_semaphore, #tpu.memory_space<semaphore_mem>>
    %dma_wait3A_715 = arith.constant 0 : i32
    %dma_wait3A_716 = arith.constant 0 : i32
    %dma_wait3A_717 = tpu.memref_slice %arg5[%dma_wait3A_709, %dma_wait3A_710, %dma_wait3A_715, %dma_wait3A_716] : memref<2x16x64x128xf32, #tpu.memory_space<vmem>> -> memref<1x1x64x128xf32, #tpu.memory_space<vmem>>
    %dma_wait3A_718 = tpu.memref_squeeze %dma_wait3A_717 : memref<1x1x64x128xf32, #tpu.memory_space<vmem>> -> memref<64x128xf32, #tpu.memory_space<vmem>>
    %dma_wait3A_719 = arith.constant 0 : i32
    %dma_wait3A_720 = arith.constant 0 : i32
    %dma_wait3A_721 = tpu.memref_slice %arg2[%dma_wait3A_719, %dma_wait3A_720] : memref<64x1000000xf32, #tpu.memory_space<any>> -> memref<64x128xf32, #tpu.memory_space<any>>
    tpu.wait_dma2 semaphore(%dma_wait3A_714 : memref<!tpu.dma_semaphore, #tpu.memory_space<semaphore_mem>>) src(%dma_wait3A_721 : memref<64x128xf32, #tpu.memory_space<any>>) dst(%dma_wait3A_718 : memref<64x128xf32, #tpu.memory_space<vmem>>)
    %dma_wait3A_722 = arith.constant 0 : i32
    %dma_wait3A_723 = arith.constant 4 : i32
    %dma_wait3A_724 = arith.constant 0 : i32
    %dma_wait3A_725 = arith.constant 4 : i32
    %dma_wait3A_726 = tpu.memref_slice %arg6[%dma_wait3A_724, %dma_wait3A_725] : memref<2x16x!tpu.dma_semaphore, #tpu.memory_space<semaphore_mem>> -> memref<1x1x!tpu.dma_semaphore, #tpu.memory_space<semaphore_mem>>
    %dma_wait3A_727 = tpu.memref_squeeze %dma_wait3A_726 : memref<1x1x!tpu.dma_semaphore, #tpu.memory_space<semaphore_mem>> -> memref<!tpu.dma_semaphore, #tpu.memory_space<semaphore_mem>>
    %dma_wait3A_728 = arith.constant 0 : i32
    %dma_wait3A_729 = arith.constant 0 : i32
    %dma_wait3A_730 = tpu.memref_slice %arg5[%dma_wait3A_722, %dma_wait3A_723, %dma_wait3A_728, %dma_wait3A_729] : memref<2x16x64x128xf32, #tpu.memory_space<vmem>> -> memref<1x1x64x128xf32, #tpu.memory_space<vmem>>
    %dma_wait3A_731 = tpu.memref_squeeze %dma_wait3A_730 : memref<1x1x64x128xf32, #tpu.memory_space<vmem>> -> memref<64x128xf32, #tpu.memory_space<vmem>>
    %dma_wait3A_732 = arith.constant 0 : i32
    %dma_wait3A_733 = arith.constant 0 : i32
    %dma_wait3A_734 = tpu.memref_slice %arg2[%dma_wait3A_732, %dma_wait3A_733] : memref<64x1000000xf32, #tpu.memory_space<any>> -> memref<64x128xf32, #tpu.memory_space<any>>
    tpu.wait_dma2 semaphore(%dma_wait3A_727 : memref<!tpu.dma_semaphore, #tpu.memory_space<semaphore_mem>>) src(%dma_wait3A_734 : memref<64x128xf32, #tpu.memory_space<any>>) dst(%dma_wait3A_731 : memref<64x128xf32, #tpu.memory_space<vmem>>)
    %dma_wait3A_735 = arith.constant 0 : i32
    %dma_wait3A_736 = arith.constant 5 : i32
    %dma_wait3A_737 = arith.constant 0 : i32
    %dma_wait3A_738 = arith.constant 5 : i32
    %dma_wait3A_739 = tpu.memref_slice %arg6[%dma_wait3A_737, %dma_wait3A_738] : memref<2x16x!tpu.dma_semaphore, #tpu.memory_space<semaphore_mem>> -> memref<1x1x!tpu.dma_semaphore, #tpu.memory_space<semaphore_mem>>
    %dma_wait3A_740 = tpu.memref_squeeze %dma_wait3A_739 : memref<1x1x!tpu.dma_semaphore, #tpu.memory_space<semaphore_mem>> -> memref<!tpu.dma_semaphore, #tpu.memory_space<semaphore_mem>>
    %dma_wait3A_741 = arith.constant 0 : i32
    %dma_wait3A_742 = arith.constant 0 : i32
    %dma_wait3A_743 = tpu.memref_slice %arg5[%dma_wait3A_735, %dma_wait3A_736, %dma_wait3A_741, %dma_wait3A_742] : memref<2x16x64x128xf32, #tpu.memory_space<vmem>> -> memref<1x1x64x128xf32, #tpu.memory_space<vmem>>
    %dma_wait3A_744 = tpu.memref_squeeze %dma_wait3A_743 : memref<1x1x64x128xf32, #tpu.memory_space<vmem>> -> memref<64x128xf32, #tpu.memory_space<vmem>>
    %dma_wait3A_745 = arith.constant 0 : i32
    %dma_wait3A_746 = arith.constant 0 : i32
    %dma_wait3A_747 = tpu.memref_slice %arg2[%dma_wait3A_745, %dma_wait3A_746] : memref<64x1000000xf32, #tpu.memory_space<any>> -> memref<64x128xf32, #tpu.memory_space<any>>
    tpu.wait_dma2 semaphore(%dma_wait3A_740 : memref<!tpu.dma_semaphore, #tpu.memory_space<semaphore_mem>>) src(%dma_wait3A_747 : memref<64x128xf32, #tpu.memory_space<any>>) dst(%dma_wait3A_744 : memref<64x128xf32, #tpu.memory_space<vmem>>)
    %dma_wait3A_748 = arith.constant 0 : i32
    %dma_wait3A_749 = arith.constant 6 : i32
    %dma_wait3A_750 = arith.constant 0 : i32
    %dma_wait3A_751 = arith.constant 6 : i32
    %dma_wait3A_752 = tpu.memref_slice %arg6[%dma_wait3A_750, %dma_wait3A_751] : memref<2x16x!tpu.dma_semaphore, #tpu.memory_space<semaphore_mem>> -> memref<1x1x!tpu.dma_semaphore, #tpu.memory_space<semaphore_mem>>
    %dma_wait3A_753 = tpu.memref_squeeze %dma_wait3A_752 : memref<1x1x!tpu.dma_semaphore, #tpu.memory_space<semaphore_mem>> -> memref<!tpu.dma_semaphore, #tpu.memory_space<semaphore_mem>>
    %dma_wait3A_754 = arith.constant 0 : i32
    %dma_wait3A_755 = arith.constant 0 : i32
    %dma_wait3A_756 = tpu.memref_slice %arg5[%dma_wait3A_748, %dma_wait3A_749, %dma_wait3A_754, %dma_wait3A_755] : memref<2x16x64x128xf32, #tpu.memory_space<vmem>> -> memref<1x1x64x128xf32, #tpu.memory_space<vmem>>
    %dma_wait3A_757 = tpu.memref_squeeze %dma_wait3A_756 : memref<1x1x64x128xf32, #tpu.memory_space<vmem>> -> memref<64x128xf32, #tpu.memory_space<vmem>>
    %dma_wait3A_758 = arith.constant 0 : i32
    %dma_wait3A_759 = arith.constant 0 : i32
    %dma_wait3A_760 = tpu.memref_slice %arg2[%dma_wait3A_758, %dma_wait3A_759] : memref<64x1000000xf32, #tpu.memory_space<any>> -> memref<64x128xf32, #tpu.memory_space<any>>
    tpu.wait_dma2 semaphore(%dma_wait3A_753 : memref<!tpu.dma_semaphore, #tpu.memory_space<semaphore_mem>>) src(%dma_wait3A_760 : memref<64x128xf32, #tpu.memory_space<any>>) dst(%dma_wait3A_757 : memref<64x128xf32, #tpu.memory_space<vmem>>)
    %dma_wait3A_761 = arith.constant 0 : i32
    %dma_wait3A_762 = arith.constant 7 : i32
    %dma_wait3A_763 = arith.constant 0 : i32
    %dma_wait3A_764 = arith.constant 7 : i32
    %dma_wait3A_765 = tpu.memref_slice %arg6[%dma_wait3A_763, %dma_wait3A_764] : memref<2x16x!tpu.dma_semaphore, #tpu.memory_space<semaphore_mem>> -> memref<1x1x!tpu.dma_semaphore, #tpu.memory_space<semaphore_mem>>
    %dma_wait3A_766 = tpu.memref_squeeze %dma_wait3A_765 : memref<1x1x!tpu.dma_semaphore, #tpu.memory_space<semaphore_mem>> -> memref<!tpu.dma_semaphore, #tpu.memory_space<semaphore_mem>>
    %dma_wait3A_767 = arith.constant 0 : i32
    %dma_wait3A_768 = arith.constant 0 : i32
    %dma_wait3A_769 = tpu.memref_slice %arg5[%dma_wait3A_761, %dma_wait3A_762, %dma_wait3A_767, %dma_wait3A_768] : memref<2x16x64x128xf32, #tpu.memory_space<vmem>> -> memref<1x1x64x128xf32, #tpu.memory_space<vmem>>
    %dma_wait3A_770 = tpu.memref_squeeze %dma_wait3A_769 : memref<1x1x64x128xf32, #tpu.memory_space<vmem>> -> memref<64x128xf32, #tpu.memory_space<vmem>>
    %dma_wait3A_771 = arith.constant 0 : i32
    %dma_wait3A_772 = arith.constant 0 : i32
    %dma_wait3A_773 = tpu.memref_slice %arg2[%dma_wait3A_771, %dma_wait3A_772] : memref<64x1000000xf32, #tpu.memory_space<any>> -> memref<64x128xf32, #tpu.memory_space<any>>
    tpu.wait_dma2 semaphore(%dma_wait3A_766 : memref<!tpu.dma_semaphore, #tpu.memory_space<semaphore_mem>>) src(%dma_wait3A_773 : memref<64x128xf32, #tpu.memory_space<any>>) dst(%dma_wait3A_770 : memref<64x128xf32, #tpu.memory_space<vmem>>)
    %dma_wait3A_774 = arith.constant 0 : i32
    %dma_wait3A_775 = arith.constant 8 : i32
    %dma_wait3A_776 = arith.constant 0 : i32
    %dma_wait3A_777 = arith.constant 8 : i32
    %dma_wait3A_778 = tpu.memref_slice %arg6[%dma_wait3A_776, %dma_wait3A_777] : memref<2x16x!tpu.dma_semaphore, #tpu.memory_space<semaphore_mem>> -> memref<1x1x!tpu.dma_semaphore, #tpu.memory_space<semaphore_mem>>
    %dma_wait3A_779 = tpu.memref_squeeze %dma_wait3A_778 : memref<1x1x!tpu.dma_semaphore, #tpu.memory_space<semaphore_mem>> -> memref<!tpu.dma_semaphore, #tpu.memory_space<semaphore_mem>>
    %dma_wait3A_780 = arith.constant 0 : i32
    %dma_wait3A_781 = arith.constant 0 : i32
    %dma_wait3A_782 = tpu.memref_slice %arg5[%dma_wait3A_774, %dma_wait3A_775, %dma_wait3A_780, %dma_wait3A_781] : memref<2x16x64x128xf32, #tpu.memory_space<vmem>> -> memref<1x1x64x128xf32, #tpu.memory_space<vmem>>
    %dma_wait3A_783 = tpu.memref_squeeze %dma_wait3A_782 : memref<1x1x64x128xf32, #tpu.memory_space<vmem>> -> memref<64x128xf32, #tpu.memory_space<vmem>>
    %dma_wait3A_784 = arith.constant 0 : i32
    %dma_wait3A_785 = arith.constant 0 : i32
    %dma_wait3A_786 = tpu.memref_slice %arg2[%dma_wait3A_784, %dma_wait3A_785] : memref<64x1000000xf32, #tpu.memory_space<any>> -> memref<64x128xf32, #tpu.memory_space<any>>
    tpu.wait_dma2 semaphore(%dma_wait3A_779 : memref<!tpu.dma_semaphore, #tpu.memory_space<semaphore_mem>>) src(%dma_wait3A_786 : memref<64x128xf32, #tpu.memory_space<any>>) dst(%dma_wait3A_783 : memref<64x128xf32, #tpu.memory_space<vmem>>)
    %dma_wait3A_787 = arith.constant 0 : i32
    %dma_wait3A_788 = arith.constant 9 : i32
    %dma_wait3A_789 = arith.constant 0 : i32
    %dma_wait3A_790 = arith.constant 9 : i32
    %dma_wait3A_791 = tpu.memref_slice %arg6[%dma_wait3A_789, %dma_wait3A_790] : memref<2x16x!tpu.dma_semaphore, #tpu.memory_space<semaphore_mem>> -> memref<1x1x!tpu.dma_semaphore, #tpu.memory_space<semaphore_mem>>
    %dma_wait3A_792 = tpu.memref_squeeze %dma_wait3A_791 : memref<1x1x!tpu.dma_semaphore, #tpu.memory_space<semaphore_mem>> -> memref<!tpu.dma_semaphore, #tpu.memory_space<semaphore_mem>>
    %dma_wait3A_793 = arith.constant 0 : i32
    %dma_wait3A_794 = arith.constant 0 : i32
    %dma_wait3A_795 = tpu.memref_slice %arg5[%dma_wait3A_787, %dma_wait3A_788, %dma_wait3A_793, %dma_wait3A_794] : memref<2x16x64x128xf32, #tpu.memory_space<vmem>> -> memref<1x1x64x128xf32, #tpu.memory_space<vmem>>
    %dma_wait3A_796 = tpu.memref_squeeze %dma_wait3A_795 : memref<1x1x64x128xf32, #tpu.memory_space<vmem>> -> memref<64x128xf32, #tpu.memory_space<vmem>>
    %dma_wait3A_797 = arith.constant 0 : i32
    %dma_wait3A_798 = arith.constant 0 : i32
    %dma_wait3A_799 = tpu.memref_slice %arg2[%dma_wait3A_797, %dma_wait3A_798] : memref<64x1000000xf32, #tpu.memory_space<any>> -> memref<64x128xf32, #tpu.memory_space<any>>
    tpu.wait_dma2 semaphore(%dma_wait3A_792 : memref<!tpu.dma_semaphore, #tpu.memory_space<semaphore_mem>>) src(%dma_wait3A_799 : memref<64x128xf32, #tpu.memory_space<any>>) dst(%dma_wait3A_796 : memref<64x128xf32, #tpu.memory_space<vmem>>)
    %dma_wait3A_800 = arith.constant 0 : i32
    %dma_wait3A_801 = arith.constant 10 : i32
    %dma_wait3A_802 = arith.constant 0 : i32
    %dma_wait3A_803 = arith.constant 10 : i32
    %dma_wait3A_804 = tpu.memref_slice %arg6[%dma_wait3A_802, %dma_wait3A_803] : memref<2x16x!tpu.dma_semaphore, #tpu.memory_space<semaphore_mem>> -> memref<1x1x!tpu.dma_semaphore, #tpu.memory_space<semaphore_mem>>
    %dma_wait3A_805 = tpu.memref_squeeze %dma_wait3A_804 : memref<1x1x!tpu.dma_semaphore, #tpu.memory_space<semaphore_mem>> -> memref<!tpu.dma_semaphore, #tpu.memory_space<semaphore_mem>>
    %dma_wait3A_806 = arith.constant 0 : i32
    %dma_wait3A_807 = arith.constant 0 : i32
    %dma_wait3A_808 = tpu.memref_slice %arg5[%dma_wait3A_800, %dma_wait3A_801, %dma_wait3A_806, %dma_wait3A_807] : memref<2x16x64x128xf32, #tpu.memory_space<vmem>> -> memref<1x1x64x128xf32, #tpu.memory_space<vmem>>
    %dma_wait3A_809 = tpu.memref_squeeze %dma_wait3A_808 : memref<1x1x64x128xf32, #tpu.memory_space<vmem>> -> memref<64x128xf32, #tpu.memory_space<vmem>>
    %dma_wait3A_810 = arith.constant 0 : i32
    %dma_wait3A_811 = arith.constant 0 : i32
    %dma_wait3A_812 = tpu.memref_slice %arg2[%dma_wait3A_810, %dma_wait3A_811] : memref<64x1000000xf32, #tpu.memory_space<any>> -> memref<64x128xf32, #tpu.memory_space<any>>
    tpu.wait_dma2 semaphore(%dma_wait3A_805 : memref<!tpu.dma_semaphore, #tpu.memory_space<semaphore_mem>>) src(%dma_wait3A_812 : memref<64x128xf32, #tpu.memory_space<any>>) dst(%dma_wait3A_809 : memref<64x128xf32, #tpu.memory_space<vmem>>)
    %dma_wait3A_813 = arith.constant 0 : i32
    %dma_wait3A_814 = arith.constant 11 : i32
    %dma_wait3A_815 = arith.constant 0 : i32
    %dma_wait3A_816 = arith.constant 11 : i32
    %dma_wait3A_817 = tpu.memref_slice %arg6[%dma_wait3A_815, %dma_wait3A_816] : memref<2x16x!tpu.dma_semaphore, #tpu.memory_space<semaphore_mem>> -> memref<1x1x!tpu.dma_semaphore, #tpu.memory_space<semaphore_mem>>
    %dma_wait3A_818 = tpu.memref_squeeze %dma_wait3A_817 : memref<1x1x!tpu.dma_semaphore, #tpu.memory_space<semaphore_mem>> -> memref<!tpu.dma_semaphore, #tpu.memory_space<semaphore_mem>>
    %dma_wait3A_819 = arith.constant 0 : i32
    %dma_wait3A_820 = arith.constant 0 : i32
    %dma_wait3A_821 = tpu.memref_slice %arg5[%dma_wait3A_813, %dma_wait3A_814, %dma_wait3A_819, %dma_wait3A_820] : memref<2x16x64x128xf32, #tpu.memory_space<vmem>> -> memref<1x1x64x128xf32, #tpu.memory_space<vmem>>
    %dma_wait3A_822 = tpu.memref_squeeze %dma_wait3A_821 : memref<1x1x64x128xf32, #tpu.memory_space<vmem>> -> memref<64x128xf32, #tpu.memory_space<vmem>>
    %dma_wait3A_823 = arith.constant 0 : i32
    %dma_wait3A_824 = arith.constant 0 : i32
    %dma_wait3A_825 = tpu.memref_slice %arg2[%dma_wait3A_823, %dma_wait3A_824] : memref<64x1000000xf32, #tpu.memory_space<any>> -> memref<64x128xf32, #tpu.memory_space<any>>
    tpu.wait_dma2 semaphore(%dma_wait3A_818 : memref<!tpu.dma_semaphore, #tpu.memory_space<semaphore_mem>>) src(%dma_wait3A_825 : memref<64x128xf32, #tpu.memory_space<any>>) dst(%dma_wait3A_822 : memref<64x128xf32, #tpu.memory_space<vmem>>)
    %dma_wait3A_826 = arith.constant 0 : i32
    %dma_wait3A_827 = arith.constant 12 : i32
    %dma_wait3A_828 = arith.constant 0 : i32
    %dma_wait3A_829 = arith.constant 12 : i32
    %dma_wait3A_830 = tpu.memref_slice %arg6[%dma_wait3A_828, %dma_wait3A_829] : memref<2x16x!tpu.dma_semaphore, #tpu.memory_space<semaphore_mem>> -> memref<1x1x!tpu.dma_semaphore, #tpu.memory_space<semaphore_mem>>
    %dma_wait3A_831 = tpu.memref_squeeze %dma_wait3A_830 : memref<1x1x!tpu.dma_semaphore, #tpu.memory_space<semaphore_mem>> -> memref<!tpu.dma_semaphore, #tpu.memory_space<semaphore_mem>>
    %dma_wait3A_832 = arith.constant 0 : i32
    %dma_wait3A_833 = arith.constant 0 : i32
    %dma_wait3A_834 = tpu.memref_slice %arg5[%dma_wait3A_826, %dma_wait3A_827, %dma_wait3A_832, %dma_wait3A_833] : memref<2x16x64x128xf32, #tpu.memory_space<vmem>> -> memref<1x1x64x128xf32, #tpu.memory_space<vmem>>
    %dma_wait3A_835 = tpu.memref_squeeze %dma_wait3A_834 : memref<1x1x64x128xf32, #tpu.memory_space<vmem>> -> memref<64x128xf32, #tpu.memory_space<vmem>>
    %dma_wait3A_836 = arith.constant 0 : i32
    %dma_wait3A_837 = arith.constant 0 : i32
    %dma_wait3A_838 = tpu.memref_slice %arg2[%dma_wait3A_836, %dma_wait3A_837] : memref<64x1000000xf32, #tpu.memory_space<any>> -> memref<64x128xf32, #tpu.memory_space<any>>
    tpu.wait_dma2 semaphore(%dma_wait3A_831 : memref<!tpu.dma_semaphore, #tpu.memory_space<semaphore_mem>>) src(%dma_wait3A_838 : memref<64x128xf32, #tpu.memory_space<any>>) dst(%dma_wait3A_835 : memref<64x128xf32, #tpu.memory_space<vmem>>)
    %dma_wait3A_839 = arith.constant 0 : i32
    %dma_wait3A_840 = arith.constant 13 : i32
    %dma_wait3A_841 = arith.constant 0 : i32
    %dma_wait3A_842 = arith.constant 13 : i32
    %dma_wait3A_843 = tpu.memref_slice %arg6[%dma_wait3A_841, %dma_wait3A_842] : memref<2x16x!tpu.dma_semaphore, #tpu.memory_space<semaphore_mem>> -> memref<1x1x!tpu.dma_semaphore, #tpu.memory_space<semaphore_mem>>
    %dma_wait3A_844 = tpu.memref_squeeze %dma_wait3A_843 : memref<1x1x!tpu.dma_semaphore, #tpu.memory_space<semaphore_mem>> -> memref<!tpu.dma_semaphore, #tpu.memory_space<semaphore_mem>>
    %dma_wait3A_845 = arith.constant 0 : i32
    %dma_wait3A_846 = arith.constant 0 : i32
    %dma_wait3A_847 = tpu.memref_slice %arg5[%dma_wait3A_839, %dma_wait3A_840, %dma_wait3A_845, %dma_wait3A_846] : memref<2x16x64x128xf32, #tpu.memory_space<vmem>> -> memref<1x1x64x128xf32, #tpu.memory_space<vmem>>
    %dma_wait3A_848 = tpu.memref_squeeze %dma_wait3A_847 : memref<1x1x64x128xf32, #tpu.memory_space<vmem>> -> memref<64x128xf32, #tpu.memory_space<vmem>>
    %dma_wait3A_849 = arith.constant 0 : i32
    %dma_wait3A_850 = arith.constant 0 : i32
    %dma_wait3A_851 = tpu.memref_slice %arg2[%dma_wait3A_849, %dma_wait3A_850] : memref<64x1000000xf32, #tpu.memory_space<any>> -> memref<64x128xf32, #tpu.memory_space<any>>
    tpu.wait_dma2 semaphore(%dma_wait3A_844 : memref<!tpu.dma_semaphore, #tpu.memory_space<semaphore_mem>>) src(%dma_wait3A_851 : memref<64x128xf32, #tpu.memory_space<any>>) dst(%dma_wait3A_848 : memref<64x128xf32, #tpu.memory_space<vmem>>)
    %dma_wait3A_852 = arith.constant 0 : i32
    %dma_wait3A_853 = arith.constant 14 : i32
    %dma_wait3A_854 = arith.constant 0 : i32
    %dma_wait3A_855 = arith.constant 14 : i32
    %dma_wait3A_856 = tpu.memref_slice %arg6[%dma_wait3A_854, %dma_wait3A_855] : memref<2x16x!tpu.dma_semaphore, #tpu.memory_space<semaphore_mem>> -> memref<1x1x!tpu.dma_semaphore, #tpu.memory_space<semaphore_mem>>
    %dma_wait3A_857 = tpu.memref_squeeze %dma_wait3A_856 : memref<1x1x!tpu.dma_semaphore, #tpu.memory_space<semaphore_mem>> -> memref<!tpu.dma_semaphore, #tpu.memory_space<semaphore_mem>>
    %dma_wait3A_858 = arith.constant 0 : i32
    %dma_wait3A_859 = arith.constant 0 : i32
    %dma_wait3A_860 = tpu.memref_slice %arg5[%dma_wait3A_852, %dma_wait3A_853, %dma_wait3A_858, %dma_wait3A_859] : memref<2x16x64x128xf32, #tpu.memory_space<vmem>> -> memref<1x1x64x128xf32, #tpu.memory_space<vmem>>
    %dma_wait3A_861 = tpu.memref_squeeze %dma_wait3A_860 : memref<1x1x64x128xf32, #tpu.memory_space<vmem>> -> memref<64x128xf32, #tpu.memory_space<vmem>>
    %dma_wait3A_862 = arith.constant 0 : i32
    %dma_wait3A_863 = arith.constant 0 : i32
    %dma_wait3A_864 = tpu.memref_slice %arg2[%dma_wait3A_862, %dma_wait3A_863] : memref<64x1000000xf32, #tpu.memory_space<any>> -> memref<64x128xf32, #tpu.memory_space<any>>
    tpu.wait_dma2 semaphore(%dma_wait3A_857 : memref<!tpu.dma_semaphore, #tpu.memory_space<semaphore_mem>>) src(%dma_wait3A_864 : memref<64x128xf32, #tpu.memory_space<any>>) dst(%dma_wait3A_861 : memref<64x128xf32, #tpu.memory_space<vmem>>)
    %dma_wait3A_865 = arith.constant 0 : i32
    %dma_wait3A_866 = arith.constant 15 : i32
    %dma_wait3A_867 = arith.constant 0 : i32
    %dma_wait3A_868 = arith.constant 15 : i32
    %dma_wait3A_869 = tpu.memref_slice %arg6[%dma_wait3A_867, %dma_wait3A_868] : memref<2x16x!tpu.dma_semaphore, #tpu.memory_space<semaphore_mem>> -> memref<1x1x!tpu.dma_semaphore, #tpu.memory_space<semaphore_mem>>
    %dma_wait3A_870 = tpu.memref_squeeze %dma_wait3A_869 : memref<1x1x!tpu.dma_semaphore, #tpu.memory_space<semaphore_mem>> -> memref<!tpu.dma_semaphore, #tpu.memory_space<semaphore_mem>>
    %dma_wait3A_871 = arith.constant 0 : i32
    %dma_wait3A_872 = arith.constant 0 : i32
    %dma_wait3A_873 = tpu.memref_slice %arg5[%dma_wait3A_865, %dma_wait3A_866, %dma_wait3A_871, %dma_wait3A_872] : memref<2x16x64x128xf32, #tpu.memory_space<vmem>> -> memref<1x1x64x128xf32, #tpu.memory_space<vmem>>
    %dma_wait3A_874 = tpu.memref_squeeze %dma_wait3A_873 : memref<1x1x64x128xf32, #tpu.memory_space<vmem>> -> memref<64x128xf32, #tpu.memory_space<vmem>>
    %dma_wait3A_875 = arith.constant 0 : i32
    %dma_wait3A_876 = arith.constant 0 : i32
    %dma_wait3A_877 = tpu.memref_slice %arg2[%dma_wait3A_875, %dma_wait3A_876] : memref<64x1000000xf32, #tpu.memory_space<any>> -> memref<64x128xf32, #tpu.memory_space<any>>
    tpu.wait_dma2 semaphore(%dma_wait3A_870 : memref<!tpu.dma_semaphore, #tpu.memory_space<semaphore_mem>>) src(%dma_wait3A_877 : memref<64x128xf32, #tpu.memory_space<any>>) dst(%dma_wait3A_874 : memref<64x128xf32, #tpu.memory_space<vmem>>)
    %dma_wait3A_878 = arith.constant 1 : i32
    %dma_wait3A_879 = arith.constant 0 : i32
    %dma_wait3A_880 = arith.constant 1 : i32
    %dma_wait3A_881 = arith.constant 0 : i32
    %dma_wait3A_882 = tpu.memref_slice %arg6[%dma_wait3A_880, %dma_wait3A_881] : memref<2x16x!tpu.dma_semaphore, #tpu.memory_space<semaphore_mem>> -> memref<1x1x!tpu.dma_semaphore, #tpu.memory_space<semaphore_mem>>
    %dma_wait3A_883 = tpu.memref_squeeze %dma_wait3A_882 : memref<1x1x!tpu.dma_semaphore, #tpu.memory_space<semaphore_mem>> -> memref<!tpu.dma_semaphore, #tpu.memory_space<semaphore_mem>>
    %dma_wait3A_884 = arith.constant 0 : i32
    %dma_wait3A_885 = arith.constant 0 : i32
    %dma_wait3A_886 = tpu.memref_slice %arg5[%dma_wait3A_878, %dma_wait3A_879, %dma_wait3A_884, %dma_wait3A_885] : memref<2x16x64x128xf32, #tpu.memory_space<vmem>> -> memref<1x1x64x128xf32, #tpu.memory_space<vmem>>
    %dma_wait3A_887 = tpu.memref_squeeze %dma_wait3A_886 : memref<1x1x64x128xf32, #tpu.memory_space<vmem>> -> memref<64x128xf32, #tpu.memory_space<vmem>>
    %dma_wait3A_888 = arith.constant 0 : i32
    %dma_wait3A_889 = arith.constant 0 : i32
    %dma_wait3A_890 = tpu.memref_slice %arg2[%dma_wait3A_888, %dma_wait3A_889] : memref<64x1000000xf32, #tpu.memory_space<any>> -> memref<64x128xf32, #tpu.memory_space<any>>
    tpu.wait_dma2 semaphore(%dma_wait3A_883 : memref<!tpu.dma_semaphore, #tpu.memory_space<semaphore_mem>>) src(%dma_wait3A_890 : memref<64x128xf32, #tpu.memory_space<any>>) dst(%dma_wait3A_887 : memref<64x128xf32, #tpu.memory_space<vmem>>)
    %dma_wait3A_891 = arith.constant 1 : i32
    %dma_wait3A_892 = arith.constant 1 : i32
    %dma_wait3A_893 = arith.constant 1 : i32
    %dma_wait3A_894 = arith.constant 1 : i32
    %dma_wait3A_895 = tpu.memref_slice %arg6[%dma_wait3A_893, %dma_wait3A_894] : memref<2x16x!tpu.dma_semaphore, #tpu.memory_space<semaphore_mem>> -> memref<1x1x!tpu.dma_semaphore, #tpu.memory_space<semaphore_mem>>
    %dma_wait3A_896 = tpu.memref_squeeze %dma_wait3A_895 : memref<1x1x!tpu.dma_semaphore, #tpu.memory_space<semaphore_mem>> -> memref<!tpu.dma_semaphore, #tpu.memory_space<semaphore_mem>>
    %dma_wait3A_897 = arith.constant 0 : i32
    %dma_wait3A_898 = arith.constant 0 : i32
    %dma_wait3A_899 = tpu.memref_slice %arg5[%dma_wait3A_891, %dma_wait3A_892, %dma_wait3A_897, %dma_wait3A_898] : memref<2x16x64x128xf32, #tpu.memory_space<vmem>> -> memref<1x1x64x128xf32, #tpu.memory_space<vmem>>
    %dma_wait3A_900 = tpu.memref_squeeze %dma_wait3A_899 : memref<1x1x64x128xf32, #tpu.memory_space<vmem>> -> memref<64x128xf32, #tpu.memory_space<vmem>>
    %dma_wait3A_901 = arith.constant 0 : i32
    %dma_wait3A_902 = arith.constant 0 : i32
    %dma_wait3A_903 = tpu.memref_slice %arg2[%dma_wait3A_901, %dma_wait3A_902] : memref<64x1000000xf32, #tpu.memory_space<any>> -> memref<64x128xf32, #tpu.memory_space<any>>
    tpu.wait_dma2 semaphore(%dma_wait3A_896 : memref<!tpu.dma_semaphore, #tpu.memory_space<semaphore_mem>>) src(%dma_wait3A_903 : memref<64x128xf32, #tpu.memory_space<any>>) dst(%dma_wait3A_900 : memref<64x128xf32, #tpu.memory_space<vmem>>)
    %dma_wait3A_904 = arith.constant 1 : i32
    %dma_wait3A_905 = arith.constant 2 : i32
    %dma_wait3A_906 = arith.constant 1 : i32
    %dma_wait3A_907 = arith.constant 2 : i32
    %dma_wait3A_908 = tpu.memref_slice %arg6[%dma_wait3A_906, %dma_wait3A_907] : memref<2x16x!tpu.dma_semaphore, #tpu.memory_space<semaphore_mem>> -> memref<1x1x!tpu.dma_semaphore, #tpu.memory_space<semaphore_mem>>
    %dma_wait3A_909 = tpu.memref_squeeze %dma_wait3A_908 : memref<1x1x!tpu.dma_semaphore, #tpu.memory_space<semaphore_mem>> -> memref<!tpu.dma_semaphore, #tpu.memory_space<semaphore_mem>>
    %dma_wait3A_910 = arith.constant 0 : i32
    %dma_wait3A_911 = arith.constant 0 : i32
    %dma_wait3A_912 = tpu.memref_slice %arg5[%dma_wait3A_904, %dma_wait3A_905, %dma_wait3A_910, %dma_wait3A_911] : memref<2x16x64x128xf32, #tpu.memory_space<vmem>> -> memref<1x1x64x128xf32, #tpu.memory_space<vmem>>
    %dma_wait3A_913 = tpu.memref_squeeze %dma_wait3A_912 : memref<1x1x64x128xf32, #tpu.memory_space<vmem>> -> memref<64x128xf32, #tpu.memory_space<vmem>>
    %dma_wait3A_914 = arith.constant 0 : i32
    %dma_wait3A_915 = arith.constant 0 : i32
    %dma_wait3A_916 = tpu.memref_slice %arg2[%dma_wait3A_914, %dma_wait3A_915] : memref<64x1000000xf32, #tpu.memory_space<any>> -> memref<64x128xf32, #tpu.memory_space<any>>
    tpu.wait_dma2 semaphore(%dma_wait3A_909 : memref<!tpu.dma_semaphore, #tpu.memory_space<semaphore_mem>>) src(%dma_wait3A_916 : memref<64x128xf32, #tpu.memory_space<any>>) dst(%dma_wait3A_913 : memref<64x128xf32, #tpu.memory_space<vmem>>)
    %dma_wait3A_917 = arith.constant 1 : i32
    %dma_wait3A_918 = arith.constant 3 : i32
    %dma_wait3A_919 = arith.constant 1 : i32
    %dma_wait3A_920 = arith.constant 3 : i32
    %dma_wait3A_921 = tpu.memref_slice %arg6[%dma_wait3A_919, %dma_wait3A_920] : memref<2x16x!tpu.dma_semaphore, #tpu.memory_space<semaphore_mem>> -> memref<1x1x!tpu.dma_semaphore, #tpu.memory_space<semaphore_mem>>
    %dma_wait3A_922 = tpu.memref_squeeze %dma_wait3A_921 : memref<1x1x!tpu.dma_semaphore, #tpu.memory_space<semaphore_mem>> -> memref<!tpu.dma_semaphore, #tpu.memory_space<semaphore_mem>>
    %dma_wait3A_923 = arith.constant 0 : i32
    %dma_wait3A_924 = arith.constant 0 : i32
    %dma_wait3A_925 = tpu.memref_slice %arg5[%dma_wait3A_917, %dma_wait3A_918, %dma_wait3A_923, %dma_wait3A_924] : memref<2x16x64x128xf32, #tpu.memory_space<vmem>> -> memref<1x1x64x128xf32, #tpu.memory_space<vmem>>
    %dma_wait3A_926 = tpu.memref_squeeze %dma_wait3A_925 : memref<1x1x64x128xf32, #tpu.memory_space<vmem>> -> memref<64x128xf32, #tpu.memory_space<vmem>>
    %dma_wait3A_927 = arith.constant 0 : i32
    %dma_wait3A_928 = arith.constant 0 : i32
    %dma_wait3A_929 = tpu.memref_slice %arg2[%dma_wait3A_927, %dma_wait3A_928] : memref<64x1000000xf32, #tpu.memory_space<any>> -> memref<64x128xf32, #tpu.memory_space<any>>
    tpu.wait_dma2 semaphore(%dma_wait3A_922 : memref<!tpu.dma_semaphore, #tpu.memory_space<semaphore_mem>>) src(%dma_wait3A_929 : memref<64x128xf32, #tpu.memory_space<any>>) dst(%dma_wait3A_926 : memref<64x128xf32, #tpu.memory_space<vmem>>)
    %dma_wait3A_930 = arith.constant 1 : i32
    %dma_wait3A_931 = arith.constant 4 : i32
    %dma_wait3A_932 = arith.constant 1 : i32
    %dma_wait3A_933 = arith.constant 4 : i32
    %dma_wait3A_934 = tpu.memref_slice %arg6[%dma_wait3A_932, %dma_wait3A_933] : memref<2x16x!tpu.dma_semaphore, #tpu.memory_space<semaphore_mem>> -> memref<1x1x!tpu.dma_semaphore, #tpu.memory_space<semaphore_mem>>
    %dma_wait3A_935 = tpu.memref_squeeze %dma_wait3A_934 : memref<1x1x!tpu.dma_semaphore, #tpu.memory_space<semaphore_mem>> -> memref<!tpu.dma_semaphore, #tpu.memory_space<semaphore_mem>>
    %dma_wait3A_936 = arith.constant 0 : i32
    %dma_wait3A_937 = arith.constant 0 : i32
    %dma_wait3A_938 = tpu.memref_slice %arg5[%dma_wait3A_930, %dma_wait3A_931, %dma_wait3A_936, %dma_wait3A_937] : memref<2x16x64x128xf32, #tpu.memory_space<vmem>> -> memref<1x1x64x128xf32, #tpu.memory_space<vmem>>
    %dma_wait3A_939 = tpu.memref_squeeze %dma_wait3A_938 : memref<1x1x64x128xf32, #tpu.memory_space<vmem>> -> memref<64x128xf32, #tpu.memory_space<vmem>>
    %dma_wait3A_940 = arith.constant 0 : i32
    %dma_wait3A_941 = arith.constant 0 : i32
    %dma_wait3A_942 = tpu.memref_slice %arg2[%dma_wait3A_940, %dma_wait3A_941] : memref<64x1000000xf32, #tpu.memory_space<any>> -> memref<64x128xf32, #tpu.memory_space<any>>
    tpu.wait_dma2 semaphore(%dma_wait3A_935 : memref<!tpu.dma_semaphore, #tpu.memory_space<semaphore_mem>>) src(%dma_wait3A_942 : memref<64x128xf32, #tpu.memory_space<any>>) dst(%dma_wait3A_939 : memref<64x128xf32, #tpu.memory_space<vmem>>)
    %dma_wait3A_943 = arith.constant 1 : i32
    %dma_wait3A_944 = arith.constant 5 : i32
    %dma_wait3A_945 = arith.constant 1 : i32
    %dma_wait3A_946 = arith.constant 5 : i32
    %dma_wait3A_947 = tpu.memref_slice %arg6[%dma_wait3A_945, %dma_wait3A_946] : memref<2x16x!tpu.dma_semaphore, #tpu.memory_space<semaphore_mem>> -> memref<1x1x!tpu.dma_semaphore, #tpu.memory_space<semaphore_mem>>
    %dma_wait3A_948 = tpu.memref_squeeze %dma_wait3A_947 : memref<1x1x!tpu.dma_semaphore, #tpu.memory_space<semaphore_mem>> -> memref<!tpu.dma_semaphore, #tpu.memory_space<semaphore_mem>>
    %dma_wait3A_949 = arith.constant 0 : i32
    %dma_wait3A_950 = arith.constant 0 : i32
    %dma_wait3A_951 = tpu.memref_slice %arg5[%dma_wait3A_943, %dma_wait3A_944, %dma_wait3A_949, %dma_wait3A_950] : memref<2x16x64x128xf32, #tpu.memory_space<vmem>> -> memref<1x1x64x128xf32, #tpu.memory_space<vmem>>
    %dma_wait3A_952 = tpu.memref_squeeze %dma_wait3A_951 : memref<1x1x64x128xf32, #tpu.memory_space<vmem>> -> memref<64x128xf32, #tpu.memory_space<vmem>>
    %dma_wait3A_953 = arith.constant 0 : i32
    %dma_wait3A_954 = arith.constant 0 : i32
    %dma_wait3A_955 = tpu.memref_slice %arg2[%dma_wait3A_953, %dma_wait3A_954] : memref<64x1000000xf32, #tpu.memory_space<any>> -> memref<64x128xf32, #tpu.memory_space<any>>
    tpu.wait_dma2 semaphore(%dma_wait3A_948 : memref<!tpu.dma_semaphore, #tpu.memory_space<semaphore_mem>>) src(%dma_wait3A_955 : memref<64x128xf32, #tpu.memory_space<any>>) dst(%dma_wait3A_952 : memref<64x128xf32, #tpu.memory_space<vmem>>)
    %dma_wait3A_956 = arith.constant 1 : i32
    %dma_wait3A_957 = arith.constant 6 : i32
    %dma_wait3A_958 = arith.constant 1 : i32
    %dma_wait3A_959 = arith.constant 6 : i32
    %dma_wait3A_960 = tpu.memref_slice %arg6[%dma_wait3A_958, %dma_wait3A_959] : memref<2x16x!tpu.dma_semaphore, #tpu.memory_space<semaphore_mem>> -> memref<1x1x!tpu.dma_semaphore, #tpu.memory_space<semaphore_mem>>
    %dma_wait3A_961 = tpu.memref_squeeze %dma_wait3A_960 : memref<1x1x!tpu.dma_semaphore, #tpu.memory_space<semaphore_mem>> -> memref<!tpu.dma_semaphore, #tpu.memory_space<semaphore_mem>>
    %dma_wait3A_962 = arith.constant 0 : i32
    %dma_wait3A_963 = arith.constant 0 : i32
    %dma_wait3A_964 = tpu.memref_slice %arg5[%dma_wait3A_956, %dma_wait3A_957, %dma_wait3A_962, %dma_wait3A_963] : memref<2x16x64x128xf32, #tpu.memory_space<vmem>> -> memref<1x1x64x128xf32, #tpu.memory_space<vmem>>
    %dma_wait3A_965 = tpu.memref_squeeze %dma_wait3A_964 : memref<1x1x64x128xf32, #tpu.memory_space<vmem>> -> memref<64x128xf32, #tpu.memory_space<vmem>>
    %dma_wait3A_966 = arith.constant 0 : i32
    %dma_wait3A_967 = arith.constant 0 : i32
    %dma_wait3A_968 = tpu.memref_slice %arg2[%dma_wait3A_966, %dma_wait3A_967] : memref<64x1000000xf32, #tpu.memory_space<any>> -> memref<64x128xf32, #tpu.memory_space<any>>
    tpu.wait_dma2 semaphore(%dma_wait3A_961 : memref<!tpu.dma_semaphore, #tpu.memory_space<semaphore_mem>>) src(%dma_wait3A_968 : memref<64x128xf32, #tpu.memory_space<any>>) dst(%dma_wait3A_965 : memref<64x128xf32, #tpu.memory_space<vmem>>)
    %dma_wait3A_969 = arith.constant 1 : i32
    %dma_wait3A_970 = arith.constant 7 : i32
    %dma_wait3A_971 = arith.constant 1 : i32
    %dma_wait3A_972 = arith.constant 7 : i32
    %dma_wait3A_973 = tpu.memref_slice %arg6[%dma_wait3A_971, %dma_wait3A_972] : memref<2x16x!tpu.dma_semaphore, #tpu.memory_space<semaphore_mem>> -> memref<1x1x!tpu.dma_semaphore, #tpu.memory_space<semaphore_mem>>
    %dma_wait3A_974 = tpu.memref_squeeze %dma_wait3A_973 : memref<1x1x!tpu.dma_semaphore, #tpu.memory_space<semaphore_mem>> -> memref<!tpu.dma_semaphore, #tpu.memory_space<semaphore_mem>>
    %dma_wait3A_975 = arith.constant 0 : i32
    %dma_wait3A_976 = arith.constant 0 : i32
    %dma_wait3A_977 = tpu.memref_slice %arg5[%dma_wait3A_969, %dma_wait3A_970, %dma_wait3A_975, %dma_wait3A_976] : memref<2x16x64x128xf32, #tpu.memory_space<vmem>> -> memref<1x1x64x128xf32, #tpu.memory_space<vmem>>
    %dma_wait3A_978 = tpu.memref_squeeze %dma_wait3A_977 : memref<1x1x64x128xf32, #tpu.memory_space<vmem>> -> memref<64x128xf32, #tpu.memory_space<vmem>>
    %dma_wait3A_979 = arith.constant 0 : i32
    %dma_wait3A_980 = arith.constant 0 : i32
    %dma_wait3A_981 = tpu.memref_slice %arg2[%dma_wait3A_979, %dma_wait3A_980] : memref<64x1000000xf32, #tpu.memory_space<any>> -> memref<64x128xf32, #tpu.memory_space<any>>
    tpu.wait_dma2 semaphore(%dma_wait3A_974 : memref<!tpu.dma_semaphore, #tpu.memory_space<semaphore_mem>>) src(%dma_wait3A_981 : memref<64x128xf32, #tpu.memory_space<any>>) dst(%dma_wait3A_978 : memref<64x128xf32, #tpu.memory_space<vmem>>)
    %dma_wait3A_982 = arith.constant 1 : i32
    %dma_wait3A_983 = arith.constant 8 : i32
    %dma_wait3A_984 = arith.constant 1 : i32
    %dma_wait3A_985 = arith.constant 8 : i32
    %dma_wait3A_986 = tpu.memref_slice %arg6[%dma_wait3A_984, %dma_wait3A_985] : memref<2x16x!tpu.dma_semaphore, #tpu.memory_space<semaphore_mem>> -> memref<1x1x!tpu.dma_semaphore, #tpu.memory_space<semaphore_mem>>
    %dma_wait3A_987 = tpu.memref_squeeze %dma_wait3A_986 : memref<1x1x!tpu.dma_semaphore, #tpu.memory_space<semaphore_mem>> -> memref<!tpu.dma_semaphore, #tpu.memory_space<semaphore_mem>>
    %dma_wait3A_988 = arith.constant 0 : i32
    %dma_wait3A_989 = arith.constant 0 : i32
    %dma_wait3A_990 = tpu.memref_slice %arg5[%dma_wait3A_982, %dma_wait3A_983, %dma_wait3A_988, %dma_wait3A_989] : memref<2x16x64x128xf32, #tpu.memory_space<vmem>> -> memref<1x1x64x128xf32, #tpu.memory_space<vmem>>
    %dma_wait3A_991 = tpu.memref_squeeze %dma_wait3A_990 : memref<1x1x64x128xf32, #tpu.memory_space<vmem>> -> memref<64x128xf32, #tpu.memory_space<vmem>>
    %dma_wait3A_992 = arith.constant 0 : i32
    %dma_wait3A_993 = arith.constant 0 : i32
    %dma_wait3A_994 = tpu.memref_slice %arg2[%dma_wait3A_992, %dma_wait3A_993] : memref<64x1000000xf32, #tpu.memory_space<any>> -> memref<64x128xf32, #tpu.memory_space<any>>
    tpu.wait_dma2 semaphore(%dma_wait3A_987 : memref<!tpu.dma_semaphore, #tpu.memory_space<semaphore_mem>>) src(%dma_wait3A_994 : memref<64x128xf32, #tpu.memory_space<any>>) dst(%dma_wait3A_991 : memref<64x128xf32, #tpu.memory_space<vmem>>)
    %dma_wait3A_995 = arith.constant 1 : i32
    %dma_wait3A_996 = arith.constant 9 : i32
    %dma_wait3A_997 = arith.constant 1 : i32
    %dma_wait3A_998 = arith.constant 9 : i32
    %dma_wait3A_999 = tpu.memref_slice %arg6[%dma_wait3A_997, %dma_wait3A_998] : memref<2x16x!tpu.dma_semaphore, #tpu.memory_space<semaphore_mem>> -> memref<1x1x!tpu.dma_semaphore, #tpu.memory_space<semaphore_mem>>
    %dma_wait3A_1000 = tpu.memref_squeeze %dma_wait3A_999 : memref<1x1x!tpu.dma_semaphore, #tpu.memory_space<semaphore_mem>> -> memref<!tpu.dma_semaphore, #tpu.memory_space<semaphore_mem>>
    %dma_wait3A_1001 = arith.constant 0 : i32
    %dma_wait3A_1002 = arith.constant 0 : i32
    %dma_wait3A_1003 = tpu.memref_slice %arg5[%dma_wait3A_995, %dma_wait3A_996, %dma_wait3A_1001, %dma_wait3A_1002] : memref<2x16x64x128xf32, #tpu.memory_space<vmem>> -> memref<1x1x64x128xf32, #tpu.memory_space<vmem>>
    %dma_wait3A_1004 = tpu.memref_squeeze %dma_wait3A_1003 : memref<1x1x64x128xf32, #tpu.memory_space<vmem>> -> memref<64x128xf32, #tpu.memory_space<vmem>>
    %dma_wait3A_1005 = arith.constant 0 : i32
    %dma_wait3A_1006 = arith.constant 0 : i32
    %dma_wait3A_1007 = tpu.memref_slice %arg2[%dma_wait3A_1005, %dma_wait3A_1006] : memref<64x1000000xf32, #tpu.memory_space<any>> -> memref<64x128xf32, #tpu.memory_space<any>>
    tpu.wait_dma2 semaphore(%dma_wait3A_1000 : memref<!tpu.dma_semaphore, #tpu.memory_space<semaphore_mem>>) src(%dma_wait3A_1007 : memref<64x128xf32, #tpu.memory_space<any>>) dst(%dma_wait3A_1004 : memref<64x128xf32, #tpu.memory_space<vmem>>)
    %dma_wait3A_1008 = arith.constant 1 : i32
    %dma_wait3A_1009 = arith.constant 10 : i32
    %dma_wait3A_1010 = arith.constant 1 : i32
    %dma_wait3A_1011 = arith.constant 10 : i32
    %dma_wait3A_1012 = tpu.memref_slice %arg6[%dma_wait3A_1010, %dma_wait3A_1011] : memref<2x16x!tpu.dma_semaphore, #tpu.memory_space<semaphore_mem>> -> memref<1x1x!tpu.dma_semaphore, #tpu.memory_space<semaphore_mem>>
    %dma_wait3A_1013 = tpu.memref_squeeze %dma_wait3A_1012 : memref<1x1x!tpu.dma_semaphore, #tpu.memory_space<semaphore_mem>> -> memref<!tpu.dma_semaphore, #tpu.memory_space<semaphore_mem>>
    %dma_wait3A_1014 = arith.constant 0 : i32
    %dma_wait3A_1015 = arith.constant 0 : i32
    %dma_wait3A_1016 = tpu.memref_slice %arg5[%dma_wait3A_1008, %dma_wait3A_1009, %dma_wait3A_1014, %dma_wait3A_1015] : memref<2x16x64x128xf32, #tpu.memory_space<vmem>> -> memref<1x1x64x128xf32, #tpu.memory_space<vmem>>
    %dma_wait3A_1017 = tpu.memref_squeeze %dma_wait3A_1016 : memref<1x1x64x128xf32, #tpu.memory_space<vmem>> -> memref<64x128xf32, #tpu.memory_space<vmem>>
    %dma_wait3A_1018 = arith.constant 0 : i32
    %dma_wait3A_1019 = arith.constant 0 : i32
    %dma_wait3A_1020 = tpu.memref_slice %arg2[%dma_wait3A_1018, %dma_wait3A_1019] : memref<64x1000000xf32, #tpu.memory_space<any>> -> memref<64x128xf32, #tpu.memory_space<any>>
    tpu.wait_dma2 semaphore(%dma_wait3A_1013 : memref<!tpu.dma_semaphore, #tpu.memory_space<semaphore_mem>>) src(%dma_wait3A_1020 : memref<64x128xf32, #tpu.memory_space<any>>) dst(%dma_wait3A_1017 : memref<64x128xf32, #tpu.memory_space<vmem>>)
    %dma_wait3A_1021 = arith.constant 1 : i32
    %dma_wait3A_1022 = arith.constant 11 : i32
    %dma_wait3A_1023 = arith.constant 1 : i32
    %dma_wait3A_1024 = arith.constant 11 : i32
    %dma_wait3A_1025 = tpu.memref_slice %arg6[%dma_wait3A_1023, %dma_wait3A_1024] : memref<2x16x!tpu.dma_semaphore, #tpu.memory_space<semaphore_mem>> -> memref<1x1x!tpu.dma_semaphore, #tpu.memory_space<semaphore_mem>>
    %dma_wait3A_1026 = tpu.memref_squeeze %dma_wait3A_1025 : memref<1x1x!tpu.dma_semaphore, #tpu.memory_space<semaphore_mem>> -> memref<!tpu.dma_semaphore, #tpu.memory_space<semaphore_mem>>
    %dma_wait3A_1027 = arith.constant 0 : i32
    %dma_wait3A_1028 = arith.constant 0 : i32
    %dma_wait3A_1029 = tpu.memref_slice %arg5[%dma_wait3A_1021, %dma_wait3A_1022, %dma_wait3A_1027, %dma_wait3A_1028] : memref<2x16x64x128xf32, #tpu.memory_space<vmem>> -> memref<1x1x64x128xf32, #tpu.memory_space<vmem>>
    %dma_wait3A_1030 = tpu.memref_squeeze %dma_wait3A_1029 : memref<1x1x64x128xf32, #tpu.memory_space<vmem>> -> memref<64x128xf32, #tpu.memory_space<vmem>>
    %dma_wait3A_1031 = arith.constant 0 : i32
    %dma_wait3A_1032 = arith.constant 0 : i32
    %dma_wait3A_1033 = tpu.memref_slice %arg2[%dma_wait3A_1031, %dma_wait3A_1032] : memref<64x1000000xf32, #tpu.memory_space<any>> -> memref<64x128xf32, #tpu.memory_space<any>>
    tpu.wait_dma2 semaphore(%dma_wait3A_1026 : memref<!tpu.dma_semaphore, #tpu.memory_space<semaphore_mem>>) src(%dma_wait3A_1033 : memref<64x128xf32, #tpu.memory_space<any>>) dst(%dma_wait3A_1030 : memref<64x128xf32, #tpu.memory_space<vmem>>)
    %dma_wait3A_1034 = arith.constant 1 : i32
    %dma_wait3A_1035 = arith.constant 12 : i32
    %dma_wait3A_1036 = arith.constant 1 : i32
    %dma_wait3A_1037 = arith.constant 12 : i32
    %dma_wait3A_1038 = tpu.memref_slice %arg6[%dma_wait3A_1036, %dma_wait3A_1037] : memref<2x16x!tpu.dma_semaphore, #tpu.memory_space<semaphore_mem>> -> memref<1x1x!tpu.dma_semaphore, #tpu.memory_space<semaphore_mem>>
    %dma_wait3A_1039 = tpu.memref_squeeze %dma_wait3A_1038 : memref<1x1x!tpu.dma_semaphore, #tpu.memory_space<semaphore_mem>> -> memref<!tpu.dma_semaphore, #tpu.memory_space<semaphore_mem>>
    %dma_wait3A_1040 = arith.constant 0 : i32
    %dma_wait3A_1041 = arith.constant 0 : i32
    %dma_wait3A_1042 = tpu.memref_slice %arg5[%dma_wait3A_1034, %dma_wait3A_1035, %dma_wait3A_1040, %dma_wait3A_1041] : memref<2x16x64x128xf32, #tpu.memory_space<vmem>> -> memref<1x1x64x128xf32, #tpu.memory_space<vmem>>
    %dma_wait3A_1043 = tpu.memref_squeeze %dma_wait3A_1042 : memref<1x1x64x128xf32, #tpu.memory_space<vmem>> -> memref<64x128xf32, #tpu.memory_space<vmem>>
    %dma_wait3A_1044 = arith.constant 0 : i32
    %dma_wait3A_1045 = arith.constant 0 : i32
    %dma_wait3A_1046 = tpu.memref_slice %arg2[%dma_wait3A_1044, %dma_wait3A_1045] : memref<64x1000000xf32, #tpu.memory_space<any>> -> memref<64x128xf32, #tpu.memory_space<any>>
    tpu.wait_dma2 semaphore(%dma_wait3A_1039 : memref<!tpu.dma_semaphore, #tpu.memory_space<semaphore_mem>>) src(%dma_wait3A_1046 : memref<64x128xf32, #tpu.memory_space<any>>) dst(%dma_wait3A_1043 : memref<64x128xf32, #tpu.memory_space<vmem>>)
    %dma_wait3A_1047 = arith.constant 1 : i32
    %dma_wait3A_1048 = arith.constant 13 : i32
    %dma_wait3A_1049 = arith.constant 1 : i32
    %dma_wait3A_1050 = arith.constant 13 : i32
    %dma_wait3A_1051 = tpu.memref_slice %arg6[%dma_wait3A_1049, %dma_wait3A_1050] : memref<2x16x!tpu.dma_semaphore, #tpu.memory_space<semaphore_mem>> -> memref<1x1x!tpu.dma_semaphore, #tpu.memory_space<semaphore_mem>>
    %dma_wait3A_1052 = tpu.memref_squeeze %dma_wait3A_1051 : memref<1x1x!tpu.dma_semaphore, #tpu.memory_space<semaphore_mem>> -> memref<!tpu.dma_semaphore, #tpu.memory_space<semaphore_mem>>
    %dma_wait3A_1053 = arith.constant 0 : i32
    %dma_wait3A_1054 = arith.constant 0 : i32
    %dma_wait3A_1055 = tpu.memref_slice %arg5[%dma_wait3A_1047, %dma_wait3A_1048, %dma_wait3A_1053, %dma_wait3A_1054] : memref<2x16x64x128xf32, #tpu.memory_space<vmem>> -> memref<1x1x64x128xf32, #tpu.memory_space<vmem>>
    %dma_wait3A_1056 = tpu.memref_squeeze %dma_wait3A_1055 : memref<1x1x64x128xf32, #tpu.memory_space<vmem>> -> memref<64x128xf32, #tpu.memory_space<vmem>>
    %dma_wait3A_1057 = arith.constant 0 : i32
    %dma_wait3A_1058 = arith.constant 0 : i32
    %dma_wait3A_1059 = tpu.memref_slice %arg2[%dma_wait3A_1057, %dma_wait3A_1058] : memref<64x1000000xf32, #tpu.memory_space<any>> -> memref<64x128xf32, #tpu.memory_space<any>>
    tpu.wait_dma2 semaphore(%dma_wait3A_1052 : memref<!tpu.dma_semaphore, #tpu.memory_space<semaphore_mem>>) src(%dma_wait3A_1059 : memref<64x128xf32, #tpu.memory_space<any>>) dst(%dma_wait3A_1056 : memref<64x128xf32, #tpu.memory_space<vmem>>)
    %dma_wait3A_1060 = arith.constant 1 : i32
    %dma_wait3A_1061 = arith.constant 14 : i32
    %dma_wait3A_1062 = arith.constant 1 : i32
    %dma_wait3A_1063 = arith.constant 14 : i32
    %dma_wait3A_1064 = tpu.memref_slice %arg6[%dma_wait3A_1062, %dma_wait3A_1063] : memref<2x16x!tpu.dma_semaphore, #tpu.memory_space<semaphore_mem>> -> memref<1x1x!tpu.dma_semaphore, #tpu.memory_space<semaphore_mem>>
    %dma_wait3A_1065 = tpu.memref_squeeze %dma_wait3A_1064 : memref<1x1x!tpu.dma_semaphore, #tpu.memory_space<semaphore_mem>> -> memref<!tpu.dma_semaphore, #tpu.memory_space<semaphore_mem>>
    %dma_wait3A_1066 = arith.constant 0 : i32
    %dma_wait3A_1067 = arith.constant 0 : i32
    %dma_wait3A_1068 = tpu.memref_slice %arg5[%dma_wait3A_1060, %dma_wait3A_1061, %dma_wait3A_1066, %dma_wait3A_1067] : memref<2x16x64x128xf32, #tpu.memory_space<vmem>> -> memref<1x1x64x128xf32, #tpu.memory_space<vmem>>
    %dma_wait3A_1069 = tpu.memref_squeeze %dma_wait3A_1068 : memref<1x1x64x128xf32, #tpu.memory_space<vmem>> -> memref<64x128xf32, #tpu.memory_space<vmem>>
    %dma_wait3A_1070 = arith.constant 0 : i32
    %dma_wait3A_1071 = arith.constant 0 : i32
    %dma_wait3A_1072 = tpu.memref_slice %arg2[%dma_wait3A_1070, %dma_wait3A_1071] : memref<64x1000000xf32, #tpu.memory_space<any>> -> memref<64x128xf32, #tpu.memory_space<any>>
    tpu.wait_dma2 semaphore(%dma_wait3A_1065 : memref<!tpu.dma_semaphore, #tpu.memory_space<semaphore_mem>>) src(%dma_wait3A_1072 : memref<64x128xf32, #tpu.memory_space<any>>) dst(%dma_wait3A_1069 : memref<64x128xf32, #tpu.memory_space<vmem>>)
    %dma_wait3A_1073 = arith.constant 1 : i32
    %dma_wait3A_1074 = arith.constant 15 : i32
    %dma_wait3A_1075 = arith.constant 1 : i32
    %dma_wait3A_1076 = arith.constant 15 : i32
    %dma_wait3A_1077 = tpu.memref_slice %arg6[%dma_wait3A_1075, %dma_wait3A_1076] : memref<2x16x!tpu.dma_semaphore, #tpu.memory_space<semaphore_mem>> -> memref<1x1x!tpu.dma_semaphore, #tpu.memory_space<semaphore_mem>>
    %dma_wait3A_1078 = tpu.memref_squeeze %dma_wait3A_1077 : memref<1x1x!tpu.dma_semaphore, #tpu.memory_space<semaphore_mem>> -> memref<!tpu.dma_semaphore, #tpu.memory_space<semaphore_mem>>
    %dma_wait3A_1079 = arith.constant 0 : i32
    %dma_wait3A_1080 = arith.constant 0 : i32
    %dma_wait3A_1081 = tpu.memref_slice %arg5[%dma_wait3A_1073, %dma_wait3A_1074, %dma_wait3A_1079, %dma_wait3A_1080] : memref<2x16x64x128xf32, #tpu.memory_space<vmem>> -> memref<1x1x64x128xf32, #tpu.memory_space<vmem>>
    %dma_wait3A_1082 = tpu.memref_squeeze %dma_wait3A_1081 : memref<1x1x64x128xf32, #tpu.memory_space<vmem>> -> memref<64x128xf32, #tpu.memory_space<vmem>>
    %dma_wait3A_1083 = arith.constant 0 : i32
    %dma_wait3A_1084 = arith.constant 0 : i32
    %dma_wait3A_1085 = tpu.memref_slice %arg2[%dma_wait3A_1083, %dma_wait3A_1084] : memref<64x1000000xf32, #tpu.memory_space<any>> -> memref<64x128xf32, #tpu.memory_space<any>>
    tpu.wait_dma2 semaphore(%dma_wait3A_1078 : memref<!tpu.dma_semaphore, #tpu.memory_space<semaphore_mem>>) src(%dma_wait3A_1085 : memref<64x128xf32, #tpu.memory_space<any>>) dst(%dma_wait3A_1082 : memref<64x128xf32, #tpu.memory_space<vmem>>)
    return
  }
  func.func @transform_1(%arg0: i32, %arg1: memref<3072xi32, #tpu.memory_space<smem>>) -> (i32, i32) {
    %c0_i32 = arith.constant 0 : i32
    %c0_i32_0 = arith.constant 0 : i32
    %c0_i32_1 = arith.constant 0 : i32
    return %c0_i32, %c0_i32_0 : i32, i32
  }
  func.func @transform_2(%arg0: i32, %arg1: memref<3072xi32, #tpu.memory_space<smem>>) -> (i32, i32) {
    %c0_i32 = arith.constant 0 : i32
    %c0_i32_0 = arith.constant 0 : i32
    %c0_i32_1 = arith.constant 0 : i32
    return %c0_i32, %c0_i32_0 : i32, i32
  }
}

</mosaic_0001>

<sc_bundles>
// kernel: kernel.4.cloned.1.call-start
scs
__scs_entry_jumppad:
0x0: {  	(pc) =	sbr.rel $0x88, $3  }
0x1: {  	(tag) =	ssettag $0x0;
	lr =	simm.s32 $0x1  }
0x2: {  	[smem:$0x3F9F] =	sst lr;
	_ =	strace $0xD0000000  }
0x3: {  	_ = 	snop  }
0x4: {  	_ = 	snop  }
0x5: {  	_ = 	snop  }
0x6: {  	_ = 	snop  }
0x7: {  	_ = 	snop  }
__scs_overlays_trampoline_lowered:
0x8: {  	[smem:$0x3FAE] =	sst s0  }
0x9: {  	[smem:$0x3FAF] =	sst s1  }
0xa: {  	[smem:$0x3FB0] =	sst s2  }
0xb: {  	[smem:$0x3FB1] =	sst s3  }
0xc: {  	[smem:$0x3FB2] =	sst s4  }
0xd: {  	[smem:$0x3FB3] =	sst s5  }
0xe: {  	[smem:$0x3FB4] =	sst s6  }
0xf: {  	[smem:$0x3FB5] =	sst s7  }
0x10: {  	[smem:$0x3FB6] =	sst s8  }
0x11: {  	[smem:$0x3FB7] =	sst s9;
	s0 =	simm.s32 @!p0 $0x0  }
0x12: {  	s1 =	sld [smem:$0x3F9D];
	s0 =	simm.s32 @p0 $0x1  }
0x13: {  	[smem:$0x3FB8] =	sst s0;
	s0 =	simm.s32 @!p1 $0x0  }
0x14: {  	s2 =	sld [smem:$0x3F9C];
	s0 =	simm.s32 @p1 $0x1  }
0x15: {  	[smem:$0x3FB9] =	sst s0;
	s0 =	simm.s32 @!p2 $0x0  }
0x16: {  	s3 =	sld [smem:$0x3FDB];
	s0 =	simm.s32 @p2 $0x1  }
0x17: {  	s4 =	simm.s32 $0x1BF5;
	[smem:$0x3FBB] =	sst s0  }
0x18: {  	s0 =	sld [smem:$0x3F9E];
	_ =	swait.ge [sflag:s4], $0x0  }
0x19: {  	s7 =	sld [smem:$0x3F9F]  }
0x1a: {  	s8 =	sadd.s32 $0xFFFFE003, lr  }
0x1b: {  	s9 =	sadd.s32 $0xFFFFFEF7, lr;
	s5 =	simm.s32 $0xFFFFFFFF;
	p2 =	slt.u32 s8, $0xFFFFF086  }
0x1c: {  	p1 =	slt.u32 s9, $0xF7A;
	s5 =	simm.s32 @!p2 $0x0  }
0x1d: {  	s5 =	simm.s32 @p1 $0x1;
	p0 =	seq.s32 s7, s2  }
0x1e: {  	s7 =	smul.u32 @!p0 $0xF7A, s2;
	p2 =	seq.s32 @!p0 s5, $0x0  }
0x1f: {  	s9 =	smul.u32 $0xF7A, s1;
	s8 =	simm.s32 @!p0 $0x1BF5;
	p2 =	por !p2, p0  }
0x20: {  	[sflag:s8] =	ssyncset.s32 @!p0 $0xFFFFF086;
	s6 =	sadd.s32 @!p0 s3, s7;
	s7 =	simm.s32 @!p0 $0x108  }
0x21: {  	s3 =	sadd.s32 s3, s9;
	s6 =	sadd.s32 @!p0 $0x88, s6;
	s7 =	simm.s32 @p2 $0x1082  }
0x22: {  	[simem:s7], [sflag:s8] =	dma.local @!p0 [hbm:s6], $0xF7A  }
0x23: {  	s9 =	sor.u32 $0xD0000000, s2;
	s6 =	simm.s32 $0x108;
	_ =	swait.ge @!p0 [sflag:s8], $0x0  }
0x24: {  	s3 =	sadd.s32 $0x88, s3;
	s6 =	simm.s32 @!p1 $0x1082;
	[sflag:s4] =	ssyncset.s32 $0xFFFFF086  }
0x25: {  	[simem:s6], [sflag:s4] =	dma.local [hbm:s3], $0xF7A  }
0x26: {  	[smem:$0x3F9F] =	sst s1;
	(tag) =	ssettag s2;
	_ =	strace s9  }
0x27: {  	s1 =	sld [smem:$0x3FAF]  }
0x28: {  	s2 =	sld [smem:$0x3FB0]  }
0x29: {  	s4 =	sld [smem:$0x3FB2]  }
0x2a: {  	p0 =	seq.s32 s5, $0x0;
	s5 =	sld [smem:$0x3FB3]  }
0x2b: {  	s6 =	sld [smem:$0x3FB4]  }
0x2c: {  	s7 =	sld [smem:$0x3FB5]  }
0x2d: {  	s3 =	simm.s32 $0x108;
	s8 =	sld [smem:$0x3FB6]  }
0x2e: {  	s3 =	simm.s32 @!p0 $0x1082;
	s9 =	sld [smem:$0x3FB7]  }
0x2f: {  	lr =	sadd.s32 s0, s3;
	s0 =	sld [smem:$0x3FAE]  }
0x30: {  	s3 =	sld [smem:$0x3FB1]  }
0x31: {  	[smem:$0x3FBA] =	sst s10  }
0x32: {  	s10 =	sld [smem:$0x3FB8];
	_ =	sdelay $0x3  }
0x33: {  	p0 =	seq.s32 s10, $0x1;
	s10 =	sld [smem:$0x3FBA];
	_ =	sdelay $0x3  }
0x34: {  	[smem:$0x3FBA] =	sst s10  }
0x35: {  	s10 =	sld [smem:$0x3FB9];
	_ =	sdelay $0x3  }
0x36: {  	p1 =	seq.s32 s10, $0x1;
	s10 =	sld [smem:$0x3FBA];
	_ =	sdelay $0x3  }
0x37: {  	[smem:$0x3FBA] =	sst s10  }
0x38: {  	s10 =	sld [smem:$0x3FBB]  }
0x39: {  	_ = 	snop;
	(pc) =	sbr.ind lr, $3  }
0x3a: {  	_ = 	snop  }
0x3b: {  	_ = 	snop  }
0x3c: {  	p2 =	seq.s32 s10, $0x1;
	s10 =	sld [smem:$0x3FBA]  }
0x3d: {  	_ =	shalt  }
0x3e: {  	_ =	shalt  }
0x3f: {  	_ =	shalt  }
0x40: {  	_ =	shalt  }
0x41: {  	_ =	shalt  }
0x42: {  	_ =	shalt  }
0x43: {  	_ =	shalt  }
0x44: {  	_ =	shalt  }
0x45: {  	_ =	shalt  }
0x46: {  	_ =	shalt  }
0x47: {  	_ =	shalt  }
0x48: {  	_ =	shalt  }
0x49: {  	_ =	shalt  }
0x4a: {  	_ =	shalt  }
0x4b: {  	_ =	shalt  }
0x4c: {  	_ =	shalt  }
0x4d: {  	_ =	shalt  }
0x4e: {  	_ =	shalt  }
0x4f: {  	_ =	shalt  }
0x50: {  	_ =	shalt  }
0x51: {  	_ =	shalt  }
0x52: {  	_ =	shalt  }
0x53: {  	_ =	shalt  }
0x54: {  	_ =	shalt  }
0x55: {  	_ =	shalt  }
0x56: {  	_ =	shalt  }
0x57: {  	_ =	shalt  }
0x58: {  	_ =	shalt  }
0x59: {  	_ =	shalt  }
0x5a: {  	_ =	shalt  }
0x5b: {  	_ =	shalt  }
0x5c: {  	_ =	shalt  }
0x5d: {  	_ =	shalt  }
0x5e: {  	_ =	shalt  }
0x5f: {  	_ =	shalt  }
0x60: {  	_ =	shalt  }
0x61: {  	_ =	shalt  }
0x62: {  	_ =	shalt  }
0x63: {  	_ =	shalt  }
0x64: {  	_ =	shalt  }
0x65: {  	_ =	shalt  }
0x66: {  	_ =	shalt  }
0x67: {  	_ =	shalt  }
0x68: {  	_ =	shalt  }
0x69: {  	_ =	shalt  }
0x6a: {  	_ =	shalt  }
0x6b: {  	_ =	shalt  }
0x6c: {  	_ =	shalt  }
0x6d: {  	_ =	shalt  }
0x6e: {  	_ =	shalt  }
0x6f: {  	_ =	shalt  }
0x70: {  	_ =	shalt  }
0x71: {  	_ =	shalt  }
0x72: {  	_ =	shalt  }
0x73: {  	_ =	shalt  }
0x74: {  	_ =	shalt  }
0x75: {  	_ =	shalt  }
0x76: {  	_ =	shalt  }
0x77: {  	_ =	shalt  }
0x78: {  	_ =	shalt  }
0x79: {  	_ =	shalt  }
0x7a: {  	_ =	shalt  }
0x7b: {  	_ =	shalt  }
0x7c: {  	_ =	shalt  }
0x7d: {  	_ =	shalt  }
0x7e: {  	_ =	shalt  }
0x7f: {  	_ =	shalt  }
0x80: {  	_ =	shalt  }
0x81: {  	_ =	shalt  }
0x82: {  	_ =	shalt  }
0x83: {  	_ =	shalt  }
0x84: {  	_ =	shalt  }
0x85: {  	_ =	shalt  }
0x86: {  	_ =	shalt  }
0x87: {  	_ =	shalt  }
.Lfunc_end0:
.L_simem_size_0:
called_computation_lowered:
.L_overlay_start_0:
0x88: {  	s2 =	sld [smem:$0x3FD9]  }
0x89: {  	s3 =	sld [smem:$0x3FFE];
	_ =	sdelay $0x1  }
0x8a: {  	s1 =	srdreg.scid  }
0x8b: {  	s0 =	sand.u32 $0x1, s1  }
0x8c: {  	s17 =	sshll.u32 s0, $0xA;
	s2 =	sadd.s32 s3, s2  }
0x8d: {  	s2 =	sadd.s32 s2, s17  }
0x8e: {  	[smem:$0x3FC6] =	sst s2  }
0x8f: {  	_ = 	snop  }
0x90: {  	s2 =	sld [smem:$0x3FC8]  }
0x91: {  	s18 =	sld [smem:$0x3FD0];
	(tm) =	ssettm $0x1  }
0x92: {  	s4 =	sld [smem:$0x3FFB];
	_ =	sdelay $0x3  }
0x93: {  	_ =	strace s4  }
0x94: {  	s4 =	sld [smem:$0x3FFC];
	_ =	sdelay $0x3  }
0x95: {  	_ =	strace s4  }
0x96: {  	s4 =	sld [smem:$0x3FFD];
	_ =	sdelay $0x3  }
0x97: {  	_ =	strace s4  }
0x98: {  	_ =	strace $0x8FFFFFFF  }
0x99: {  	s19 =	sld [smem:$0x3FDB];
	_ =	sdelay $0x1  }
0x9a: {  	s5 =	simm.s32 $_scs_section_size  }
0x9b: {  	s6 =	simm.s32 $_size__tile_overlayer_lowered;
	s7 =	simm.s32 $_tile_overlayer_lowered  }
0x9c: {  	s22 =	simm.s32 $0x1BFF;
	s21 =	sshll.u32 s7, $0x1;
	s4 =	sadd.s32 s5, s19  }
0x9d: {  	s8 =	simm.s32 $0x0;
	s20 =	sshll.u32 s6, $0x1;
	s6 =	sadd.s32 s21, s4  }
0x9e: {  	[timem:s8], [sflag:s22] =	dma.local [hbm:s6], s20  }
0x9f: {  	_ =	swait.ge [sflag:s22], s20  }
0xa0: {  	s5 =	ssub.s32 $0x0, s20;
	[sflag:s22] =	ssyncset.done $0x0  }
0xa1: {  	[sflag:s22] =	ssyncadd.s32 s5;
	_ =	sdelay $0x1  }
0xa2: {  	s23 =	simm.s32 $0x1B8B  }
0xa3: {  	_ =	swait.ge [sflag:s23], $0x1  }
0xa4: {  	[sflag:s23] =	ssyncset.done $0x0  }
0xa5: {  	s25 =	simm.s32 $0x1B8E;
	s24 =	sld [smem:$0x3FFE];
	[sflag:s23] =	ssyncadd.s32 $0xFFFFFFFF  }
0xa6: {  	s26 =	simm.s32 $execute0_lowered;
	[smem:$0x3FD2] =	sst s25  }
0xa7: {  	s6 =	sshll.u32 s26, $0x1;
	_ =	strace $0x80000046;
	[dreg:$0x1] =	wrdreg $0xFFFFFFFF  }
0xa8: {  	s28 =	simm.s32 $_size_execute0_lowered;
	s4 =	sadd.s32 s4, s6;
	[dreg:$0x0] =	wrdreg $0x0  }
0xa9: {  	s6 =	sshll.u32 s28, $0x1;
	[dreg:$0x2] =	wrdreg s4  }
0xaa: {  	[dreg:$0x3] =	wrdreg s6  }
0xab: {  	[dreg:$0x4] =	wrdreg $0xC0  }
0xac: {  	_ =	task [dreg:s8], $0x5FFFF  }
0xad: {  	[dreg:$0x1] =	wrdreg $0xFFFFFFFF  }
0xae: {  	[dreg:$0x0] =	wrdreg $0x60  }
0xaf: {  	[dreg:$0x2] =	wrdreg s2  }
0xb0: {  	[dreg:$0x3] =	wrdreg s18  }
0xb1: {  	[dreg:$0x4] =	wrdreg s24  }
0xb2: {  	[dreg:$0x5] =	wrdreg $0x9  }
0xb3: {  	_ =	task.clear_ibuf [dreg:s8], $0x6FFFF;
	_ =	strace $0x90000046  }
0xb4: {  	s29 =	simm.s32 $0x9;
	_ =	strace $0x80000048  }
0xb5: {  	_ =	swait.ge [sflag:s29], $0x1  }
0xb6: {  	[sflag:s29] =	ssyncadd.s32 $0xFFFFFFFF  }
0xb7: {  	_ =	strace $0x90000048  }
0xb8: {  	_ =	sfence  }
0xb9: {  	s30 =	sld [smem:$0x0];
	_ =	sdelay $0x2  }
0xba: {  	s31 =	sshll.u32 s1, $0xD;
	s1 =	sshrl.u32 s1, $0x2  }
0xbb: {  	s3 =	sand.u32 $0x4000, s31;
	s1 =	sadd.s32 s1, s30  }
0xbc: {  	s0 =	sor.u32 s3, s0;
	s1 =	sshll.u32 s1, $0x11  }
0xbd: {  	s0 =	sor.u32 s1, s0  }
0xbe: {  	s0 =	sadd.s32 $0x8F2B, s0  }
0xbf: {  	[sflag:s0] =	ssyncadd.remote.s32 $0x1  }
0xc0: {  	_ =	sfence.sel $0xFFFF  }
0xc1: {  	[dreg:$0x0] =	wrdreg $0xFFFFFFFF;
	(pc) =	sbr.abs _section_cstart, $3  }
0xc2: {  	[dreg:$0x1] =	wrdreg $0xFFFFFFFF  }
0xc3: {  	_ =	task.clear_ibuf [dreg:s8], $0x2FFFF;
	_ =	strace $0x9FFFFFFF  }
0xc4: {  	(tm) =	ssettm $0x7FFFFFFF  }
0xc5: {  	_ =	shalt  }
tec
execute0_lowered:
.L_overlay_start_1:
0x0: {  	(tag) =	ssettag $0x1  }
0x1: {  	s1 =	rddreg [dreg:$0x0]  }
0x2: {  	s4 =	rddreg [dreg:$0x1];
	s2 =	srdreg.scid  }
0x3: {  	s0 =	stileid.u32;
	s5 =	rddreg [dreg:$0x2];
	s10 =	simm.s32 $0x400  }
0x4: {  	s11 =	simm.s32 $0x7A1400;
	s12 =	simm.s32 $0x200;
	s13 =	simm.s32 $0x2200  }
0x5: {  	s14 =	simm.s32 $0x4200;
	s15 =	simm.s32 $0x6200;
	s16 =	simm.s32 $0x5  }
0x6: {  	s17 =	simm.s32 $0x1;
	s18 =	simm.s32 $0x2;
	s19 =	simm.s32 $0x3  }
0x7: {  	s20 =	simm.s32 $0x4;
	s6 =	sand.u32 $0x1, s2;
	s3 =	sshll.u32 s0, $0x1  }
0x8: {  	s21 =	simm.s32 $0x0;
	s2 =	rddreg [dreg:$0x3];
	s7 =	sor.u32 s6, s3  }
0x9: {  	s3 =	simm.s32 $0x0;
	s6 =	ssub.s32 $0x2, s6;
	s8 =	smul.u32 $0x1A00, s7  }
0xa: {  	v0 =	vlaneseq.u32;
	[smem:$0x7FF] =	sst s3;
	s9 =	sshrl.u32 s6, $0x1;
	s7 =	smul.u32 $0x34, s7  }
0xb: {  	v0 =	vmul.u32 $0x80, v0;
	_ =	strace $0x80000047;
	s9 =	ssub.s32 s6, s9;
	s8 =	sadd.s32 s8, s5  }
0xc: {  	s4 =	sadd.s32 s4, s7;
	s7 =	smax.u32 s9, $0x1;
	s9 =	simm.s32 $0x8200  }
0xd: {  	v1 =	vor.u32 $0x800, v0;
	v2 =	vor.u32 $0x1000, v0;
	v3 =	vor.u32 $0x1800, v0;
	s5 =	sadd.s32 $0x600, s8;
	s6 =	sadd.s32 $0x34600, s8;
	s8 =	simm.s32 $0x6  }
.LBB2_1:
0xe: {  	[tilespmem:s3], [sflag:$0x6] =	stream.linear.gather [hbm4b:s4+s3], $0x1A0, $0x38;
	[tilespmem:$0x15200] =	vst v63  }
0xf: {  	_ =	swait.ge [sflag:s8], $0x1A0  }
0x10: {  	[sflag:s8] =	ssyncset.done $0x0  }
0x11: {  	[sflag:s8] =	ssyncadd.s32 $0xFFFFFE60  }
0x12: {  	[tilespmem:s9], [sflag:$0x5] =	stream.linear.gather [hbm4b:s5+s3], $0xD000, $0x38;
	[tilespmem:$0x15200] =	vst v63  }
0x13: {  	v4 =	vld [tilespmem:$0x0];
	_ =	sdelay $0x4  }
0x14: {  	(v2sf) =	vpush v4, $0x0  }
0x15: {  	(v2sf) =	vpush v4, $0x1  }
0x16: {  	(v2sf) =	vpush v4, $0x2;
	_ =	sdelay $0x3  }
0x17: {  	(v2sf) =	vpush v4, $0x3;
	_ =	sdelay $0x8  }
0x18: {  	s22 =	spop (v2sf)  }
0x19: {  	s22 =	sand.u32 $0xFFFFF80, s22;
	s23 =	spop (v2sf)  }
0x1a: {  	s22 =	sadd.s32 s1, s22;
	s28 =	sand.u32 $0xFFFFF80, s23;
	s29 =	spop (v2sf)  }
0x1b: {  	[tilespmem:s12], [sflag:$0x1] =	stream.strided.gather [hbm4b:s22+s10], $0x2000, s11, s10, $0x38;
	[tilespmem:$0x15200] =	vst v63  }
0x1c: {  	s22 =	sadd.s32 s1, s28;
	s30 =	sand.u32 $0xFFFFF80, s29  }
0x1d: {  	[tilespmem:s13], [sflag:$0x2] =	stream.strided.gather [hbm4b:s22+s10], $0x2000, s11, s10, $0x38;
	[tilespmem:$0x15200] =	vst v63  }
0x1e: {  	s31 =	spop (v2sf);
	s22 =	sadd.s32 s1, s30  }
0x1f: {  	[tilespmem:s14], [sflag:$0x3] =	stream.strided.gather [hbm4b:s22+s10], $0x2000, s11, s10, $0x38;
	[tilespmem:$0x15200] =	vst v63  }
0x20: {  	s22 =	sand.u32 $0xFFFFF80, s31  }
0x21: {  	s22 =	sadd.s32 s1, s22  }
0x22: {  	[tilespmem:s15], [sflag:$0x4] =	stream.strided.gather [hbm4b:s22+s10], $0x2000, s11, s10, $0x38;
	[tilespmem:$0x15200] =	vst v63  }
0x23: {  	_ =	swait.ge [sflag:s16], $0xD000  }
0x24: {  	s24 =	simm.s32 $0x0;
	[sflag:s16] =	ssyncset.done $0x0  }
0x25: {  	s23 =	simm.s32 $0x8600;
	s22 =	simm.s32 $0x10;
	[sflag:s16] =	ssyncadd.s32 $0xFFFF3000  }
.LBB2_2:
0x26: {  	v5 =	vld [tilespmem:s24+$0x0];
	_ =	sdelay $0x2  }
0x27: {  	s25 =	smin.u32 s22, $0x190  }
0x28: {  	v4 =	vld [tilespmem:s25+$0x0];
	_ =	swait.ge [sflag:s17], $0x2000  }
0x29: {  	(v2sf) =	vpush v5, $0x0;
	_ =	sdelay $0xe  }
0x2a: {  	s30 =	spop (v2sf)  }
0x2b: {  	s25 =	sand.u32 $0x7F, s30  }
0x2c: {  	v6 =	vor.u32 s25, v0;
	_ =	sdelay $0x1  }
0x2d: {  	[sflag:s17] =	ssyncset.done $0x0  }
0x2e: {  	[sflag:s17] =	ssyncadd.s32 $0xFFFFE000  }
0x2f: {  	v7 =	vld [tilespmem:s23+$0xFFFFFC00]  }
0x30: {  	v6 =	vld.idx.msk [tilespmem:v6+s12+$0x0], $0xffff;
	_ =	sdelay $0x2  }
0x31: {  	v8 =	vor.u32 s25, v1;
	_ =	sdelay $0x1  }
0x32: {  	v6 =	vadd.f32 v7, v6;
	_ =	sdelay $0x1  }
0x33: {  	v52 =	vld [tilespmem:s23+$0xFFFFFC10];
	[tilespmem:s23+$0xFFFFFC00] =	vst v6  }
0x34: {  	v6 =	vld.idx.msk [tilespmem:v8+s12+$0x0], $0xffff;
	_ =	sdelay $0x2  }
0x35: {  	v53 =	vor.u32 s25, v2;
	_ =	sdelay $0x1  }
0x36: {  	v6 =	vadd.f32 v52, v6  }
0x37: {  	(v2sf) =	vpush v5, $0x4  }
0x38: {  	v54 =	vld [tilespmem:s23+$0xFFFFFC20];
	[tilespmem:s23+$0xFFFFFC10] =	vst v6  }
0x39: {  	v6 =	vld.idx.msk [tilespmem:v53+s12+$0x0], $0xffff;
	_ =	sdelay $0x2  }
0x3a: {  	v55 =	vor.u32 s25, v3;
	_ =	sdelay $0x1  }
0x3b: {  	v6 =	vadd.f32 v54, v6;
	_ =	sdelay $0x1  }
0x3c: {  	v56 =	vld [tilespmem:s23+$0xFFFFFC30];
	[tilespmem:s23+$0xFFFFFC20] =	vst v6  }
0x3d: {  	v6 =	vld.idx.msk [tilespmem:v55+s12+$0x0], $0xffff;
	_ =	sdelay $0x4  }
0x3e: {  	s31 =	spop (v2sf);
	v6 =	vadd.f32 v56, v6  }
0x3f: {  	s26 =	sand.u32 $0xFFFFF80, s31  }
0x40: {  	s26 =	sadd.s32 s1, s26;
	[tilespmem:s23+$0xFFFFFC30] =	vst v6  }
0x41: {  	[tilespmem:s12], [sflag:$0x1] =	stream.strided.gather [hbm4b:s26+s10], $0x2000, s11, s10, $0x38;
	[tilespmem:$0x15200] =	vst v63  }
0x42: {  	_ =	swait.ge [sflag:s18], $0x2000  }
0x43: {  	(v2sf) =	vpush v5, $0x1;
	_ =	sdelay $0xe  }
0x44: {  	s28 =	spop (v2sf)  }
0x45: {  	s26 =	sand.u32 $0x7F, s28  }
0x46: {  	v57 =	vor.u32 s26, v0;
	_ =	sdelay $0x1  }
0x47: {  	[sflag:s18] =	ssyncset.done $0x0  }
0x48: {  	[sflag:s18] =	ssyncadd.s32 $0xFFFFE000  }
0x49: {  	v58 =	vld [tilespmem:s23+$0xFFFFFC80]  }
0x4a: {  	v6 =	vld.idx.msk [tilespmem:v57+s13+$0x0], $0xffff;
	_ =	sdelay $0x2  }
0x4b: {  	v59 =	vor.u32 s26, v1;
	_ =	sdelay $0x1  }
0x4c: {  	v6 =	vadd.f32 v58, v6;
	_ =	sdelay $0x1  }
0x4d: {  	v60 =	vld [tilespmem:s23+$0xFFFFFC90];
	[tilespmem:s23+$0xFFFFFC80] =	vst v6  }
0x4e: {  	v6 =	vld.idx.msk [tilespmem:v59+s13+$0x0], $0xffff;
	_ =	sdelay $0x2  }
0x4f: {  	v61 =	vor.u32 s26, v2;
	_ =	sdelay $0x1  }
0x50: {  	v6 =	vadd.f32 v60, v6  }
0x51: {  	(v2sf) =	vpush v5, $0x5  }
0x52: {  	v62 =	vld [tilespmem:s23+$0xFFFFFCA0];
	[tilespmem:s23+$0xFFFFFC90] =	vst v6  }
0x53: {  	v6 =	vld.idx.msk [tilespmem:v61+s13+$0x0], $0xffff;
	_ =	sdelay $0x2  }
0x54: {  	v63 =	vor.u32 s26, v3;
	_ =	sdelay $0x1  }
0x55: {  	v6 =	vadd.f32 v62, v6;
	_ =	sdelay $0x1  }
0x56: {  	v10 =	vld [tilespmem:s23+$0xFFFFFCB0];
	[tilespmem:s23+$0xFFFFFCA0] =	vst v6  }
0x57: {  	v6 =	vld.idx.msk [tilespmem:v63+s13+$0x0], $0xffff;
	_ =	sdelay $0x4  }
0x58: {  	s26 =	spop (v2sf);
	v6 =	vadd.f32 v10, v6  }
0x59: {  	s28 =	sand.u32 $0xFFFFF80, s26  }
0x5a: {  	s28 =	sadd.s32 s1, s28;
	[tilespmem:s23+$0xFFFFFCB0] =	vst v6  }
0x5b: {  	[tilespmem:s13], [sflag:$0x2] =	stream.strided.gather [hbm4b:s28+s10], $0x2000, s11, s10, $0x38;
	[tilespmem:$0x15200] =	vst v63  }
0x5c: {  	_ =	swait.ge [sflag:s19], $0x2000  }
0x5d: {  	(v2sf) =	vpush v5, $0x2;
	_ =	sdelay $0xe  }
0x5e: {  	s29 =	spop (v2sf)  }
0x5f: {  	s28 =	sand.u32 $0x7F, s29  }
0x60: {  	v11 =	vor.u32 s28, v0;
	_ =	sdelay $0x1  }
0x61: {  	[sflag:s19] =	ssyncset.done $0x0  }
0x62: {  	[sflag:s19] =	ssyncadd.s32 $0xFFFFE000  }
0x63: {  	v12 =	vld [tilespmem:s23+$0xFFFFFD00]  }
0x64: {  	v6 =	vld.idx.msk [tilespmem:v11+s14+$0x0], $0xffff;
	_ =	sdelay $0x2  }
0x65: {  	v13 =	vor.u32 s28, v1;
	_ =	sdelay $0x1  }
0x66: {  	v6 =	vadd.f32 v12, v6;
	_ =	sdelay $0x1  }
0x67: {  	v14 =	vld [tilespmem:s23+$0xFFFFFD10];
	[tilespmem:s23+$0xFFFFFD00] =	vst v6  }
0x68: {  	v6 =	vld.idx.msk [tilespmem:v13+s14+$0x0], $0xffff;
	_ =	sdelay $0x2  }
0x69: {  	v15 =	vor.u32 s28, v2;
	_ =	sdelay $0x1  }
0x6a: {  	v6 =	vadd.f32 v14, v6  }
0x6b: {  	(v2sf) =	vpush v5, $0x6  }
0x6c: {  	v16 =	vld [tilespmem:s23+$0xFFFFFD20];
	[tilespmem:s23+$0xFFFFFD10] =	vst v6  }
0x6d: {  	v6 =	vld.idx.msk [tilespmem:v15+s14+$0x0], $0xffff;
	_ =	sdelay $0x2  }
0x6e: {  	v17 =	vor.u32 s28, v3;
	_ =	sdelay $0x1  }
0x6f: {  	v6 =	vadd.f32 v16, v6;
	_ =	sdelay $0x1  }
0x70: {  	v18 =	vld [tilespmem:s23+$0xFFFFFD30];
	[tilespmem:s23+$0xFFFFFD20] =	vst v6  }
0x71: {  	v6 =	vld.idx.msk [tilespmem:v17+s14+$0x0], $0xffff;
	_ =	sdelay $0x4  }
0x72: {  	s28 =	spop (v2sf);
	v6 =	vadd.f32 v18, v6  }
0x73: {  	s29 =	sand.u32 $0xFFFFF80, s28  }
0x74: {  	s29 =	sadd.s32 s1, s29;
	[tilespmem:s23+$0xFFFFFD30] =	vst v6  }
0x75: {  	[tilespmem:s14], [sflag:$0x3] =	stream.strided.gather [hbm4b:s29+s10], $0x2000, s11, s10, $0x38;
	[tilespmem:$0x15200] =	vst v63  }
0x76: {  	_ =	swait.ge [sflag:s20], $0x2000  }
0x77: {  	(v2sf) =	vpush v5, $0x3;
	_ =	sdelay $0xe  }
0x78: {  	s30 =	spop (v2sf)  }
0x79: {  	s29 =	sand.u32 $0x7F, s30  }
0x7a: {  	v19 =	vor.u32 s29, v0;
	_ =	sdelay $0x1  }
0x7b: {  	[sflag:s20] =	ssyncset.done $0x0  }
0x7c: {  	[sflag:s20] =	ssyncadd.s32 $0xFFFFE000  }
0x7d: {  	v20 =	vld [tilespmem:s23+$0xFFFFFD80]  }
0x7e: {  	v6 =	vld.idx.msk [tilespmem:v19+s15+$0x0], $0xffff;
	_ =	sdelay $0x2  }
0x7f: {  	v21 =	vor.u32 s29, v1;
	_ =	sdelay $0x1  }
0x80: {  	v6 =	vadd.f32 v20, v6;
	_ =	sdelay $0x1  }
0x81: {  	v22 =	vld [tilespmem:s23+$0xFFFFFD90];
	[tilespmem:s23+$0xFFFFFD80] =	vst v6  }
0x82: {  	v6 =	vld.idx.msk [tilespmem:v21+s15+$0x0], $0xffff;
	_ =	sdelay $0x2  }
0x83: {  	v23 =	vor.u32 s29, v2;
	_ =	sdelay $0x1  }
0x84: {  	v6 =	vadd.f32 v22, v6  }
0x85: {  	(v2sf) =	vpush v5, $0x7  }
0x86: {  	v24 =	vld [tilespmem:s23+$0xFFFFFDA0];
	[tilespmem:s23+$0xFFFFFD90] =	vst v6  }
0x87: {  	v6 =	vld.idx.msk [tilespmem:v23+s15+$0x0], $0xffff;
	_ =	sdelay $0x2  }
0x88: {  	v25 =	vor.u32 s29, v3;
	_ =	sdelay $0x1  }
0x89: {  	v6 =	vadd.f32 v24, v6;
	_ =	sdelay $0x1  }
0x8a: {  	v26 =	vld [tilespmem:s23+$0xFFFFFDB0];
	[tilespmem:s23+$0xFFFFFDA0] =	vst v6  }
0x8b: {  	v6 =	vld.idx.msk [tilespmem:v25+s15+$0x0], $0xffff;
	_ =	sdelay $0x4  }
0x8c: {  	s29 =	spop (v2sf);
	v6 =	vadd.f32 v26, v6  }
0x8d: {  	s25 =	sand.u32 $0x7F, s31;
	s30 =	sand.u32 $0xFFFFF80, s29  }
0x8e: {  	v27 =	vor.u32 s25, v0;
	s30 =	sadd.s32 s1, s30;
	[tilespmem:s23+$0xFFFFFDB0] =	vst v6  }
0x8f: {  	[tilespmem:s15], [sflag:$0x4] =	stream.strided.gather [hbm4b:s30+s10], $0x2000, s11, s10, $0x38;
	[tilespmem:$0x15200] =	vst v63  }
0x90: {  	_ =	swait.ge [sflag:s17], $0x2000  }
0x91: {  	[sflag:s17] =	ssyncset.done $0x0  }
0x92: {  	[sflag:s17] =	ssyncadd.s32 $0xFFFFE000  }
0x93: {  	v6 =	vld.idx.msk [tilespmem:v27+s12+$0x0], $0xffff  }
0x94: {  	v28 =	vld [tilespmem:s23+$0xFFFFFE00];
	_ =	sdelay $0x2  }
0x95: {  	v29 =	vor.u32 s25, v1;
	_ =	sdelay $0x1  }
0x96: {  	v6 =	vadd.f32 v28, v6;
	_ =	sdelay $0x1  }
0x97: {  	v30 =	vld [tilespmem:s23+$0xFFFFFE10];
	[tilespmem:s23+$0xFFFFFE00] =	vst v6  }
0x98: {  	v6 =	vld.idx.msk [tilespmem:v29+s12+$0x0], $0xffff;
	_ =	sdelay $0x2  }
0x99: {  	v31 =	vor.u32 s25, v2;
	_ =	sdelay $0x1  }
0x9a: {  	v6 =	vadd.f32 v30, v6  }
0x9b: {  	(v2sf) =	vpush v5, $0x8  }
0x9c: {  	v32 =	vld [tilespmem:s23+$0xFFFFFE20];
	[tilespmem:s23+$0xFFFFFE10] =	vst v6  }
0x9d: {  	v6 =	vld.idx.msk [tilespmem:v31+s12+$0x0], $0xffff;
	_ =	sdelay $0x2  }
0x9e: {  	v33 =	vor.u32 s25, v3;
	_ =	sdelay $0x1  }
0x9f: {  	v6 =	vadd.f32 v32, v6;
	_ =	sdelay $0x1  }
0xa0: {  	v34 =	vld [tilespmem:s23+$0xFFFFFE30];
	[tilespmem:s23+$0xFFFFFE20] =	vst v6  }
0xa1: {  	v6 =	vld.idx.msk [tilespmem:v33+s12+$0x0], $0xffff;
	_ =	sdelay $0x4  }
0xa2: {  	s25 =	spop (v2sf);
	v6 =	vadd.f32 v34, v6  }
0xa3: {  	s26 =	sand.u32 $0x7F, s26;
	s31 =	sand.u32 $0xFFFFF80, s25  }
0xa4: {  	v35 =	vor.u32 s26, v0;
	s30 =	sadd.s32 s1, s31;
	[tilespmem:s23+$0xFFFFFE30] =	vst v6  }
0xa5: {  	[tilespmem:s12], [sflag:$0x1] =	stream.strided.gather [hbm4b:s30+s10], $0x2000, s11, s10, $0x38;
	[tilespmem:$0x15200] =	vst v63  }
0xa6: {  	_ =	swait.ge [sflag:s18], $0x2000  }
0xa7: {  	[sflag:s18] =	ssyncset.done $0x0  }
0xa8: {  	[sflag:s18] =	ssyncadd.s32 $0xFFFFE000  }
0xa9: {  	v6 =	vld.idx.msk [tilespmem:v35+s13+$0x0], $0xffff  }
0xaa: {  	v36 =	vld [tilespmem:s23+$0xFFFFFE80];
	_ =	sdelay $0x2  }
0xab: {  	v37 =	vor.u32 s26, v1;
	_ =	sdelay $0x1  }
0xac: {  	v6 =	vadd.f32 v36, v6;
	_ =	sdelay $0x1  }
0xad: {  	v38 =	vld [tilespmem:s23+$0xFFFFFE90];
	[tilespmem:s23+$0xFFFFFE80] =	vst v6  }
0xae: {  	v6 =	vld.idx.msk [tilespmem:v37+s13+$0x0], $0xffff;
	_ =	sdelay $0x2  }
0xaf: {  	v39 =	vor.u32 s26, v2;
	_ =	sdelay $0x1  }
0xb0: {  	v6 =	vadd.f32 v38, v6  }
0xb1: {  	(v2sf) =	vpush v5, $0x9  }
0xb2: {  	v40 =	vld [tilespmem:s23+$0xFFFFFEA0];
	[tilespmem:s23+$0xFFFFFE90] =	vst v6  }
0xb3: {  	v6 =	vld.idx.msk [tilespmem:v39+s13+$0x0], $0xffff;
	_ =	sdelay $0x2  }
0xb4: {  	v41 =	vor.u32 s26, v3;
	_ =	sdelay $0x1  }
0xb5: {  	v6 =	vadd.f32 v40, v6;
	_ =	sdelay $0x1  }
0xb6: {  	v42 =	vld [tilespmem:s23+$0xFFFFFEB0];
	[tilespmem:s23+$0xFFFFFEA0] =	vst v6  }
0xb7: {  	v6 =	vld.idx.msk [tilespmem:v41+s13+$0x0], $0xffff;
	_ =	sdelay $0x4  }
0xb8: {  	s26 =	spop (v2sf);
	v6 =	vadd.f32 v42, v6  }
0xb9: {  	s28 =	sand.u32 $0x7F, s28;
	s31 =	sand.u32 $0xFFFFF80, s26  }
0xba: {  	v43 =	vor.u32 s28, v0;
	s30 =	sadd.s32 s1, s31;
	[tilespmem:s23+$0xFFFFFEB0] =	vst v6  }
0xbb: {  	[tilespmem:s13], [sflag:$0x2] =	stream.strided.gather [hbm4b:s30+s10], $0x2000, s11, s10, $0x38;
	[tilespmem:$0x15200] =	vst v63  }
0xbc: {  	_ =	swait.ge [sflag:s19], $0x2000  }
0xbd: {  	[sflag:s19] =	ssyncset.done $0x0  }
0xbe: {  	[sflag:s19] =	ssyncadd.s32 $0xFFFFE000  }
0xbf: {  	v6 =	vld.idx.msk [tilespmem:v43+s14+$0x0], $0xffff  }
0xc0: {  	v44 =	vld [tilespmem:s23+$0xFFFFFF00];
	_ =	sdelay $0x2  }
0xc1: {  	v45 =	vor.u32 s28, v1;
	_ =	sdelay $0x1  }
0xc2: {  	v6 =	vadd.f32 v44, v6;
	_ =	sdelay $0x1  }
0xc3: {  	v46 =	vld [tilespmem:s23+$0xFFFFFF10];
	[tilespmem:s23+$0xFFFFFF00] =	vst v6  }
0xc4: {  	v6 =	vld.idx.msk [tilespmem:v45+s14+$0x0], $0xffff;
	_ =	sdelay $0x2  }
0xc5: {  	v47 =	vor.u32 s28, v2;
	_ =	sdelay $0x1  }
0xc6: {  	v6 =	vadd.f32 v46, v6  }
0xc7: {  	(v2sf) =	vpush v5, $0xA  }
0xc8: {  	v48 =	vld [tilespmem:s23+$0xFFFFFF20];
	[tilespmem:s23+$0xFFFFFF10] =	vst v6  }
0xc9: {  	v6 =	vld.idx.msk [tilespmem:v47+s14+$0x0], $0xffff;
	_ =	sdelay $0x2  }
0xca: {  	v49 =	vor.u32 s28, v3;
	_ =	sdelay $0x1  }
0xcb: {  	v6 =	vadd.f32 v48, v6;
	_ =	sdelay $0x1  }
0xcc: {  	v50 =	vld [tilespmem:s23+$0xFFFFFF30];
	[tilespmem:s23+$0xFFFFFF20] =	vst v6  }
0xcd: {  	v6 =	vld.idx.msk [tilespmem:v49+s14+$0x0], $0xffff;
	_ =	sdelay $0x4  }
0xce: {  	s28 =	spop (v2sf);
	v6 =	vadd.f32 v50, v6  }
0xcf: {  	s29 =	sand.u32 $0x7F, s29;
	s31 =	sand.u32 $0xFFFFF80, s28  }
0xd0: {  	v51 =	vor.u32 s29, v0;
	s30 =	sadd.s32 s1, s31;
	[tilespmem:s23+$0xFFFFFF30] =	vst v6  }
0xd1: {  	[tilespmem:s14], [sflag:$0x3] =	stream.strided.gather [hbm4b:s30+s10], $0x2000, s11, s10, $0x38;
	[tilespmem:$0x15200] =	vst v63  }
0xd2: {  	_ =	swait.ge [sflag:s20], $0x2000  }
0xd3: {  	[sflag:s20] =	ssyncset.done $0x0  }
0xd4: {  	[sflag:s20] =	ssyncadd.s32 $0xFFFFE000  }
0xd5: {  	v6 =	vld.idx.msk [tilespmem:v51+s15+$0x0], $0xffff  }
0xd6: {  	v52 =	vld [tilespmem:s23+$0xFFFFFF80];
	_ =	sdelay $0x2  }
0xd7: {  	v53 =	vor.u32 s29, v1;
	_ =	sdelay $0x1  }
0xd8: {  	v6 =	vadd.f32 v52, v6;
	_ =	sdelay $0x1  }
0xd9: {  	v54 =	vld [tilespmem:s23+$0xFFFFFF90];
	[tilespmem:s23+$0xFFFFFF80] =	vst v6  }
0xda: {  	v6 =	vld.idx.msk [tilespmem:v53+s15+$0x0], $0xffff;
	_ =	sdelay $0x2  }
0xdb: {  	v55 =	vor.u32 s29, v2;
	_ =	sdelay $0x1  }
0xdc: {  	v6 =	vadd.f32 v54, v6  }
0xdd: {  	(v2sf) =	vpush v5, $0xB  }
0xde: {  	v56 =	vld [tilespmem:s23+$0xFFFFFFA0];
	[tilespmem:s23+$0xFFFFFF90] =	vst v6  }
0xdf: {  	v6 =	vld.idx.msk [tilespmem:v55+s15+$0x0], $0xffff;
	_ =	sdelay $0x2  }
0xe0: {  	v57 =	vor.u32 s29, v3;
	_ =	sdelay $0x1  }
0xe1: {  	v6 =	vadd.f32 v56, v6;
	_ =	sdelay $0x1  }
0xe2: {  	v58 =	vld [tilespmem:s23+$0xFFFFFFB0];
	[tilespmem:s23+$0xFFFFFFA0] =	vst v6  }
0xe3: {  	v6 =	vld.idx.msk [tilespmem:v57+s15+$0x0], $0xffff;
	_ =	sdelay $0x4  }
0xe4: {  	s29 =	spop (v2sf);
	v6 =	vadd.f32 v58, v6  }
0xe5: {  	s25 =	sand.u32 $0x7F, s25;
	s31 =	sand.u32 $0xFFFFF80, s29  }
0xe6: {  	v59 =	vor.u32 s25, v0;
	s30 =	sadd.s32 s1, s31;
	[tilespmem:s23+$0xFFFFFFB0] =	vst v6  }
0xe7: {  	[tilespmem:s15], [sflag:$0x4] =	stream.strided.gather [hbm4b:s30+s10], $0x2000, s11, s10, $0x38;
	[tilespmem:$0x15200] =	vst v63  }
0xe8: {  	_ =	swait.ge [sflag:s17], $0x2000  }
0xe9: {  	[sflag:s17] =	ssyncset.done $0x0  }
0xea: {  	[sflag:s17] =	ssyncadd.s32 $0xFFFFE000  }
0xeb: {  	v6 =	vld.idx.msk [tilespmem:v59+s12+$0x0], $0xffff  }
0xec: {  	v60 =	vld [tilespmem:s23+$0x0];
	_ =	sdelay $0x2  }
0xed: {  	v61 =	vor.u32 s25, v1;
	_ =	sdelay $0x1  }
0xee: {  	v6 =	vadd.f32 v60, v6;
	_ =	sdelay $0x1  }
0xef: {  	v62 =	vld [tilespmem:s23+$0x10];
	[tilespmem:s23+$0x0] =	vst v6  }
0xf0: {  	v6 =	vld.idx.msk [tilespmem:v61+s12+$0x0], $0xffff;
	_ =	sdelay $0x2  }
0xf1: {  	v63 =	vor.u32 s25, v2;
	_ =	sdelay $0x1  }
0xf2: {  	v6 =	vadd.f32 v62, v6  }
0xf3: {  	(v2sf) =	vpush v5, $0xC  }
0xf4: {  	v12 =	vld [tilespmem:s23+$0x20];
	[tilespmem:s23+$0x10] =	vst v6  }
0xf5: {  	v6 =	vld.idx.msk [tilespmem:v63+s12+$0x0], $0xffff;
	_ =	sdelay $0x2  }
0xf6: {  	v13 =	vor.u32 s25, v3;
	_ =	sdelay $0x1  }
0xf7: {  	v6 =	vadd.f32 v12, v6;
	_ =	sdelay $0x1  }
0xf8: {  	v14 =	vld [tilespmem:s23+$0x30];
	[tilespmem:s23+$0x20] =	vst v6  }
0xf9: {  	v6 =	vld.idx.msk [tilespmem:v13+s12+$0x0], $0xffff;
	_ =	sdelay $0x4  }
0xfa: {  	s25 =	spop (v2sf);
	v6 =	vadd.f32 v14, v6  }
0xfb: {  	s26 =	sand.u32 $0x7F, s26;
	s31 =	sand.u32 $0xFFFFF80, s25  }
0xfc: {  	v15 =	vor.u32 s26, v0;
	s30 =	sadd.s32 s1, s31;
	[tilespmem:s23+$0x30] =	vst v6  }
0xfd: {  	[tilespmem:s12], [sflag:$0x1] =	stream.strided.gather [hbm4b:s30+s10], $0x2000, s11, s10, $0x38;
	[tilespmem:$0x15200] =	vst v63  }
0xfe: {  	_ =	swait.ge [sflag:s18], $0x2000  }
0xff: {  	[sflag:s18] =	ssyncset.done $0x0  }
0x100: {  	[sflag:s18] =	ssyncadd.s32 $0xFFFFE000  }
0x101: {  	v6 =	vld.idx.msk [tilespmem:v15+s13+$0x0], $0xffff  }
0x102: {  	v16 =	vld [tilespmem:s23+$0x80];
	_ =	sdelay $0x2  }
0x103: {  	v17 =	vor.u32 s26, v1;
	_ =	sdelay $0x1  }
0x104: {  	v6 =	vadd.f32 v16, v6;
	_ =	sdelay $0x1  }
0x105: {  	v18 =	vld [tilespmem:s23+$0x90];
	[tilespmem:s23+$0x80] =	vst v6  }
0x106: {  	v6 =	vld.idx.msk [tilespmem:v17+s13+$0x0], $0xffff;
	_ =	sdelay $0x2  }
0x107: {  	v19 =	vor.u32 s26, v2;
	_ =	sdelay $0x1  }
0x108: {  	v6 =	vadd.f32 v18, v6  }
0x109: {  	(v2sf) =	vpush v5, $0xD  }
0x10a: {  	v20 =	vld [tilespmem:s23+$0xA0];
	[tilespmem:s23+$0x90] =	vst v6  }
0x10b: {  	v6 =	vld.idx.msk [tilespmem:v19+s13+$0x0], $0xffff;
	_ =	sdelay $0x2  }
0x10c: {  	v21 =	vor.u32 s26, v3;
	_ =	sdelay $0x1  }
0x10d: {  	v6 =	vadd.f32 v20, v6;
	_ =	sdelay $0x1  }
0x10e: {  	v22 =	vld [tilespmem:s23+$0xB0];
	[tilespmem:s23+$0xA0] =	vst v6  }
0x10f: {  	v6 =	vld.idx.msk [tilespmem:v21+s13+$0x0], $0xffff;
	_ =	sdelay $0x4  }
0x110: {  	s26 =	spop (v2sf);
	v6 =	vadd.f32 v22, v6  }
0x111: {  	s28 =	sand.u32 $0x7F, s28;
	s31 =	sand.u32 $0xFFFFF80, s26  }
0x112: {  	v23 =	vor.u32 s28, v0;
	s30 =	sadd.s32 s1, s31;
	[tilespmem:s23+$0xB0] =	vst v6  }
0x113: {  	[tilespmem:s13], [sflag:$0x2] =	stream.strided.gather [hbm4b:s30+s10], $0x2000, s11, s10, $0x38;
	[tilespmem:$0x15200] =	vst v63  }
0x114: {  	_ =	swait.ge [sflag:s19], $0x2000  }
0x115: {  	[sflag:s19] =	ssyncset.done $0x0  }
0x116: {  	[sflag:s19] =	ssyncadd.s32 $0xFFFFE000  }
0x117: {  	v6 =	vld.idx.msk [tilespmem:v23+s14+$0x0], $0xffff  }
0x118: {  	v24 =	vld [tilespmem:s23+$0x100];
	_ =	sdelay $0x2  }
0x119: {  	v25 =	vor.u32 s28, v1;
	_ =	sdelay $0x1  }
0x11a: {  	v6 =	vadd.f32 v24, v6;
	_ =	sdelay $0x1  }
0x11b: {  	v26 =	vld [tilespmem:s23+$0x110];
	[tilespmem:s23+$0x100] =	vst v6  }
0x11c: {  	v6 =	vld.idx.msk [tilespmem:v25+s14+$0x0], $0xffff;
	_ =	sdelay $0x2  }
0x11d: {  	v27 =	vor.u32 s28, v2;
	_ =	sdelay $0x1  }
0x11e: {  	v6 =	vadd.f32 v26, v6  }
0x11f: {  	(v2sf) =	vpush v5, $0xE  }
0x120: {  	v28 =	vld [tilespmem:s23+$0x120];
	[tilespmem:s23+$0x110] =	vst v6  }
0x121: {  	v6 =	vld.idx.msk [tilespmem:v27+s14+$0x0], $0xffff;
	_ =	sdelay $0x2  }
0x122: {  	v29 =	vor.u32 s28, v3;
	_ =	sdelay $0x1  }
0x123: {  	v6 =	vadd.f32 v28, v6;
	_ =	sdelay $0x1  }
0x124: {  	v30 =	vld [tilespmem:s23+$0x130];
	[tilespmem:s23+$0x120] =	vst v6  }
0x125: {  	v6 =	vld.idx.msk [tilespmem:v29+s14+$0x0], $0xffff;
	_ =	sdelay $0x4  }
0x126: {  	s28 =	spop (v2sf);
	v6 =	vadd.f32 v30, v6  }
0x127: {  	s29 =	sand.u32 $0x7F, s29;
	s31 =	sand.u32 $0xFFFFF80, s28  }
0x128: {  	v31 =	vor.u32 s29, v0;
	s30 =	sadd.s32 s1, s31;
	[tilespmem:s23+$0x130] =	vst v6  }
0x129: {  	[tilespmem:s14], [sflag:$0x3] =	stream.strided.gather [hbm4b:s30+s10], $0x2000, s11, s10, $0x38;
	[tilespmem:$0x15200] =	vst v63  }
0x12a: {  	_ =	swait.ge [sflag:s20], $0x2000  }
0x12b: {  	[sflag:s20] =	ssyncset.done $0x0  }
0x12c: {  	[sflag:s20] =	ssyncadd.s32 $0xFFFFE000  }
0x12d: {  	v6 =	vld.idx.msk [tilespmem:v31+s15+$0x0], $0xffff  }
0x12e: {  	v32 =	vld [tilespmem:s23+$0x180];
	_ =	sdelay $0x2  }
0x12f: {  	v33 =	vor.u32 s29, v1;
	_ =	sdelay $0x1  }
0x130: {  	v6 =	vadd.f32 v32, v6;
	_ =	sdelay $0x1  }
0x131: {  	v34 =	vld [tilespmem:s23+$0x190];
	[tilespmem:s23+$0x180] =	vst v6  }
0x132: {  	v6 =	vld.idx.msk [tilespmem:v33+s15+$0x0], $0xffff;
	_ =	sdelay $0x2  }
0x133: {  	v35 =	vor.u32 s29, v2;
	_ =	sdelay $0x1  }
0x134: {  	v6 =	vadd.f32 v34, v6  }
0x135: {  	(v2sf) =	vpush v5, $0xF  }
0x136: {  	v5 =	vld [tilespmem:s23+$0x1A0];
	[tilespmem:s23+$0x190] =	vst v6  }
0x137: {  	v6 =	vld.idx.msk [tilespmem:v35+s15+$0x0], $0xffff;
	_ =	sdelay $0x2  }
0x138: {  	v36 =	vor.u32 s29, v3;
	_ =	sdelay $0x1  }
0x139: {  	v5 =	vadd.f32 v5, v6;
	_ =	sdelay $0x1  }
0x13a: {  	v37 =	vld [tilespmem:s23+$0x1B0];
	[tilespmem:s23+$0x1A0] =	vst v5  }
0x13b: {  	v5 =	vld.idx.msk [tilespmem:v36+s15+$0x0], $0xffff;
	_ =	sdelay $0x4  }
0x13c: {  	s29 =	spop (v2sf);
	v5 =	vadd.f32 v37, v5  }
0x13d: {  	s25 =	sand.u32 $0x7F, s25;
	s31 =	sand.u32 $0xFFFFF80, s29  }
0x13e: {  	s30 =	sadd.s32 s1, s31;
	[tilespmem:s23+$0x1B0] =	vst v5;
	v5 =	vor.u32 s25, v0  }
0x13f: {  	[tilespmem:s15], [sflag:$0x4] =	stream.strided.gather [hbm4b:s30+s10], $0x2000, s11, s10, $0x38;
	[tilespmem:$0x15200] =	vst v63  }
0x140: {  	_ =	swait.ge [sflag:s17], $0x2000  }
0x141: {  	[sflag:s17] =	ssyncset.done $0x0  }
0x142: {  	[sflag:s17] =	ssyncadd.s32 $0xFFFFE000  }
0x143: {  	v5 =	vld.idx.msk [tilespmem:v5+s12+$0x0], $0xffff  }
0x144: {  	v38 =	vld [tilespmem:s23+$0x200];
	_ =	sdelay $0x2  }
0x145: {  	v39 =	vor.u32 s25, v1;
	_ =	sdelay $0x1  }
0x146: {  	v5 =	vadd.f32 v38, v5;
	_ =	sdelay $0x1  }
0x147: {  	v40 =	vld [tilespmem:s23+$0x210];
	[tilespmem:s23+$0x200] =	vst v5  }
0x148: {  	v5 =	vld.idx.msk [tilespmem:v39+s12+$0x0], $0xffff;
	_ =	sdelay $0x2  }
0x149: {  	v41 =	vor.u32 s25, v2;
	_ =	sdelay $0x1  }
0x14a: {  	v5 =	vadd.f32 v40, v5  }
0x14b: {  	(v2sf) =	vpush v4, $0x0  }
0x14c: {  	v42 =	vld [tilespmem:s23+$0x220];
	[tilespmem:s23+$0x210] =	vst v5  }
0x14d: {  	v5 =	vld.idx.msk [tilespmem:v41+s12+$0x0], $0xffff;
	_ =	sdelay $0x2  }
0x14e: {  	v43 =	vor.u32 s25, v3;
	_ =	sdelay $0x1  }
0x14f: {  	v5 =	vadd.f32 v42, v5;
	_ =	sdelay $0x1  }
0x150: {  	v44 =	vld [tilespmem:s23+$0x230];
	[tilespmem:s23+$0x220] =	vst v5  }
0x151: {  	v5 =	vld.idx.msk [tilespmem:v43+s12+$0x0], $0xffff;
	_ =	sdelay $0x4  }
0x152: {  	s31 =	spop (v2sf);
	v5 =	vadd.f32 v44, v5  }
0x153: {  	s26 =	sand.u32 $0x7F, s26;
	s25 =	sand.u32 $0xFFFFF80, s31  }
0x154: {  	s25 =	sadd.s32 s1, s25;
	[tilespmem:s23+$0x230] =	vst v5;
	v5 =	vor.u32 s26, v0  }
0x155: {  	[tilespmem:s12], [sflag:$0x1] =	stream.strided.gather [hbm4b:s25+s10], $0x2000, s11, s10, $0x38;
	[tilespmem:$0x15200] =	vst v63  }
0x156: {  	_ =	swait.ge [sflag:s18], $0x2000  }
0x157: {  	[sflag:s18] =	ssyncset.done $0x0  }
0x158: {  	[sflag:s18] =	ssyncadd.s32 $0xFFFFE000  }
0x159: {  	v5 =	vld.idx.msk [tilespmem:v5+s13+$0x0], $0xffff  }
0x15a: {  	v45 =	vld [tilespmem:s23+$0x280];
	_ =	sdelay $0x2  }
0x15b: {  	v46 =	vor.u32 s26, v1;
	_ =	sdelay $0x1  }
0x15c: {  	v5 =	vadd.f32 v45, v5;
	_ =	sdelay $0x1  }
0x15d: {  	v47 =	vld [tilespmem:s23+$0x290];
	[tilespmem:s23+$0x280] =	vst v5  }
0x15e: {  	v5 =	vld.idx.msk [tilespmem:v46+s13+$0x0], $0xffff;
	_ =	sdelay $0x2  }
0x15f: {  	v48 =	vor.u32 s26, v2;
	_ =	sdelay $0x1  }
0x160: {  	v5 =	vadd.f32 v47, v5  }
0x161: {  	(v2sf) =	vpush v4, $0x1  }
0x162: {  	v49 =	vld [tilespmem:s23+$0x2A0];
	[tilespmem:s23+$0x290] =	vst v5  }
0x163: {  	v5 =	vld.idx.msk [tilespmem:v48+s13+$0x0], $0xffff;
	_ =	sdelay $0x2  }
0x164: {  	v50 =	vor.u32 s26, v3;
	_ =	sdelay $0x1  }
0x165: {  	v5 =	vadd.f32 v49, v5;
	_ =	sdelay $0x1  }
0x166: {  	v51 =	vld [tilespmem:s23+$0x2B0];
	[tilespmem:s23+$0x2A0] =	vst v5  }
0x167: {  	v5 =	vld.idx.msk [tilespmem:v50+s13+$0x0], $0xffff;
	_ =	sdelay $0x4  }
0x168: {  	s30 =	spop (v2sf);
	v5 =	vadd.f32 v51, v5  }
0x169: {  	s31 =	sand.u32 $0x7F, s28;
	s25 =	sand.u32 $0xFFFFF80, s30  }
0x16a: {  	s25 =	sadd.s32 s1, s25;
	[tilespmem:s23+$0x2B0] =	vst v5;
	v5 =	vor.u32 s31, v0  }
0x16b: {  	[tilespmem:s13], [sflag:$0x2] =	stream.strided.gather [hbm4b:s25+s10], $0x2000, s11, s10, $0x38;
	[tilespmem:$0x15200] =	vst v63  }
0x16c: {  	_ =	swait.ge [sflag:s19], $0x2000  }
0x16d: {  	[sflag:s19] =	ssyncset.done $0x0  }
0x16e: {  	[sflag:s19] =	ssyncadd.s32 $0xFFFFE000  }
0x16f: {  	v5 =	vld.idx.msk [tilespmem:v5+s14+$0x0], $0xffff  }
0x170: {  	v52 =	vld [tilespmem:s23+$0x300];
	_ =	sdelay $0x2  }
0x171: {  	v53 =	vor.u32 s31, v1;
	_ =	sdelay $0x1  }
0x172: {  	v5 =	vadd.f32 v52, v5;
	_ =	sdelay $0x1  }
0x173: {  	v54 =	vld [tilespmem:s23+$0x310];
	[tilespmem:s23+$0x300] =	vst v5  }
0x174: {  	v5 =	vld.idx.msk [tilespmem:v53+s14+$0x0], $0xffff;
	_ =	sdelay $0x2  }
0x175: {  	v55 =	vor.u32 s31, v2;
	_ =	sdelay $0x1  }
0x176: {  	v5 =	vadd.f32 v54, v5  }
0x177: {  	(v2sf) =	vpush v4, $0x2  }
0x178: {  	v56 =	vld [tilespmem:s23+$0x320];
	[tilespmem:s23+$0x310] =	vst v5  }
0x179: {  	v5 =	vld.idx.msk [tilespmem:v55+s14+$0x0], $0xffff;
	_ =	sdelay $0x2  }
0x17a: {  	v57 =	vor.u32 s31, v3;
	_ =	sdelay $0x1  }
0x17b: {  	v5 =	vadd.f32 v56, v5;
	_ =	sdelay $0x1  }
0x17c: {  	v58 =	vld [tilespmem:s23+$0x330];
	[tilespmem:s23+$0x320] =	vst v5  }
0x17d: {  	v5 =	vld.idx.msk [tilespmem:v57+s14+$0x0], $0xffff;
	_ =	sdelay $0x4  }
0x17e: {  	s28 =	spop (v2sf);
	v5 =	vadd.f32 v58, v5  }
0x17f: {  	s30 =	sand.u32 $0x7F, s29;
	s25 =	sand.u32 $0xFFFFF80, s28  }
0x180: {  	s25 =	sadd.s32 s1, s25;
	[tilespmem:s23+$0x330] =	vst v5;
	v5 =	vor.u32 s30, v0  }
0x181: {  	[tilespmem:s14], [sflag:$0x3] =	stream.strided.gather [hbm4b:s25+s10], $0x2000, s11, s10, $0x38;
	[tilespmem:$0x15200] =	vst v63  }
0x182: {  	_ =	swait.ge [sflag:s20], $0x2000  }
0x183: {  	[sflag:s20] =	ssyncset.done $0x0  }
0x184: {  	[sflag:s20] =	ssyncadd.s32 $0xFFFFE000  }
0x185: {  	v5 =	vld.idx.msk [tilespmem:v5+s15+$0x0], $0xffff  }
0x186: {  	v59 =	vld [tilespmem:s23+$0x380];
	_ =	sdelay $0x2  }
0x187: {  	v60 =	vor.u32 s30, v1;
	_ =	sdelay $0x1  }
0x188: {  	v5 =	vadd.f32 v59, v5;
	_ =	sdelay $0x1  }
0x189: {  	v61 =	vld [tilespmem:s23+$0x390];
	[tilespmem:s23+$0x380] =	vst v5  }
0x18a: {  	v5 =	vld.idx.msk [tilespmem:v60+s15+$0x0], $0xffff;
	_ =	sdelay $0x2  }
0x18b: {  	v62 =	vor.u32 s30, v2;
	_ =	sdelay $0x1  }
0x18c: {  	v5 =	vadd.f32 v61, v5  }
0x18d: {  	(v2sf) =	vpush v4, $0x3  }
0x18e: {  	v4 =	vld [tilespmem:s23+$0x3A0];
	[tilespmem:s23+$0x390] =	vst v5  }
0x18f: {  	v5 =	vld.idx.msk [tilespmem:v62+s15+$0x0], $0xffff;
	_ =	sdelay $0x2  }
0x190: {  	v63 =	vor.u32 s30, v3;
	_ =	sdelay $0x1  }
0x191: {  	v4 =	vadd.f32 v4, v5;
	_ =	sdelay $0x1  }
0x192: {  	v5 =	vld [tilespmem:s23+$0x3B0];
	[tilespmem:s23+$0x3A0] =	vst v4  }
0x193: {  	v4 =	vld.idx.msk [tilespmem:v63+s15+$0x0], $0xffff;
	_ =	sdelay $0x2  }
0x194: {  	p0 =	sne.s32 s22, $0x1A0  }
.Ltmp0:
0x195: {  	_ = 	snop;
	(pc) =	sbr.rel @p0 .LBB2_2-.Ltmp0, $4  }
0x196: {  	s31 =	spop (v2sf);
	v4 =	vadd.f32 v5, v4  }
0x197: {  	s24 =	sadd.s32 $0x10, s24;
	s25 =	sand.u32 $0xFFFFF80, s31  }
0x198: {  	s22 =	sadd.s32 $0x10, s22;
	s25 =	sadd.s32 s1, s25;
	[tilespmem:s23+$0x3B0] =	vst v4;
	s23 =	sadd.s32 $0x800, s23  }
0x199: {  	[tilespmem:s15], [sflag:$0x4] =	stream.strided.gather [hbm4b:s25+s10], $0x2000, s11, s10, $0x38;
	[tilespmem:$0x15200] =	vst v63  }
0x19a: {  	_ =	swait.ge [sflag:s17], $0x2000  }
0x19b: {  	[sflag:s17] =	ssyncset.done $0x0  }
0x19c: {  	[sflag:s17] =	ssyncadd.s32 $0xFFFFE000  }
0x19d: {  	_ =	swait.ge [sflag:s18], $0x2000  }
0x19e: {  	[sflag:s18] =	ssyncset.done $0x0  }
0x19f: {  	[sflag:s18] =	ssyncadd.s32 $0xFFFFE000  }
0x1a0: {  	_ =	swait.ge [sflag:s19], $0x2000  }
0x1a1: {  	[sflag:s19] =	ssyncset.done $0x0  }
0x1a2: {  	[sflag:s19] =	ssyncadd.s32 $0xFFFFE000  }
0x1a3: {  	s21 =	sadd.s32 $0x1, s21;
	_ =	swait.ge [sflag:s20], $0x2000  }
0x1a4: {  	p0 =	sne.s32 s21, s7;
	[sflag:s20] =	ssyncset.done $0x0  }
.Ltmp1:
0x1a5: {  	[sflag:s20] =	ssyncadd.s32 $0xFFFFE000;
	(pc) =	sbr.rel @p0 .LBB2_1-.Ltmp1, $4  }
0x1a6: {  	[hbm4b:s6+s3] =	stream.linear.scatter [tilespmem:s9], [sflag:$0x6], $0xD000, $0x38;
	[tilespmem:$0x15200] =	vst v63  }
0x1a7: {  	_ =	swait.ge [sflag:s8], $0xD000  }
0x1a8: {  	[sflag:s8] =	ssyncset.done $0x0  }
0x1a9: {  	[sflag:s8] =	ssyncadd.s32 $0xFFFF3000  }
0x1aa: {  	_ =	sfence.sel $0x180000  }
0x1ab: {  	[bflag:$0x0] =	sbarrier.arrive $0xFFFF  }
0x1ac: {  	p0 =	sne.s32 s0, $0x0;
	_ =	strace $0x90000047  }
0x1ad: {  	s0 =	sadd.s32 @!p0 $0x100000, s2;
	[bflag:$0x2] =	sbarrier.arrive $0xFFFF  }
0x1ae: {  	[sflag:s0] =	ssyncadd.tile.s32 @!p0 $0x1;
	_ =	shalt  }
.Lfunc_end2:
_tile_overlayer_lowered:
.L_overlay_start_2:
0x1af: {  	(tag) =	ssettag $0x2  }
0x1b0: {  	s0 =	rddreg [dreg:$0x0];
	s2 =	stileid.u32  }
0x1b1: {  	s1 =	rddreg [dreg:$0x1];
	p0 =	sne.s32 s2, $0x0  }
0x1b2: {  	s3 =	rddreg [dreg:$0x2];
	[bflag:$0x3] =	sbarrier.arrive $0xFFFF;
	s2 =	simm.s32 @!p0 $0x1C06  }
0x1b3: {  	[timem:s3], [sflag:s2] =	dma.local @!p0 [hbm:s0], s1  }
0x1b4: {  	s0 =	simm.s32 @!p0 $0x6  }
0x1b5: {  	_ =	swait.ge @!p0 [sflag:s0], s1  }
0x1b6: {  	s1 =	ssub.s32 @!p0 $0x0, s1;
	[sflag:s0] =	ssyncset.done @!p0 $0x0  }
0x1b7: {  	[sflag:s0] =	ssyncadd.s32 @!p0 s1  }
0x1b8: {  	[bflag:$0x3] =	sbarrier.arrive $0xFFFF  }
0x1b9: {  	_ =	shalt  }

</sc_bundles>
